<compile_context>
chip_gen: v7x
topology: tpu7x:2x2x1
jax: 0.10.2.dev20260603
libtpu: 0.0.44.dev20260713+nightly
codegen_flags: <defaults>
</compile_context>

<pallas_src>
import math

import jax
import jax.numpy as jnp
from jax.experimental import pallas as pl
from jax.experimental.pallas import tpu as pltpu
from jax.experimental.pallas import tpu_sc as plsc

_H = 1024
_NH = 16
_HD = 64
_W = 128
_TOPK = 64
_T = 2048

_MP = 512
_NSC = 32
_LANES = 16


def _proj_kernel(x_ref, wq_ref, wk_ref, wv_ref, bq_ref, bk_ref, bv_ref,
                 q_ref, k_ref, v_ref, nrm_ref):
    x = x_ref[0]
    q = jnp.dot(x, wq_ref[...], preferred_element_type=jnp.float32) + bq_ref[...]
    k = jnp.dot(x, wk_ref[...], preferred_element_type=jnp.float32) + bk_ref[...]
    v = jnp.dot(x, wv_ref[...], preferred_element_type=jnp.float32) + bv_ref[...]
    q_ref[0] = q * (1.0 / math.sqrt(_HD))
    k_ref[0] = k
    v_ref[0] = v
    q3 = q.reshape(q.shape[0], _NH, _HD)
    nrm_ref[0] = jnp.sqrt(jnp.sum(q3 * q3, axis=-1)).T


def _sc_topk_body(nrm_hbm, idx_hbm, nrm_v, idx_v):
    c = jax.lax.axis_index("c")
    s = jax.lax.axis_index("s")
    wid = s * 2 + c
    b = wid // _NH
    h = wid % _NH
    pltpu.sync_copy(nrm_hbm.at[b, h], nrm_v)
    lane = jax.lax.iota(jnp.int32, _LANES)
    nv = _T // _LANES

    unroll = 16

    def count_ge(pbits):
        pv = plsc.bitcast(jnp.full((_LANES,), pbits, jnp.int32), jnp.float32)

        def cbody(i, acc):
            for u in range(unroll):
                v = nrm_v[pl.ds((i * unroll + u) * _LANES, _LANES)]
                acc = acc + (v >= pv).astype(jnp.int32)
            return acc

        acc = jax.lax.fori_loop(0, nv // unroll, cbody,
                                jnp.zeros((_LANES,), jnp.int32))
        return jnp.sum(acc)

    def bbody(_, lohi):
        lo, hi = lohi
        mid = lo + (hi - lo + 1) // 2
        big = count_ge(mid) >= _TOPK - 2
        lo = jnp.where(big, mid, lo)
        hi = jnp.where(big, hi, mid - 1)
        return lo, hi

    lo, _ = jax.lax.fori_loop(
        0, 31, bbody, (jnp.int32(0), jnp.int32(0x7F7FFFFF)))
    tv = plsc.bitcast(jnp.full((_LANES,), lo, jnp.int32), jnp.float32)

    def cbody2(i, acc):
        for u in range(unroll):
            v = nrm_v[pl.ds((i * unroll + u) * _LANES, _LANES)]
            acc = acc + (v > tv).astype(jnp.int32)
        return acc

    cnt_gt = jax.lax.fori_loop(0, nv // unroll, cbody2,
                               jnp.zeros((_LANES,), jnp.int32))
    m_splat = jnp.full((_LANES,), jnp.sum(cnt_gt), jnp.int32)

    k62 = jnp.full((_LANES,), _TOPK - 2, jnp.int32)

    def ebody(i, carry):
        bg, be = carry
        v = nrm_v[pl.ds(i * _LANES, _LANES)]
        gidx = lane + i * _LANES
        mg = v > tv
        me = v == tv
        mg_i = mg.astype(jnp.int32)
        me_i = me.astype(jnp.int32)
        rg = bg + plsc.cumsum(mg_i) - mg_i
        re = m_splat + be + plsc.cumsum(me_i) - me_i
        plsc.store_scatter(idx_v, [rg + 1], gidx, mask=mg)
        plsc.store_scatter(idx_v, [re + 1], gidx, mask=me & (re < k62))
        bg = bg + plsc.all_reduce_population_count(mg)
        be = be + plsc.all_reduce_population_count(me)
        return bg, be

    jax.lax.fori_loop(0, nv, ebody,
                      (jnp.zeros((_LANES,), jnp.int32),
                       jnp.zeros((_LANES,), jnp.int32)))
    v0 = idx_v[pl.ds(0, _LANES)]
    idx_v[pl.ds(0, _LANES)] = jnp.where(lane == 0, 0, v0)
    v3 = idx_v[pl.ds(_TOPK - _LANES, _LANES)]
    idx_v[pl.ds(_TOPK - _LANES, _LANES)] = jnp.where(
        lane == _LANES - 1, _T - 1, v3)
    pltpu.sync_copy(idx_v, idx_hbm.at[b, h])


def _attn_kernel(idx_ref, q_ref, k_ref, v_ref, o_ref):
    i = pl.program_id(0)
    j = pl.program_id(1)
    for s in range(2):
        h = j * 2 + s
        cs = slice(s * _HD, (s + 1) * _HD)
        qs = q_ref[0, :, cs]
        k = k_ref[0, :, cs]
        v = v_ref[0, :, cs]
        for c in range(8):
            lo = max(0, (2 * c - 1) * _W)
            hi = min(_T, (2 * c + 3) * _W)
            qb = qs[c * 2 * _W:(c + 1) * 2 * _W]
            sc = jnp.dot(qb, k[lo:hi].T, preferred_element_type=jnp.float32)
            w0 = (max(0, (2 * c - 1) * _W) - lo, min(_T, (2 * c + 2) * _W) - lo)
            w1 = (max(0, 2 * c * _W) - lo, min(_T, (2 * c + 3) * _W) - lo)
            for r, (a, b) in enumerate((w0, w1)):
                p = jnp.exp(sc[r * _W:(r + 1) * _W, a:b])
                l = jnp.sum(p, axis=1, keepdims=True)
                o_ref[0, (c * 2 + r) * _W:(c * 2 + r + 1) * _W, cs] = (
                    jnp.dot(p, v[lo + a:lo + b],
                            preferred_element_type=jnp.float32) / l)
        subi = jax.lax.broadcasted_iota(jnp.int32, (_TOPK, 1), 0)
        idxv = jnp.zeros((_TOPK, 1), jnp.int32)
        for t in range(_TOPK):
            idxv = jnp.where(subi == t, idx_ref[i, h, t], idxv)
        col = jax.lax.broadcasted_iota(jnp.int32, (_TOPK, _T), 1)
        oh = (col == idxv).astype(jnp.float32)
        qg = jnp.dot(oh, qs, preferred_element_type=jnp.float32)
        gs = jax.lax.dot_general(
            qg, k, (((1,), (1,)), ((), ())),
            preferred_element_type=jnp.float32)
        gp = jnp.exp(gs)
        gl = jnp.sum(gp, axis=1, keepdims=True)
        gctx = jnp.dot(gp, v, preferred_element_type=jnp.float32) / gl
        for t in range(_TOPK):
            o_ref[0, pl.ds(idx_ref[i, h, t], 1), cs] = gctx[t:t + 1, :]


@jax.jit
def kernel(hidden_states, Wq, bq, Wk, bk, Wv, bv):
    n, t, _ = hidden_states.shape

    q, k, v, nrm = pl.pallas_call(
        _proj_kernel,
        grid=(n, t // _MP),
        in_specs=[
            pl.BlockSpec((1, _MP, _H), lambda i, j: (i, j, 0)),
            pl.BlockSpec((_H, _H), lambda i, j: (0, 0)),
            pl.BlockSpec((_H, _H), lambda i, j: (0, 0)),
            pl.BlockSpec((_H, _H), lambda i, j: (0, 0)),
            pl.BlockSpec((1, _H), lambda i, j: (0, 0)),
            pl.BlockSpec((1, _H), lambda i, j: (0, 0)),
            pl.BlockSpec((1, _H), lambda i, j: (0, 0)),
        ],
        out_specs=[
            pl.BlockSpec((1, _MP, _H), lambda i, j: (i, j, 0)),
            pl.BlockSpec((1, _MP, _H), lambda i, j: (i, j, 0)),
            pl.BlockSpec((1, _MP, _H), lambda i, j: (i, j, 0)),
            pl.BlockSpec((1, _NH, _MP), lambda i, j: (i, 0, j)),
        ],
        out_shape=[
            jax.ShapeDtypeStruct((n, t, _H), jnp.float32),
            jax.ShapeDtypeStruct((n, t, _H), jnp.float32),
            jax.ShapeDtypeStruct((n, t, _H), jnp.float32),
            jax.ShapeDtypeStruct((n, _NH, t), jnp.float32),
        ],
    )(hidden_states, Wq, Wk, Wv,
      bq.reshape(1, _H), bk.reshape(1, _H), bv.reshape(1, _H))

    idx = pl.kernel(
        _sc_topk_body,
        out_type=jax.ShapeDtypeStruct((n, _NH, _TOPK), jnp.int32),
        mesh=plsc.VectorSubcoreMesh(core_axis_name="c", subcore_axis_name="s"),
        compiler_params=pltpu.CompilerParams(needs_layout_passes=False),
        scratch_types=[
            pltpu.VMEM((_T,), jnp.float32),
            pltpu.VMEM((_TOPK,), jnp.int32),
        ],
    )(nrm)

    out = pl.pallas_call(
        _attn_kernel,
        grid_spec=pltpu.PrefetchScalarGridSpec(
            num_scalar_prefetch=1,
            grid=(n, _NH // 2),
            in_specs=[
                pl.BlockSpec((1, t, 2 * _HD), lambda i, j, *_: (i, 0, j)),
                pl.BlockSpec((1, t, 2 * _HD), lambda i, j, *_: (i, 0, j)),
                pl.BlockSpec((1, t, 2 * _HD), lambda i, j, *_: (i, 0, j)),
            ],
            out_specs=pl.BlockSpec((1, t, 2 * _HD), lambda i, j, *_: (i, 0, j)),
        ),
        out_shape=jax.ShapeDtypeStruct((n, t, _H), jnp.float32),
    )(idx, q, k, v)

    return out

# --- scband reference (transcript-rebuilt; emitter-appended) ---
"""Pipeline reference for scband-block-global-self-attention-2525440770115 (READ-ONLY COPY).

The authoritative reference and input builder live on the scoring server;
editing this copy changes nothing except your own understanding.
"""

import jax, jax.numpy as jnp
import numpy as np
import math

H = 1024
NH = 16
HD = H // NH
W = 128
TOPK = 64
N = 2
T = 2048


def setup_inputs(seed: int = 0) -> dict:
    key = jax.random.key(seed)
    ks = jax.random.split(key, 7)
    hidden_states = jax.random.normal(ks[0], (N, T, H), dtype=jnp.float32)
    Wq = jax.random.normal(ks[1], (H, H), dtype=jnp.float32) * 0.02
    Wk = jax.random.normal(ks[2], (H, H), dtype=jnp.float32) * 0.02
    Wv = jax.random.normal(ks[3], (H, H), dtype=jnp.float32) * 0.02
    bq = jnp.zeros((H,), dtype=jnp.float32)
    bk = jnp.zeros((H,), dtype=jnp.float32)
    bv = jnp.zeros((H,), dtype=jnp.float32)
    return {"hidden_states": hidden_states, "Wq": Wq, "bq": bq, "Wk": Wk, "bk": bk, "Wv": Wv, "bv": bv}


def reference(hidden_states, Wq, bq, Wk, bk, Wv, bv):
    n, t, _ = hidden_states.shape
    d = HD

    def split_heads(x):
        return x.reshape(n, t, NH, HD).transpose(0, 2, 1, 3)

    q = split_heads(hidden_states @ Wq + bq)
    k = split_heads(hidden_states @ Wk + bk)
    v = split_heads(hidden_states @ Wv + bv)

    # ---- block-local attention with overlap (window = prev/current/next block) ----
    nb = t // W
    qb = q.reshape(n, NH, nb, W, d)
    kp = jnp.pad(k, ((0, 0), (0, 0), (W, W), (0, 0)))
    vp = jnp.pad(v, ((0, 0), (0, 0), (W, W), (0, 0)))
    kpb = kp.reshape(n, NH, nb + 2, W, d)
    vpb = vp.reshape(n, NH, nb + 2, W, d)
    kw = jnp.concatenate([kpb[:, :, i:i + nb] for i in range(3)], axis=-2)  # [n,h,nb,3W,d]
    vw = jnp.concatenate([vpb[:, :, i:i + nb] for i in range(3)], axis=-2)
    scores = jnp.einsum('nhbqd,nhbkd->nhbqk', qb, kw) / math.sqrt(d)
    pos = jnp.arange(3 * W)[None, :] + jnp.arange(nb)[:, None] * W - W  # [nb, 3W]
    valid = (pos >= 0) & (pos < t)
    scores = jnp.where(valid[None, None, :, None, :], scores, -1e9)
    probs = jax.nn.softmax(scores, axis=-1)
    local = jnp.einsum('nhbqk,nhbkd->nhbqd', probs, vw).reshape(n, NH, t, d)

    # ---- global index: bos, top-(k-2) query norms, eos ----
    norm = jnp.linalg.norm(q, axis=-1)  # [n,h,t]
    _, idx = jax.lax.top_k(norm, TOPK - 2)  # [n,h,topk-2]
    bos = jnp.zeros((n, NH, 1), dtype=idx.dtype)
    eos = jnp.full((n, NH, 1), t - 1, dtype=idx.dtype)
    idx_full = jnp.concatenate([bos, idx, eos], axis=-1)  # [n,h,TOPK]

    # ---- full (global) attention for the selected queries ----
    qg = jnp.take_along_axis(q, idx_full[..., None], axis=2)  # [n,h,TOPK,d]
    gscores = jnp.einsum('nhqd,nhkd->nhqk', qg, k) / math.sqrt(d)
    gprobs = jax.nn.softmax(gscores, axis=-1)
    gctx = jnp.einsum('nhqk,nhkd->nhqd', gprobs, v)  # [n,h,TOPK,d]

    # ---- scatter global results back into local context ----
    ni = jnp.arange(n)[:, None, None]
    hi = jnp.arange(NH)[None, :, None]
    ctx = local.at[ni, hi, idx_full].set(gctx)

    out = ctx.transpose(0, 2, 1, 3).reshape(n, t, NH * HD)
    return out

if __name__ == "__main__":
    import jax
    _d = setup_inputs()
    print(jax.jit(kernel)(*tuple(_d.values())))

</pallas_src>

<mosaic_0001>
#map = affine_map<(d0, d1) -> (0, 0, 0)>
module attributes {stable_mosaic.version = 14 : i64} {
  func.func @_sc_topk_body(%arg0: i32, %arg1: i32, %arg2: memref<2x16x2048xf32, #tpu.memory_space<hbm>>, %arg3: memref<2x16x64xi32, #tpu.memory_space<hbm>>, %arg4: memref<2048xf32, #tpu.memory_space<vmem>>, %arg5: memref<64xi32, #tpu.memory_space<vmem>>) attributes {dimension_semantics = [#tpu.dimension_semantics<core_parallel>, #tpu.dimension_semantics<subcore_parallel>], iteration_bounds = array<i64: 2, 16>, scalar_prefetch = 0 : i64, scratch_operands = 2 : i64, tpu.core_type = #tpu.core_type<sc_vector_subcore>, window_params = [{transform_indices = #map}, {transform_indices = #map}]} {
    %mul3A = arith.constant 2 : i32
    %mul3A_0 = arith.muli %arg1, %mul3A : i32
    %add3A = arith.addi %mul3A_0, %arg0 : i32
    %jit3A = arith.constant 16 : i32
    %div3A = arith.divsi %add3A, %jit3A : i32
    %sign3A = arith.constant 0 : i32
    %sign3A_1 = arith.cmpi sgt, %add3A, %sign3A : i32
    %sign3A_2 = arith.extui %sign3A_1 : i1 to i32
    %sign3A_3 = arith.constant 0 : i32
    %sign3A_4 = arith.cmpi slt, %add3A, %sign3A_3 : i32
    %sign3A_5 = arith.extui %sign3A_4 : i1 to i32
    %sign3A_6 = arith.subi %sign3A_2, %sign3A_5 : i32
    %sign3A_7 = arith.constant 0 : i32
    %sign3A_8 = arith.cmpi sgt, %jit3A, %sign3A_7 : i32
    %sign3A_9 = arith.extui %sign3A_8 : i1 to i32
    %sign3A_10 = arith.constant 0 : i32
    %sign3A_11 = arith.cmpi slt, %jit3A, %sign3A_10 : i32
    %sign3A_12 = arith.extui %sign3A_11 : i1 to i32
    %sign3A_13 = arith.subi %sign3A_9, %sign3A_12 : i32
    %ne3A = arith.cmpi ne, %sign3A_6, %sign3A_13 : i32
    %rem3A = arith.remsi %add3A, %jit3A : i32
    %ne3A_14 = arith.constant 0 : i32
    %ne3A_15 = arith.cmpi ne, %rem3A, %ne3A_14 : i32
    %and3A = arith.andi %ne3A, %ne3A_15 : i1
    %sub3A = arith.constant 1 : i32
    %sub3A_16 = arith.subi %div3A, %sub3A : i32
    %select_n3A = arith.select %and3A, %sub3A_16, %div3A : i32
    %jit3A_17 = arith.constant 16 : i32
    %eq3A = arith.constant 0 : i32
    %eq3A_18 = arith.cmpi eq, %jit3A_17, %eq3A : i32
    %jit3A_19 = arith.constant 1 : i32
    %select_n3A_20 = arith.select %eq3A_18, %jit3A_19, %jit3A_17 : i32
    %rem3A_21 = arith.remsi %add3A, %select_n3A_20 : i32
    %ne3A_22 = arith.constant 0 : i32
    %ne3A_23 = arith.cmpi ne, %rem3A_21, %ne3A_22 : i32
    %lt3A = arith.constant 0 : i32
    %lt3A_24 = arith.cmpi slt, %rem3A_21, %lt3A : i32
    %lt3A_25 = arith.constant 0 : i32
    %lt3A_26 = arith.cmpi slt, %select_n3A_20, %lt3A_25 : i32
    %ne3A_27 = arith.xori %lt3A_24, %lt3A_26 : i1
    %and3A_28 = arith.andi %ne3A_27, %ne3A_23 : i1
    %add3A_29 = arith.addi %rem3A_21, %select_n3A_20 : i32
    %select_n3A_30 = arith.select %and3A_28, %add3A_29, %rem3A_21 : i32
    "tpu.region"() ({
      %run_scoped3A = tpu.sem_alloc : memref<!tpu.dma_semaphore, #tpu.memory_space<semaphore_mem>>
      %dma_start3A = arith.constant 0 : i32
      %dma_start3A_80 = tpu.memref_slice %arg2[%select_n3A, %select_n3A_30, %dma_start3A] : memref<2x16x2048xf32, #tpu.memory_space<hbm>> -> memref<1x1x2048xf32, #tpu.memory_space<hbm>>
      %dma_start3A_81 = tpu.memref_squeeze %dma_start3A_80 : memref<1x1x2048xf32, #tpu.memory_space<hbm>> -> memref<2048xf32, #tpu.memory_space<hbm>>
      %dma_start3A_82 = arith.constant 0 : i32
      %dma_start3A_83 = tpu.memref_slice %arg2[%select_n3A, %select_n3A_30, %dma_start3A_82] : memref<2x16x2048xf32, #tpu.memory_space<hbm>> -> memref<1x1x2048xf32, #tpu.memory_space<hbm>>
      %dma_start3A_84 = tpu.memref_squeeze %dma_start3A_83 : memref<1x1x2048xf32, #tpu.memory_space<hbm>> -> memref<2048xf32, #tpu.memory_space<hbm>>
      tpu.enqueue_dma source(%dma_start3A_84 : memref<2048xf32, #tpu.memory_space<hbm>>) target(%arg4 : memref<2048xf32, #tpu.memory_space<vmem>>) target_semaphore(%run_scoped3A : memref<!tpu.dma_semaphore, #tpu.memory_space<semaphore_mem>>)
      %dma_wait3A = arith.constant 0 : i32
      %dma_wait3A_85 = tpu.memref_slice %arg2[%select_n3A, %select_n3A_30, %dma_wait3A] : memref<2x16x2048xf32, #tpu.memory_space<hbm>> -> memref<1x1x2048xf32, #tpu.memory_space<hbm>>
      %dma_wait3A_86 = tpu.memref_squeeze %dma_wait3A_85 : memref<1x1x2048xf32, #tpu.memory_space<hbm>> -> memref<2048xf32, #tpu.memory_space<hbm>>
      %dma_wait3A_87 = arith.constant 0 : i32
      %dma_wait3A_88 = tpu.memref_slice %arg2[%select_n3A, %select_n3A_30, %dma_wait3A_87] : memref<2x16x2048xf32, #tpu.memory_space<hbm>> -> memref<1x1x2048xf32, #tpu.memory_space<hbm>>
      %dma_wait3A_89 = tpu.memref_squeeze %dma_wait3A_88 : memref<1x1x2048xf32, #tpu.memory_space<hbm>> -> memref<2048xf32, #tpu.memory_space<hbm>>
      tpu.wait_dma2 semaphore(%run_scoped3A : memref<!tpu.dma_semaphore, #tpu.memory_space<semaphore_mem>>) src(%dma_wait3A_89 : memref<2048xf32, #tpu.memory_space<hbm>>) dst(%arg4 : memref<2048xf32, #tpu.memory_space<vmem>>)
      tpu.yield
    }) : () -> ()
    %iota3A = tpu.iota {dimensions = array<i32: 0>} : vector<16xi32>
    %scan3A = arith.constant 0 : i32
    %scan3A_31 = arith.constant 2139095039 : i32
    %scan3A_32 = arith.constant 0 : i32
    %scan3A_33 = arith.constant 31 : i32
    %scan3A_34 = arith.addi %scan3A_32, %scan3A_33 : i32
    %scan3A_35 = arith.constant 1 : i32
    %scan3A_36:2 = scf.for %scan3A_80 = %scan3A_32 to %scan3A_34 step %scan3A_35 iter_args(%scan3A_81 = %scan3A, %scan3A_82 = %scan3A_31) -> (i32, i32)  : i32 {
      %sub3A_83 = arith.subi %scan3A_82, %scan3A_81 : i32
      %add3A_84 = arith.constant 1 : i32
      %add3A_85 = arith.addi %sub3A_83, %add3A_84 : i32
      %jit3A_86 = arith.constant 2 : i32
      %div3A_87 = arith.divsi %add3A_85, %jit3A_86 : i32
      %sign3A_88 = arith.constant 0 : i32
      %sign3A_89 = arith.cmpi sgt, %add3A_85, %sign3A_88 : i32
      %sign3A_90 = arith.extui %sign3A_89 : i1 to i32
      %sign3A_91 = arith.constant 0 : i32
      %sign3A_92 = arith.cmpi slt, %add3A_85, %sign3A_91 : i32
      %sign3A_93 = arith.extui %sign3A_92 : i1 to i32
      %sign3A_94 = arith.subi %sign3A_90, %sign3A_93 : i32
      %sign3A_95 = arith.constant 0 : i32
      %sign3A_96 = arith.cmpi sgt, %jit3A_86, %sign3A_95 : i32
      %sign3A_97 = arith.extui %sign3A_96 : i1 to i32
      %sign3A_98 = arith.constant 0 : i32
      %sign3A_99 = arith.cmpi slt, %jit3A_86, %sign3A_98 : i32
      %sign3A_100 = arith.extui %sign3A_99 : i1 to i32
      %sign3A_101 = arith.subi %sign3A_97, %sign3A_100 : i32
      %ne3A_102 = arith.cmpi ne, %sign3A_94, %sign3A_101 : i32
      %rem3A_103 = arith.remsi %add3A_85, %jit3A_86 : i32
      %ne3A_104 = arith.constant 0 : i32
      %ne3A_105 = arith.cmpi ne, %rem3A_103, %ne3A_104 : i32
      %and3A_106 = arith.andi %ne3A_102, %ne3A_105 : i1
      %sub3A_107 = arith.constant 1 : i32
      %sub3A_108 = arith.subi %div3A_87, %sub3A_107 : i32
      %select_n3A_109 = arith.select %and3A_106, %sub3A_108, %div3A_87 : i32
      %add3A_110 = arith.addi %scan3A_81, %select_n3A_109 : i32
      %broadcast_in_dim3A_111 = vector.broadcast %add3A_110 : i32 to vector<16xi32>
      %bitcast3A_112 = vector.bitcast %broadcast_in_dim3A_111 : vector<16xi32> to vector<16xf32>
      %broadcast_in_dim3A_113 = arith.constant 0 : i32
      %broadcast_in_dim3A_114 = vector.broadcast %broadcast_in_dim3A_113 : i32 to vector<16xi32>
      %scan3A_115 = arith.constant 0 : i32
      %scan3A_116 = arith.constant 8 : i32
      %scan3A_117 = arith.addi %scan3A_115, %scan3A_116 : i32
      %scan3A_118 = arith.constant 1 : i32
      %scan3A_119 = scf.for %scan3A_130 = %scan3A_115 to %scan3A_117 step %scan3A_118 iter_args(%scan3A_131 = %broadcast_in_dim3A_114) -> (vector<16xi32>)  : i32 {
        %mul3A_132 = arith.constant 16 : i32
        %mul3A_133 = arith.muli %scan3A_130, %mul3A_132 : i32
        %add3A_134 = arith.constant 0 : i32
        %add3A_135 = arith.addi %mul3A_133, %add3A_134 : i32
        %mul3A_136 = arith.constant 16 : i32
        %mul3A_137 = arith.muli %add3A_135, %mul3A_136 : i32
        %get3A_138 = arith.index_cast %mul3A_137 : i32 to index
        %get3A_139 = tpu.vector_load %arg4[%get3A_138] {strides = array<i32>} : memref<2048xf32, #tpu.memory_space<vmem>>, vector<16xf32>,
        %ge3A_140 = arith.cmpf oge, %get3A_139, %bitcast3A_112 : vector<16xf32>
        %convert_element_type3A = arith.extui %ge3A_140 : vector<16xi1> to vector<16xi32>
        %add3A_141 = arith.addi %scan3A_131, %convert_element_type3A : vector<16xi32>
        %mul3A_142 = arith.constant 16 : i32
        %mul3A_143 = arith.muli %scan3A_130, %mul3A_142 : i32
        %add3A_144 = arith.constant 1 : i32
        %add3A_145 = arith.addi %mul3A_143, %add3A_144 : i32
        %mul3A_146 = arith.constant 16 : i32
        %mul3A_147 = arith.muli %add3A_145, %mul3A_146 : i32
        %get3A_148 = arith.index_cast %mul3A_147 : i32 to index
        %get3A_149 = tpu.vector_load %arg4[%get3A_148] {strides = array<i32>} : memref<2048xf32, #tpu.memory_space<vmem>>, vector<16xf32>,
        %ge3A_150 = arith.cmpf oge, %get3A_149, %bitcast3A_112 : vector<16xf32>
        %convert_element_type3A_151 = arith.extui %ge3A_150 : vector<16xi1> to vector<16xi32>
        %add3A_152 = arith.addi %add3A_141, %convert_element_type3A_151 : vector<16xi32>
        %mul3A_153 = arith.constant 16 : i32
        %mul3A_154 = arith.muli %scan3A_130, %mul3A_153 : i32
        %add3A_155 = arith.constant 2 : i32
        %add3A_156 = arith.addi %mul3A_154, %add3A_155 : i32
        %mul3A_157 = arith.constant 16 : i32
        %mul3A_158 = arith.muli %add3A_156, %mul3A_157 : i32
        %get3A_159 = arith.index_cast %mul3A_158 : i32 to index
        %get3A_160 = tpu.vector_load %arg4[%get3A_159] {strides = array<i32>} : memref<2048xf32, #tpu.memory_space<vmem>>, vector<16xf32>,
        %ge3A_161 = arith.cmpf oge, %get3A_160, %bitcast3A_112 : vector<16xf32>
        %convert_element_type3A_162 = arith.extui %ge3A_161 : vector<16xi1> to vector<16xi32>
        %add3A_163 = arith.addi %add3A_152, %convert_element_type3A_162 : vector<16xi32>
        %mul3A_164 = arith.constant 16 : i32
        %mul3A_165 = arith.muli %scan3A_130, %mul3A_164 : i32
        %add3A_166 = arith.constant 3 : i32
        %add3A_167 = arith.addi %mul3A_165, %add3A_166 : i32
        %mul3A_168 = arith.constant 16 : i32
        %mul3A_169 = arith.muli %add3A_167, %mul3A_168 : i32
        %get3A_170 = arith.index_cast %mul3A_169 : i32 to index
        %get3A_171 = tpu.vector_load %arg4[%get3A_170] {strides = array<i32>} : memref<2048xf32, #tpu.memory_space<vmem>>, vector<16xf32>,
        %ge3A_172 = arith.cmpf oge, %get3A_171, %bitcast3A_112 : vector<16xf32>
        %convert_element_type3A_173 = arith.extui %ge3A_172 : vector<16xi1> to vector<16xi32>
        %add3A_174 = arith.addi %add3A_163, %convert_element_type3A_173 : vector<16xi32>
        %mul3A_175 = arith.constant 16 : i32
        %mul3A_176 = arith.muli %scan3A_130, %mul3A_175 : i32
        %add3A_177 = arith.constant 4 : i32
        %add3A_178 = arith.addi %mul3A_176, %add3A_177 : i32
        %mul3A_179 = arith.constant 16 : i32
        %mul3A_180 = arith.muli %add3A_178, %mul3A_179 : i32
        %get3A_181 = arith.index_cast %mul3A_180 : i32 to index
        %get3A_182 = tpu.vector_load %arg4[%get3A_181] {strides = array<i32>} : memref<2048xf32, #tpu.memory_space<vmem>>, vector<16xf32>,
        %ge3A_183 = arith.cmpf oge, %get3A_182, %bitcast3A_112 : vector<16xf32>
        %convert_element_type3A_184 = arith.extui %ge3A_183 : vector<16xi1> to vector<16xi32>
        %add3A_185 = arith.addi %add3A_174, %convert_element_type3A_184 : vector<16xi32>
        %mul3A_186 = arith.constant 16 : i32
        %mul3A_187 = arith.muli %scan3A_130, %mul3A_186 : i32
        %add3A_188 = arith.constant 5 : i32
        %add3A_189 = arith.addi %mul3A_187, %add3A_188 : i32
        %mul3A_190 = arith.constant 16 : i32
        %mul3A_191 = arith.muli %add3A_189, %mul3A_190 : i32
        %get3A_192 = arith.index_cast %mul3A_191 : i32 to index
        %get3A_193 = tpu.vector_load %arg4[%get3A_192] {strides = array<i32>} : memref<2048xf32, #tpu.memory_space<vmem>>, vector<16xf32>,
        %ge3A_194 = arith.cmpf oge, %get3A_193, %bitcast3A_112 : vector<16xf32>
        %convert_element_type3A_195 = arith.extui %ge3A_194 : vector<16xi1> to vector<16xi32>
        %add3A_196 = arith.addi %add3A_185, %convert_element_type3A_195 : vector<16xi32>
        %mul3A_197 = arith.constant 16 : i32
        %mul3A_198 = arith.muli %scan3A_130, %mul3A_197 : i32
        %add3A_199 = arith.constant 6 : i32
        %add3A_200 = arith.addi %mul3A_198, %add3A_199 : i32
        %mul3A_201 = arith.constant 16 : i32
        %mul3A_202 = arith.muli %add3A_200, %mul3A_201 : i32
        %get3A_203 = arith.index_cast %mul3A_202 : i32 to index
        %get3A_204 = tpu.vector_load %arg4[%get3A_203] {strides = array<i32>} : memref<2048xf32, #tpu.memory_space<vmem>>, vector<16xf32>,
        %ge3A_205 = arith.cmpf oge, %get3A_204, %bitcast3A_112 : vector<16xf32>
        %convert_element_type3A_206 = arith.extui %ge3A_205 : vector<16xi1> to vector<16xi32>
        %add3A_207 = arith.addi %add3A_196, %convert_element_type3A_206 : vector<16xi32>
        %mul3A_208 = arith.constant 16 : i32
        %mul3A_209 = arith.muli %scan3A_130, %mul3A_208 : i32
        %add3A_210 = arith.constant 7 : i32
        %add3A_211 = arith.addi %mul3A_209, %add3A_210 : i32
        %mul3A_212 = arith.constant 16 : i32
        %mul3A_213 = arith.muli %add3A_211, %mul3A_212 : i32
        %get3A_214 = arith.index_cast %mul3A_213 : i32 to index
        %get3A_215 = tpu.vector_load %arg4[%get3A_214] {strides = array<i32>} : memref<2048xf32, #tpu.memory_space<vmem>>, vector<16xf32>,
        %ge3A_216 = arith.cmpf oge, %get3A_215, %bitcast3A_112 : vector<16xf32>
        %convert_element_type3A_217 = arith.extui %ge3A_216 : vector<16xi1> to vector<16xi32>
        %add3A_218 = arith.addi %add3A_207, %convert_element_type3A_217 : vector<16xi32>
        %mul3A_219 = arith.constant 16 : i32
        %mul3A_220 = arith.muli %scan3A_130, %mul3A_219 : i32
        %add3A_221 = arith.constant 8 : i32
        %add3A_222 = arith.addi %mul3A_220, %add3A_221 : i32
        %mul3A_223 = arith.constant 16 : i32
        %mul3A_224 = arith.muli %add3A_222, %mul3A_223 : i32
        %get3A_225 = arith.index_cast %mul3A_224 : i32 to index
        %get3A_226 = tpu.vector_load %arg4[%get3A_225] {strides = array<i32>} : memref<2048xf32, #tpu.memory_space<vmem>>, vector<16xf32>,
        %ge3A_227 = arith.cmpf oge, %get3A_226, %bitcast3A_112 : vector<16xf32>
        %convert_element_type3A_228 = arith.extui %ge3A_227 : vector<16xi1> to vector<16xi32>
        %add3A_229 = arith.addi %add3A_218, %convert_element_type3A_228 : vector<16xi32>
        %mul3A_230 = arith.constant 16 : i32
        %mul3A_231 = arith.muli %scan3A_130, %mul3A_230 : i32
        %add3A_232 = arith.constant 9 : i32
        %add3A_233 = arith.addi %mul3A_231, %add3A_232 : i32
        %mul3A_234 = arith.constant 16 : i32
        %mul3A_235 = arith.muli %add3A_233, %mul3A_234 : i32
        %get3A_236 = arith.index_cast %mul3A_235 : i32 to index
        %get3A_237 = tpu.vector_load %arg4[%get3A_236] {strides = array<i32>} : memref<2048xf32, #tpu.memory_space<vmem>>, vector<16xf32>,
        %ge3A_238 = arith.cmpf oge, %get3A_237, %bitcast3A_112 : vector<16xf32>
        %convert_element_type3A_239 = arith.extui %ge3A_238 : vector<16xi1> to vector<16xi32>
        %add3A_240 = arith.addi %add3A_229, %convert_element_type3A_239 : vector<16xi32>
        %mul3A_241 = arith.constant 16 : i32
        %mul3A_242 = arith.muli %scan3A_130, %mul3A_241 : i32
        %add3A_243 = arith.constant 10 : i32
        %add3A_244 = arith.addi %mul3A_242, %add3A_243 : i32
        %mul3A_245 = arith.constant 16 : i32
        %mul3A_246 = arith.muli %add3A_244, %mul3A_245 : i32
        %get3A_247 = arith.index_cast %mul3A_246 : i32 to index
        %get3A_248 = tpu.vector_load %arg4[%get3A_247] {strides = array<i32>} : memref<2048xf32, #tpu.memory_space<vmem>>, vector<16xf32>,
        %ge3A_249 = arith.cmpf oge, %get3A_248, %bitcast3A_112 : vector<16xf32>
        %convert_element_type3A_250 = arith.extui %ge3A_249 : vector<16xi1> to vector<16xi32>
        %add3A_251 = arith.addi %add3A_240, %convert_element_type3A_250 : vector<16xi32>
        %mul3A_252 = arith.constant 16 : i32
        %mul3A_253 = arith.muli %scan3A_130, %mul3A_252 : i32
        %add3A_254 = arith.constant 11 : i32
        %add3A_255 = arith.addi %mul3A_253, %add3A_254 : i32
        %mul3A_256 = arith.constant 16 : i32
        %mul3A_257 = arith.muli %add3A_255, %mul3A_256 : i32
        %get3A_258 = arith.index_cast %mul3A_257 : i32 to index
        %get3A_259 = tpu.vector_load %arg4[%get3A_258] {strides = array<i32>} : memref<2048xf32, #tpu.memory_space<vmem>>, vector<16xf32>,
        %ge3A_260 = arith.cmpf oge, %get3A_259, %bitcast3A_112 : vector<16xf32>
        %convert_element_type3A_261 = arith.extui %ge3A_260 : vector<16xi1> to vector<16xi32>
        %add3A_262 = arith.addi %add3A_251, %convert_element_type3A_261 : vector<16xi32>
        %mul3A_263 = arith.constant 16 : i32
        %mul3A_264 = arith.muli %scan3A_130, %mul3A_263 : i32
        %add3A_265 = arith.constant 12 : i32
        %add3A_266 = arith.addi %mul3A_264, %add3A_265 : i32
        %mul3A_267 = arith.constant 16 : i32
        %mul3A_268 = arith.muli %add3A_266, %mul3A_267 : i32
        %get3A_269 = arith.index_cast %mul3A_268 : i32 to index
        %get3A_270 = tpu.vector_load %arg4[%get3A_269] {strides = array<i32>} : memref<2048xf32, #tpu.memory_space<vmem>>, vector<16xf32>,
        %ge3A_271 = arith.cmpf oge, %get3A_270, %bitcast3A_112 : vector<16xf32>
        %convert_element_type3A_272 = arith.extui %ge3A_271 : vector<16xi1> to vector<16xi32>
        %add3A_273 = arith.addi %add3A_262, %convert_element_type3A_272 : vector<16xi32>
        %mul3A_274 = arith.constant 16 : i32
        %mul3A_275 = arith.muli %scan3A_130, %mul3A_274 : i32
        %add3A_276 = arith.constant 13 : i32
        %add3A_277 = arith.addi %mul3A_275, %add3A_276 : i32
        %mul3A_278 = arith.constant 16 : i32
        %mul3A_279 = arith.muli %add3A_277, %mul3A_278 : i32
        %get3A_280 = arith.index_cast %mul3A_279 : i32 to index
        %get3A_281 = tpu.vector_load %arg4[%get3A_280] {strides = array<i32>} : memref<2048xf32, #tpu.memory_space<vmem>>, vector<16xf32>,
        %ge3A_282 = arith.cmpf oge, %get3A_281, %bitcast3A_112 : vector<16xf32>
        %convert_element_type3A_283 = arith.extui %ge3A_282 : vector<16xi1> to vector<16xi32>
        %add3A_284 = arith.addi %add3A_273, %convert_element_type3A_283 : vector<16xi32>
        %mul3A_285 = arith.constant 16 : i32
        %mul3A_286 = arith.muli %scan3A_130, %mul3A_285 : i32
        %add3A_287 = arith.constant 14 : i32
        %add3A_288 = arith.addi %mul3A_286, %add3A_287 : i32
        %mul3A_289 = arith.constant 16 : i32
        %mul3A_290 = arith.muli %add3A_288, %mul3A_289 : i32
        %get3A_291 = arith.index_cast %mul3A_290 : i32 to index
        %get3A_292 = tpu.vector_load %arg4[%get3A_291] {strides = array<i32>} : memref<2048xf32, #tpu.memory_space<vmem>>, vector<16xf32>,
        %ge3A_293 = arith.cmpf oge, %get3A_292, %bitcast3A_112 : vector<16xf32>
        %convert_element_type3A_294 = arith.extui %ge3A_293 : vector<16xi1> to vector<16xi32>
        %add3A_295 = arith.addi %add3A_284, %convert_element_type3A_294 : vector<16xi32>
        %mul3A_296 = arith.constant 16 : i32
        %mul3A_297 = arith.muli %scan3A_130, %mul3A_296 : i32
        %add3A_298 = arith.constant 15 : i32
        %add3A_299 = arith.addi %mul3A_297, %add3A_298 : i32
        %mul3A_300 = arith.constant 16 : i32
        %mul3A_301 = arith.muli %add3A_299, %mul3A_300 : i32
        %get3A_302 = arith.index_cast %mul3A_301 : i32 to index
        %get3A_303 = tpu.vector_load %arg4[%get3A_302] {strides = array<i32>} : memref<2048xf32, #tpu.memory_space<vmem>>, vector<16xf32>,
        %ge3A_304 = arith.cmpf oge, %get3A_303, %bitcast3A_112 : vector<16xf32>
        %convert_element_type3A_305 = arith.extui %ge3A_304 : vector<16xi1> to vector<16xi32>
        %add3A_306 = arith.addi %add3A_295, %convert_element_type3A_305 : vector<16xi32>
        scf.yield %add3A_306 : vector<16xi32>
      }
      %scan3A_120 = arith.constant 8 : i32
      %reduce_sum3A_121 = arith.constant true
      %reduce_sum3A_122 = vector.broadcast %reduce_sum3A_121 : i1 to vector<16xi1>
      %reduce_sum3A_123 = tpu.scan <sum>, %scan3A_119 masked %reduce_sum3A_122 : vector<16xi32>, vector<16xi1> -> vector<16xi32>
      %reduce_sum3A_124 = vector.extract %reduce_sum3A_123[15] : i32 from vector<16xi32>
      %ge3A = arith.constant 62 : i32
      %ge3A_125 = arith.cmpi sge, %reduce_sum3A_124, %ge3A : i32
      %select_n3A_126 = arith.select %ge3A_125, %add3A_110, %scan3A_81 : i32
      %sub3A_127 = arith.constant 1 : i32
      %sub3A_128 = arith.subi %add3A_110, %sub3A_127 : i32
      %select_n3A_129 = arith.select %ge3A_125, %scan3A_82, %sub3A_128 : i32
      scf.yield %select_n3A_126, %select_n3A_129 : i32, i32
    }
    %scan3A_37 = arith.constant 31 : i32
    %broadcast_in_dim3A = vector.broadcast %scan3A_36#0 : i32 to vector<16xi32>
    %bitcast3A = vector.bitcast %broadcast_in_dim3A : vector<16xi32> to vector<16xf32>
    %broadcast_in_dim3A_38 = arith.constant 0 : i32
    %broadcast_in_dim3A_39 = vector.broadcast %broadcast_in_dim3A_38 : i32 to vector<16xi32>
    %scan3A_40 = arith.constant 0 : i32
    %scan3A_41 = arith.constant 8 : i32
    %scan3A_42 = arith.addi %scan3A_40, %scan3A_41 : i32
    %scan3A_43 = arith.constant 1 : i32
    %scan3A_44 = scf.for %scan3A_80 = %scan3A_40 to %scan3A_42 step %scan3A_43 iter_args(%scan3A_81 = %broadcast_in_dim3A_39) -> (vector<16xi32>)  : i32 {
      %mul3A_82 = arith.constant 16 : i32
      %mul3A_83 = arith.muli %scan3A_80, %mul3A_82 : i32
      %add3A_84 = arith.constant 0 : i32
      %add3A_85 = arith.addi %mul3A_83, %add3A_84 : i32
      %mul3A_86 = arith.constant 16 : i32
      %mul3A_87 = arith.muli %add3A_85, %mul3A_86 : i32
      %get3A_88 = arith.index_cast %mul3A_87 : i32 to index
      %get3A_89 = tpu.vector_load %arg4[%get3A_88] {strides = array<i32>} : memref<2048xf32, #tpu.memory_space<vmem>>, vector<16xf32>,
      %gt3A = arith.cmpf ogt, %get3A_89, %bitcast3A : vector<16xf32>
      %convert_element_type3A = arith.extui %gt3A : vector<16xi1> to vector<16xi32>
      %add3A_90 = arith.addi %scan3A_81, %convert_element_type3A : vector<16xi32>
      %mul3A_91 = arith.constant 16 : i32
      %mul3A_92 = arith.muli %scan3A_80, %mul3A_91 : i32
      %add3A_93 = arith.constant 1 : i32
      %add3A_94 = arith.addi %mul3A_92, %add3A_93 : i32
      %mul3A_95 = arith.constant 16 : i32
      %mul3A_96 = arith.muli %add3A_94, %mul3A_95 : i32
      %get3A_97 = arith.index_cast %mul3A_96 : i32 to index
      %get3A_98 = tpu.vector_load %arg4[%get3A_97] {strides = array<i32>} : memref<2048xf32, #tpu.memory_space<vmem>>, vector<16xf32>,
      %gt3A_99 = arith.cmpf ogt, %get3A_98, %bitcast3A : vector<16xf32>
      %convert_element_type3A_100 = arith.extui %gt3A_99 : vector<16xi1> to vector<16xi32>
      %add3A_101 = arith.addi %add3A_90, %convert_element_type3A_100 : vector<16xi32>
      %mul3A_102 = arith.constant 16 : i32
      %mul3A_103 = arith.muli %scan3A_80, %mul3A_102 : i32
      %add3A_104 = arith.constant 2 : i32
      %add3A_105 = arith.addi %mul3A_103, %add3A_104 : i32
      %mul3A_106 = arith.constant 16 : i32
      %mul3A_107 = arith.muli %add3A_105, %mul3A_106 : i32
      %get3A_108 = arith.index_cast %mul3A_107 : i32 to index
      %get3A_109 = tpu.vector_load %arg4[%get3A_108] {strides = array<i32>} : memref<2048xf32, #tpu.memory_space<vmem>>, vector<16xf32>,
      %gt3A_110 = arith.cmpf ogt, %get3A_109, %bitcast3A : vector<16xf32>
      %convert_element_type3A_111 = arith.extui %gt3A_110 : vector<16xi1> to vector<16xi32>
      %add3A_112 = arith.addi %add3A_101, %convert_element_type3A_111 : vector<16xi32>
      %mul3A_113 = arith.constant 16 : i32
      %mul3A_114 = arith.muli %scan3A_80, %mul3A_113 : i32
      %add3A_115 = arith.constant 3 : i32
      %add3A_116 = arith.addi %mul3A_114, %add3A_115 : i32
      %mul3A_117 = arith.constant 16 : i32
      %mul3A_118 = arith.muli %add3A_116, %mul3A_117 : i32
      %get3A_119 = arith.index_cast %mul3A_118 : i32 to index
      %get3A_120 = tpu.vector_load %arg4[%get3A_119] {strides = array<i32>} : memref<2048xf32, #tpu.memory_space<vmem>>, vector<16xf32>,
      %gt3A_121 = arith.cmpf ogt, %get3A_120, %bitcast3A : vector<16xf32>
      %convert_element_type3A_122 = arith.extui %gt3A_121 : vector<16xi1> to vector<16xi32>
      %add3A_123 = arith.addi %add3A_112, %convert_element_type3A_122 : vector<16xi32>
      %mul3A_124 = arith.constant 16 : i32
      %mul3A_125 = arith.muli %scan3A_80, %mul3A_124 : i32
      %add3A_126 = arith.constant 4 : i32
      %add3A_127 = arith.addi %mul3A_125, %add3A_126 : i32
      %mul3A_128 = arith.constant 16 : i32
      %mul3A_129 = arith.muli %add3A_127, %mul3A_128 : i32
      %get3A_130 = arith.index_cast %mul3A_129 : i32 to index
      %get3A_131 = tpu.vector_load %arg4[%get3A_130] {strides = array<i32>} : memref<2048xf32, #tpu.memory_space<vmem>>, vector<16xf32>,
      %gt3A_132 = arith.cmpf ogt, %get3A_131, %bitcast3A : vector<16xf32>
      %convert_element_type3A_133 = arith.extui %gt3A_132 : vector<16xi1> to vector<16xi32>
      %add3A_134 = arith.addi %add3A_123, %convert_element_type3A_133 : vector<16xi32>
      %mul3A_135 = arith.constant 16 : i32
      %mul3A_136 = arith.muli %scan3A_80, %mul3A_135 : i32
      %add3A_137 = arith.constant 5 : i32
      %add3A_138 = arith.addi %mul3A_136, %add3A_137 : i32
      %mul3A_139 = arith.constant 16 : i32
      %mul3A_140 = arith.muli %add3A_138, %mul3A_139 : i32
      %get3A_141 = arith.index_cast %mul3A_140 : i32 to index
      %get3A_142 = tpu.vector_load %arg4[%get3A_141] {strides = array<i32>} : memref<2048xf32, #tpu.memory_space<vmem>>, vector<16xf32>,
      %gt3A_143 = arith.cmpf ogt, %get3A_142, %bitcast3A : vector<16xf32>
      %convert_element_type3A_144 = arith.extui %gt3A_143 : vector<16xi1> to vector<16xi32>
      %add3A_145 = arith.addi %add3A_134, %convert_element_type3A_144 : vector<16xi32>
      %mul3A_146 = arith.constant 16 : i32
      %mul3A_147 = arith.muli %scan3A_80, %mul3A_146 : i32
      %add3A_148 = arith.constant 6 : i32
      %add3A_149 = arith.addi %mul3A_147, %add3A_148 : i32
      %mul3A_150 = arith.constant 16 : i32
      %mul3A_151 = arith.muli %add3A_149, %mul3A_150 : i32
      %get3A_152 = arith.index_cast %mul3A_151 : i32 to index
      %get3A_153 = tpu.vector_load %arg4[%get3A_152] {strides = array<i32>} : memref<2048xf32, #tpu.memory_space<vmem>>, vector<16xf32>,
      %gt3A_154 = arith.cmpf ogt, %get3A_153, %bitcast3A : vector<16xf32>
      %convert_element_type3A_155 = arith.extui %gt3A_154 : vector<16xi1> to vector<16xi32>
      %add3A_156 = arith.addi %add3A_145, %convert_element_type3A_155 : vector<16xi32>
      %mul3A_157 = arith.constant 16 : i32
      %mul3A_158 = arith.muli %scan3A_80, %mul3A_157 : i32
      %add3A_159 = arith.constant 7 : i32
      %add3A_160 = arith.addi %mul3A_158, %add3A_159 : i32
      %mul3A_161 = arith.constant 16 : i32
      %mul3A_162 = arith.muli %add3A_160, %mul3A_161 : i32
      %get3A_163 = arith.index_cast %mul3A_162 : i32 to index
      %get3A_164 = tpu.vector_load %arg4[%get3A_163] {strides = array<i32>} : memref<2048xf32, #tpu.memory_space<vmem>>, vector<16xf32>,
      %gt3A_165 = arith.cmpf ogt, %get3A_164, %bitcast3A : vector<16xf32>
      %convert_element_type3A_166 = arith.extui %gt3A_165 : vector<16xi1> to vector<16xi32>
      %add3A_167 = arith.addi %add3A_156, %convert_element_type3A_166 : vector<16xi32>
      %mul3A_168 = arith.constant 16 : i32
      %mul3A_169 = arith.muli %scan3A_80, %mul3A_168 : i32
      %add3A_170 = arith.constant 8 : i32
      %add3A_171 = arith.addi %mul3A_169, %add3A_170 : i32
      %mul3A_172 = arith.constant 16 : i32
      %mul3A_173 = arith.muli %add3A_171, %mul3A_172 : i32
      %get3A_174 = arith.index_cast %mul3A_173 : i32 to index
      %get3A_175 = tpu.vector_load %arg4[%get3A_174] {strides = array<i32>} : memref<2048xf32, #tpu.memory_space<vmem>>, vector<16xf32>,
      %gt3A_176 = arith.cmpf ogt, %get3A_175, %bitcast3A : vector<16xf32>
      %convert_element_type3A_177 = arith.extui %gt3A_176 : vector<16xi1> to vector<16xi32>
      %add3A_178 = arith.addi %add3A_167, %convert_element_type3A_177 : vector<16xi32>
      %mul3A_179 = arith.constant 16 : i32
      %mul3A_180 = arith.muli %scan3A_80, %mul3A_179 : i32
      %add3A_181 = arith.constant 9 : i32
      %add3A_182 = arith.addi %mul3A_180, %add3A_181 : i32
      %mul3A_183 = arith.constant 16 : i32
      %mul3A_184 = arith.muli %add3A_182, %mul3A_183 : i32
      %get3A_185 = arith.index_cast %mul3A_184 : i32 to index
      %get3A_186 = tpu.vector_load %arg4[%get3A_185] {strides = array<i32>} : memref<2048xf32, #tpu.memory_space<vmem>>, vector<16xf32>,
      %gt3A_187 = arith.cmpf ogt, %get3A_186, %bitcast3A : vector<16xf32>
      %convert_element_type3A_188 = arith.extui %gt3A_187 : vector<16xi1> to vector<16xi32>
      %add3A_189 = arith.addi %add3A_178, %convert_element_type3A_188 : vector<16xi32>
      %mul3A_190 = arith.constant 16 : i32
      %mul3A_191 = arith.muli %scan3A_80, %mul3A_190 : i32
      %add3A_192 = arith.constant 10 : i32
      %add3A_193 = arith.addi %mul3A_191, %add3A_192 : i32
      %mul3A_194 = arith.constant 16 : i32
      %mul3A_195 = arith.muli %add3A_193, %mul3A_194 : i32
      %get3A_196 = arith.index_cast %mul3A_195 : i32 to index
      %get3A_197 = tpu.vector_load %arg4[%get3A_196] {strides = array<i32>} : memref<2048xf32, #tpu.memory_space<vmem>>, vector<16xf32>,
      %gt3A_198 = arith.cmpf ogt, %get3A_197, %bitcast3A : vector<16xf32>
      %convert_element_type3A_199 = arith.extui %gt3A_198 : vector<16xi1> to vector<16xi32>
      %add3A_200 = arith.addi %add3A_189, %convert_element_type3A_199 : vector<16xi32>
      %mul3A_201 = arith.constant 16 : i32
      %mul3A_202 = arith.muli %scan3A_80, %mul3A_201 : i32
      %add3A_203 = arith.constant 11 : i32
      %add3A_204 = arith.addi %mul3A_202, %add3A_203 : i32
      %mul3A_205 = arith.constant 16 : i32
      %mul3A_206 = arith.muli %add3A_204, %mul3A_205 : i32
      %get3A_207 = arith.index_cast %mul3A_206 : i32 to index
      %get3A_208 = tpu.vector_load %arg4[%get3A_207] {strides = array<i32>} : memref<2048xf32, #tpu.memory_space<vmem>>, vector<16xf32>,
      %gt3A_209 = arith.cmpf ogt, %get3A_208, %bitcast3A : vector<16xf32>
      %convert_element_type3A_210 = arith.extui %gt3A_209 : vector<16xi1> to vector<16xi32>
      %add3A_211 = arith.addi %add3A_200, %convert_element_type3A_210 : vector<16xi32>
      %mul3A_212 = arith.constant 16 : i32
      %mul3A_213 = arith.muli %scan3A_80, %mul3A_212 : i32
      %add3A_214 = arith.constant 12 : i32
      %add3A_215 = arith.addi %mul3A_213, %add3A_214 : i32
      %mul3A_216 = arith.constant 16 : i32
      %mul3A_217 = arith.muli %add3A_215, %mul3A_216 : i32
      %get3A_218 = arith.index_cast %mul3A_217 : i32 to index
      %get3A_219 = tpu.vector_load %arg4[%get3A_218] {strides = array<i32>} : memref<2048xf32, #tpu.memory_space<vmem>>, vector<16xf32>,
      %gt3A_220 = arith.cmpf ogt, %get3A_219, %bitcast3A : vector<16xf32>
      %convert_element_type3A_221 = arith.extui %gt3A_220 : vector<16xi1> to vector<16xi32>
      %add3A_222 = arith.addi %add3A_211, %convert_element_type3A_221 : vector<16xi32>
      %mul3A_223 = arith.constant 16 : i32
      %mul3A_224 = arith.muli %scan3A_80, %mul3A_223 : i32
      %add3A_225 = arith.constant 13 : i32
      %add3A_226 = arith.addi %mul3A_224, %add3A_225 : i32
      %mul3A_227 = arith.constant 16 : i32
      %mul3A_228 = arith.muli %add3A_226, %mul3A_227 : i32
      %get3A_229 = arith.index_cast %mul3A_228 : i32 to index
      %get3A_230 = tpu.vector_load %arg4[%get3A_229] {strides = array<i32>} : memref<2048xf32, #tpu.memory_space<vmem>>, vector<16xf32>,
      %gt3A_231 = arith.cmpf ogt, %get3A_230, %bitcast3A : vector<16xf32>
      %convert_element_type3A_232 = arith.extui %gt3A_231 : vector<16xi1> to vector<16xi32>
      %add3A_233 = arith.addi %add3A_222, %convert_element_type3A_232 : vector<16xi32>
      %mul3A_234 = arith.constant 16 : i32
      %mul3A_235 = arith.muli %scan3A_80, %mul3A_234 : i32
      %add3A_236 = arith.constant 14 : i32
      %add3A_237 = arith.addi %mul3A_235, %add3A_236 : i32
      %mul3A_238 = arith.constant 16 : i32
      %mul3A_239 = arith.muli %add3A_237, %mul3A_238 : i32
      %get3A_240 = arith.index_cast %mul3A_239 : i32 to index
      %get3A_241 = tpu.vector_load %arg4[%get3A_240] {strides = array<i32>} : memref<2048xf32, #tpu.memory_space<vmem>>, vector<16xf32>,
      %gt3A_242 = arith.cmpf ogt, %get3A_241, %bitcast3A : vector<16xf32>
      %convert_element_type3A_243 = arith.extui %gt3A_242 : vector<16xi1> to vector<16xi32>
      %add3A_244 = arith.addi %add3A_233, %convert_element_type3A_243 : vector<16xi32>
      %mul3A_245 = arith.constant 16 : i32
      %mul3A_246 = arith.muli %scan3A_80, %mul3A_245 : i32
      %add3A_247 = arith.constant 15 : i32
      %add3A_248 = arith.addi %mul3A_246, %add3A_247 : i32
      %mul3A_249 = arith.constant 16 : i32
      %mul3A_250 = arith.muli %add3A_248, %mul3A_249 : i32
      %get3A_251 = arith.index_cast %mul3A_250 : i32 to index
      %get3A_252 = tpu.vector_load %arg4[%get3A_251] {strides = array<i32>} : memref<2048xf32, #tpu.memory_space<vmem>>, vector<16xf32>,
      %gt3A_253 = arith.cmpf ogt, %get3A_252, %bitcast3A : vector<16xf32>
      %convert_element_type3A_254 = arith.extui %gt3A_253 : vector<16xi1> to vector<16xi32>
      %add3A_255 = arith.addi %add3A_244, %convert_element_type3A_254 : vector<16xi32>
      scf.yield %add3A_255 : vector<16xi32>
    }
    %scan3A_45 = arith.constant 8 : i32
    %reduce_sum3A = arith.constant true
    %reduce_sum3A_46 = vector.broadcast %reduce_sum3A : i1 to vector<16xi1>
    %reduce_sum3A_47 = tpu.scan <sum>, %scan3A_44 masked %reduce_sum3A_46 : vector<16xi32>, vector<16xi1> -> vector<16xi32>
    %reduce_sum3A_48 = vector.extract %reduce_sum3A_47[15] : i32 from vector<16xi32>
    %broadcast_in_dim3A_49 = vector.broadcast %reduce_sum3A_48 : i32 to vector<16xi32>
    %broadcast_in_dim3A_50 = arith.constant 62 : i32
    %broadcast_in_dim3A_51 = vector.broadcast %broadcast_in_dim3A_50 : i32 to vector<16xi32>
    %broadcast_in_dim3A_52 = arith.constant 0 : i32
    %broadcast_in_dim3A_53 = vector.broadcast %broadcast_in_dim3A_52 : i32 to vector<16xi32>
    %broadcast_in_dim3A_54 = arith.constant 0 : i32
    %broadcast_in_dim3A_55 = vector.broadcast %broadcast_in_dim3A_54 : i32 to vector<16xi32>
    %scan3A_56 = arith.constant 0 : i32
    %scan3A_57 = arith.constant 128 : i32
    %scan3A_58 = arith.addi %scan3A_56, %scan3A_57 : i32
    %scan3A_59 = arith.constant 1 : i32
    %scan3A_60:2 = scf.for %scan3A_80 = %scan3A_56 to %scan3A_58 step %scan3A_59 iter_args(%scan3A_81 = %broadcast_in_dim3A_53, %scan3A_82 = %broadcast_in_dim3A_55) -> (vector<16xi32>, vector<16xi32>)  : i32 {
      %mul3A_83 = arith.constant 16 : i32
      %mul3A_84 = arith.muli %scan3A_80, %mul3A_83 : i32
      %get3A_85 = arith.index_cast %mul3A_84 : i32 to index
      %get3A_86 = tpu.vector_load %arg4[%get3A_85] {strides = array<i32>} : memref<2048xf32, #tpu.memory_space<vmem>>, vector<16xf32>,
      %mul3A_87 = arith.constant 16 : i32
      %mul3A_88 = arith.muli %scan3A_80, %mul3A_87 : i32
      %add3A_89 = vector.broadcast %mul3A_88 : i32 to vector<16xi32>
      %add3A_90 = arith.addi %iota3A, %add3A_89 : vector<16xi32>
      %gt3A = arith.cmpf ogt, %get3A_86, %bitcast3A : vector<16xf32>
      %eq3A_91 = arith.cmpf oeq, %get3A_86, %bitcast3A : vector<16xf32>
      %convert_element_type3A = arith.extui %gt3A : vector<16xi1> to vector<16xi32>
      %convert_element_type3A_92 = arith.extui %eq3A_91 : vector<16xi1> to vector<16xi32>
      %broadcast_in_dim3A_93 = arith.constant true
      %broadcast_in_dim3A_94 = vector.broadcast %broadcast_in_dim3A_93 : i1 to vector<16xi1>
      %masked_cumsum3A = tpu.scan <sum>, %convert_element_type3A masked %broadcast_in_dim3A_94 : vector<16xi32>, vector<16xi1> -> vector<16xi32>
      %add3A_95 = arith.addi %scan3A_81, %masked_cumsum3A : vector<16xi32>
      %sub3A_96 = arith.subi %add3A_95, %convert_element_type3A : vector<16xi32>
      %add3A_97 = arith.addi %broadcast_in_dim3A_49, %scan3A_82 : vector<16xi32>
      %broadcast_in_dim3A_98 = arith.constant true
      %broadcast_in_dim3A_99 = vector.broadcast %broadcast_in_dim3A_98 : i1 to vector<16xi1>
      %masked_cumsum3A_100 = tpu.scan <sum>, %convert_element_type3A_92 masked %broadcast_in_dim3A_99 : vector<16xi32>, vector<16xi1> -> vector<16xi32>
      %add3A_101 = arith.addi %add3A_97, %masked_cumsum3A_100 : vector<16xi32>
      %sub3A_102 = arith.subi %add3A_101, %convert_element_type3A_92 : vector<16xi32>
      %add3A_103 = arith.constant 1 : i32
      %add3A_104 = vector.broadcast %add3A_103 : i32 to vector<16xi32>
      %add3A_105 = arith.addi %sub3A_96, %add3A_104 : vector<16xi32>
      tpu.vector_store_idx %arg5[%add3A_105], %add3A_90 masked %gt3A : memref<64xi32, #tpu.memory_space<vmem>>[vector<16xi32>], vector<16xi32>, vector<16xi1>
      %add3A_106 = arith.constant 1 : i32
      %add3A_107 = vector.broadcast %add3A_106 : i32 to vector<16xi32>
      %add3A_108 = arith.addi %sub3A_102, %add3A_107 : vector<16xi32>
      %lt3A_109 = arith.cmpi slt, %sub3A_102, %broadcast_in_dim3A_51 : vector<16xi32>
      %and3A_110 = arith.andi %eq3A_91, %lt3A_109 : vector<16xi1>
      tpu.vector_store_idx %arg5[%add3A_108], %add3A_90 masked %and3A_110 : memref<64xi32, #tpu.memory_space<vmem>>[vector<16xi32>], vector<16xi32>, vector<16xi1>
      %all_reduce_population_count3A = tpu.all_reduce %gt3A {dim = 0 : i64, kind = #tpu.reduction_kind<sum>} : vector<16xi1> -> vector<16xi32>
      %add3A_111 = arith.addi %scan3A_81, %all_reduce_population_count3A : vector<16xi32>
      %all_reduce_population_count3A_112 = tpu.all_reduce %eq3A_91 {dim = 0 : i64, kind = #tpu.reduction_kind<sum>} : vector<16xi1> -> vector<16xi32>
      %add3A_113 = arith.addi %scan3A_82, %all_reduce_population_count3A_112 : vector<16xi32>
      scf.yield %add3A_111, %add3A_113 : vector<16xi32>, vector<16xi32>
    }
    %scan3A_61 = arith.constant 128 : i32
    %get3A = arith.constant 0 : index
    %get3A_62 = tpu.vector_load %arg5[%get3A] {strides = array<i32>} : memref<64xi32, #tpu.memory_space<vmem>>, vector<16xi32>,
    %eq3A_63 = arith.constant 0 : i32
    %eq3A_64 = vector.broadcast %eq3A_63 : i32 to vector<16xi32>
    %eq3A_65 = arith.cmpi eq, %iota3A, %eq3A_64 : vector<16xi32>
    %jit3A_66 = arith.constant 0 : i32
    %broadcast_in_dim3A_67 = vector.broadcast %jit3A_66 : i32 to vector<16xi32>
    %select_n3A_68 = arith.select %eq3A_65, %broadcast_in_dim3A_67, %get3A_62 : vector<16xi1>, vector<16xi32>
    %swap3A = arith.constant 0 : index
    %swap3A_69 = tpu.vector_load %arg5[%swap3A] {strides = array<i32>} : memref<64xi32, #tpu.memory_space<vmem>>, vector<16xi32>,
    tpu.vector_store %arg5[%swap3A], %select_n3A_68 {strides = array<i32>} : memref<64xi32, #tpu.memory_space<vmem>>, vector<16xi32>,
    %get3A_70 = arith.constant 48 : index
    %get3A_71 = tpu.vector_load %arg5[%get3A_70] {strides = array<i32>} : memref<64xi32, #tpu.memory_space<vmem>>, vector<16xi32>,
    %eq3A_72 = arith.constant 15 : i32
    %eq3A_73 = vector.broadcast %eq3A_72 : i32 to vector<16xi32>
    %eq3A_74 = arith.cmpi eq, %iota3A, %eq3A_73 : vector<16xi32>
    %jit3A_75 = arith.constant 2047 : i32
    %broadcast_in_dim3A_76 = vector.broadcast %jit3A_75 : i32 to vector<16xi32>
    %select_n3A_77 = arith.select %eq3A_74, %broadcast_in_dim3A_76, %get3A_71 : vector<16xi1>, vector<16xi32>
    %swap3A_78 = arith.constant 48 : index
    %swap3A_79 = tpu.vector_load %arg5[%swap3A_78] {strides = array<i32>} : memref<64xi32, #tpu.memory_space<vmem>>, vector<16xi32>,
    tpu.vector_store %arg5[%swap3A_78], %select_n3A_77 {strides = array<i32>} : memref<64xi32, #tpu.memory_space<vmem>>, vector<16xi32>,
    "tpu.region"() ({
      %run_scoped3A = tpu.sem_alloc : memref<!tpu.dma_semaphore, #tpu.memory_space<semaphore_mem>>
      %dma_start3A = arith.constant 0 : i32
      %dma_start3A_80 = tpu.memref_slice %arg3[%select_n3A, %select_n3A_30, %dma_start3A] : memref<2x16x64xi32, #tpu.memory_space<hbm>> -> memref<1x1x64xi32, #tpu.memory_space<hbm>>
      %dma_start3A_81 = tpu.memref_squeeze %dma_start3A_80 : memref<1x1x64xi32, #tpu.memory_space<hbm>> -> memref<64xi32, #tpu.memory_space<hbm>>
      %dma_start3A_82 = arith.constant 0 : i32
      %dma_start3A_83 = tpu.memref_slice %arg3[%select_n3A, %select_n3A_30, %dma_start3A_82] : memref<2x16x64xi32, #tpu.memory_space<hbm>> -> memref<1x1x64xi32, #tpu.memory_space<hbm>>
      %dma_start3A_84 = tpu.memref_squeeze %dma_start3A_83 : memref<1x1x64xi32, #tpu.memory_space<hbm>> -> memref<64xi32, #tpu.memory_space<hbm>>
      tpu.enqueue_dma source(%arg5 : memref<64xi32, #tpu.memory_space<vmem>>) target(%dma_start3A_84 : memref<64xi32, #tpu.memory_space<hbm>>) target_semaphore(%run_scoped3A : memref<!tpu.dma_semaphore, #tpu.memory_space<semaphore_mem>>)
      %dma_wait3A = arith.constant 0 : i32
      %dma_wait3A_85 = tpu.memref_slice %arg3[%select_n3A, %select_n3A_30, %dma_wait3A] : memref<2x16x64xi32, #tpu.memory_space<hbm>> -> memref<1x1x64xi32, #tpu.memory_space<hbm>>
      %dma_wait3A_86 = tpu.memref_squeeze %dma_wait3A_85 : memref<1x1x64xi32, #tpu.memory_space<hbm>> -> memref<64xi32, #tpu.memory_space<hbm>>
      %dma_wait3A_87 = arith.constant 0 : i32
      %dma_wait3A_88 = tpu.memref_slice %arg3[%select_n3A, %select_n3A_30, %dma_wait3A_87] : memref<2x16x64xi32, #tpu.memory_space<hbm>> -> memref<1x1x64xi32, #tpu.memory_space<hbm>>
      %dma_wait3A_89 = tpu.memref_squeeze %dma_wait3A_88 : memref<1x1x64xi32, #tpu.memory_space<hbm>> -> memref<64xi32, #tpu.memory_space<hbm>>
      tpu.wait_dma2 semaphore(%run_scoped3A : memref<!tpu.dma_semaphore, #tpu.memory_space<semaphore_mem>>) src(%arg5 : memref<64xi32, #tpu.memory_space<vmem>>) dst(%dma_wait3A_89 : memref<64xi32, #tpu.memory_space<hbm>>)
      tpu.yield
    }) : () -> ()
    return
  }
}

module attributes {stable_mosaic.version = 14 : i64} {
  func.func @_proj_kernel(%arg0: i32, %arg1: i32, %arg2: memref<1x512x1024xf32, #tpu.memory_space<vmem>>, %arg3: memref<1024x1024xf32, #tpu.memory_space<vmem>>, %arg4: memref<1024x1024xf32, #tpu.memory_space<vmem>>, %arg5: memref<1024x1024xf32, #tpu.memory_space<vmem>>, %arg6: memref<1x1024xf32, #tpu.memory_space<vmem>>, %arg7: memref<1x1024xf32, #tpu.memory_space<vmem>>, %arg8: memref<1x1024xf32, #tpu.memory_space<vmem>>, %arg9: memref<1x512x1024xf32, #tpu.memory_space<vmem>>, %arg10: memref<1x512x1024xf32, #tpu.memory_space<vmem>>, %arg11: memref<1x512x1024xf32, #tpu.memory_space<vmem>>, %arg12: memref<1x16x512xf32, #tpu.memory_space<vmem>>) attributes {dimension_semantics = [#tpu.dimension_semantics<arbitrary>, #tpu.dimension_semantics<arbitrary>], iteration_bounds = array<i64: 2, 4>, scalar_prefetch = 0 : i64, scratch_operands = 0 : i64, tpu.core_type = #tpu.core_type<tc>, window_params = [{transform_indices = @transform_0, window_bounds = array<i64: 1, 512, 1024>}, {pipeline_mode = #tpu.pipeline_mode<synchronous>, transform_indices = @transform_1, window_bounds = array<i64: 1024, 1024>}, {pipeline_mode = #tpu.pipeline_mode<synchronous>, transform_indices = @transform_2, window_bounds = array<i64: 1024, 1024>}, {pipeline_mode = #tpu.pipeline_mode<synchronous>, transform_indices = @transform_3, window_bounds = array<i64: 1024, 1024>}, {pipeline_mode = #tpu.pipeline_mode<synchronous>, transform_indices = @transform_4, window_bounds = array<i64: 1, 1024>}, {pipeline_mode = #tpu.pipeline_mode<synchronous>, transform_indices = @transform_5, window_bounds = array<i64: 1, 1024>}, {pipeline_mode = #tpu.pipeline_mode<synchronous>, transform_indices = @transform_6, window_bounds = array<i64: 1, 1024>}, {transform_indices = @transform_7, window_bounds = array<i64: 1, 512, 1024>}, {transform_indices = @transform_8, window_bounds = array<i64: 1, 512, 1024>}, {transform_indices = @transform_9, window_bounds = array<i64: 1, 512, 1024>}, {transform_indices = @transform_10, window_bounds = array<i64: 1, 16, 512>}]} {
    %get3A = arith.constant 0 : index
    %get3A_0 = arith.constant 0 : index
    %get3A_1 = arith.constant 0 : index
    %get3A_2 = vector.load %arg2[%get3A, %get3A_0, %get3A_1] : memref<1x512x1024xf32, #tpu.memory_space<vmem>>, vector<1x512x1024xf32>
    %get3A_3 = vector.shape_cast %get3A_2 : vector<1x512x1024xf32> to vector<512x1024xf32>
    %get3A_4 = arith.constant 0 : index
    %get3A_5 = arith.constant 0 : index
    %get3A_6 = vector.load %arg3[%get3A_4, %get3A_5] : memref<1024x1024xf32, #tpu.memory_space<vmem>>, vector<1024x1024xf32>
    %dot_general3A = arith.constant dense<0.000000e+00> : vector<512x1024xf32>
    %dot_general3A_7 = tpu.matmul %get3A_3, %get3A_6, %dot_general3A {dimension_numbers = #tpu.dot_dimension_numbers<[1], [0], [0], [1], [0, 0, 1, 1], [], []>, transpose_lhs_hint = false} : vector<512x1024xf32>, vector<1024x1024xf32>, vector<512x1024xf32> -> vector<512x1024xf32>
    %get3A_8 = arith.constant 0 : index
    %get3A_9 = arith.constant 0 : index
    %get3A_10 = vector.load %arg6[%get3A_8, %get3A_9] : memref<1x1024xf32, #tpu.memory_space<vmem>>, vector<1x1024xf32>
    %add3A = vector.broadcast %get3A_10 : vector<1x1024xf32> to vector<512x1024xf32>
    %add3A_11 = arith.addf %dot_general3A_7, %add3A : vector<512x1024xf32>
    %get3A_12 = arith.constant 0 : index
    %get3A_13 = arith.constant 0 : index
    %get3A_14 = vector.load %arg4[%get3A_12, %get3A_13] : memref<1024x1024xf32, #tpu.memory_space<vmem>>, vector<1024x1024xf32>
    %dot_general3A_15 = arith.constant dense<0.000000e+00> : vector<512x1024xf32>
    %dot_general3A_16 = tpu.matmul %get3A_3, %get3A_14, %dot_general3A_15 {dimension_numbers = #tpu.dot_dimension_numbers<[1], [0], [0], [1], [0, 0, 1, 1], [], []>, transpose_lhs_hint = false} : vector<512x1024xf32>, vector<1024x1024xf32>, vector<512x1024xf32> -> vector<512x1024xf32>
    %get3A_17 = arith.constant 0 : index
    %get3A_18 = arith.constant 0 : index
    %get3A_19 = vector.load %arg7[%get3A_17, %get3A_18] : memref<1x1024xf32, #tpu.memory_space<vmem>>, vector<1x1024xf32>
    %add3A_20 = vector.broadcast %get3A_19 : vector<1x1024xf32> to vector<512x1024xf32>
    %add3A_21 = arith.addf %dot_general3A_16, %add3A_20 : vector<512x1024xf32>
    %get3A_22 = arith.constant 0 : index
    %get3A_23 = arith.constant 0 : index
    %get3A_24 = vector.load %arg5[%get3A_22, %get3A_23] : memref<1024x1024xf32, #tpu.memory_space<vmem>>, vector<1024x1024xf32>
    %dot_general3A_25 = arith.constant dense<0.000000e+00> : vector<512x1024xf32>
    %dot_general3A_26 = tpu.matmul %get3A_3, %get3A_24, %dot_general3A_25 {dimension_numbers = #tpu.dot_dimension_numbers<[1], [0], [0], [1], [0, 0, 1, 1], [], []>, transpose_lhs_hint = false} : vector<512x1024xf32>, vector<1024x1024xf32>, vector<512x1024xf32> -> vector<512x1024xf32>
    %get3A_27 = arith.constant 0 : index
    %get3A_28 = arith.constant 0 : index
    %get3A_29 = vector.load %arg8[%get3A_27, %get3A_28] : memref<1x1024xf32, #tpu.memory_space<vmem>>, vector<1x1024xf32>
    %add3A_30 = vector.broadcast %get3A_29 : vector<1x1024xf32> to vector<512x1024xf32>
    %add3A_31 = arith.addf %dot_general3A_26, %add3A_30 : vector<512x1024xf32>
    %mul3A = arith.constant 1.250000e-01 : f32
    %mul3A_32 = vector.broadcast %mul3A : f32 to vector<512x1024xf32>
    %mul3A_33 = arith.mulf %add3A_11, %mul3A_32 : vector<512x1024xf32>
    %swap3A = arith.constant 0 : index
    %swap3A_34 = arith.constant 0 : index
    %swap3A_35 = arith.constant 0 : index
    %swap3A_36 = vector.load %arg9[%swap3A, %swap3A_34, %swap3A_35] : memref<1x512x1024xf32, #tpu.memory_space<vmem>>, vector<1x512x1024xf32>
    %swap3A_37 = vector.shape_cast %swap3A_36 : vector<1x512x1024xf32> to vector<512x1024xf32>
    %swap3A_38 = vector.shape_cast %mul3A_33 : vector<512x1024xf32> to vector<1x512x1024xf32>
    tpu.vector_store %arg9[%swap3A, %swap3A_34, %swap3A_35], %swap3A_38 {strides = array<i32>} : memref<1x512x1024xf32, #tpu.memory_space<vmem>>, vector<1x512x1024xf32>,
    %swap3A_39 = arith.constant 0 : index
    %swap3A_40 = arith.constant 0 : index
    %swap3A_41 = arith.constant 0 : index
    %swap3A_42 = vector.load %arg10[%swap3A_39, %swap3A_40, %swap3A_41] : memref<1x512x1024xf32, #tpu.memory_space<vmem>>, vector<1x512x1024xf32>
    %swap3A_43 = vector.shape_cast %swap3A_42 : vector<1x512x1024xf32> to vector<512x1024xf32>
    %swap3A_44 = vector.shape_cast %add3A_21 : vector<512x1024xf32> to vector<1x512x1024xf32>
    tpu.vector_store %arg10[%swap3A_39, %swap3A_40, %swap3A_41], %swap3A_44 {strides = array<i32>} : memref<1x512x1024xf32, #tpu.memory_space<vmem>>, vector<1x512x1024xf32>,
    %swap3A_45 = arith.constant 0 : index
    %swap3A_46 = arith.constant 0 : index
    %swap3A_47 = arith.constant 0 : index
    %swap3A_48 = vector.load %arg11[%swap3A_45, %swap3A_46, %swap3A_47] : memref<1x512x1024xf32, #tpu.memory_space<vmem>>, vector<1x512x1024xf32>
    %swap3A_49 = vector.shape_cast %swap3A_48 : vector<1x512x1024xf32> to vector<512x1024xf32>
    %swap3A_50 = vector.shape_cast %add3A_31 : vector<512x1024xf32> to vector<1x512x1024xf32>
    tpu.vector_store %arg11[%swap3A_45, %swap3A_46, %swap3A_47], %swap3A_50 {strides = array<i32>} : memref<1x512x1024xf32, #tpu.memory_space<vmem>>, vector<1x512x1024xf32>,
    %reshape3A = vector.shape_cast %add3A_11 : vector<512x1024xf32> to vector<512x16x64xf32>
    %mul3A_51 = arith.mulf %reshape3A, %reshape3A : vector<512x16x64xf32>
    %reduce_sum3A = arith.constant dense<0.000000e+00> : vector<512x16xf32>
    %reduce_sum3A_52 = vector.multi_reduction <add>, %mul3A_51, %reduce_sum3A [2] : vector<512x16x64xf32> to vector<512x16xf32>
    %sqrt3A = math.sqrt %reduce_sum3A_52 : vector<512x16xf32>
    %transpose3A = tpu.transpose %sqrt3A, [1, 0] : vector<512x16xf32> -> vector<16x512xf32>
    %swap3A_53 = arith.constant 0 : index
    %swap3A_54 = arith.constant 0 : index
    %swap3A_55 = arith.constant 0 : index
    %swap3A_56 = vector.load %arg12[%swap3A_53, %swap3A_54, %swap3A_55] : memref<1x16x512xf32, #tpu.memory_space<vmem>>, vector<1x16x512xf32>
    %swap3A_57 = vector.shape_cast %swap3A_56 : vector<1x16x512xf32> to vector<16x512xf32>
    %swap3A_58 = vector.shape_cast %transpose3A : vector<16x512xf32> to vector<1x16x512xf32>
    tpu.vector_store %arg12[%swap3A_53, %swap3A_54, %swap3A_55], %swap3A_58 {strides = array<i32>} : memref<1x16x512xf32, #tpu.memory_space<vmem>>, vector<1x16x512xf32>,
    return
  }
  func.func @transform_0(%arg0: i32, %arg1: i32) -> (i32, i32, i32) {
    %c0_i32 = arith.constant 0 : i32
    %c0_i32_0 = arith.constant 0 : i32
    return %arg0, %arg1, %c0_i32 : i32, i32, i32
  }
  func.func @transform_1(%arg0: i32, %arg1: i32) -> (i32, i32) {
    %c0_i32 = arith.constant 0 : i32
    %c0_i32_0 = arith.constant 0 : i32
    %c0_i32_1 = arith.constant 0 : i32
    return %c0_i32, %c0_i32_0 : i32, i32
  }
  func.func @transform_2(%arg0: i32, %arg1: i32) -> (i32, i32) {
    %c0_i32 = arith.constant 0 : i32
    %c0_i32_0 = arith.constant 0 : i32
    %c0_i32_1 = arith.constant 0 : i32
    return %c0_i32, %c0_i32_0 : i32, i32
  }
  func.func @transform_3(%arg0: i32, %arg1: i32) -> (i32, i32) {
    %c0_i32 = arith.constant 0 : i32
    %c0_i32_0 = arith.constant 0 : i32
    %c0_i32_1 = arith.constant 0 : i32
    return %c0_i32, %c0_i32_0 : i32, i32
  }
  func.func @transform_4(%arg0: i32, %arg1: i32) -> (i32, i32) {
    %c0_i32 = arith.constant 0 : i32
    %c0_i32_0 = arith.constant 0 : i32
    %c0_i32_1 = arith.constant 0 : i32
    return %c0_i32, %c0_i32_0 : i32, i32
  }
  func.func @transform_5(%arg0: i32, %arg1: i32) -> (i32, i32) {
    %c0_i32 = arith.constant 0 : i32
    %c0_i32_0 = arith.constant 0 : i32
    %c0_i32_1 = arith.constant 0 : i32
    return %c0_i32, %c0_i32_0 : i32, i32
  }
  func.func @transform_6(%arg0: i32, %arg1: i32) -> (i32, i32) {
    %c0_i32 = arith.constant 0 : i32
    %c0_i32_0 = arith.constant 0 : i32
    %c0_i32_1 = arith.constant 0 : i32
    return %c0_i32, %c0_i32_0 : i32, i32
  }
  func.func @transform_7(%arg0: i32, %arg1: i32) -> (i32, i32, i32) {
    %c0_i32 = arith.constant 0 : i32
    %c0_i32_0 = arith.constant 0 : i32
    return %arg0, %arg1, %c0_i32 : i32, i32, i32
  }
  func.func @transform_8(%arg0: i32, %arg1: i32) -> (i32, i32, i32) {
    %c0_i32 = arith.constant 0 : i32
    %c0_i32_0 = arith.constant 0 : i32
    return %arg0, %arg1, %c0_i32 : i32, i32, i32
  }
  func.func @transform_9(%arg0: i32, %arg1: i32) -> (i32, i32, i32) {
    %c0_i32 = arith.constant 0 : i32
    %c0_i32_0 = arith.constant 0 : i32
    return %arg0, %arg1, %c0_i32 : i32, i32, i32
  }
  func.func @transform_10(%arg0: i32, %arg1: i32) -> (i32, i32, i32) {
    %c0_i32 = arith.constant 0 : i32
    %c0_i32_0 = arith.constant 0 : i32
    return %arg0, %c0_i32, %arg1 : i32, i32, i32
  }
}

module attributes {stable_mosaic.version = 14 : i64} {
  func.func @_attn_kernel(%arg0: i32, %arg1: i32, %arg2: memref<2x16x64xi32, #tpu.memory_space<smem>>, %arg3: memref<1x2048x128xf32, #tpu.memory_space<vmem>>, %arg4: memref<1x2048x128xf32, #tpu.memory_space<vmem>>, %arg5: memref<1x2048x128xf32, #tpu.memory_space<vmem>>, %arg6: memref<1x2048x128xf32, #tpu.memory_space<vmem>>) attributes {dimension_semantics = [#tpu.dimension_semantics<arbitrary>, #tpu.dimension_semantics<arbitrary>], iteration_bounds = array<i64: 2, 8>, scalar_prefetch = 1 : i64, scratch_operands = 0 : i64, tpu.core_type = #tpu.core_type<tc>, window_params = [{transform_indices = @transform_0, window_bounds = array<i64: 1, 2048, 128>}, {transform_indices = @transform_1, window_bounds = array<i64: 1, 2048, 128>}, {transform_indices = @transform_2, window_bounds = array<i64: 1, 2048, 128>}, {transform_indices = @transform_3, window_bounds = array<i64: 1, 2048, 128>}]} {
    %mul3A = arith.constant 2 : i32
    %mul3A_0 = arith.muli %arg1, %mul3A : i32
    %add3A = arith.constant 0 : i32
    %add3A_1 = arith.addi %mul3A_0, %add3A : i32
    %get3A = arith.constant 0 : index
    %get3A_2 = arith.constant 0 : index
    %get3A_3 = arith.constant 0 : index
    %get3A_4 = vector.load %arg3[%get3A, %get3A_2, %get3A_3] : memref<1x2048x128xf32, #tpu.memory_space<vmem>>, vector<1x2048x64xf32>
    %get3A_5 = vector.shape_cast %get3A_4 : vector<1x2048x64xf32> to vector<2048x64xf32>
    %get3A_6 = arith.constant 0 : index
    %get3A_7 = arith.constant 0 : index
    %get3A_8 = arith.constant 0 : index
    %get3A_9 = vector.load %arg4[%get3A_6, %get3A_7, %get3A_8] : memref<1x2048x128xf32, #tpu.memory_space<vmem>>, vector<1x2048x64xf32>
    %get3A_10 = vector.shape_cast %get3A_9 : vector<1x2048x64xf32> to vector<2048x64xf32>
    %get3A_11 = arith.constant 0 : index
    %get3A_12 = arith.constant 0 : index
    %get3A_13 = arith.constant 0 : index
    %get3A_14 = vector.load %arg5[%get3A_11, %get3A_12, %get3A_13] : memref<1x2048x128xf32, #tpu.memory_space<vmem>>, vector<1x2048x64xf32>
    %get3A_15 = vector.shape_cast %get3A_14 : vector<1x2048x64xf32> to vector<2048x64xf32>
    %slice3A = vector.extract_strided_slice %get3A_5 {offsets = [0, 0], sizes = [256, 64], strides = [1, 1]} : vector<2048x64xf32> to vector<256x64xf32>
    %slice3A_16 = vector.extract_strided_slice %get3A_10 {offsets = [0, 0], sizes = [384, 64], strides = [1, 1]} : vector<2048x64xf32> to vector<384x64xf32>
    %transpose3A = tpu.transpose %slice3A_16, [1, 0] : vector<384x64xf32> -> vector<64x384xf32>
    %dot_general3A = arith.constant dense<0.000000e+00> : vector<256x384xf32>
    %dot_general3A_17 = tpu.matmul %slice3A, %transpose3A, %dot_general3A {dimension_numbers = #tpu.dot_dimension_numbers<[1], [0], [0], [1], [0, 0, 1, 1], [], []>, transpose_lhs_hint = false} : vector<256x64xf32>, vector<64x384xf32>, vector<256x384xf32> -> vector<256x384xf32>
    %slice3A_18 = vector.extract_strided_slice %dot_general3A_17 {offsets = [0, 0], sizes = [128, 256], strides = [1, 1]} : vector<256x384xf32> to vector<128x256xf32>
    %exp3A = math.exp %slice3A_18 : vector<128x256xf32>
    %reduce_sum3A = arith.constant dense<0.000000e+00> : vector<128xf32>
    %reduce_sum3A_19 = vector.multi_reduction <add>, %exp3A, %reduce_sum3A [1] : vector<128x256xf32> to vector<128xf32>
    %broadcast_in_dim3A = vector.shape_cast %reduce_sum3A_19 : vector<128xf32> to vector<128x1xf32>
    %slice3A_20 = vector.extract_strided_slice %get3A_15 {offsets = [0, 0], sizes = [256, 64], strides = [1, 1]} : vector<2048x64xf32> to vector<256x64xf32>
    %dot_general3A_21 = arith.constant dense<0.000000e+00> : vector<128x64xf32>
    %dot_general3A_22 = tpu.matmul %exp3A, %slice3A_20, %dot_general3A_21 {dimension_numbers = #tpu.dot_dimension_numbers<[1], [0], [0], [1], [0, 0, 1, 1], [], []>, transpose_lhs_hint = false} : vector<128x256xf32>, vector<256x64xf32>, vector<128x64xf32> -> vector<128x64xf32>
    %div3A = vector.broadcast %broadcast_in_dim3A : vector<128x1xf32> to vector<128x64xf32>
    %div3A_23 = arith.divf %dot_general3A_22, %div3A : vector<128x64xf32>
    %swap3A = arith.constant 0 : index
    %swap3A_24 = arith.constant 0 : index
    %swap3A_25 = arith.constant 0 : index
    %swap3A_26 = vector.load %arg6[%swap3A, %swap3A_24, %swap3A_25] : memref<1x2048x128xf32, #tpu.memory_space<vmem>>, vector<1x128x64xf32>
    %swap3A_27 = vector.shape_cast %swap3A_26 : vector<1x128x64xf32> to vector<128x64xf32>
    %swap3A_28 = vector.shape_cast %div3A_23 : vector<128x64xf32> to vector<1x128x64xf32>
    tpu.vector_store %arg6[%swap3A, %swap3A_24, %swap3A_25], %swap3A_28 {strides = array<i32>} : memref<1x2048x128xf32, #tpu.memory_space<vmem>>, vector<1x128x64xf32>,
    %slice3A_29 = vector.extract_strided_slice %dot_general3A_17 {offsets = [128, 0], sizes = [128, 384], strides = [1, 1]} : vector<256x384xf32> to vector<128x384xf32>
    %exp3A_30 = math.exp %slice3A_29 : vector<128x384xf32>
    %reduce_sum3A_31 = arith.constant dense<0.000000e+00> : vector<128xf32>
    %reduce_sum3A_32 = vector.multi_reduction <add>, %exp3A_30, %reduce_sum3A_31 [1] : vector<128x384xf32> to vector<128xf32>
    %broadcast_in_dim3A_33 = vector.shape_cast %reduce_sum3A_32 : vector<128xf32> to vector<128x1xf32>
    %slice3A_34 = vector.extract_strided_slice %get3A_15 {offsets = [0, 0], sizes = [384, 64], strides = [1, 1]} : vector<2048x64xf32> to vector<384x64xf32>
    %dot_general3A_35 = arith.constant dense<0.000000e+00> : vector<128x64xf32>
    %dot_general3A_36 = tpu.matmul %exp3A_30, %slice3A_34, %dot_general3A_35 {dimension_numbers = #tpu.dot_dimension_numbers<[1], [0], [0], [1], [0, 0, 1, 1], [], []>, transpose_lhs_hint = false} : vector<128x384xf32>, vector<384x64xf32>, vector<128x64xf32> -> vector<128x64xf32>
    %div3A_37 = vector.broadcast %broadcast_in_dim3A_33 : vector<128x1xf32> to vector<128x64xf32>
    %div3A_38 = arith.divf %dot_general3A_36, %div3A_37 : vector<128x64xf32>
    %swap3A_39 = arith.constant 0 : index
    %swap3A_40 = arith.constant 128 : index
    %swap3A_41 = arith.constant 0 : index
    %swap3A_42 = vector.load %arg6[%swap3A_39, %swap3A_40, %swap3A_41] : memref<1x2048x128xf32, #tpu.memory_space<vmem>>, vector<1x128x64xf32>
    %swap3A_43 = vector.shape_cast %swap3A_42 : vector<1x128x64xf32> to vector<128x64xf32>
    %swap3A_44 = vector.shape_cast %div3A_38 : vector<128x64xf32> to vector<1x128x64xf32>
    tpu.vector_store %arg6[%swap3A_39, %swap3A_40, %swap3A_41], %swap3A_44 {strides = array<i32>} : memref<1x2048x128xf32, #tpu.memory_space<vmem>>, vector<1x128x64xf32>,
    %slice3A_45 = vector.extract_strided_slice %get3A_5 {offsets = [256, 0], sizes = [256, 64], strides = [1, 1]} : vector<2048x64xf32> to vector<256x64xf32>
    %slice3A_46 = vector.extract_strided_slice %get3A_10 {offsets = [128, 0], sizes = [512, 64], strides = [1, 1]} : vector<2048x64xf32> to vector<512x64xf32>
    %transpose3A_47 = tpu.transpose %slice3A_46, [1, 0] : vector<512x64xf32> -> vector<64x512xf32>
    %dot_general3A_48 = arith.constant dense<0.000000e+00> : vector<256x512xf32>
    %dot_general3A_49 = tpu.matmul %slice3A_45, %transpose3A_47, %dot_general3A_48 {dimension_numbers = #tpu.dot_dimension_numbers<[1], [0], [0], [1], [0, 0, 1, 1], [], []>, transpose_lhs_hint = false} : vector<256x64xf32>, vector<64x512xf32>, vector<256x512xf32> -> vector<256x512xf32>
    %slice3A_50 = vector.extract_strided_slice %dot_general3A_49 {offsets = [0, 0], sizes = [128, 384], strides = [1, 1]} : vector<256x512xf32> to vector<128x384xf32>
    %exp3A_51 = math.exp %slice3A_50 : vector<128x384xf32>
    %reduce_sum3A_52 = arith.constant dense<0.000000e+00> : vector<128xf32>
    %reduce_sum3A_53 = vector.multi_reduction <add>, %exp3A_51, %reduce_sum3A_52 [1] : vector<128x384xf32> to vector<128xf32>
    %broadcast_in_dim3A_54 = vector.shape_cast %reduce_sum3A_53 : vector<128xf32> to vector<128x1xf32>
    %slice3A_55 = vector.extract_strided_slice %get3A_15 {offsets = [128, 0], sizes = [384, 64], strides = [1, 1]} : vector<2048x64xf32> to vector<384x64xf32>
    %dot_general3A_56 = arith.constant dense<0.000000e+00> : vector<128x64xf32>
    %dot_general3A_57 = tpu.matmul %exp3A_51, %slice3A_55, %dot_general3A_56 {dimension_numbers = #tpu.dot_dimension_numbers<[1], [0], [0], [1], [0, 0, 1, 1], [], []>, transpose_lhs_hint = false} : vector<128x384xf32>, vector<384x64xf32>, vector<128x64xf32> -> vector<128x64xf32>
    %div3A_58 = vector.broadcast %broadcast_in_dim3A_54 : vector<128x1xf32> to vector<128x64xf32>
    %div3A_59 = arith.divf %dot_general3A_57, %div3A_58 : vector<128x64xf32>
    %swap3A_60 = arith.constant 0 : index
    %swap3A_61 = arith.constant 256 : index
    %swap3A_62 = arith.constant 0 : index
    %swap3A_63 = vector.load %arg6[%swap3A_60, %swap3A_61, %swap3A_62] : memref<1x2048x128xf32, #tpu.memory_space<vmem>>, vector<1x128x64xf32>
    %swap3A_64 = vector.shape_cast %swap3A_63 : vector<1x128x64xf32> to vector<128x64xf32>
    %swap3A_65 = vector.shape_cast %div3A_59 : vector<128x64xf32> to vector<1x128x64xf32>
    tpu.vector_store %arg6[%swap3A_60, %swap3A_61, %swap3A_62], %swap3A_65 {strides = array<i32>} : memref<1x2048x128xf32, #tpu.memory_space<vmem>>, vector<1x128x64xf32>,
    %slice3A_66 = vector.extract_strided_slice %dot_general3A_49 {offsets = [128, 128], sizes = [128, 384], strides = [1, 1]} : vector<256x512xf32> to vector<128x384xf32>
    %exp3A_67 = math.exp %slice3A_66 : vector<128x384xf32>
    %reduce_sum3A_68 = arith.constant dense<0.000000e+00> : vector<128xf32>
    %reduce_sum3A_69 = vector.multi_reduction <add>, %exp3A_67, %reduce_sum3A_68 [1] : vector<128x384xf32> to vector<128xf32>
    %broadcast_in_dim3A_70 = vector.shape_cast %reduce_sum3A_69 : vector<128xf32> to vector<128x1xf32>
    %slice3A_71 = vector.extract_strided_slice %get3A_15 {offsets = [256, 0], sizes = [384, 64], strides = [1, 1]} : vector<2048x64xf32> to vector<384x64xf32>
    %dot_general3A_72 = arith.constant dense<0.000000e+00> : vector<128x64xf32>
    %dot_general3A_73 = tpu.matmul %exp3A_67, %slice3A_71, %dot_general3A_72 {dimension_numbers = #tpu.dot_dimension_numbers<[1], [0], [0], [1], [0, 0, 1, 1], [], []>, transpose_lhs_hint = false} : vector<128x384xf32>, vector<384x64xf32>, vector<128x64xf32> -> vector<128x64xf32>
    %div3A_74 = vector.broadcast %broadcast_in_dim3A_70 : vector<128x1xf32> to vector<128x64xf32>
    %div3A_75 = arith.divf %dot_general3A_73, %div3A_74 : vector<128x64xf32>
    %swap3A_76 = arith.constant 0 : index
    %swap3A_77 = arith.constant 384 : index
    %swap3A_78 = arith.constant 0 : index
    %swap3A_79 = vector.load %arg6[%swap3A_76, %swap3A_77, %swap3A_78] : memref<1x2048x128xf32, #tpu.memory_space<vmem>>, vector<1x128x64xf32>
    %swap3A_80 = vector.shape_cast %swap3A_79 : vector<1x128x64xf32> to vector<128x64xf32>
    %swap3A_81 = vector.shape_cast %div3A_75 : vector<128x64xf32> to vector<1x128x64xf32>
    tpu.vector_store %arg6[%swap3A_76, %swap3A_77, %swap3A_78], %swap3A_81 {strides = array<i32>} : memref<1x2048x128xf32, #tpu.memory_space<vmem>>, vector<1x128x64xf32>,
    %slice3A_82 = vector.extract_strided_slice %get3A_5 {offsets = [512, 0], sizes = [256, 64], strides = [1, 1]} : vector<2048x64xf32> to vector<256x64xf32>
    %slice3A_83 = vector.extract_strided_slice %get3A_10 {offsets = [384, 0], sizes = [512, 64], strides = [1, 1]} : vector<2048x64xf32> to vector<512x64xf32>
    %transpose3A_84 = tpu.transpose %slice3A_83, [1, 0] : vector<512x64xf32> -> vector<64x512xf32>
    %dot_general3A_85 = arith.constant dense<0.000000e+00> : vector<256x512xf32>
    %dot_general3A_86 = tpu.matmul %slice3A_82, %transpose3A_84, %dot_general3A_85 {dimension_numbers = #tpu.dot_dimension_numbers<[1], [0], [0], [1], [0, 0, 1, 1], [], []>, transpose_lhs_hint = false} : vector<256x64xf32>, vector<64x512xf32>, vector<256x512xf32> -> vector<256x512xf32>
    %slice3A_87 = vector.extract_strided_slice %dot_general3A_86 {offsets = [0, 0], sizes = [128, 384], strides = [1, 1]} : vector<256x512xf32> to vector<128x384xf32>
    %exp3A_88 = math.exp %slice3A_87 : vector<128x384xf32>
    %reduce_sum3A_89 = arith.constant dense<0.000000e+00> : vector<128xf32>
    %reduce_sum3A_90 = vector.multi_reduction <add>, %exp3A_88, %reduce_sum3A_89 [1] : vector<128x384xf32> to vector<128xf32>
    %broadcast_in_dim3A_91 = vector.shape_cast %reduce_sum3A_90 : vector<128xf32> to vector<128x1xf32>
    %slice3A_92 = vector.extract_strided_slice %get3A_15 {offsets = [384, 0], sizes = [384, 64], strides = [1, 1]} : vector<2048x64xf32> to vector<384x64xf32>
    %dot_general3A_93 = arith.constant dense<0.000000e+00> : vector<128x64xf32>
    %dot_general3A_94 = tpu.matmul %exp3A_88, %slice3A_92, %dot_general3A_93 {dimension_numbers = #tpu.dot_dimension_numbers<[1], [0], [0], [1], [0, 0, 1, 1], [], []>, transpose_lhs_hint = false} : vector<128x384xf32>, vector<384x64xf32>, vector<128x64xf32> -> vector<128x64xf32>
    %div3A_95 = vector.broadcast %broadcast_in_dim3A_91 : vector<128x1xf32> to vector<128x64xf32>
    %div3A_96 = arith.divf %dot_general3A_94, %div3A_95 : vector<128x64xf32>
    %swap3A_97 = arith.constant 0 : index
    %swap3A_98 = arith.constant 512 : index
    %swap3A_99 = arith.constant 0 : index
    %swap3A_100 = vector.load %arg6[%swap3A_97, %swap3A_98, %swap3A_99] : memref<1x2048x128xf32, #tpu.memory_space<vmem>>, vector<1x128x64xf32>
    %swap3A_101 = vector.shape_cast %swap3A_100 : vector<1x128x64xf32> to vector<128x64xf32>
    %swap3A_102 = vector.shape_cast %div3A_96 : vector<128x64xf32> to vector<1x128x64xf32>
    tpu.vector_store %arg6[%swap3A_97, %swap3A_98, %swap3A_99], %swap3A_102 {strides = array<i32>} : memref<1x2048x128xf32, #tpu.memory_space<vmem>>, vector<1x128x64xf32>,
    %slice3A_103 = vector.extract_strided_slice %dot_general3A_86 {offsets = [128, 128], sizes = [128, 384], strides = [1, 1]} : vector<256x512xf32> to vector<128x384xf32>
    %exp3A_104 = math.exp %slice3A_103 : vector<128x384xf32>
    %reduce_sum3A_105 = arith.constant dense<0.000000e+00> : vector<128xf32>
    %reduce_sum3A_106 = vector.multi_reduction <add>, %exp3A_104, %reduce_sum3A_105 [1] : vector<128x384xf32> to vector<128xf32>
    %broadcast_in_dim3A_107 = vector.shape_cast %reduce_sum3A_106 : vector<128xf32> to vector<128x1xf32>
    %slice3A_108 = vector.extract_strided_slice %get3A_15 {offsets = [512, 0], sizes = [384, 64], strides = [1, 1]} : vector<2048x64xf32> to vector<384x64xf32>
    %dot_general3A_109 = arith.constant dense<0.000000e+00> : vector<128x64xf32>
    %dot_general3A_110 = tpu.matmul %exp3A_104, %slice3A_108, %dot_general3A_109 {dimension_numbers = #tpu.dot_dimension_numbers<[1], [0], [0], [1], [0, 0, 1, 1], [], []>, transpose_lhs_hint = false} : vector<128x384xf32>, vector<384x64xf32>, vector<128x64xf32> -> vector<128x64xf32>
    %div3A_111 = vector.broadcast %broadcast_in_dim3A_107 : vector<128x1xf32> to vector<128x64xf32>
    %div3A_112 = arith.divf %dot_general3A_110, %div3A_111 : vector<128x64xf32>
    %swap3A_113 = arith.constant 0 : index
    %swap3A_114 = arith.constant 640 : index
    %swap3A_115 = arith.constant 0 : index
    %swap3A_116 = vector.load %arg6[%swap3A_113, %swap3A_114, %swap3A_115] : memref<1x2048x128xf32, #tpu.memory_space<vmem>>, vector<1x128x64xf32>
    %swap3A_117 = vector.shape_cast %swap3A_116 : vector<1x128x64xf32> to vector<128x64xf32>
    %swap3A_118 = vector.shape_cast %div3A_112 : vector<128x64xf32> to vector<1x128x64xf32>
    tpu.vector_store %arg6[%swap3A_113, %swap3A_114, %swap3A_115], %swap3A_118 {strides = array<i32>} : memref<1x2048x128xf32, #tpu.memory_space<vmem>>, vector<1x128x64xf32>,
    %slice3A_119 = vector.extract_strided_slice %get3A_5 {offsets = [768, 0], sizes = [256, 64], strides = [1, 1]} : vector<2048x64xf32> to vector<256x64xf32>
    %slice3A_120 = vector.extract_strided_slice %get3A_10 {offsets = [640, 0], sizes = [512, 64], strides = [1, 1]} : vector<2048x64xf32> to vector<512x64xf32>
    %transpose3A_121 = tpu.transpose %slice3A_120, [1, 0] : vector<512x64xf32> -> vector<64x512xf32>
    %dot_general3A_122 = arith.constant dense<0.000000e+00> : vector<256x512xf32>
    %dot_general3A_123 = tpu.matmul %slice3A_119, %transpose3A_121, %dot_general3A_122 {dimension_numbers = #tpu.dot_dimension_numbers<[1], [0], [0], [1], [0, 0, 1, 1], [], []>, transpose_lhs_hint = false} : vector<256x64xf32>, vector<64x512xf32>, vector<256x512xf32> -> vector<256x512xf32>
    %slice3A_124 = vector.extract_strided_slice %dot_general3A_123 {offsets = [0, 0], sizes = [128, 384], strides = [1, 1]} : vector<256x512xf32> to vector<128x384xf32>
    %exp3A_125 = math.exp %slice3A_124 : vector<128x384xf32>
    %reduce_sum3A_126 = arith.constant dense<0.000000e+00> : vector<128xf32>
    %reduce_sum3A_127 = vector.multi_reduction <add>, %exp3A_125, %reduce_sum3A_126 [1] : vector<128x384xf32> to vector<128xf32>
    %broadcast_in_dim3A_128 = vector.shape_cast %reduce_sum3A_127 : vector<128xf32> to vector<128x1xf32>
    %slice3A_129 = vector.extract_strided_slice %get3A_15 {offsets = [640, 0], sizes = [384, 64], strides = [1, 1]} : vector<2048x64xf32> to vector<384x64xf32>
    %dot_general3A_130 = arith.constant dense<0.000000e+00> : vector<128x64xf32>
    %dot_general3A_131 = tpu.matmul %exp3A_125, %slice3A_129, %dot_general3A_130 {dimension_numbers = #tpu.dot_dimension_numbers<[1], [0], [0], [1], [0, 0, 1, 1], [], []>, transpose_lhs_hint = false} : vector<128x384xf32>, vector<384x64xf32>, vector<128x64xf32> -> vector<128x64xf32>
    %div3A_132 = vector.broadcast %broadcast_in_dim3A_128 : vector<128x1xf32> to vector<128x64xf32>
    %div3A_133 = arith.divf %dot_general3A_131, %div3A_132 : vector<128x64xf32>
    %swap3A_134 = arith.constant 0 : index
    %swap3A_135 = arith.constant 768 : index
    %swap3A_136 = arith.constant 0 : index
    %swap3A_137 = vector.load %arg6[%swap3A_134, %swap3A_135, %swap3A_136] : memref<1x2048x128xf32, #tpu.memory_space<vmem>>, vector<1x128x64xf32>
    %swap3A_138 = vector.shape_cast %swap3A_137 : vector<1x128x64xf32> to vector<128x64xf32>
    %swap3A_139 = vector.shape_cast %div3A_133 : vector<128x64xf32> to vector<1x128x64xf32>
    tpu.vector_store %arg6[%swap3A_134, %swap3A_135, %swap3A_136], %swap3A_139 {strides = array<i32>} : memref<1x2048x128xf32, #tpu.memory_space<vmem>>, vector<1x128x64xf32>,
    %slice3A_140 = vector.extract_strided_slice %dot_general3A_123 {offsets = [128, 128], sizes = [128, 384], strides = [1, 1]} : vector<256x512xf32> to vector<128x384xf32>
    %exp3A_141 = math.exp %slice3A_140 : vector<128x384xf32>
    %reduce_sum3A_142 = arith.constant dense<0.000000e+00> : vector<128xf32>
    %reduce_sum3A_143 = vector.multi_reduction <add>, %exp3A_141, %reduce_sum3A_142 [1] : vector<128x384xf32> to vector<128xf32>
    %broadcast_in_dim3A_144 = vector.shape_cast %reduce_sum3A_143 : vector<128xf32> to vector<128x1xf32>
    %slice3A_145 = vector.extract_strided_slice %get3A_15 {offsets = [768, 0], sizes = [384, 64], strides = [1, 1]} : vector<2048x64xf32> to vector<384x64xf32>
    %dot_general3A_146 = arith.constant dense<0.000000e+00> : vector<128x64xf32>
    %dot_general3A_147 = tpu.matmul %exp3A_141, %slice3A_145, %dot_general3A_146 {dimension_numbers = #tpu.dot_dimension_numbers<[1], [0], [0], [1], [0, 0, 1, 1], [], []>, transpose_lhs_hint = false} : vector<128x384xf32>, vector<384x64xf32>, vector<128x64xf32> -> vector<128x64xf32>
    %div3A_148 = vector.broadcast %broadcast_in_dim3A_144 : vector<128x1xf32> to vector<128x64xf32>
    %div3A_149 = arith.divf %dot_general3A_147, %div3A_148 : vector<128x64xf32>
    %swap3A_150 = arith.constant 0 : index
    %swap3A_151 = arith.constant 896 : index
    %swap3A_152 = arith.constant 0 : index
    %swap3A_153 = vector.load %arg6[%swap3A_150, %swap3A_151, %swap3A_152] : memref<1x2048x128xf32, #tpu.memory_space<vmem>>, vector<1x128x64xf32>
    %swap3A_154 = vector.shape_cast %swap3A_153 : vector<1x128x64xf32> to vector<128x64xf32>
    %swap3A_155 = vector.shape_cast %div3A_149 : vector<128x64xf32> to vector<1x128x64xf32>
    tpu.vector_store %arg6[%swap3A_150, %swap3A_151, %swap3A_152], %swap3A_155 {strides = array<i32>} : memref<1x2048x128xf32, #tpu.memory_space<vmem>>, vector<1x128x64xf32>,
    %slice3A_156 = vector.extract_strided_slice %get3A_5 {offsets = [1024, 0], sizes = [256, 64], strides = [1, 1]} : vector<2048x64xf32> to vector<256x64xf32>
    %slice3A_157 = vector.extract_strided_slice %get3A_10 {offsets = [896, 0], sizes = [512, 64], strides = [1, 1]} : vector<2048x64xf32> to vector<512x64xf32>
    %transpose3A_158 = tpu.transpose %slice3A_157, [1, 0] : vector<512x64xf32> -> vector<64x512xf32>
    %dot_general3A_159 = arith.constant dense<0.000000e+00> : vector<256x512xf32>
    %dot_general3A_160 = tpu.matmul %slice3A_156, %transpose3A_158, %dot_general3A_159 {dimension_numbers = #tpu.dot_dimension_numbers<[1], [0], [0], [1], [0, 0, 1, 1], [], []>, transpose_lhs_hint = false} : vector<256x64xf32>, vector<64x512xf32>, vector<256x512xf32> -> vector<256x512xf32>
    %slice3A_161 = vector.extract_strided_slice %dot_general3A_160 {offsets = [0, 0], sizes = [128, 384], strides = [1, 1]} : vector<256x512xf32> to vector<128x384xf32>
    %exp3A_162 = math.exp %slice3A_161 : vector<128x384xf32>
    %reduce_sum3A_163 = arith.constant dense<0.000000e+00> : vector<128xf32>
    %reduce_sum3A_164 = vector.multi_reduction <add>, %exp3A_162, %reduce_sum3A_163 [1] : vector<128x384xf32> to vector<128xf32>
    %broadcast_in_dim3A_165 = vector.shape_cast %reduce_sum3A_164 : vector<128xf32> to vector<128x1xf32>
    %slice3A_166 = vector.extract_strided_slice %get3A_15 {offsets = [896, 0], sizes = [384, 64], strides = [1, 1]} : vector<2048x64xf32> to vector<384x64xf32>
    %dot_general3A_167 = arith.constant dense<0.000000e+00> : vector<128x64xf32>
    %dot_general3A_168 = tpu.matmul %exp3A_162, %slice3A_166, %dot_general3A_167 {dimension_numbers = #tpu.dot_dimension_numbers<[1], [0], [0], [1], [0, 0, 1, 1], [], []>, transpose_lhs_hint = false} : vector<128x384xf32>, vector<384x64xf32>, vector<128x64xf32> -> vector<128x64xf32>
    %div3A_169 = vector.broadcast %broadcast_in_dim3A_165 : vector<128x1xf32> to vector<128x64xf32>
    %div3A_170 = arith.divf %dot_general3A_168, %div3A_169 : vector<128x64xf32>
    %swap3A_171 = arith.constant 0 : index
    %swap3A_172 = arith.constant 1024 : index
    %swap3A_173 = arith.constant 0 : index
    %swap3A_174 = vector.load %arg6[%swap3A_171, %swap3A_172, %swap3A_173] : memref<1x2048x128xf32, #tpu.memory_space<vmem>>, vector<1x128x64xf32>
    %swap3A_175 = vector.shape_cast %swap3A_174 : vector<1x128x64xf32> to vector<128x64xf32>
    %swap3A_176 = vector.shape_cast %div3A_170 : vector<128x64xf32> to vector<1x128x64xf32>
    tpu.vector_store %arg6[%swap3A_171, %swap3A_172, %swap3A_173], %swap3A_176 {strides = array<i32>} : memref<1x2048x128xf32, #tpu.memory_space<vmem>>, vector<1x128x64xf32>,
    %slice3A_177 = vector.extract_strided_slice %dot_general3A_160 {offsets = [128, 128], sizes = [128, 384], strides = [1, 1]} : vector<256x512xf32> to vector<128x384xf32>
    %exp3A_178 = math.exp %slice3A_177 : vector<128x384xf32>
    %reduce_sum3A_179 = arith.constant dense<0.000000e+00> : vector<128xf32>
    %reduce_sum3A_180 = vector.multi_reduction <add>, %exp3A_178, %reduce_sum3A_179 [1] : vector<128x384xf32> to vector<128xf32>
    %broadcast_in_dim3A_181 = vector.shape_cast %reduce_sum3A_180 : vector<128xf32> to vector<128x1xf32>
    %slice3A_182 = vector.extract_strided_slice %get3A_15 {offsets = [1024, 0], sizes = [384, 64], strides = [1, 1]} : vector<2048x64xf32> to vector<384x64xf32>
    %dot_general3A_183 = arith.constant dense<0.000000e+00> : vector<128x64xf32>
    %dot_general3A_184 = tpu.matmul %exp3A_178, %slice3A_182, %dot_general3A_183 {dimension_numbers = #tpu.dot_dimension_numbers<[1], [0], [0], [1], [0, 0, 1, 1], [], []>, transpose_lhs_hint = false} : vector<128x384xf32>, vector<384x64xf32>, vector<128x64xf32> -> vector<128x64xf32>
    %div3A_185 = vector.broadcast %broadcast_in_dim3A_181 : vector<128x1xf32> to vector<128x64xf32>
    %div3A_186 = arith.divf %dot_general3A_184, %div3A_185 : vector<128x64xf32>
    %swap3A_187 = arith.constant 0 : index
    %swap3A_188 = arith.constant 1152 : index
    %swap3A_189 = arith.constant 0 : index
    %swap3A_190 = vector.load %arg6[%swap3A_187, %swap3A_188, %swap3A_189] : memref<1x2048x128xf32, #tpu.memory_space<vmem>>, vector<1x128x64xf32>
    %swap3A_191 = vector.shape_cast %swap3A_190 : vector<1x128x64xf32> to vector<128x64xf32>
    %swap3A_192 = vector.shape_cast %div3A_186 : vector<128x64xf32> to vector<1x128x64xf32>
    tpu.vector_store %arg6[%swap3A_187, %swap3A_188, %swap3A_189], %swap3A_192 {strides = array<i32>} : memref<1x2048x128xf32, #tpu.memory_space<vmem>>, vector<1x128x64xf32>,
    %slice3A_193 = vector.extract_strided_slice %get3A_5 {offsets = [1280, 0], sizes = [256, 64], strides = [1, 1]} : vector<2048x64xf32> to vector<256x64xf32>
    %slice3A_194 = vector.extract_strided_slice %get3A_10 {offsets = [1152, 0], sizes = [512, 64], strides = [1, 1]} : vector<2048x64xf32> to vector<512x64xf32>
    %transpose3A_195 = tpu.transpose %slice3A_194, [1, 0] : vector<512x64xf32> -> vector<64x512xf32>
    %dot_general3A_196 = arith.constant dense<0.000000e+00> : vector<256x512xf32>
    %dot_general3A_197 = tpu.matmul %slice3A_193, %transpose3A_195, %dot_general3A_196 {dimension_numbers = #tpu.dot_dimension_numbers<[1], [0], [0], [1], [0, 0, 1, 1], [], []>, transpose_lhs_hint = false} : vector<256x64xf32>, vector<64x512xf32>, vector<256x512xf32> -> vector<256x512xf32>
    %slice3A_198 = vector.extract_strided_slice %dot_general3A_197 {offsets = [0, 0], sizes = [128, 384], strides = [1, 1]} : vector<256x512xf32> to vector<128x384xf32>
    %exp3A_199 = math.exp %slice3A_198 : vector<128x384xf32>
    %reduce_sum3A_200 = arith.constant dense<0.000000e+00> : vector<128xf32>
    %reduce_sum3A_201 = vector.multi_reduction <add>, %exp3A_199, %reduce_sum3A_200 [1] : vector<128x384xf32> to vector<128xf32>
    %broadcast_in_dim3A_202 = vector.shape_cast %reduce_sum3A_201 : vector<128xf32> to vector<128x1xf32>
    %slice3A_203 = vector.extract_strided_slice %get3A_15 {offsets = [1152, 0], sizes = [384, 64], strides = [1, 1]} : vector<2048x64xf32> to vector<384x64xf32>
    %dot_general3A_204 = arith.constant dense<0.000000e+00> : vector<128x64xf32>
    %dot_general3A_205 = tpu.matmul %exp3A_199, %slice3A_203, %dot_general3A_204 {dimension_numbers = #tpu.dot_dimension_numbers<[1], [0], [0], [1], [0, 0, 1, 1], [], []>, transpose_lhs_hint = false} : vector<128x384xf32>, vector<384x64xf32>, vector<128x64xf32> -> vector<128x64xf32>
    %div3A_206 = vector.broadcast %broadcast_in_dim3A_202 : vector<128x1xf32> to vector<128x64xf32>
    %div3A_207 = arith.divf %dot_general3A_205, %div3A_206 : vector<128x64xf32>
    %swap3A_208 = arith.constant 0 : index
    %swap3A_209 = arith.constant 1280 : index
    %swap3A_210 = arith.constant 0 : index
    %swap3A_211 = vector.load %arg6[%swap3A_208, %swap3A_209, %swap3A_210] : memref<1x2048x128xf32, #tpu.memory_space<vmem>>, vector<1x128x64xf32>
    %swap3A_212 = vector.shape_cast %swap3A_211 : vector<1x128x64xf32> to vector<128x64xf32>
    %swap3A_213 = vector.shape_cast %div3A_207 : vector<128x64xf32> to vector<1x128x64xf32>
    tpu.vector_store %arg6[%swap3A_208, %swap3A_209, %swap3A_210], %swap3A_213 {strides = array<i32>} : memref<1x2048x128xf32, #tpu.memory_space<vmem>>, vector<1x128x64xf32>,
    %slice3A_214 = vector.extract_strided_slice %dot_general3A_197 {offsets = [128, 128], sizes = [128, 384], strides = [1, 1]} : vector<256x512xf32> to vector<128x384xf32>
    %exp3A_215 = math.exp %slice3A_214 : vector<128x384xf32>
    %reduce_sum3A_216 = arith.constant dense<0.000000e+00> : vector<128xf32>
    %reduce_sum3A_217 = vector.multi_reduction <add>, %exp3A_215, %reduce_sum3A_216 [1] : vector<128x384xf32> to vector<128xf32>
    %broadcast_in_dim3A_218 = vector.shape_cast %reduce_sum3A_217 : vector<128xf32> to vector<128x1xf32>
    %slice3A_219 = vector.extract_strided_slice %get3A_15 {offsets = [1280, 0], sizes = [384, 64], strides = [1, 1]} : vector<2048x64xf32> to vector<384x64xf32>
    %dot_general3A_220 = arith.constant dense<0.000000e+00> : vector<128x64xf32>
    %dot_general3A_221 = tpu.matmul %exp3A_215, %slice3A_219, %dot_general3A_220 {dimension_numbers = #tpu.dot_dimension_numbers<[1], [0], [0], [1], [0, 0, 1, 1], [], []>, transpose_lhs_hint = false} : vector<128x384xf32>, vector<384x64xf32>, vector<128x64xf32> -> vector<128x64xf32>
    %div3A_222 = vector.broadcast %broadcast_in_dim3A_218 : vector<128x1xf32> to vector<128x64xf32>
    %div3A_223 = arith.divf %dot_general3A_221, %div3A_222 : vector<128x64xf32>
    %swap3A_224 = arith.constant 0 : index
    %swap3A_225 = arith.constant 1408 : index
    %swap3A_226 = arith.constant 0 : index
    %swap3A_227 = vector.load %arg6[%swap3A_224, %swap3A_225, %swap3A_226] : memref<1x2048x128xf32, #tpu.memory_space<vmem>>, vector<1x128x64xf32>
    %swap3A_228 = vector.shape_cast %swap3A_227 : vector<1x128x64xf32> to vector<128x64xf32>
    %swap3A_229 = vector.shape_cast %div3A_223 : vector<128x64xf32> to vector<1x128x64xf32>
    tpu.vector_store %arg6[%swap3A_224, %swap3A_225, %swap3A_226], %swap3A_229 {strides = array<i32>} : memref<1x2048x128xf32, #tpu.memory_space<vmem>>, vector<1x128x64xf32>,
    %slice3A_230 = vector.extract_strided_slice %get3A_5 {offsets = [1536, 0], sizes = [256, 64], strides = [1, 1]} : vector<2048x64xf32> to vector<256x64xf32>
    %slice3A_231 = vector.extract_strided_slice %get3A_10 {offsets = [1408, 0], sizes = [512, 64], strides = [1, 1]} : vector<2048x64xf32> to vector<512x64xf32>
    %transpose3A_232 = tpu.transpose %slice3A_231, [1, 0] : vector<512x64xf32> -> vector<64x512xf32>
    %dot_general3A_233 = arith.constant dense<0.000000e+00> : vector<256x512xf32>
    %dot_general3A_234 = tpu.matmul %slice3A_230, %transpose3A_232, %dot_general3A_233 {dimension_numbers = #tpu.dot_dimension_numbers<[1], [0], [0], [1], [0, 0, 1, 1], [], []>, transpose_lhs_hint = false} : vector<256x64xf32>, vector<64x512xf32>, vector<256x512xf32> -> vector<256x512xf32>
    %slice3A_235 = vector.extract_strided_slice %dot_general3A_234 {offsets = [0, 0], sizes = [128, 384], strides = [1, 1]} : vector<256x512xf32> to vector<128x384xf32>
    %exp3A_236 = math.exp %slice3A_235 : vector<128x384xf32>
    %reduce_sum3A_237 = arith.constant dense<0.000000e+00> : vector<128xf32>
    %reduce_sum3A_238 = vector.multi_reduction <add>, %exp3A_236, %reduce_sum3A_237 [1] : vector<128x384xf32> to vector<128xf32>
    %broadcast_in_dim3A_239 = vector.shape_cast %reduce_sum3A_238 : vector<128xf32> to vector<128x1xf32>
    %slice3A_240 = vector.extract_strided_slice %get3A_15 {offsets = [1408, 0], sizes = [384, 64], strides = [1, 1]} : vector<2048x64xf32> to vector<384x64xf32>
    %dot_general3A_241 = arith.constant dense<0.000000e+00> : vector<128x64xf32>
    %dot_general3A_242 = tpu.matmul %exp3A_236, %slice3A_240, %dot_general3A_241 {dimension_numbers = #tpu.dot_dimension_numbers<[1], [0], [0], [1], [0, 0, 1, 1], [], []>, transpose_lhs_hint = false} : vector<128x384xf32>, vector<384x64xf32>, vector<128x64xf32> -> vector<128x64xf32>
    %div3A_243 = vector.broadcast %broadcast_in_dim3A_239 : vector<128x1xf32> to vector<128x64xf32>
    %div3A_244 = arith.divf %dot_general3A_242, %div3A_243 : vector<128x64xf32>
    %swap3A_245 = arith.constant 0 : index
    %swap3A_246 = arith.constant 1536 : index
    %swap3A_247 = arith.constant 0 : index
    %swap3A_248 = vector.load %arg6[%swap3A_245, %swap3A_246, %swap3A_247] : memref<1x2048x128xf32, #tpu.memory_space<vmem>>, vector<1x128x64xf32>
    %swap3A_249 = vector.shape_cast %swap3A_248 : vector<1x128x64xf32> to vector<128x64xf32>
    %swap3A_250 = vector.shape_cast %div3A_244 : vector<128x64xf32> to vector<1x128x64xf32>
    tpu.vector_store %arg6[%swap3A_245, %swap3A_246, %swap3A_247], %swap3A_250 {strides = array<i32>} : memref<1x2048x128xf32, #tpu.memory_space<vmem>>, vector<1x128x64xf32>,
    %slice3A_251 = vector.extract_strided_slice %dot_general3A_234 {offsets = [128, 128], sizes = [128, 384], strides = [1, 1]} : vector<256x512xf32> to vector<128x384xf32>
    %exp3A_252 = math.exp %slice3A_251 : vector<128x384xf32>
    %reduce_sum3A_253 = arith.constant dense<0.000000e+00> : vector<128xf32>
    %reduce_sum3A_254 = vector.multi_reduction <add>, %exp3A_252, %reduce_sum3A_253 [1] : vector<128x384xf32> to vector<128xf32>
    %broadcast_in_dim3A_255 = vector.shape_cast %reduce_sum3A_254 : vector<128xf32> to vector<128x1xf32>
    %slice3A_256 = vector.extract_strided_slice %get3A_15 {offsets = [1536, 0], sizes = [384, 64], strides = [1, 1]} : vector<2048x64xf32> to vector<384x64xf32>
    %dot_general3A_257 = arith.constant dense<0.000000e+00> : vector<128x64xf32>
    %dot_general3A_258 = tpu.matmul %exp3A_252, %slice3A_256, %dot_general3A_257 {dimension_numbers = #tpu.dot_dimension_numbers<[1], [0], [0], [1], [0, 0, 1, 1], [], []>, transpose_lhs_hint = false} : vector<128x384xf32>, vector<384x64xf32>, vector<128x64xf32> -> vector<128x64xf32>
    %div3A_259 = vector.broadcast %broadcast_in_dim3A_255 : vector<128x1xf32> to vector<128x64xf32>
    %div3A_260 = arith.divf %dot_general3A_258, %div3A_259 : vector<128x64xf32>
    %swap3A_261 = arith.constant 0 : index
    %swap3A_262 = arith.constant 1664 : index
    %swap3A_263 = arith.constant 0 : index
    %swap3A_264 = vector.load %arg6[%swap3A_261, %swap3A_262, %swap3A_263] : memref<1x2048x128xf32, #tpu.memory_space<vmem>>, vector<1x128x64xf32>
    %swap3A_265 = vector.shape_cast %swap3A_264 : vector<1x128x64xf32> to vector<128x64xf32>
    %swap3A_266 = vector.shape_cast %div3A_260 : vector<128x64xf32> to vector<1x128x64xf32>
    tpu.vector_store %arg6[%swap3A_261, %swap3A_262, %swap3A_263], %swap3A_266 {strides = array<i32>} : memref<1x2048x128xf32, #tpu.memory_space<vmem>>, vector<1x128x64xf32>,
    %slice3A_267 = vector.extract_strided_slice %get3A_5 {offsets = [1792, 0], sizes = [256, 64], strides = [1, 1]} : vector<2048x64xf32> to vector<256x64xf32>
    %slice3A_268 = vector.extract_strided_slice %get3A_10 {offsets = [1664, 0], sizes = [384, 64], strides = [1, 1]} : vector<2048x64xf32> to vector<384x64xf32>
    %transpose3A_269 = tpu.transpose %slice3A_268, [1, 0] : vector<384x64xf32> -> vector<64x384xf32>
    %dot_general3A_270 = arith.constant dense<0.000000e+00> : vector<256x384xf32>
    %dot_general3A_271 = tpu.matmul %slice3A_267, %transpose3A_269, %dot_general3A_270 {dimension_numbers = #tpu.dot_dimension_numbers<[1], [0], [0], [1], [0, 0, 1, 1], [], []>, transpose_lhs_hint = false} : vector<256x64xf32>, vector<64x384xf32>, vector<256x384xf32> -> vector<256x384xf32>
    %slice3A_272 = vector.extract_strided_slice %dot_general3A_271 {offsets = [0, 0], sizes = [128, 384], strides = [1, 1]} : vector<256x384xf32> to vector<128x384xf32>
    %exp3A_273 = math.exp %slice3A_272 : vector<128x384xf32>
    %reduce_sum3A_274 = arith.constant dense<0.000000e+00> : vector<128xf32>
    %reduce_sum3A_275 = vector.multi_reduction <add>, %exp3A_273, %reduce_sum3A_274 [1] : vector<128x384xf32> to vector<128xf32>
    %broadcast_in_dim3A_276 = vector.shape_cast %reduce_sum3A_275 : vector<128xf32> to vector<128x1xf32>
    %slice3A_277 = vector.extract_strided_slice %get3A_15 {offsets = [1664, 0], sizes = [384, 64], strides = [1, 1]} : vector<2048x64xf32> to vector<384x64xf32>
    %dot_general3A_278 = arith.constant dense<0.000000e+00> : vector<128x64xf32>
    %dot_general3A_279 = tpu.matmul %exp3A_273, %slice3A_277, %dot_general3A_278 {dimension_numbers = #tpu.dot_dimension_numbers<[1], [0], [0], [1], [0, 0, 1, 1], [], []>, transpose_lhs_hint = false} : vector<128x384xf32>, vector<384x64xf32>, vector<128x64xf32> -> vector<128x64xf32>
    %div3A_280 = vector.broadcast %broadcast_in_dim3A_276 : vector<128x1xf32> to vector<128x64xf32>
    %div3A_281 = arith.divf %dot_general3A_279, %div3A_280 : vector<128x64xf32>
    %swap3A_282 = arith.constant 0 : index
    %swap3A_283 = arith.constant 1792 : index
    %swap3A_284 = arith.constant 0 : index
    %swap3A_285 = vector.load %arg6[%swap3A_282, %swap3A_283, %swap3A_284] : memref<1x2048x128xf32, #tpu.memory_space<vmem>>, vector<1x128x64xf32>
    %swap3A_286 = vector.shape_cast %swap3A_285 : vector<1x128x64xf32> to vector<128x64xf32>
    %swap3A_287 = vector.shape_cast %div3A_281 : vector<128x64xf32> to vector<1x128x64xf32>
    tpu.vector_store %arg6[%swap3A_282, %swap3A_283, %swap3A_284], %swap3A_287 {strides = array<i32>} : memref<1x2048x128xf32, #tpu.memory_space<vmem>>, vector<1x128x64xf32>,
    %slice3A_288 = vector.extract_strided_slice %dot_general3A_271 {offsets = [128, 128], sizes = [128, 256], strides = [1, 1]} : vector<256x384xf32> to vector<128x256xf32>
    %exp3A_289 = math.exp %slice3A_288 : vector<128x256xf32>
    %reduce_sum3A_290 = arith.constant dense<0.000000e+00> : vector<128xf32>
    %reduce_sum3A_291 = vector.multi_reduction <add>, %exp3A_289, %reduce_sum3A_290 [1] : vector<128x256xf32> to vector<128xf32>
    %broadcast_in_dim3A_292 = vector.shape_cast %reduce_sum3A_291 : vector<128xf32> to vector<128x1xf32>
    %slice3A_293 = vector.extract_strided_slice %get3A_15 {offsets = [1792, 0], sizes = [256, 64], strides = [1, 1]} : vector<2048x64xf32> to vector<256x64xf32>
    %dot_general3A_294 = arith.constant dense<0.000000e+00> : vector<128x64xf32>
    %dot_general3A_295 = tpu.matmul %exp3A_289, %slice3A_293, %dot_general3A_294 {dimension_numbers = #tpu.dot_dimension_numbers<[1], [0], [0], [1], [0, 0, 1, 1], [], []>, transpose_lhs_hint = false} : vector<128x256xf32>, vector<256x64xf32>, vector<128x64xf32> -> vector<128x64xf32>
    %div3A_296 = vector.broadcast %broadcast_in_dim3A_292 : vector<128x1xf32> to vector<128x64xf32>
    %div3A_297 = arith.divf %dot_general3A_295, %div3A_296 : vector<128x64xf32>
    %swap3A_298 = arith.constant 0 : index
    %swap3A_299 = arith.constant 1920 : index
    %swap3A_300 = arith.constant 0 : index
    %swap3A_301 = vector.load %arg6[%swap3A_298, %swap3A_299, %swap3A_300] : memref<1x2048x128xf32, #tpu.memory_space<vmem>>, vector<1x128x64xf32>
    %swap3A_302 = vector.shape_cast %swap3A_301 : vector<1x128x64xf32> to vector<128x64xf32>
    %swap3A_303 = vector.shape_cast %div3A_297 : vector<128x64xf32> to vector<1x128x64xf32>
    tpu.vector_store %arg6[%swap3A_298, %swap3A_299, %swap3A_300], %swap3A_303 {strides = array<i32>} : memref<1x2048x128xf32, #tpu.memory_space<vmem>>, vector<1x128x64xf32>,
    %iota3A = tpu.iota {dimensions = array<i32: 0>} : vector<64x1xi32>
    %broadcast_in_dim3A_304 = arith.constant 0 : i32
    %broadcast_in_dim3A_305 = vector.broadcast %broadcast_in_dim3A_304 : i32 to vector<64x1xi32>
    %eq3A = arith.constant 0 : i32
    %eq3A_306 = vector.broadcast %eq3A : i32 to vector<64x1xi32>
    %eq3A_307 = arith.cmpi eq, %iota3A, %eq3A_306 : vector<64x1xi32>
    %get3A_308 = arith.index_cast %arg0 : i32 to index
    %get3A_309 = arith.index_cast %add3A_1 : i32 to index
    %get3A_310 = arith.constant 0 : index
    %get3A_311 = memref.load %arg2[%get3A_308, %get3A_309, %get3A_310] : memref<2x16x64xi32, #tpu.memory_space<smem>>
    %broadcast_in_dim3A_312 = vector.broadcast %get3A_311 : i32 to vector<64x1xi32>
    %select_n3A = arith.select %eq3A_307, %broadcast_in_dim3A_312, %broadcast_in_dim3A_305 : vector<64x1xi1>, vector<64x1xi32>
    %eq3A_313 = arith.constant 1 : i32
    %eq3A_314 = vector.broadcast %eq3A_313 : i32 to vector<64x1xi32>
    %eq3A_315 = arith.cmpi eq, %iota3A, %eq3A_314 : vector<64x1xi32>
    %get3A_316 = arith.index_cast %arg0 : i32 to index
    %get3A_317 = arith.index_cast %add3A_1 : i32 to index
    %get3A_318 = arith.constant 1 : index
    %get3A_319 = memref.load %arg2[%get3A_316, %get3A_317, %get3A_318] : memref<2x16x64xi32, #tpu.memory_space<smem>>
    %broadcast_in_dim3A_320 = vector.broadcast %get3A_319 : i32 to vector<64x1xi32>
    %select_n3A_321 = arith.select %eq3A_315, %broadcast_in_dim3A_320, %select_n3A : vector<64x1xi1>, vector<64x1xi32>
    %eq3A_322 = arith.constant 2 : i32
    %eq3A_323 = vector.broadcast %eq3A_322 : i32 to vector<64x1xi32>
    %eq3A_324 = arith.cmpi eq, %iota3A, %eq3A_323 : vector<64x1xi32>
    %get3A_325 = arith.index_cast %arg0 : i32 to index
    %get3A_326 = arith.index_cast %add3A_1 : i32 to index
    %get3A_327 = arith.constant 2 : index
    %get3A_328 = memref.load %arg2[%get3A_325, %get3A_326, %get3A_327] : memref<2x16x64xi32, #tpu.memory_space<smem>>
    %broadcast_in_dim3A_329 = vector.broadcast %get3A_328 : i32 to vector<64x1xi32>
    %select_n3A_330 = arith.select %eq3A_324, %broadcast_in_dim3A_329, %select_n3A_321 : vector<64x1xi1>, vector<64x1xi32>
    %eq3A_331 = arith.constant 3 : i32
    %eq3A_332 = vector.broadcast %eq3A_331 : i32 to vector<64x1xi32>
    %eq3A_333 = arith.cmpi eq, %iota3A, %eq3A_332 : vector<64x1xi32>
    %get3A_334 = arith.index_cast %arg0 : i32 to index
    %get3A_335 = arith.index_cast %add3A_1 : i32 to index
    %get3A_336 = arith.constant 3 : index
    %get3A_337 = memref.load %arg2[%get3A_334, %get3A_335, %get3A_336] : memref<2x16x64xi32, #tpu.memory_space<smem>>
    %broadcast_in_dim3A_338 = vector.broadcast %get3A_337 : i32 to vector<64x1xi32>
    %select_n3A_339 = arith.select %eq3A_333, %broadcast_in_dim3A_338, %select_n3A_330 : vector<64x1xi1>, vector<64x1xi32>
    %eq3A_340 = arith.constant 4 : i32
    %eq3A_341 = vector.broadcast %eq3A_340 : i32 to vector<64x1xi32>
    %eq3A_342 = arith.cmpi eq, %iota3A, %eq3A_341 : vector<64x1xi32>
    %get3A_343 = arith.index_cast %arg0 : i32 to index
    %get3A_344 = arith.index_cast %add3A_1 : i32 to index
    %get3A_345 = arith.constant 4 : index
    %get3A_346 = memref.load %arg2[%get3A_343, %get3A_344, %get3A_345] : memref<2x16x64xi32, #tpu.memory_space<smem>>
    %broadcast_in_dim3A_347 = vector.broadcast %get3A_346 : i32 to vector<64x1xi32>
    %select_n3A_348 = arith.select %eq3A_342, %broadcast_in_dim3A_347, %select_n3A_339 : vector<64x1xi1>, vector<64x1xi32>
    %eq3A_349 = arith.constant 5 : i32
    %eq3A_350 = vector.broadcast %eq3A_349 : i32 to vector<64x1xi32>
    %eq3A_351 = arith.cmpi eq, %iota3A, %eq3A_350 : vector<64x1xi32>
    %get3A_352 = arith.index_cast %arg0 : i32 to index
    %get3A_353 = arith.index_cast %add3A_1 : i32 to index
    %get3A_354 = arith.constant 5 : index
    %get3A_355 = memref.load %arg2[%get3A_352, %get3A_353, %get3A_354] : memref<2x16x64xi32, #tpu.memory_space<smem>>
    %broadcast_in_dim3A_356 = vector.broadcast %get3A_355 : i32 to vector<64x1xi32>
    %select_n3A_357 = arith.select %eq3A_351, %broadcast_in_dim3A_356, %select_n3A_348 : vector<64x1xi1>, vector<64x1xi32>
    %eq3A_358 = arith.constant 6 : i32
    %eq3A_359 = vector.broadcast %eq3A_358 : i32 to vector<64x1xi32>
    %eq3A_360 = arith.cmpi eq, %iota3A, %eq3A_359 : vector<64x1xi32>
    %get3A_361 = arith.index_cast %arg0 : i32 to index
    %get3A_362 = arith.index_cast %add3A_1 : i32 to index
    %get3A_363 = arith.constant 6 : index
    %get3A_364 = memref.load %arg2[%get3A_361, %get3A_362, %get3A_363] : memref<2x16x64xi32, #tpu.memory_space<smem>>
    %broadcast_in_dim3A_365 = vector.broadcast %get3A_364 : i32 to vector<64x1xi32>
    %select_n3A_366 = arith.select %eq3A_360, %broadcast_in_dim3A_365, %select_n3A_357 : vector<64x1xi1>, vector<64x1xi32>
    %eq3A_367 = arith.constant 7 : i32
    %eq3A_368 = vector.broadcast %eq3A_367 : i32 to vector<64x1xi32>
    %eq3A_369 = arith.cmpi eq, %iota3A, %eq3A_368 : vector<64x1xi32>
    %get3A_370 = arith.index_cast %arg0 : i32 to index
    %get3A_371 = arith.index_cast %add3A_1 : i32 to index
    %get3A_372 = arith.constant 7 : index
    %get3A_373 = memref.load %arg2[%get3A_370, %get3A_371, %get3A_372] : memref<2x16x64xi32, #tpu.memory_space<smem>>
    %broadcast_in_dim3A_374 = vector.broadcast %get3A_373 : i32 to vector<64x1xi32>
    %select_n3A_375 = arith.select %eq3A_369, %broadcast_in_dim3A_374, %select_n3A_366 : vector<64x1xi1>, vector<64x1xi32>
    %eq3A_376 = arith.constant 8 : i32
    %eq3A_377 = vector.broadcast %eq3A_376 : i32 to vector<64x1xi32>
    %eq3A_378 = arith.cmpi eq, %iota3A, %eq3A_377 : vector<64x1xi32>
    %get3A_379 = arith.index_cast %arg0 : i32 to index
    %get3A_380 = arith.index_cast %add3A_1 : i32 to index
    %get3A_381 = arith.constant 8 : index
    %get3A_382 = memref.load %arg2[%get3A_379, %get3A_380, %get3A_381] : memref<2x16x64xi32, #tpu.memory_space<smem>>
    %broadcast_in_dim3A_383 = vector.broadcast %get3A_382 : i32 to vector<64x1xi32>
    %select_n3A_384 = arith.select %eq3A_378, %broadcast_in_dim3A_383, %select_n3A_375 : vector<64x1xi1>, vector<64x1xi32>
    %eq3A_385 = arith.constant 9 : i32
    %eq3A_386 = vector.broadcast %eq3A_385 : i32 to vector<64x1xi32>
    %eq3A_387 = arith.cmpi eq, %iota3A, %eq3A_386 : vector<64x1xi32>
    %get3A_388 = arith.index_cast %arg0 : i32 to index
    %get3A_389 = arith.index_cast %add3A_1 : i32 to index
    %get3A_390 = arith.constant 9 : index
    %get3A_391 = memref.load %arg2[%get3A_388, %get3A_389, %get3A_390] : memref<2x16x64xi32, #tpu.memory_space<smem>>
    %broadcast_in_dim3A_392 = vector.broadcast %get3A_391 : i32 to vector<64x1xi32>
    %select_n3A_393 = arith.select %eq3A_387, %broadcast_in_dim3A_392, %select_n3A_384 : vector<64x1xi1>, vector<64x1xi32>
    %eq3A_394 = arith.constant 10 : i32
    %eq3A_395 = vector.broadcast %eq3A_394 : i32 to vector<64x1xi32>
    %eq3A_396 = arith.cmpi eq, %iota3A, %eq3A_395 : vector<64x1xi32>
    %get3A_397 = arith.index_cast %arg0 : i32 to index
    %get3A_398 = arith.index_cast %add3A_1 : i32 to index
    %get3A_399 = arith.constant 10 : index
    %get3A_400 = memref.load %arg2[%get3A_397, %get3A_398, %get3A_399] : memref<2x16x64xi32, #tpu.memory_space<smem>>
    %broadcast_in_dim3A_401 = vector.broadcast %get3A_400 : i32 to vector<64x1xi32>
    %select_n3A_402 = arith.select %eq3A_396, %broadcast_in_dim3A_401, %select_n3A_393 : vector<64x1xi1>, vector<64x1xi32>
    %eq3A_403 = arith.constant 11 : i32
    %eq3A_404 = vector.broadcast %eq3A_403 : i32 to vector<64x1xi32>
    %eq3A_405 = arith.cmpi eq, %iota3A, %eq3A_404 : vector<64x1xi32>
    %get3A_406 = arith.index_cast %arg0 : i32 to index
    %get3A_407 = arith.index_cast %add3A_1 : i32 to index
    %get3A_408 = arith.constant 11 : index
    %get3A_409 = memref.load %arg2[%get3A_406, %get3A_407, %get3A_408] : memref<2x16x64xi32, #tpu.memory_space<smem>>
    %broadcast_in_dim3A_410 = vector.broadcast %get3A_409 : i32 to vector<64x1xi32>
    %select_n3A_411 = arith.select %eq3A_405, %broadcast_in_dim3A_410, %select_n3A_402 : vector<64x1xi1>, vector<64x1xi32>
    %eq3A_412 = arith.constant 12 : i32
    %eq3A_413 = vector.broadcast %eq3A_412 : i32 to vector<64x1xi32>
    %eq3A_414 = arith.cmpi eq, %iota3A, %eq3A_413 : vector<64x1xi32>
    %get3A_415 = arith.index_cast %arg0 : i32 to index
    %get3A_416 = arith.index_cast %add3A_1 : i32 to index
    %get3A_417 = arith.constant 12 : index
    %get3A_418 = memref.load %arg2[%get3A_415, %get3A_416, %get3A_417] : memref<2x16x64xi32, #tpu.memory_space<smem>>
    %broadcast_in_dim3A_419 = vector.broadcast %get3A_418 : i32 to vector<64x1xi32>
    %select_n3A_420 = arith.select %eq3A_414, %broadcast_in_dim3A_419, %select_n3A_411 : vector<64x1xi1>, vector<64x1xi32>
    %eq3A_421 = arith.constant 13 : i32
    %eq3A_422 = vector.broadcast %eq3A_421 : i32 to vector<64x1xi32>
    %eq3A_423 = arith.cmpi eq, %iota3A, %eq3A_422 : vector<64x1xi32>
    %get3A_424 = arith.index_cast %arg0 : i32 to index
    %get3A_425 = arith.index_cast %add3A_1 : i32 to index
    %get3A_426 = arith.constant 13 : index
    %get3A_427 = memref.load %arg2[%get3A_424, %get3A_425, %get3A_426] : memref<2x16x64xi32, #tpu.memory_space<smem>>
    %broadcast_in_dim3A_428 = vector.broadcast %get3A_427 : i32 to vector<64x1xi32>
    %select_n3A_429 = arith.select %eq3A_423, %broadcast_in_dim3A_428, %select_n3A_420 : vector<64x1xi1>, vector<64x1xi32>
    %eq3A_430 = arith.constant 14 : i32
    %eq3A_431 = vector.broadcast %eq3A_430 : i32 to vector<64x1xi32>
    %eq3A_432 = arith.cmpi eq, %iota3A, %eq3A_431 : vector<64x1xi32>
    %get3A_433 = arith.index_cast %arg0 : i32 to index
    %get3A_434 = arith.index_cast %add3A_1 : i32 to index
    %get3A_435 = arith.constant 14 : index
    %get3A_436 = memref.load %arg2[%get3A_433, %get3A_434, %get3A_435] : memref<2x16x64xi32, #tpu.memory_space<smem>>
    %broadcast_in_dim3A_437 = vector.broadcast %get3A_436 : i32 to vector<64x1xi32>
    %select_n3A_438 = arith.select %eq3A_432, %broadcast_in_dim3A_437, %select_n3A_429 : vector<64x1xi1>, vector<64x1xi32>
    %eq3A_439 = arith.constant 15 : i32
    %eq3A_440 = vector.broadcast %eq3A_439 : i32 to vector<64x1xi32>
    %eq3A_441 = arith.cmpi eq, %iota3A, %eq3A_440 : vector<64x1xi32>
    %get3A_442 = arith.index_cast %arg0 : i32 to index
    %get3A_443 = arith.index_cast %add3A_1 : i32 to index
    %get3A_444 = arith.constant 15 : index
    %get3A_445 = memref.load %arg2[%get3A_442, %get3A_443, %get3A_444] : memref<2x16x64xi32, #tpu.memory_space<smem>>
    %broadcast_in_dim3A_446 = vector.broadcast %get3A_445 : i32 to vector<64x1xi32>
    %select_n3A_447 = arith.select %eq3A_441, %broadcast_in_dim3A_446, %select_n3A_438 : vector<64x1xi1>, vector<64x1xi32>
    %eq3A_448 = arith.constant 16 : i32
    %eq3A_449 = vector.broadcast %eq3A_448 : i32 to vector<64x1xi32>
    %eq3A_450 = arith.cmpi eq, %iota3A, %eq3A_449 : vector<64x1xi32>
    %get3A_451 = arith.index_cast %arg0 : i32 to index
    %get3A_452 = arith.index_cast %add3A_1 : i32 to index
    %get3A_453 = arith.constant 16 : index
    %get3A_454 = memref.load %arg2[%get3A_451, %get3A_452, %get3A_453] : memref<2x16x64xi32, #tpu.memory_space<smem>>
    %broadcast_in_dim3A_455 = vector.broadcast %get3A_454 : i32 to vector<64x1xi32>
    %select_n3A_456 = arith.select %eq3A_450, %broadcast_in_dim3A_455, %select_n3A_447 : vector<64x1xi1>, vector<64x1xi32>
    %eq3A_457 = arith.constant 17 : i32
    %eq3A_458 = vector.broadcast %eq3A_457 : i32 to vector<64x1xi32>
    %eq3A_459 = arith.cmpi eq, %iota3A, %eq3A_458 : vector<64x1xi32>
    %get3A_460 = arith.index_cast %arg0 : i32 to index
    %get3A_461 = arith.index_cast %add3A_1 : i32 to index
    %get3A_462 = arith.constant 17 : index
    %get3A_463 = memref.load %arg2[%get3A_460, %get3A_461, %get3A_462] : memref<2x16x64xi32, #tpu.memory_space<smem>>
    %broadcast_in_dim3A_464 = vector.broadcast %get3A_463 : i32 to vector<64x1xi32>
    %select_n3A_465 = arith.select %eq3A_459, %broadcast_in_dim3A_464, %select_n3A_456 : vector<64x1xi1>, vector<64x1xi32>
    %eq3A_466 = arith.constant 18 : i32
    %eq3A_467 = vector.broadcast %eq3A_466 : i32 to vector<64x1xi32>
    %eq3A_468 = arith.cmpi eq, %iota3A, %eq3A_467 : vector<64x1xi32>
    %get3A_469 = arith.index_cast %arg0 : i32 to index
    %get3A_470 = arith.index_cast %add3A_1 : i32 to index
    %get3A_471 = arith.constant 18 : index
    %get3A_472 = memref.load %arg2[%get3A_469, %get3A_470, %get3A_471] : memref<2x16x64xi32, #tpu.memory_space<smem>>
    %broadcast_in_dim3A_473 = vector.broadcast %get3A_472 : i32 to vector<64x1xi32>
    %select_n3A_474 = arith.select %eq3A_468, %broadcast_in_dim3A_473, %select_n3A_465 : vector<64x1xi1>, vector<64x1xi32>
    %eq3A_475 = arith.constant 19 : i32
    %eq3A_476 = vector.broadcast %eq3A_475 : i32 to vector<64x1xi32>
    %eq3A_477 = arith.cmpi eq, %iota3A, %eq3A_476 : vector<64x1xi32>
    %get3A_478 = arith.index_cast %arg0 : i32 to index
    %get3A_479 = arith.index_cast %add3A_1 : i32 to index
    %get3A_480 = arith.constant 19 : index
    %get3A_481 = memref.load %arg2[%get3A_478, %get3A_479, %get3A_480] : memref<2x16x64xi32, #tpu.memory_space<smem>>
    %broadcast_in_dim3A_482 = vector.broadcast %get3A_481 : i32 to vector<64x1xi32>
    %select_n3A_483 = arith.select %eq3A_477, %broadcast_in_dim3A_482, %select_n3A_474 : vector<64x1xi1>, vector<64x1xi32>
    %eq3A_484 = arith.constant 20 : i32
    %eq3A_485 = vector.broadcast %eq3A_484 : i32 to vector<64x1xi32>
    %eq3A_486 = arith.cmpi eq, %iota3A, %eq3A_485 : vector<64x1xi32>
    %get3A_487 = arith.index_cast %arg0 : i32 to index
    %get3A_488 = arith.index_cast %add3A_1 : i32 to index
    %get3A_489 = arith.constant 20 : index
    %get3A_490 = memref.load %arg2[%get3A_487, %get3A_488, %get3A_489] : memref<2x16x64xi32, #tpu.memory_space<smem>>
    %broadcast_in_dim3A_491 = vector.broadcast %get3A_490 : i32 to vector<64x1xi32>
    %select_n3A_492 = arith.select %eq3A_486, %broadcast_in_dim3A_491, %select_n3A_483 : vector<64x1xi1>, vector<64x1xi32>
    %eq3A_493 = arith.constant 21 : i32
    %eq3A_494 = vector.broadcast %eq3A_493 : i32 to vector<64x1xi32>
    %eq3A_495 = arith.cmpi eq, %iota3A, %eq3A_494 : vector<64x1xi32>
    %get3A_496 = arith.index_cast %arg0 : i32 to index
    %get3A_497 = arith.index_cast %add3A_1 : i32 to index
    %get3A_498 = arith.constant 21 : index
    %get3A_499 = memref.load %arg2[%get3A_496, %get3A_497, %get3A_498] : memref<2x16x64xi32, #tpu.memory_space<smem>>
    %broadcast_in_dim3A_500 = vector.broadcast %get3A_499 : i32 to vector<64x1xi32>
    %select_n3A_501 = arith.select %eq3A_495, %broadcast_in_dim3A_500, %select_n3A_492 : vector<64x1xi1>, vector<64x1xi32>
    %eq3A_502 = arith.constant 22 : i32
    %eq3A_503 = vector.broadcast %eq3A_502 : i32 to vector<64x1xi32>
    %eq3A_504 = arith.cmpi eq, %iota3A, %eq3A_503 : vector<64x1xi32>
    %get3A_505 = arith.index_cast %arg0 : i32 to index
    %get3A_506 = arith.index_cast %add3A_1 : i32 to index
    %get3A_507 = arith.constant 22 : index
    %get3A_508 = memref.load %arg2[%get3A_505, %get3A_506, %get3A_507] : memref<2x16x64xi32, #tpu.memory_space<smem>>
    %broadcast_in_dim3A_509 = vector.broadcast %get3A_508 : i32 to vector<64x1xi32>
    %select_n3A_510 = arith.select %eq3A_504, %broadcast_in_dim3A_509, %select_n3A_501 : vector<64x1xi1>, vector<64x1xi32>
    %eq3A_511 = arith.constant 23 : i32
    %eq3A_512 = vector.broadcast %eq3A_511 : i32 to vector<64x1xi32>
    %eq3A_513 = arith.cmpi eq, %iota3A, %eq3A_512 : vector<64x1xi32>
    %get3A_514 = arith.index_cast %arg0 : i32 to index
    %get3A_515 = arith.index_cast %add3A_1 : i32 to index
    %get3A_516 = arith.constant 23 : index
    %get3A_517 = memref.load %arg2[%get3A_514, %get3A_515, %get3A_516] : memref<2x16x64xi32, #tpu.memory_space<smem>>
    %broadcast_in_dim3A_518 = vector.broadcast %get3A_517 : i32 to vector<64x1xi32>
    %select_n3A_519 = arith.select %eq3A_513, %broadcast_in_dim3A_518, %select_n3A_510 : vector<64x1xi1>, vector<64x1xi32>
    %eq3A_520 = arith.constant 24 : i32
    %eq3A_521 = vector.broadcast %eq3A_520 : i32 to vector<64x1xi32>
    %eq3A_522 = arith.cmpi eq, %iota3A, %eq3A_521 : vector<64x1xi32>
    %get3A_523 = arith.index_cast %arg0 : i32 to index
    %get3A_524 = arith.index_cast %add3A_1 : i32 to index
    %get3A_525 = arith.constant 24 : index
    %get3A_526 = memref.load %arg2[%get3A_523, %get3A_524, %get3A_525] : memref<2x16x64xi32, #tpu.memory_space<smem>>
    %broadcast_in_dim3A_527 = vector.broadcast %get3A_526 : i32 to vector<64x1xi32>
    %select_n3A_528 = arith.select %eq3A_522, %broadcast_in_dim3A_527, %select_n3A_519 : vector<64x1xi1>, vector<64x1xi32>
    %eq3A_529 = arith.constant 25 : i32
    %eq3A_530 = vector.broadcast %eq3A_529 : i32 to vector<64x1xi32>
    %eq3A_531 = arith.cmpi eq, %iota3A, %eq3A_530 : vector<64x1xi32>
    %get3A_532 = arith.index_cast %arg0 : i32 to index
    %get3A_533 = arith.index_cast %add3A_1 : i32 to index
    %get3A_534 = arith.constant 25 : index
    %get3A_535 = memref.load %arg2[%get3A_532, %get3A_533, %get3A_534] : memref<2x16x64xi32, #tpu.memory_space<smem>>
    %broadcast_in_dim3A_536 = vector.broadcast %get3A_535 : i32 to vector<64x1xi32>
    %select_n3A_537 = arith.select %eq3A_531, %broadcast_in_dim3A_536, %select_n3A_528 : vector<64x1xi1>, vector<64x1xi32>
    %eq3A_538 = arith.constant 26 : i32
    %eq3A_539 = vector.broadcast %eq3A_538 : i32 to vector<64x1xi32>
    %eq3A_540 = arith.cmpi eq, %iota3A, %eq3A_539 : vector<64x1xi32>
    %get3A_541 = arith.index_cast %arg0 : i32 to index
    %get3A_542 = arith.index_cast %add3A_1 : i32 to index
    %get3A_543 = arith.constant 26 : index
    %get3A_544 = memref.load %arg2[%get3A_541, %get3A_542, %get3A_543] : memref<2x16x64xi32, #tpu.memory_space<smem>>
    %broadcast_in_dim3A_545 = vector.broadcast %get3A_544 : i32 to vector<64x1xi32>
    %select_n3A_546 = arith.select %eq3A_540, %broadcast_in_dim3A_545, %select_n3A_537 : vector<64x1xi1>, vector<64x1xi32>
    %eq3A_547 = arith.constant 27 : i32
    %eq3A_548 = vector.broadcast %eq3A_547 : i32 to vector<64x1xi32>
    %eq3A_549 = arith.cmpi eq, %iota3A, %eq3A_548 : vector<64x1xi32>
    %get3A_550 = arith.index_cast %arg0 : i32 to index
    %get3A_551 = arith.index_cast %add3A_1 : i32 to index
    %get3A_552 = arith.constant 27 : index
    %get3A_553 = memref.load %arg2[%get3A_550, %get3A_551, %get3A_552] : memref<2x16x64xi32, #tpu.memory_space<smem>>
    %broadcast_in_dim3A_554 = vector.broadcast %get3A_553 : i32 to vector<64x1xi32>
    %select_n3A_555 = arith.select %eq3A_549, %broadcast_in_dim3A_554, %select_n3A_546 : vector<64x1xi1>, vector<64x1xi32>
    %eq3A_556 = arith.constant 28 : i32
    %eq3A_557 = vector.broadcast %eq3A_556 : i32 to vector<64x1xi32>
    %eq3A_558 = arith.cmpi eq, %iota3A, %eq3A_557 : vector<64x1xi32>
    %get3A_559 = arith.index_cast %arg0 : i32 to index
    %get3A_560 = arith.index_cast %add3A_1 : i32 to index
    %get3A_561 = arith.constant 28 : index
    %get3A_562 = memref.load %arg2[%get3A_559, %get3A_560, %get3A_561] : memref<2x16x64xi32, #tpu.memory_space<smem>>
    %broadcast_in_dim3A_563 = vector.broadcast %get3A_562 : i32 to vector<64x1xi32>
    %select_n3A_564 = arith.select %eq3A_558, %broadcast_in_dim3A_563, %select_n3A_555 : vector<64x1xi1>, vector<64x1xi32>
    %eq3A_565 = arith.constant 29 : i32
    %eq3A_566 = vector.broadcast %eq3A_565 : i32 to vector<64x1xi32>
    %eq3A_567 = arith.cmpi eq, %iota3A, %eq3A_566 : vector<64x1xi32>
    %get3A_568 = arith.index_cast %arg0 : i32 to index
    %get3A_569 = arith.index_cast %add3A_1 : i32 to index
    %get3A_570 = arith.constant 29 : index
    %get3A_571 = memref.load %arg2[%get3A_568, %get3A_569, %get3A_570] : memref<2x16x64xi32, #tpu.memory_space<smem>>
    %broadcast_in_dim3A_572 = vector.broadcast %get3A_571 : i32 to vector<64x1xi32>
    %select_n3A_573 = arith.select %eq3A_567, %broadcast_in_dim3A_572, %select_n3A_564 : vector<64x1xi1>, vector<64x1xi32>
    %eq3A_574 = arith.constant 30 : i32
    %eq3A_575 = vector.broadcast %eq3A_574 : i32 to vector<64x1xi32>
    %eq3A_576 = arith.cmpi eq, %iota3A, %eq3A_575 : vector<64x1xi32>
    %get3A_577 = arith.index_cast %arg0 : i32 to index
    %get3A_578 = arith.index_cast %add3A_1 : i32 to index
    %get3A_579 = arith.constant 30 : index
    %get3A_580 = memref.load %arg2[%get3A_577, %get3A_578, %get3A_579] : memref<2x16x64xi32, #tpu.memory_space<smem>>
    %broadcast_in_dim3A_581 = vector.broadcast %get3A_580 : i32 to vector<64x1xi32>
    %select_n3A_582 = arith.select %eq3A_576, %broadcast_in_dim3A_581, %select_n3A_573 : vector<64x1xi1>, vector<64x1xi32>
    %eq3A_583 = arith.constant 31 : i32
    %eq3A_584 = vector.broadcast %eq3A_583 : i32 to vector<64x1xi32>
    %eq3A_585 = arith.cmpi eq, %iota3A, %eq3A_584 : vector<64x1xi32>
    %get3A_586 = arith.index_cast %arg0 : i32 to index
    %get3A_587 = arith.index_cast %add3A_1 : i32 to index
    %get3A_588 = arith.constant 31 : index
    %get3A_589 = memref.load %arg2[%get3A_586, %get3A_587, %get3A_588] : memref<2x16x64xi32, #tpu.memory_space<smem>>
    %broadcast_in_dim3A_590 = vector.broadcast %get3A_589 : i32 to vector<64x1xi32>
    %select_n3A_591 = arith.select %eq3A_585, %broadcast_in_dim3A_590, %select_n3A_582 : vector<64x1xi1>, vector<64x1xi32>
    %eq3A_592 = arith.constant 32 : i32
    %eq3A_593 = vector.broadcast %eq3A_592 : i32 to vector<64x1xi32>
    %eq3A_594 = arith.cmpi eq, %iota3A, %eq3A_593 : vector<64x1xi32>
    %get3A_595 = arith.index_cast %arg0 : i32 to index
    %get3A_596 = arith.index_cast %add3A_1 : i32 to index
    %get3A_597 = arith.constant 32 : index
    %get3A_598 = memref.load %arg2[%get3A_595, %get3A_596, %get3A_597] : memref<2x16x64xi32, #tpu.memory_space<smem>>
    %broadcast_in_dim3A_599 = vector.broadcast %get3A_598 : i32 to vector<64x1xi32>
    %select_n3A_600 = arith.select %eq3A_594, %broadcast_in_dim3A_599, %select_n3A_591 : vector<64x1xi1>, vector<64x1xi32>
    %eq3A_601 = arith.constant 33 : i32
    %eq3A_602 = vector.broadcast %eq3A_601 : i32 to vector<64x1xi32>
    %eq3A_603 = arith.cmpi eq, %iota3A, %eq3A_602 : vector<64x1xi32>
    %get3A_604 = arith.index_cast %arg0 : i32 to index
    %get3A_605 = arith.index_cast %add3A_1 : i32 to index
    %get3A_606 = arith.constant 33 : index
    %get3A_607 = memref.load %arg2[%get3A_604, %get3A_605, %get3A_606] : memref<2x16x64xi32, #tpu.memory_space<smem>>
    %broadcast_in_dim3A_608 = vector.broadcast %get3A_607 : i32 to vector<64x1xi32>
    %select_n3A_609 = arith.select %eq3A_603, %broadcast_in_dim3A_608, %select_n3A_600 : vector<64x1xi1>, vector<64x1xi32>
    %eq3A_610 = arith.constant 34 : i32
    %eq3A_611 = vector.broadcast %eq3A_610 : i32 to vector<64x1xi32>
    %eq3A_612 = arith.cmpi eq, %iota3A, %eq3A_611 : vector<64x1xi32>
    %get3A_613 = arith.index_cast %arg0 : i32 to index
    %get3A_614 = arith.index_cast %add3A_1 : i32 to index
    %get3A_615 = arith.constant 34 : index
    %get3A_616 = memref.load %arg2[%get3A_613, %get3A_614, %get3A_615] : memref<2x16x64xi32, #tpu.memory_space<smem>>
    %broadcast_in_dim3A_617 = vector.broadcast %get3A_616 : i32 to vector<64x1xi32>
    %select_n3A_618 = arith.select %eq3A_612, %broadcast_in_dim3A_617, %select_n3A_609 : vector<64x1xi1>, vector<64x1xi32>
    %eq3A_619 = arith.constant 35 : i32
    %eq3A_620 = vector.broadcast %eq3A_619 : i32 to vector<64x1xi32>
    %eq3A_621 = arith.cmpi eq, %iota3A, %eq3A_620 : vector<64x1xi32>
    %get3A_622 = arith.index_cast %arg0 : i32 to index
    %get3A_623 = arith.index_cast %add3A_1 : i32 to index
    %get3A_624 = arith.constant 35 : index
    %get3A_625 = memref.load %arg2[%get3A_622, %get3A_623, %get3A_624] : memref<2x16x64xi32, #tpu.memory_space<smem>>
    %broadcast_in_dim3A_626 = vector.broadcast %get3A_625 : i32 to vector<64x1xi32>
    %select_n3A_627 = arith.select %eq3A_621, %broadcast_in_dim3A_626, %select_n3A_618 : vector<64x1xi1>, vector<64x1xi32>
    %eq3A_628 = arith.constant 36 : i32
    %eq3A_629 = vector.broadcast %eq3A_628 : i32 to vector<64x1xi32>
    %eq3A_630 = arith.cmpi eq, %iota3A, %eq3A_629 : vector<64x1xi32>
    %get3A_631 = arith.index_cast %arg0 : i32 to index
    %get3A_632 = arith.index_cast %add3A_1 : i32 to index
    %get3A_633 = arith.constant 36 : index
    %get3A_634 = memref.load %arg2[%get3A_631, %get3A_632, %get3A_633] : memref<2x16x64xi32, #tpu.memory_space<smem>>
    %broadcast_in_dim3A_635 = vector.broadcast %get3A_634 : i32 to vector<64x1xi32>
    %select_n3A_636 = arith.select %eq3A_630, %broadcast_in_dim3A_635, %select_n3A_627 : vector<64x1xi1>, vector<64x1xi32>
    %eq3A_637 = arith.constant 37 : i32
    %eq3A_638 = vector.broadcast %eq3A_637 : i32 to vector<64x1xi32>
    %eq3A_639 = arith.cmpi eq, %iota3A, %eq3A_638 : vector<64x1xi32>
    %get3A_640 = arith.index_cast %arg0 : i32 to index
    %get3A_641 = arith.index_cast %add3A_1 : i32 to index
    %get3A_642 = arith.constant 37 : index
    %get3A_643 = memref.load %arg2[%get3A_640, %get3A_641, %get3A_642] : memref<2x16x64xi32, #tpu.memory_space<smem>>
    %broadcast_in_dim3A_644 = vector.broadcast %get3A_643 : i32 to vector<64x1xi32>
    %select_n3A_645 = arith.select %eq3A_639, %broadcast_in_dim3A_644, %select_n3A_636 : vector<64x1xi1>, vector<64x1xi32>
    %eq3A_646 = arith.constant 38 : i32
    %eq3A_647 = vector.broadcast %eq3A_646 : i32 to vector<64x1xi32>
    %eq3A_648 = arith.cmpi eq, %iota3A, %eq3A_647 : vector<64x1xi32>
    %get3A_649 = arith.index_cast %arg0 : i32 to index
    %get3A_650 = arith.index_cast %add3A_1 : i32 to index
    %get3A_651 = arith.constant 38 : index
    %get3A_652 = memref.load %arg2[%get3A_649, %get3A_650, %get3A_651] : memref<2x16x64xi32, #tpu.memory_space<smem>>
    %broadcast_in_dim3A_653 = vector.broadcast %get3A_652 : i32 to vector<64x1xi32>
    %select_n3A_654 = arith.select %eq3A_648, %broadcast_in_dim3A_653, %select_n3A_645 : vector<64x1xi1>, vector<64x1xi32>
    %eq3A_655 = arith.constant 39 : i32
    %eq3A_656 = vector.broadcast %eq3A_655 : i32 to vector<64x1xi32>
    %eq3A_657 = arith.cmpi eq, %iota3A, %eq3A_656 : vector<64x1xi32>
    %get3A_658 = arith.index_cast %arg0 : i32 to index
    %get3A_659 = arith.index_cast %add3A_1 : i32 to index
    %get3A_660 = arith.constant 39 : index
    %get3A_661 = memref.load %arg2[%get3A_658, %get3A_659, %get3A_660] : memref<2x16x64xi32, #tpu.memory_space<smem>>
    %broadcast_in_dim3A_662 = vector.broadcast %get3A_661 : i32 to vector<64x1xi32>
    %select_n3A_663 = arith.select %eq3A_657, %broadcast_in_dim3A_662, %select_n3A_654 : vector<64x1xi1>, vector<64x1xi32>
    %eq3A_664 = arith.constant 40 : i32
    %eq3A_665 = vector.broadcast %eq3A_664 : i32 to vector<64x1xi32>
    %eq3A_666 = arith.cmpi eq, %iota3A, %eq3A_665 : vector<64x1xi32>
    %get3A_667 = arith.index_cast %arg0 : i32 to index
    %get3A_668 = arith.index_cast %add3A_1 : i32 to index
    %get3A_669 = arith.constant 40 : index
    %get3A_670 = memref.load %arg2[%get3A_667, %get3A_668, %get3A_669] : memref<2x16x64xi32, #tpu.memory_space<smem>>
    %broadcast_in_dim3A_671 = vector.broadcast %get3A_670 : i32 to vector<64x1xi32>
    %select_n3A_672 = arith.select %eq3A_666, %broadcast_in_dim3A_671, %select_n3A_663 : vector<64x1xi1>, vector<64x1xi32>
    %eq3A_673 = arith.constant 41 : i32
    %eq3A_674 = vector.broadcast %eq3A_673 : i32 to vector<64x1xi32>
    %eq3A_675 = arith.cmpi eq, %iota3A, %eq3A_674 : vector<64x1xi32>
    %get3A_676 = arith.index_cast %arg0 : i32 to index
    %get3A_677 = arith.index_cast %add3A_1 : i32 to index
    %get3A_678 = arith.constant 41 : index
    %get3A_679 = memref.load %arg2[%get3A_676, %get3A_677, %get3A_678] : memref<2x16x64xi32, #tpu.memory_space<smem>>
    %broadcast_in_dim3A_680 = vector.broadcast %get3A_679 : i32 to vector<64x1xi32>
    %select_n3A_681 = arith.select %eq3A_675, %broadcast_in_dim3A_680, %select_n3A_672 : vector<64x1xi1>, vector<64x1xi32>
    %eq3A_682 = arith.constant 42 : i32
    %eq3A_683 = vector.broadcast %eq3A_682 : i32 to vector<64x1xi32>
    %eq3A_684 = arith.cmpi eq, %iota3A, %eq3A_683 : vector<64x1xi32>
    %get3A_685 = arith.index_cast %arg0 : i32 to index
    %get3A_686 = arith.index_cast %add3A_1 : i32 to index
    %get3A_687 = arith.constant 42 : index
    %get3A_688 = memref.load %arg2[%get3A_685, %get3A_686, %get3A_687] : memref<2x16x64xi32, #tpu.memory_space<smem>>
    %broadcast_in_dim3A_689 = vector.broadcast %get3A_688 : i32 to vector<64x1xi32>
    %select_n3A_690 = arith.select %eq3A_684, %broadcast_in_dim3A_689, %select_n3A_681 : vector<64x1xi1>, vector<64x1xi32>
    %eq3A_691 = arith.constant 43 : i32
    %eq3A_692 = vector.broadcast %eq3A_691 : i32 to vector<64x1xi32>
    %eq3A_693 = arith.cmpi eq, %iota3A, %eq3A_692 : vector<64x1xi32>
    %get3A_694 = arith.index_cast %arg0 : i32 to index
    %get3A_695 = arith.index_cast %add3A_1 : i32 to index
    %get3A_696 = arith.constant 43 : index
    %get3A_697 = memref.load %arg2[%get3A_694, %get3A_695, %get3A_696] : memref<2x16x64xi32, #tpu.memory_space<smem>>
    %broadcast_in_dim3A_698 = vector.broadcast %get3A_697 : i32 to vector<64x1xi32>
    %select_n3A_699 = arith.select %eq3A_693, %broadcast_in_dim3A_698, %select_n3A_690 : vector<64x1xi1>, vector<64x1xi32>
    %eq3A_700 = arith.constant 44 : i32
    %eq3A_701 = vector.broadcast %eq3A_700 : i32 to vector<64x1xi32>
    %eq3A_702 = arith.cmpi eq, %iota3A, %eq3A_701 : vector<64x1xi32>
    %get3A_703 = arith.index_cast %arg0 : i32 to index
    %get3A_704 = arith.index_cast %add3A_1 : i32 to index
    %get3A_705 = arith.constant 44 : index
    %get3A_706 = memref.load %arg2[%get3A_703, %get3A_704, %get3A_705] : memref<2x16x64xi32, #tpu.memory_space<smem>>
    %broadcast_in_dim3A_707 = vector.broadcast %get3A_706 : i32 to vector<64x1xi32>
    %select_n3A_708 = arith.select %eq3A_702, %broadcast_in_dim3A_707, %select_n3A_699 : vector<64x1xi1>, vector<64x1xi32>
    %eq3A_709 = arith.constant 45 : i32
    %eq3A_710 = vector.broadcast %eq3A_709 : i32 to vector<64x1xi32>
    %eq3A_711 = arith.cmpi eq, %iota3A, %eq3A_710 : vector<64x1xi32>
    %get3A_712 = arith.index_cast %arg0 : i32 to index
    %get3A_713 = arith.index_cast %add3A_1 : i32 to index
    %get3A_714 = arith.constant 45 : index
    %get3A_715 = memref.load %arg2[%get3A_712, %get3A_713, %get3A_714] : memref<2x16x64xi32, #tpu.memory_space<smem>>
    %broadcast_in_dim3A_716 = vector.broadcast %get3A_715 : i32 to vector<64x1xi32>
    %select_n3A_717 = arith.select %eq3A_711, %broadcast_in_dim3A_716, %select_n3A_708 : vector<64x1xi1>, vector<64x1xi32>
    %eq3A_718 = arith.constant 46 : i32
    %eq3A_719 = vector.broadcast %eq3A_718 : i32 to vector<64x1xi32>
    %eq3A_720 = arith.cmpi eq, %iota3A, %eq3A_719 : vector<64x1xi32>
    %get3A_721 = arith.index_cast %arg0 : i32 to index
    %get3A_722 = arith.index_cast %add3A_1 : i32 to index
    %get3A_723 = arith.constant 46 : index
    %get3A_724 = memref.load %arg2[%get3A_721, %get3A_722, %get3A_723] : memref<2x16x64xi32, #tpu.memory_space<smem>>
    %broadcast_in_dim3A_725 = vector.broadcast %get3A_724 : i32 to vector<64x1xi32>
    %select_n3A_726 = arith.select %eq3A_720, %broadcast_in_dim3A_725, %select_n3A_717 : vector<64x1xi1>, vector<64x1xi32>
    %eq3A_727 = arith.constant 47 : i32
    %eq3A_728 = vector.broadcast %eq3A_727 : i32 to vector<64x1xi32>
    %eq3A_729 = arith.cmpi eq, %iota3A, %eq3A_728 : vector<64x1xi32>
    %get3A_730 = arith.index_cast %arg0 : i32 to index
    %get3A_731 = arith.index_cast %add3A_1 : i32 to index
    %get3A_732 = arith.constant 47 : index
    %get3A_733 = memref.load %arg2[%get3A_730, %get3A_731, %get3A_732] : memref<2x16x64xi32, #tpu.memory_space<smem>>
    %broadcast_in_dim3A_734 = vector.broadcast %get3A_733 : i32 to vector<64x1xi32>
    %select_n3A_735 = arith.select %eq3A_729, %broadcast_in_dim3A_734, %select_n3A_726 : vector<64x1xi1>, vector<64x1xi32>
    %eq3A_736 = arith.constant 48 : i32
    %eq3A_737 = vector.broadcast %eq3A_736 : i32 to vector<64x1xi32>
    %eq3A_738 = arith.cmpi eq, %iota3A, %eq3A_737 : vector<64x1xi32>
    %get3A_739 = arith.index_cast %arg0 : i32 to index
    %get3A_740 = arith.index_cast %add3A_1 : i32 to index
    %get3A_741 = arith.constant 48 : index
    %get3A_742 = memref.load %arg2[%get3A_739, %get3A_740, %get3A_741] : memref<2x16x64xi32, #tpu.memory_space<smem>>
    %broadcast_in_dim3A_743 = vector.broadcast %get3A_742 : i32 to vector<64x1xi32>
    %select_n3A_744 = arith.select %eq3A_738, %broadcast_in_dim3A_743, %select_n3A_735 : vector<64x1xi1>, vector<64x1xi32>
    %eq3A_745 = arith.constant 49 : i32
    %eq3A_746 = vector.broadcast %eq3A_745 : i32 to vector<64x1xi32>
    %eq3A_747 = arith.cmpi eq, %iota3A, %eq3A_746 : vector<64x1xi32>
    %get3A_748 = arith.index_cast %arg0 : i32 to index
    %get3A_749 = arith.index_cast %add3A_1 : i32 to index
    %get3A_750 = arith.constant 49 : index
    %get3A_751 = memref.load %arg2[%get3A_748, %get3A_749, %get3A_750] : memref<2x16x64xi32, #tpu.memory_space<smem>>
    %broadcast_in_dim3A_752 = vector.broadcast %get3A_751 : i32 to vector<64x1xi32>
    %select_n3A_753 = arith.select %eq3A_747, %broadcast_in_dim3A_752, %select_n3A_744 : vector<64x1xi1>, vector<64x1xi32>
    %eq3A_754 = arith.constant 50 : i32
    %eq3A_755 = vector.broadcast %eq3A_754 : i32 to vector<64x1xi32>
    %eq3A_756 = arith.cmpi eq, %iota3A, %eq3A_755 : vector<64x1xi32>
    %get3A_757 = arith.index_cast %arg0 : i32 to index
    %get3A_758 = arith.index_cast %add3A_1 : i32 to index
    %get3A_759 = arith.constant 50 : index
    %get3A_760 = memref.load %arg2[%get3A_757, %get3A_758, %get3A_759] : memref<2x16x64xi32, #tpu.memory_space<smem>>
    %broadcast_in_dim3A_761 = vector.broadcast %get3A_760 : i32 to vector<64x1xi32>
    %select_n3A_762 = arith.select %eq3A_756, %broadcast_in_dim3A_761, %select_n3A_753 : vector<64x1xi1>, vector<64x1xi32>
    %eq3A_763 = arith.constant 51 : i32
    %eq3A_764 = vector.broadcast %eq3A_763 : i32 to vector<64x1xi32>
    %eq3A_765 = arith.cmpi eq, %iota3A, %eq3A_764 : vector<64x1xi32>
    %get3A_766 = arith.index_cast %arg0 : i32 to index
    %get3A_767 = arith.index_cast %add3A_1 : i32 to index
    %get3A_768 = arith.constant 51 : index
    %get3A_769 = memref.load %arg2[%get3A_766, %get3A_767, %get3A_768] : memref<2x16x64xi32, #tpu.memory_space<smem>>
    %broadcast_in_dim3A_770 = vector.broadcast %get3A_769 : i32 to vector<64x1xi32>
    %select_n3A_771 = arith.select %eq3A_765, %broadcast_in_dim3A_770, %select_n3A_762 : vector<64x1xi1>, vector<64x1xi32>
    %eq3A_772 = arith.constant 52 : i32
    %eq3A_773 = vector.broadcast %eq3A_772 : i32 to vector<64x1xi32>
    %eq3A_774 = arith.cmpi eq, %iota3A, %eq3A_773 : vector<64x1xi32>
    %get3A_775 = arith.index_cast %arg0 : i32 to index
    %get3A_776 = arith.index_cast %add3A_1 : i32 to index
    %get3A_777 = arith.constant 52 : index
    %get3A_778 = memref.load %arg2[%get3A_775, %get3A_776, %get3A_777] : memref<2x16x64xi32, #tpu.memory_space<smem>>
    %broadcast_in_dim3A_779 = vector.broadcast %get3A_778 : i32 to vector<64x1xi32>
    %select_n3A_780 = arith.select %eq3A_774, %broadcast_in_dim3A_779, %select_n3A_771 : vector<64x1xi1>, vector<64x1xi32>
    %eq3A_781 = arith.constant 53 : i32
    %eq3A_782 = vector.broadcast %eq3A_781 : i32 to vector<64x1xi32>
    %eq3A_783 = arith.cmpi eq, %iota3A, %eq3A_782 : vector<64x1xi32>
    %get3A_784 = arith.index_cast %arg0 : i32 to index
    %get3A_785 = arith.index_cast %add3A_1 : i32 to index
    %get3A_786 = arith.constant 53 : index
    %get3A_787 = memref.load %arg2[%get3A_784, %get3A_785, %get3A_786] : memref<2x16x64xi32, #tpu.memory_space<smem>>
    %broadcast_in_dim3A_788 = vector.broadcast %get3A_787 : i32 to vector<64x1xi32>
    %select_n3A_789 = arith.select %eq3A_783, %broadcast_in_dim3A_788, %select_n3A_780 : vector<64x1xi1>, vector<64x1xi32>
    %eq3A_790 = arith.constant 54 : i32
    %eq3A_791 = vector.broadcast %eq3A_790 : i32 to vector<64x1xi32>
    %eq3A_792 = arith.cmpi eq, %iota3A, %eq3A_791 : vector<64x1xi32>
    %get3A_793 = arith.index_cast %arg0 : i32 to index
    %get3A_794 = arith.index_cast %add3A_1 : i32 to index
    %get3A_795 = arith.constant 54 : index
    %get3A_796 = memref.load %arg2[%get3A_793, %get3A_794, %get3A_795] : memref<2x16x64xi32, #tpu.memory_space<smem>>
    %broadcast_in_dim3A_797 = vector.broadcast %get3A_796 : i32 to vector<64x1xi32>
    %select_n3A_798 = arith.select %eq3A_792, %broadcast_in_dim3A_797, %select_n3A_789 : vector<64x1xi1>, vector<64x1xi32>
    %eq3A_799 = arith.constant 55 : i32
    %eq3A_800 = vector.broadcast %eq3A_799 : i32 to vector<64x1xi32>
    %eq3A_801 = arith.cmpi eq, %iota3A, %eq3A_800 : vector<64x1xi32>
    %get3A_802 = arith.index_cast %arg0 : i32 to index
    %get3A_803 = arith.index_cast %add3A_1 : i32 to index
    %get3A_804 = arith.constant 55 : index
    %get3A_805 = memref.load %arg2[%get3A_802, %get3A_803, %get3A_804] : memref<2x16x64xi32, #tpu.memory_space<smem>>
    %broadcast_in_dim3A_806 = vector.broadcast %get3A_805 : i32 to vector<64x1xi32>
    %select_n3A_807 = arith.select %eq3A_801, %broadcast_in_dim3A_806, %select_n3A_798 : vector<64x1xi1>, vector<64x1xi32>
    %eq3A_808 = arith.constant 56 : i32
    %eq3A_809 = vector.broadcast %eq3A_808 : i32 to vector<64x1xi32>
    %eq3A_810 = arith.cmpi eq, %iota3A, %eq3A_809 : vector<64x1xi32>
    %get3A_811 = arith.index_cast %arg0 : i32 to index
    %get3A_812 = arith.index_cast %add3A_1 : i32 to index
    %get3A_813 = arith.constant 56 : index
    %get3A_814 = memref.load %arg2[%get3A_811, %get3A_812, %get3A_813] : memref<2x16x64xi32, #tpu.memory_space<smem>>
    %broadcast_in_dim3A_815 = vector.broadcast %get3A_814 : i32 to vector<64x1xi32>
    %select_n3A_816 = arith.select %eq3A_810, %broadcast_in_dim3A_815, %select_n3A_807 : vector<64x1xi1>, vector<64x1xi32>
    %eq3A_817 = arith.constant 57 : i32
    %eq3A_818 = vector.broadcast %eq3A_817 : i32 to vector<64x1xi32>
    %eq3A_819 = arith.cmpi eq, %iota3A, %eq3A_818 : vector<64x1xi32>
    %get3A_820 = arith.index_cast %arg0 : i32 to index
    %get3A_821 = arith.index_cast %add3A_1 : i32 to index
    %get3A_822 = arith.constant 57 : index
    %get3A_823 = memref.load %arg2[%get3A_820, %get3A_821, %get3A_822] : memref<2x16x64xi32, #tpu.memory_space<smem>>
    %broadcast_in_dim3A_824 = vector.broadcast %get3A_823 : i32 to vector<64x1xi32>
    %select_n3A_825 = arith.select %eq3A_819, %broadcast_in_dim3A_824, %select_n3A_816 : vector<64x1xi1>, vector<64x1xi32>
    %eq3A_826 = arith.constant 58 : i32
    %eq3A_827 = vector.broadcast %eq3A_826 : i32 to vector<64x1xi32>
    %eq3A_828 = arith.cmpi eq, %iota3A, %eq3A_827 : vector<64x1xi32>
    %get3A_829 = arith.index_cast %arg0 : i32 to index
    %get3A_830 = arith.index_cast %add3A_1 : i32 to index
    %get3A_831 = arith.constant 58 : index
    %get3A_832 = memref.load %arg2[%get3A_829, %get3A_830, %get3A_831] : memref<2x16x64xi32, #tpu.memory_space<smem>>
    %broadcast_in_dim3A_833 = vector.broadcast %get3A_832 : i32 to vector<64x1xi32>
    %select_n3A_834 = arith.select %eq3A_828, %broadcast_in_dim3A_833, %select_n3A_825 : vector<64x1xi1>, vector<64x1xi32>
    %eq3A_835 = arith.constant 59 : i32
    %eq3A_836 = vector.broadcast %eq3A_835 : i32 to vector<64x1xi32>
    %eq3A_837 = arith.cmpi eq, %iota3A, %eq3A_836 : vector<64x1xi32>
    %get3A_838 = arith.index_cast %arg0 : i32 to index
    %get3A_839 = arith.index_cast %add3A_1 : i32 to index
    %get3A_840 = arith.constant 59 : index
    %get3A_841 = memref.load %arg2[%get3A_838, %get3A_839, %get3A_840] : memref<2x16x64xi32, #tpu.memory_space<smem>>
    %broadcast_in_dim3A_842 = vector.broadcast %get3A_841 : i32 to vector<64x1xi32>
    %select_n3A_843 = arith.select %eq3A_837, %broadcast_in_dim3A_842, %select_n3A_834 : vector<64x1xi1>, vector<64x1xi32>
    %eq3A_844 = arith.constant 60 : i32
    %eq3A_845 = vector.broadcast %eq3A_844 : i32 to vector<64x1xi32>
    %eq3A_846 = arith.cmpi eq, %iota3A, %eq3A_845 : vector<64x1xi32>
    %get3A_847 = arith.index_cast %arg0 : i32 to index
    %get3A_848 = arith.index_cast %add3A_1 : i32 to index
    %get3A_849 = arith.constant 60 : index
    %get3A_850 = memref.load %arg2[%get3A_847, %get3A_848, %get3A_849] : memref<2x16x64xi32, #tpu.memory_space<smem>>
    %broadcast_in_dim3A_851 = vector.broadcast %get3A_850 : i32 to vector<64x1xi32>
    %select_n3A_852 = arith.select %eq3A_846, %broadcast_in_dim3A_851, %select_n3A_843 : vector<64x1xi1>, vector<64x1xi32>
    %eq3A_853 = arith.constant 61 : i32
    %eq3A_854 = vector.broadcast %eq3A_853 : i32 to vector<64x1xi32>
    %eq3A_855 = arith.cmpi eq, %iota3A, %eq3A_854 : vector<64x1xi32>
    %get3A_856 = arith.index_cast %arg0 : i32 to index
    %get3A_857 = arith.index_cast %add3A_1 : i32 to index
    %get3A_858 = arith.constant 61 : index
    %get3A_859 = memref.load %arg2[%get3A_856, %get3A_857, %get3A_858] : memref<2x16x64xi32, #tpu.memory_space<smem>>
    %broadcast_in_dim3A_860 = vector.broadcast %get3A_859 : i32 to vector<64x1xi32>
    %select_n3A_861 = arith.select %eq3A_855, %broadcast_in_dim3A_860, %select_n3A_852 : vector<64x1xi1>, vector<64x1xi32>
    %eq3A_862 = arith.constant 62 : i32
    %eq3A_863 = vector.broadcast %eq3A_862 : i32 to vector<64x1xi32>
    %eq3A_864 = arith.cmpi eq, %iota3A, %eq3A_863 : vector<64x1xi32>
    %get3A_865 = arith.index_cast %arg0 : i32 to index
    %get3A_866 = arith.index_cast %add3A_1 : i32 to index
    %get3A_867 = arith.constant 62 : index
    %get3A_868 = memref.load %arg2[%get3A_865, %get3A_866, %get3A_867] : memref<2x16x64xi32, #tpu.memory_space<smem>>
    %broadcast_in_dim3A_869 = vector.broadcast %get3A_868 : i32 to vector<64x1xi32>
    %select_n3A_870 = arith.select %eq3A_864, %broadcast_in_dim3A_869, %select_n3A_861 : vector<64x1xi1>, vector<64x1xi32>
    %eq3A_871 = arith.constant 63 : i32
    %eq3A_872 = vector.broadcast %eq3A_871 : i32 to vector<64x1xi32>
    %eq3A_873 = arith.cmpi eq, %iota3A, %eq3A_872 : vector<64x1xi32>
    %get3A_874 = arith.index_cast %arg0 : i32 to index
    %get3A_875 = arith.index_cast %add3A_1 : i32 to index
    %get3A_876 = arith.constant 63 : index
    %get3A_877 = memref.load %arg2[%get3A_874, %get3A_875, %get3A_876] : memref<2x16x64xi32, #tpu.memory_space<smem>>
    %broadcast_in_dim3A_878 = vector.broadcast %get3A_877 : i32 to vector<64x1xi32>
    %select_n3A_879 = arith.select %eq3A_873, %broadcast_in_dim3A_878, %select_n3A_870 : vector<64x1xi1>, vector<64x1xi32>
    %iota3A_880 = tpu.iota {dimensions = array<i32: 1>} : vector<64x2048xi32>
    %eq3A_881 = vector.broadcast %select_n3A_879 : vector<64x1xi32> to vector<64x2048xi32>
    %eq3A_882 = arith.cmpi eq, %iota3A_880, %eq3A_881 : vector<64x2048xi32>
    %convert_element_type3A = arith.extui %eq3A_882 : vector<64x2048xi1> to vector<64x2048xi32>
    %convert_element_type3A_883 = arith.sitofp %convert_element_type3A : vector<64x2048xi32> to vector<64x2048xf32>
    %dot_general3A_884 = arith.constant dense<0.000000e+00> : vector<64x64xf32>
    %dot_general3A_885 = tpu.matmul %convert_element_type3A_883, %get3A_5, %dot_general3A_884 {dimension_numbers = #tpu.dot_dimension_numbers<[1], [0], [0], [1], [0, 0, 1, 1], [], []>, transpose_lhs_hint = false} : vector<64x2048xf32>, vector<2048x64xf32>, vector<64x64xf32> -> vector<64x64xf32>
    %dot_general3A_886 = arith.constant dense<0.000000e+00> : vector<64x2048xf32>
    %dot_general3A_887 = tpu.matmul %dot_general3A_885, %get3A_10, %dot_general3A_886 {dimension_numbers = #tpu.dot_dimension_numbers<[1], [1], [0], [0], [0, 0, 1, 0], [], []>, transpose_lhs_hint = false} : vector<64x64xf32>, vector<2048x64xf32>, vector<64x2048xf32> -> vector<64x2048xf32>
    %exp3A_888 = math.exp %dot_general3A_887 : vector<64x2048xf32>
    %reduce_sum3A_889 = arith.constant dense<0.000000e+00> : vector<64xf32>
    %reduce_sum3A_890 = vector.multi_reduction <add>, %exp3A_888, %reduce_sum3A_889 [1] : vector<64x2048xf32> to vector<64xf32>
    %broadcast_in_dim3A_891 = vector.shape_cast %reduce_sum3A_890 : vector<64xf32> to vector<64x1xf32>
    %dot_general3A_892 = arith.constant dense<0.000000e+00> : vector<64x64xf32>
    %dot_general3A_893 = tpu.matmul %exp3A_888, %get3A_15, %dot_general3A_892 {dimension_numbers = #tpu.dot_dimension_numbers<[1], [0], [0], [1], [0, 0, 1, 1], [], []>, transpose_lhs_hint = false} : vector<64x2048xf32>, vector<2048x64xf32>, vector<64x64xf32> -> vector<64x64xf32>
    %div3A_894 = vector.broadcast %broadcast_in_dim3A_891 : vector<64x1xf32> to vector<64x64xf32>
    %div3A_895 = arith.divf %dot_general3A_893, %div3A_894 : vector<64x64xf32>
    %slice3A_896 = vector.extract_strided_slice %div3A_895 {offsets = [0, 0], sizes = [1, 64], strides = [1, 1]} : vector<64x64xf32> to vector<1x64xf32>
    %get3A_897 = arith.index_cast %arg0 : i32 to index
    %get3A_898 = arith.index_cast %add3A_1 : i32 to index
    %get3A_899 = arith.constant 0 : index
    %get3A_900 = memref.load %arg2[%get3A_897, %get3A_898, %get3A_899] : memref<2x16x64xi32, #tpu.memory_space<smem>>
    %swap3A_901 = arith.constant 0 : index
    %swap3A_902 = arith.index_cast %get3A_900 : i32 to index
    %swap3A_903 = arith.constant 0 : index
    %swap3A_904 = vector.load %arg6[%swap3A_901, %swap3A_902, %swap3A_903] : memref<1x2048x128xf32, #tpu.memory_space<vmem>>, vector<1x1x64xf32>
    %swap3A_905 = vector.shape_cast %swap3A_904 : vector<1x1x64xf32> to vector<1x64xf32>
    %swap3A_906 = vector.shape_cast %slice3A_896 : vector<1x64xf32> to vector<1x1x64xf32>
    tpu.vector_store %arg6[%swap3A_901, %swap3A_902, %swap3A_903], %swap3A_906 {strides = array<i32>} : memref<1x2048x128xf32, #tpu.memory_space<vmem>>, vector<1x1x64xf32>,
    %slice3A_907 = vector.extract_strided_slice %div3A_895 {offsets = [1, 0], sizes = [1, 64], strides = [1, 1]} : vector<64x64xf32> to vector<1x64xf32>
    %get3A_908 = arith.index_cast %arg0 : i32 to index
    %get3A_909 = arith.index_cast %add3A_1 : i32 to index
    %get3A_910 = arith.constant 1 : index
    %get3A_911 = memref.load %arg2[%get3A_908, %get3A_909, %get3A_910] : memref<2x16x64xi32, #tpu.memory_space<smem>>
    %swap3A_912 = arith.constant 0 : index
    %swap3A_913 = arith.index_cast %get3A_911 : i32 to index
    %swap3A_914 = arith.constant 0 : index
    %swap3A_915 = vector.load %arg6[%swap3A_912, %swap3A_913, %swap3A_914] : memref<1x2048x128xf32, #tpu.memory_space<vmem>>, vector<1x1x64xf32>
    %swap3A_916 = vector.shape_cast %swap3A_915 : vector<1x1x64xf32> to vector<1x64xf32>
    %swap3A_917 = vector.shape_cast %slice3A_907 : vector<1x64xf32> to vector<1x1x64xf32>
    tpu.vector_store %arg6[%swap3A_912, %swap3A_913, %swap3A_914], %swap3A_917 {strides = array<i32>} : memref<1x2048x128xf32, #tpu.memory_space<vmem>>, vector<1x1x64xf32>,
    %slice3A_918 = vector.extract_strided_slice %div3A_895 {offsets = [2, 0], sizes = [1, 64], strides = [1, 1]} : vector<64x64xf32> to vector<1x64xf32>
    %get3A_919 = arith.index_cast %arg0 : i32 to index
    %get3A_920 = arith.index_cast %add3A_1 : i32 to index
    %get3A_921 = arith.constant 2 : index
    %get3A_922 = memref.load %arg2[%get3A_919, %get3A_920, %get3A_921] : memref<2x16x64xi32, #tpu.memory_space<smem>>
    %swap3A_923 = arith.constant 0 : index
    %swap3A_924 = arith.index_cast %get3A_922 : i32 to index
    %swap3A_925 = arith.constant 0 : index
    %swap3A_926 = vector.load %arg6[%swap3A_923, %swap3A_924, %swap3A_925] : memref<1x2048x128xf32, #tpu.memory_space<vmem>>, vector<1x1x64xf32>
    %swap3A_927 = vector.shape_cast %swap3A_926 : vector<1x1x64xf32> to vector<1x64xf32>
    %swap3A_928 = vector.shape_cast %slice3A_918 : vector<1x64xf32> to vector<1x1x64xf32>
    tpu.vector_store %arg6[%swap3A_923, %swap3A_924, %swap3A_925], %swap3A_928 {strides = array<i32>} : memref<1x2048x128xf32, #tpu.memory_space<vmem>>, vector<1x1x64xf32>,
    %slice3A_929 = vector.extract_strided_slice %div3A_895 {offsets = [3, 0], sizes = [1, 64], strides = [1, 1]} : vector<64x64xf32> to vector<1x64xf32>
    %get3A_930 = arith.index_cast %arg0 : i32 to index
    %get3A_931 = arith.index_cast %add3A_1 : i32 to index
    %get3A_932 = arith.constant 3 : index
    %get3A_933 = memref.load %arg2[%get3A_930, %get3A_931, %get3A_932] : memref<2x16x64xi32, #tpu.memory_space<smem>>
    %swap3A_934 = arith.constant 0 : index
    %swap3A_935 = arith.index_cast %get3A_933 : i32 to index
    %swap3A_936 = arith.constant 0 : index
    %swap3A_937 = vector.load %arg6[%swap3A_934, %swap3A_935, %swap3A_936] : memref<1x2048x128xf32, #tpu.memory_space<vmem>>, vector<1x1x64xf32>
    %swap3A_938 = vector.shape_cast %swap3A_937 : vector<1x1x64xf32> to vector<1x64xf32>
    %swap3A_939 = vector.shape_cast %slice3A_929 : vector<1x64xf32> to vector<1x1x64xf32>
    tpu.vector_store %arg6[%swap3A_934, %swap3A_935, %swap3A_936], %swap3A_939 {strides = array<i32>} : memref<1x2048x128xf32, #tpu.memory_space<vmem>>, vector<1x1x64xf32>,
    %slice3A_940 = vector.extract_strided_slice %div3A_895 {offsets = [4, 0], sizes = [1, 64], strides = [1, 1]} : vector<64x64xf32> to vector<1x64xf32>
    %get3A_941 = arith.index_cast %arg0 : i32 to index
    %get3A_942 = arith.index_cast %add3A_1 : i32 to index
    %get3A_943 = arith.constant 4 : index
    %get3A_944 = memref.load %arg2[%get3A_941, %get3A_942, %get3A_943] : memref<2x16x64xi32, #tpu.memory_space<smem>>
    %swap3A_945 = arith.constant 0 : index
    %swap3A_946 = arith.index_cast %get3A_944 : i32 to index
    %swap3A_947 = arith.constant 0 : index
    %swap3A_948 = vector.load %arg6[%swap3A_945, %swap3A_946, %swap3A_947] : memref<1x2048x128xf32, #tpu.memory_space<vmem>>, vector<1x1x64xf32>
    %swap3A_949 = vector.shape_cast %swap3A_948 : vector<1x1x64xf32> to vector<1x64xf32>
    %swap3A_950 = vector.shape_cast %slice3A_940 : vector<1x64xf32> to vector<1x1x64xf32>
    tpu.vector_store %arg6[%swap3A_945, %swap3A_946, %swap3A_947], %swap3A_950 {strides = array<i32>} : memref<1x2048x128xf32, #tpu.memory_space<vmem>>, vector<1x1x64xf32>,
    %slice3A_951 = vector.extract_strided_slice %div3A_895 {offsets = [5, 0], sizes = [1, 64], strides = [1, 1]} : vector<64x64xf32> to vector<1x64xf32>
    %get3A_952 = arith.index_cast %arg0 : i32 to index
    %get3A_953 = arith.index_cast %add3A_1 : i32 to index
    %get3A_954 = arith.constant 5 : index
    %get3A_955 = memref.load %arg2[%get3A_952, %get3A_953, %get3A_954] : memref<2x16x64xi32, #tpu.memory_space<smem>>
    %swap3A_956 = arith.constant 0 : index
    %swap3A_957 = arith.index_cast %get3A_955 : i32 to index
    %swap3A_958 = arith.constant 0 : index
    %swap3A_959 = vector.load %arg6[%swap3A_956, %swap3A_957, %swap3A_958] : memref<1x2048x128xf32, #tpu.memory_space<vmem>>, vector<1x1x64xf32>
    %swap3A_960 = vector.shape_cast %swap3A_959 : vector<1x1x64xf32> to vector<1x64xf32>
    %swap3A_961 = vector.shape_cast %slice3A_951 : vector<1x64xf32> to vector<1x1x64xf32>
    tpu.vector_store %arg6[%swap3A_956, %swap3A_957, %swap3A_958], %swap3A_961 {strides = array<i32>} : memref<1x2048x128xf32, #tpu.memory_space<vmem>>, vector<1x1x64xf32>,
    %slice3A_962 = vector.extract_strided_slice %div3A_895 {offsets = [6, 0], sizes = [1, 64], strides = [1, 1]} : vector<64x64xf32> to vector<1x64xf32>
    %get3A_963 = arith.index_cast %arg0 : i32 to index
    %get3A_964 = arith.index_cast %add3A_1 : i32 to index
    %get3A_965 = arith.constant 6 : index
    %get3A_966 = memref.load %arg2[%get3A_963, %get3A_964, %get3A_965] : memref<2x16x64xi32, #tpu.memory_space<smem>>
    %swap3A_967 = arith.constant 0 : index
    %swap3A_968 = arith.index_cast %get3A_966 : i32 to index
    %swap3A_969 = arith.constant 0 : index
    %swap3A_970 = vector.load %arg6[%swap3A_967, %swap3A_968, %swap3A_969] : memref<1x2048x128xf32, #tpu.memory_space<vmem>>, vector<1x1x64xf32>
    %swap3A_971 = vector.shape_cast %swap3A_970 : vector<1x1x64xf32> to vector<1x64xf32>
    %swap3A_972 = vector.shape_cast %slice3A_962 : vector<1x64xf32> to vector<1x1x64xf32>
    tpu.vector_store %arg6[%swap3A_967, %swap3A_968, %swap3A_969], %swap3A_972 {strides = array<i32>} : memref<1x2048x128xf32, #tpu.memory_space<vmem>>, vector<1x1x64xf32>,
    %slice3A_973 = vector.extract_strided_slice %div3A_895 {offsets = [7, 0], sizes = [1, 64], strides = [1, 1]} : vector<64x64xf32> to vector<1x64xf32>
    %get3A_974 = arith.index_cast %arg0 : i32 to index
    %get3A_975 = arith.index_cast %add3A_1 : i32 to index
    %get3A_976 = arith.constant 7 : index
    %get3A_977 = memref.load %arg2[%get3A_974, %get3A_975, %get3A_976] : memref<2x16x64xi32, #tpu.memory_space<smem>>
    %swap3A_978 = arith.constant 0 : index
    %swap3A_979 = arith.index_cast %get3A_977 : i32 to index
    %swap3A_980 = arith.constant 0 : index
    %swap3A_981 = vector.load %arg6[%swap3A_978, %swap3A_979, %swap3A_980] : memref<1x2048x128xf32, #tpu.memory_space<vmem>>, vector<1x1x64xf32>
    %swap3A_982 = vector.shape_cast %swap3A_981 : vector<1x1x64xf32> to vector<1x64xf32>
    %swap3A_983 = vector.shape_cast %slice3A_973 : vector<1x64xf32> to vector<1x1x64xf32>
    tpu.vector_store %arg6[%swap3A_978, %swap3A_979, %swap3A_980], %swap3A_983 {strides = array<i32>} : memref<1x2048x128xf32, #tpu.memory_space<vmem>>, vector<1x1x64xf32>,
    %slice3A_984 = vector.extract_strided_slice %div3A_895 {offsets = [8, 0], sizes = [1, 64], strides = [1, 1]} : vector<64x64xf32> to vector<1x64xf32>
    %get3A_985 = arith.index_cast %arg0 : i32 to index
    %get3A_986 = arith.index_cast %add3A_1 : i32 to index
    %get3A_987 = arith.constant 8 : index
    %get3A_988 = memref.load %arg2[%get3A_985, %get3A_986, %get3A_987] : memref<2x16x64xi32, #tpu.memory_space<smem>>
    %swap3A_989 = arith.constant 0 : index
    %swap3A_990 = arith.index_cast %get3A_988 : i32 to index
    %swap3A_991 = arith.constant 0 : index
    %swap3A_992 = vector.load %arg6[%swap3A_989, %swap3A_990, %swap3A_991] : memref<1x2048x128xf32, #tpu.memory_space<vmem>>, vector<1x1x64xf32>
    %swap3A_993 = vector.shape_cast %swap3A_992 : vector<1x1x64xf32> to vector<1x64xf32>
    %swap3A_994 = vector.shape_cast %slice3A_984 : vector<1x64xf32> to vector<1x1x64xf32>
    tpu.vector_store %arg6[%swap3A_989, %swap3A_990, %swap3A_991], %swap3A_994 {strides = array<i32>} : memref<1x2048x128xf32, #tpu.memory_space<vmem>>, vector<1x1x64xf32>,
    %slice3A_995 = vector.extract_strided_slice %div3A_895 {offsets = [9, 0], sizes = [1, 64], strides = [1, 1]} : vector<64x64xf32> to vector<1x64xf32>
    %get3A_996 = arith.index_cast %arg0 : i32 to index
    %get3A_997 = arith.index_cast %add3A_1 : i32 to index
    %get3A_998 = arith.constant 9 : index
    %get3A_999 = memref.load %arg2[%get3A_996, %get3A_997, %get3A_998] : memref<2x16x64xi32, #tpu.memory_space<smem>>
    %swap3A_1000 = arith.constant 0 : index
    %swap3A_1001 = arith.index_cast %get3A_999 : i32 to index
    %swap3A_1002 = arith.constant 0 : index
    %swap3A_1003 = vector.load %arg6[%swap3A_1000, %swap3A_1001, %swap3A_1002] : memref<1x2048x128xf32, #tpu.memory_space<vmem>>, vector<1x1x64xf32>
    %swap3A_1004 = vector.shape_cast %swap3A_1003 : vector<1x1x64xf32> to vector<1x64xf32>
    %swap3A_1005 = vector.shape_cast %slice3A_995 : vector<1x64xf32> to vector<1x1x64xf32>
    tpu.vector_store %arg6[%swap3A_1000, %swap3A_1001, %swap3A_1002], %swap3A_1005 {strides = array<i32>} : memref<1x2048x128xf32, #tpu.memory_space<vmem>>, vector<1x1x64xf32>,
    %slice3A_1006 = vector.extract_strided_slice %div3A_895 {offsets = [10, 0], sizes = [1, 64], strides = [1, 1]} : vector<64x64xf32> to vector<1x64xf32>
    %get3A_1007 = arith.index_cast %arg0 : i32 to index
    %get3A_1008 = arith.index_cast %add3A_1 : i32 to index
    %get3A_1009 = arith.constant 10 : index
    %get3A_1010 = memref.load %arg2[%get3A_1007, %get3A_1008, %get3A_1009] : memref<2x16x64xi32, #tpu.memory_space<smem>>
    %swap3A_1011 = arith.constant 0 : index
    %swap3A_1012 = arith.index_cast %get3A_1010 : i32 to index
    %swap3A_1013 = arith.constant 0 : index
    %swap3A_1014 = vector.load %arg6[%swap3A_1011, %swap3A_1012, %swap3A_1013] : memref<1x2048x128xf32, #tpu.memory_space<vmem>>, vector<1x1x64xf32>
    %swap3A_1015 = vector.shape_cast %swap3A_1014 : vector<1x1x64xf32> to vector<1x64xf32>
    %swap3A_1016 = vector.shape_cast %slice3A_1006 : vector<1x64xf32> to vector<1x1x64xf32>
    tpu.vector_store %arg6[%swap3A_1011, %swap3A_1012, %swap3A_1013], %swap3A_1016 {strides = array<i32>} : memref<1x2048x128xf32, #tpu.memory_space<vmem>>, vector<1x1x64xf32>,
    %slice3A_1017 = vector.extract_strided_slice %div3A_895 {offsets = [11, 0], sizes = [1, 64], strides = [1, 1]} : vector<64x64xf32> to vector<1x64xf32>
    %get3A_1018 = arith.index_cast %arg0 : i32 to index
    %get3A_1019 = arith.index_cast %add3A_1 : i32 to index
    %get3A_1020 = arith.constant 11 : index
    %get3A_1021 = memref.load %arg2[%get3A_1018, %get3A_1019, %get3A_1020] : memref<2x16x64xi32, #tpu.memory_space<smem>>
    %swap3A_1022 = arith.constant 0 : index
    %swap3A_1023 = arith.index_cast %get3A_1021 : i32 to index
    %swap3A_1024 = arith.constant 0 : index
    %swap3A_1025 = vector.load %arg6[%swap3A_1022, %swap3A_1023, %swap3A_1024] : memref<1x2048x128xf32, #tpu.memory_space<vmem>>, vector<1x1x64xf32>
    %swap3A_1026 = vector.shape_cast %swap3A_1025 : vector<1x1x64xf32> to vector<1x64xf32>
    %swap3A_1027 = vector.shape_cast %slice3A_1017 : vector<1x64xf32> to vector<1x1x64xf32>
    tpu.vector_store %arg6[%swap3A_1022, %swap3A_1023, %swap3A_1024], %swap3A_1027 {strides = array<i32>} : memref<1x2048x128xf32, #tpu.memory_space<vmem>>, vector<1x1x64xf32>,
    %slice3A_1028 = vector.extract_strided_slice %div3A_895 {offsets = [12, 0], sizes = [1, 64], strides = [1, 1]} : vector<64x64xf32> to vector<1x64xf32>
    %get3A_1029 = arith.index_cast %arg0 : i32 to index
    %get3A_1030 = arith.index_cast %add3A_1 : i32 to index
    %get3A_1031 = arith.constant 12 : index
    %get3A_1032 = memref.load %arg2[%get3A_1029, %get3A_1030, %get3A_1031] : memref<2x16x64xi32, #tpu.memory_space<smem>>
    %swap3A_1033 = arith.constant 0 : index
    %swap3A_1034 = arith.index_cast %get3A_1032 : i32 to index
    %swap3A_1035 = arith.constant 0 : index
    %swap3A_1036 = vector.load %arg6[%swap3A_1033, %swap3A_1034, %swap3A_1035] : memref<1x2048x128xf32, #tpu.memory_space<vmem>>, vector<1x1x64xf32>
    %swap3A_1037 = vector.shape_cast %swap3A_1036 : vector<1x1x64xf32> to vector<1x64xf32>
    %swap3A_1038 = vector.shape_cast %slice3A_1028 : vector<1x64xf32> to vector<1x1x64xf32>
    tpu.vector_store %arg6[%swap3A_1033, %swap3A_1034, %swap3A_1035], %swap3A_1038 {strides = array<i32>} : memref<1x2048x128xf32, #tpu.memory_space<vmem>>, vector<1x1x64xf32>,
    %slice3A_1039 = vector.extract_strided_slice %div3A_895 {offsets = [13, 0], sizes = [1, 64], strides = [1, 1]} : vector<64x64xf32> to vector<1x64xf32>
    %get3A_1040 = arith.index_cast %arg0 : i32 to index
    %get3A_1041 = arith.index_cast %add3A_1 : i32 to index
    %get3A_1042 = arith.constant 13 : index
    %get3A_1043 = memref.load %arg2[%get3A_1040, %get3A_1041, %get3A_1042] : memref<2x16x64xi32, #tpu.memory_space<smem>>
    %swap3A_1044 = arith.constant 0 : index
    %swap3A_1045 = arith.index_cast %get3A_1043 : i32 to index
    %swap3A_1046 = arith.constant 0 : index
    %swap3A_1047 = vector.load %arg6[%swap3A_1044, %swap3A_1045, %swap3A_1046] : memref<1x2048x128xf32, #tpu.memory_space<vmem>>, vector<1x1x64xf32>
    %swap3A_1048 = vector.shape_cast %swap3A_1047 : vector<1x1x64xf32> to vector<1x64xf32>
    %swap3A_1049 = vector.shape_cast %slice3A_1039 : vector<1x64xf32> to vector<1x1x64xf32>
    tpu.vector_store %arg6[%swap3A_1044, %swap3A_1045, %swap3A_1046], %swap3A_1049 {strides = array<i32>} : memref<1x2048x128xf32, #tpu.memory_space<vmem>>, vector<1x1x64xf32>,
    %slice3A_1050 = vector.extract_strided_slice %div3A_895 {offsets = [14, 0], sizes = [1, 64], strides = [1, 1]} : vector<64x64xf32> to vector<1x64xf32>
    %get3A_1051 = arith.index_cast %arg0 : i32 to index
    %get3A_1052 = arith.index_cast %add3A_1 : i32 to index
    %get3A_1053 = arith.constant 14 : index
    %get3A_1054 = memref.load %arg2[%get3A_1051, %get3A_1052, %get3A_1053] : memref<2x16x64xi32, #tpu.memory_space<smem>>
    %swap3A_1055 = arith.constant 0 : index
    %swap3A_1056 = arith.index_cast %get3A_1054 : i32 to index
    %swap3A_1057 = arith.constant 0 : index
    %swap3A_1058 = vector.load %arg6[%swap3A_1055, %swap3A_1056, %swap3A_1057] : memref<1x2048x128xf32, #tpu.memory_space<vmem>>, vector<1x1x64xf32>
    %swap3A_1059 = vector.shape_cast %swap3A_1058 : vector<1x1x64xf32> to vector<1x64xf32>
    %swap3A_1060 = vector.shape_cast %slice3A_1050 : vector<1x64xf32> to vector<1x1x64xf32>
    tpu.vector_store %arg6[%swap3A_1055, %swap3A_1056, %swap3A_1057], %swap3A_1060 {strides = array<i32>} : memref<1x2048x128xf32, #tpu.memory_space<vmem>>, vector<1x1x64xf32>,
    %slice3A_1061 = vector.extract_strided_slice %div3A_895 {offsets = [15, 0], sizes = [1, 64], strides = [1, 1]} : vector<64x64xf32> to vector<1x64xf32>
    %get3A_1062 = arith.index_cast %arg0 : i32 to index
    %get3A_1063 = arith.index_cast %add3A_1 : i32 to index
    %get3A_1064 = arith.constant 15 : index
    %get3A_1065 = memref.load %arg2[%get3A_1062, %get3A_1063, %get3A_1064] : memref<2x16x64xi32, #tpu.memory_space<smem>>
    %swap3A_1066 = arith.constant 0 : index
    %swap3A_1067 = arith.index_cast %get3A_1065 : i32 to index
    %swap3A_1068 = arith.constant 0 : index
    %swap3A_1069 = vector.load %arg6[%swap3A_1066, %swap3A_1067, %swap3A_1068] : memref<1x2048x128xf32, #tpu.memory_space<vmem>>, vector<1x1x64xf32>
    %swap3A_1070 = vector.shape_cast %swap3A_1069 : vector<1x1x64xf32> to vector<1x64xf32>
    %swap3A_1071 = vector.shape_cast %slice3A_1061 : vector<1x64xf32> to vector<1x1x64xf32>
    tpu.vector_store %arg6[%swap3A_1066, %swap3A_1067, %swap3A_1068], %swap3A_1071 {strides = array<i32>} : memref<1x2048x128xf32, #tpu.memory_space<vmem>>, vector<1x1x64xf32>,
    %slice3A_1072 = vector.extract_strided_slice %div3A_895 {offsets = [16, 0], sizes = [1, 64], strides = [1, 1]} : vector<64x64xf32> to vector<1x64xf32>
    %get3A_1073 = arith.index_cast %arg0 : i32 to index
    %get3A_1074 = arith.index_cast %add3A_1 : i32 to index
    %get3A_1075 = arith.constant 16 : index
    %get3A_1076 = memref.load %arg2[%get3A_1073, %get3A_1074, %get3A_1075] : memref<2x16x64xi32, #tpu.memory_space<smem>>
    %swap3A_1077 = arith.constant 0 : index
    %swap3A_1078 = arith.index_cast %get3A_1076 : i32 to index
    %swap3A_1079 = arith.constant 0 : index
    %swap3A_1080 = vector.load %arg6[%swap3A_1077, %swap3A_1078, %swap3A_1079] : memref<1x2048x128xf32, #tpu.memory_space<vmem>>, vector<1x1x64xf32>
    %swap3A_1081 = vector.shape_cast %swap3A_1080 : vector<1x1x64xf32> to vector<1x64xf32>
    %swap3A_1082 = vector.shape_cast %slice3A_1072 : vector<1x64xf32> to vector<1x1x64xf32>
    tpu.vector_store %arg6[%swap3A_1077, %swap3A_1078, %swap3A_1079], %swap3A_1082 {strides = array<i32>} : memref<1x2048x128xf32, #tpu.memory_space<vmem>>, vector<1x1x64xf32>,
    %slice3A_1083 = vector.extract_strided_slice %div3A_895 {offsets = [17, 0], sizes = [1, 64], strides = [1, 1]} : vector<64x64xf32> to vector<1x64xf32>
    %get3A_1084 = arith.index_cast %arg0 : i32 to index
    %get3A_1085 = arith.index_cast %add3A_1 : i32 to index
    %get3A_1086 = arith.constant 17 : index
    %get3A_1087 = memref.load %arg2[%get3A_1084, %get3A_1085, %get3A_1086] : memref<2x16x64xi32, #tpu.memory_space<smem>>
    %swap3A_1088 = arith.constant 0 : index
    %swap3A_1089 = arith.index_cast %get3A_1087 : i32 to index
    %swap3A_1090 = arith.constant 0 : index
    %swap3A_1091 = vector.load %arg6[%swap3A_1088, %swap3A_1089, %swap3A_1090] : memref<1x2048x128xf32, #tpu.memory_space<vmem>>, vector<1x1x64xf32>
    %swap3A_1092 = vector.shape_cast %swap3A_1091 : vector<1x1x64xf32> to vector<1x64xf32>
    %swap3A_1093 = vector.shape_cast %slice3A_1083 : vector<1x64xf32> to vector<1x1x64xf32>
    tpu.vector_store %arg6[%swap3A_1088, %swap3A_1089, %swap3A_1090], %swap3A_1093 {strides = array<i32>} : memref<1x2048x128xf32, #tpu.memory_space<vmem>>, vector<1x1x64xf32>,
    %slice3A_1094 = vector.extract_strided_slice %div3A_895 {offsets = [18, 0], sizes = [1, 64], strides = [1, 1]} : vector<64x64xf32> to vector<1x64xf32>
    %get3A_1095 = arith.index_cast %arg0 : i32 to index
    %get3A_1096 = arith.index_cast %add3A_1 : i32 to index
    %get3A_1097 = arith.constant 18 : index
    %get3A_1098 = memref.load %arg2[%get3A_1095, %get3A_1096, %get3A_1097] : memref<2x16x64xi32, #tpu.memory_space<smem>>
    %swap3A_1099 = arith.constant 0 : index
    %swap3A_1100 = arith.index_cast %get3A_1098 : i32 to index
    %swap3A_1101 = arith.constant 0 : index
    %swap3A_1102 = vector.load %arg6[%swap3A_1099, %swap3A_1100, %swap3A_1101] : memref<1x2048x128xf32, #tpu.memory_space<vmem>>, vector<1x1x64xf32>
    %swap3A_1103 = vector.shape_cast %swap3A_1102 : vector<1x1x64xf32> to vector<1x64xf32>
    %swap3A_1104 = vector.shape_cast %slice3A_1094 : vector<1x64xf32> to vector<1x1x64xf32>
    tpu.vector_store %arg6[%swap3A_1099, %swap3A_1100, %swap3A_1101], %swap3A_1104 {strides = array<i32>} : memref<1x2048x128xf32, #tpu.memory_space<vmem>>, vector<1x1x64xf32>,
    %slice3A_1105 = vector.extract_strided_slice %div3A_895 {offsets = [19, 0], sizes = [1, 64], strides = [1, 1]} : vector<64x64xf32> to vector<1x64xf32>
    %get3A_1106 = arith.index_cast %arg0 : i32 to index
    %get3A_1107 = arith.index_cast %add3A_1 : i32 to index
    %get3A_1108 = arith.constant 19 : index
    %get3A_1109 = memref.load %arg2[%get3A_1106, %get3A_1107, %get3A_1108] : memref<2x16x64xi32, #tpu.memory_space<smem>>
    %swap3A_1110 = arith.constant 0 : index
    %swap3A_1111 = arith.index_cast %get3A_1109 : i32 to index
    %swap3A_1112 = arith.constant 0 : index
    %swap3A_1113 = vector.load %arg6[%swap3A_1110, %swap3A_1111, %swap3A_1112] : memref<1x2048x128xf32, #tpu.memory_space<vmem>>, vector<1x1x64xf32>
    %swap3A_1114 = vector.shape_cast %swap3A_1113 : vector<1x1x64xf32> to vector<1x64xf32>
    %swap3A_1115 = vector.shape_cast %slice3A_1105 : vector<1x64xf32> to vector<1x1x64xf32>
    tpu.vector_store %arg6[%swap3A_1110, %swap3A_1111, %swap3A_1112], %swap3A_1115 {strides = array<i32>} : memref<1x2048x128xf32, #tpu.memory_space<vmem>>, vector<1x1x64xf32>,
    %slice3A_1116 = vector.extract_strided_slice %div3A_895 {offsets = [20, 0], sizes = [1, 64], strides = [1, 1]} : vector<64x64xf32> to vector<1x64xf32>
    %get3A_1117 = arith.index_cast %arg0 : i32 to index
    %get3A_1118 = arith.index_cast %add3A_1 : i32 to index
    %get3A_1119 = arith.constant 20 : index
    %get3A_1120 = memref.load %arg2[%get3A_1117, %get3A_1118, %get3A_1119] : memref<2x16x64xi32, #tpu.memory_space<smem>>
    %swap3A_1121 = arith.constant 0 : index
    %swap3A_1122 = arith.index_cast %get3A_1120 : i32 to index
    %swap3A_1123 = arith.constant 0 : index
    %swap3A_1124 = vector.load %arg6[%swap3A_1121, %swap3A_1122, %swap3A_1123] : memref<1x2048x128xf32, #tpu.memory_space<vmem>>, vector<1x1x64xf32>
    %swap3A_1125 = vector.shape_cast %swap3A_1124 : vector<1x1x64xf32> to vector<1x64xf32>
    %swap3A_1126 = vector.shape_cast %slice3A_1116 : vector<1x64xf32> to vector<1x1x64xf32>
    tpu.vector_store %arg6[%swap3A_1121, %swap3A_1122, %swap3A_1123], %swap3A_1126 {strides = array<i32>} : memref<1x2048x128xf32, #tpu.memory_space<vmem>>, vector<1x1x64xf32>,
    %slice3A_1127 = vector.extract_strided_slice %div3A_895 {offsets = [21, 0], sizes = [1, 64], strides = [1, 1]} : vector<64x64xf32> to vector<1x64xf32>
    %get3A_1128 = arith.index_cast %arg0 : i32 to index
    %get3A_1129 = arith.index_cast %add3A_1 : i32 to index
    %get3A_1130 = arith.constant 21 : index
    %get3A_1131 = memref.load %arg2[%get3A_1128, %get3A_1129, %get3A_1130] : memref<2x16x64xi32, #tpu.memory_space<smem>>
    %swap3A_1132 = arith.constant 0 : index
    %swap3A_1133 = arith.index_cast %get3A_1131 : i32 to index
    %swap3A_1134 = arith.constant 0 : index
    %swap3A_1135 = vector.load %arg6[%swap3A_1132, %swap3A_1133, %swap3A_1134] : memref<1x2048x128xf32, #tpu.memory_space<vmem>>, vector<1x1x64xf32>
    %swap3A_1136 = vector.shape_cast %swap3A_1135 : vector<1x1x64xf32> to vector<1x64xf32>
    %swap3A_1137 = vector.shape_cast %slice3A_1127 : vector<1x64xf32> to vector<1x1x64xf32>
    tpu.vector_store %arg6[%swap3A_1132, %swap3A_1133, %swap3A_1134], %swap3A_1137 {strides = array<i32>} : memref<1x2048x128xf32, #tpu.memory_space<vmem>>, vector<1x1x64xf32>,
    %slice3A_1138 = vector.extract_strided_slice %div3A_895 {offsets = [22, 0], sizes = [1, 64], strides = [1, 1]} : vector<64x64xf32> to vector<1x64xf32>
    %get3A_1139 = arith.index_cast %arg0 : i32 to index
    %get3A_1140 = arith.index_cast %add3A_1 : i32 to index
    %get3A_1141 = arith.constant 22 : index
    %get3A_1142 = memref.load %arg2[%get3A_1139, %get3A_1140, %get3A_1141] : memref<2x16x64xi32, #tpu.memory_space<smem>>
    %swap3A_1143 = arith.constant 0 : index
    %swap3A_1144 = arith.index_cast %get3A_1142 : i32 to index
    %swap3A_1145 = arith.constant 0 : index
    %swap3A_1146 = vector.load %arg6[%swap3A_1143, %swap3A_1144, %swap3A_1145] : memref<1x2048x128xf32, #tpu.memory_space<vmem>>, vector<1x1x64xf32>
    %swap3A_1147 = vector.shape_cast %swap3A_1146 : vector<1x1x64xf32> to vector<1x64xf32>
    %swap3A_1148 = vector.shape_cast %slice3A_1138 : vector<1x64xf32> to vector<1x1x64xf32>
    tpu.vector_store %arg6[%swap3A_1143, %swap3A_1144, %swap3A_1145], %swap3A_1148 {strides = array<i32>} : memref<1x2048x128xf32, #tpu.memory_space<vmem>>, vector<1x1x64xf32>,
    %slice3A_1149 = vector.extract_strided_slice %div3A_895 {offsets = [23, 0], sizes = [1, 64], strides = [1, 1]} : vector<64x64xf32> to vector<1x64xf32>
    %get3A_1150 = arith.index_cast %arg0 : i32 to index
    %get3A_1151 = arith.index_cast %add3A_1 : i32 to index
    %get3A_1152 = arith.constant 23 : index
    %get3A_1153 = memref.load %arg2[%get3A_1150, %get3A_1151, %get3A_1152] : memref<2x16x64xi32, #tpu.memory_space<smem>>
    %swap3A_1154 = arith.constant 0 : index
    %swap3A_1155 = arith.index_cast %get3A_1153 : i32 to index
    %swap3A_1156 = arith.constant 0 : index
    %swap3A_1157 = vector.load %arg6[%swap3A_1154, %swap3A_1155, %swap3A_1156] : memref<1x2048x128xf32, #tpu.memory_space<vmem>>, vector<1x1x64xf32>
    %swap3A_1158 = vector.shape_cast %swap3A_1157 : vector<1x1x64xf32> to vector<1x64xf32>
    %swap3A_1159 = vector.shape_cast %slice3A_1149 : vector<1x64xf32> to vector<1x1x64xf32>
    tpu.vector_store %arg6[%swap3A_1154, %swap3A_1155, %swap3A_1156], %swap3A_1159 {strides = array<i32>} : memref<1x2048x128xf32, #tpu.memory_space<vmem>>, vector<1x1x64xf32>,
    %slice3A_1160 = vector.extract_strided_slice %div3A_895 {offsets = [24, 0], sizes = [1, 64], strides = [1, 1]} : vector<64x64xf32> to vector<1x64xf32>
    %get3A_1161 = arith.index_cast %arg0 : i32 to index
    %get3A_1162 = arith.index_cast %add3A_1 : i32 to index
    %get3A_1163 = arith.constant 24 : index
    %get3A_1164 = memref.load %arg2[%get3A_1161, %get3A_1162, %get3A_1163] : memref<2x16x64xi32, #tpu.memory_space<smem>>
    %swap3A_1165 = arith.constant 0 : index
    %swap3A_1166 = arith.index_cast %get3A_1164 : i32 to index
    %swap3A_1167 = arith.constant 0 : index
    %swap3A_1168 = vector.load %arg6[%swap3A_1165, %swap3A_1166, %swap3A_1167] : memref<1x2048x128xf32, #tpu.memory_space<vmem>>, vector<1x1x64xf32>
    %swap3A_1169 = vector.shape_cast %swap3A_1168 : vector<1x1x64xf32> to vector<1x64xf32>
    %swap3A_1170 = vector.shape_cast %slice3A_1160 : vector<1x64xf32> to vector<1x1x64xf32>
    tpu.vector_store %arg6[%swap3A_1165, %swap3A_1166, %swap3A_1167], %swap3A_1170 {strides = array<i32>} : memref<1x2048x128xf32, #tpu.memory_space<vmem>>, vector<1x1x64xf32>,
    %slice3A_1171 = vector.extract_strided_slice %div3A_895 {offsets = [25, 0], sizes = [1, 64], strides = [1, 1]} : vector<64x64xf32> to vector<1x64xf32>
    %get3A_1172 = arith.index_cast %arg0 : i32 to index
    %get3A_1173 = arith.index_cast %add3A_1 : i32 to index
    %get3A_1174 = arith.constant 25 : index
    %get3A_1175 = memref.load %arg2[%get3A_1172, %get3A_1173, %get3A_1174] : memref<2x16x64xi32, #tpu.memory_space<smem>>
    %swap3A_1176 = arith.constant 0 : index
    %swap3A_1177 = arith.index_cast %get3A_1175 : i32 to index
    %swap3A_1178 = arith.constant 0 : index
    %swap3A_1179 = vector.load %arg6[%swap3A_1176, %swap3A_1177, %swap3A_1178] : memref<1x2048x128xf32, #tpu.memory_space<vmem>>, vector<1x1x64xf32>
    %swap3A_1180 = vector.shape_cast %swap3A_1179 : vector<1x1x64xf32> to vector<1x64xf32>
    %swap3A_1181 = vector.shape_cast %slice3A_1171 : vector<1x64xf32> to vector<1x1x64xf32>
    tpu.vector_store %arg6[%swap3A_1176, %swap3A_1177, %swap3A_1178], %swap3A_1181 {strides = array<i32>} : memref<1x2048x128xf32, #tpu.memory_space<vmem>>, vector<1x1x64xf32>,
    %slice3A_1182 = vector.extract_strided_slice %div3A_895 {offsets = [26, 0], sizes = [1, 64], strides = [1, 1]} : vector<64x64xf32> to vector<1x64xf32>
    %get3A_1183 = arith.index_cast %arg0 : i32 to index
    %get3A_1184 = arith.index_cast %add3A_1 : i32 to index
    %get3A_1185 = arith.constant 26 : index
    %get3A_1186 = memref.load %arg2[%get3A_1183, %get3A_1184, %get3A_1185] : memref<2x16x64xi32, #tpu.memory_space<smem>>
    %swap3A_1187 = arith.constant 0 : index
    %swap3A_1188 = arith.index_cast %get3A_1186 : i32 to index
    %swap3A_1189 = arith.constant 0 : index
    %swap3A_1190 = vector.load %arg6[%swap3A_1187, %swap3A_1188, %swap3A_1189] : memref<1x2048x128xf32, #tpu.memory_space<vmem>>, vector<1x1x64xf32>
    %swap3A_1191 = vector.shape_cast %swap3A_1190 : vector<1x1x64xf32> to vector<1x64xf32>
    %swap3A_1192 = vector.shape_cast %slice3A_1182 : vector<1x64xf32> to vector<1x1x64xf32>
    tpu.vector_store %arg6[%swap3A_1187, %swap3A_1188, %swap3A_1189], %swap3A_1192 {strides = array<i32>} : memref<1x2048x128xf32, #tpu.memory_space<vmem>>, vector<1x1x64xf32>,
    %slice3A_1193 = vector.extract_strided_slice %div3A_895 {offsets = [27, 0], sizes = [1, 64], strides = [1, 1]} : vector<64x64xf32> to vector<1x64xf32>
    %get3A_1194 = arith.index_cast %arg0 : i32 to index
    %get3A_1195 = arith.index_cast %add3A_1 : i32 to index
    %get3A_1196 = arith.constant 27 : index
    %get3A_1197 = memref.load %arg2[%get3A_1194, %get3A_1195, %get3A_1196] : memref<2x16x64xi32, #tpu.memory_space<smem>>
    %swap3A_1198 = arith.constant 0 : index
    %swap3A_1199 = arith.index_cast %get3A_1197 : i32 to index
    %swap3A_1200 = arith.constant 0 : index
    %swap3A_1201 = vector.load %arg6[%swap3A_1198, %swap3A_1199, %swap3A_1200] : memref<1x2048x128xf32, #tpu.memory_space<vmem>>, vector<1x1x64xf32>
    %swap3A_1202 = vector.shape_cast %swap3A_1201 : vector<1x1x64xf32> to vector<1x64xf32>
    %swap3A_1203 = vector.shape_cast %slice3A_1193 : vector<1x64xf32> to vector<1x1x64xf32>
    tpu.vector_store %arg6[%swap3A_1198, %swap3A_1199, %swap3A_1200], %swap3A_1203 {strides = array<i32>} : memref<1x2048x128xf32, #tpu.memory_space<vmem>>, vector<1x1x64xf32>,
    %slice3A_1204 = vector.extract_strided_slice %div3A_895 {offsets = [28, 0], sizes = [1, 64], strides = [1, 1]} : vector<64x64xf32> to vector<1x64xf32>
    %get3A_1205 = arith.index_cast %arg0 : i32 to index
    %get3A_1206 = arith.index_cast %add3A_1 : i32 to index
    %get3A_1207 = arith.constant 28 : index
    %get3A_1208 = memref.load %arg2[%get3A_1205, %get3A_1206, %get3A_1207] : memref<2x16x64xi32, #tpu.memory_space<smem>>
    %swap3A_1209 = arith.constant 0 : index
    %swap3A_1210 = arith.index_cast %get3A_1208 : i32 to index
    %swap3A_1211 = arith.constant 0 : index
    %swap3A_1212 = vector.load %arg6[%swap3A_1209, %swap3A_1210, %swap3A_1211] : memref<1x2048x128xf32, #tpu.memory_space<vmem>>, vector<1x1x64xf32>
    %swap3A_1213 = vector.shape_cast %swap3A_1212 : vector<1x1x64xf32> to vector<1x64xf32>
    %swap3A_1214 = vector.shape_cast %slice3A_1204 : vector<1x64xf32> to vector<1x1x64xf32>
    tpu.vector_store %arg6[%swap3A_1209, %swap3A_1210, %swap3A_1211], %swap3A_1214 {strides = array<i32>} : memref<1x2048x128xf32, #tpu.memory_space<vmem>>, vector<1x1x64xf32>,
    %slice3A_1215 = vector.extract_strided_slice %div3A_895 {offsets = [29, 0], sizes = [1, 64], strides = [1, 1]} : vector<64x64xf32> to vector<1x64xf32>
    %get3A_1216 = arith.index_cast %arg0 : i32 to index
    %get3A_1217 = arith.index_cast %add3A_1 : i32 to index
    %get3A_1218 = arith.constant 29 : index
    %get3A_1219 = memref.load %arg2[%get3A_1216, %get3A_1217, %get3A_1218] : memref<2x16x64xi32, #tpu.memory_space<smem>>
    %swap3A_1220 = arith.constant 0 : index
    %swap3A_1221 = arith.index_cast %get3A_1219 : i32 to index
    %swap3A_1222 = arith.constant 0 : index
    %swap3A_1223 = vector.load %arg6[%swap3A_1220, %swap3A_1221, %swap3A_1222] : memref<1x2048x128xf32, #tpu.memory_space<vmem>>, vector<1x1x64xf32>
    %swap3A_1224 = vector.shape_cast %swap3A_1223 : vector<1x1x64xf32> to vector<1x64xf32>
    %swap3A_1225 = vector.shape_cast %slice3A_1215 : vector<1x64xf32> to vector<1x1x64xf32>
    tpu.vector_store %arg6[%swap3A_1220, %swap3A_1221, %swap3A_1222], %swap3A_1225 {strides = array<i32>} : memref<1x2048x128xf32, #tpu.memory_space<vmem>>, vector<1x1x64xf32>,
    %slice3A_1226 = vector.extract_strided_slice %div3A_895 {offsets = [30, 0], sizes = [1, 64], strides = [1, 1]} : vector<64x64xf32> to vector<1x64xf32>
    %get3A_1227 = arith.index_cast %arg0 : i32 to index
    %get3A_1228 = arith.index_cast %add3A_1 : i32 to index
    %get3A_1229 = arith.constant 30 : index
    %get3A_1230 = memref.load %arg2[%get3A_1227, %get3A_1228, %get3A_1229] : memref<2x16x64xi32, #tpu.memory_space<smem>>
    %swap3A_1231 = arith.constant 0 : index
    %swap3A_1232 = arith.index_cast %get3A_1230 : i32 to index
    %swap3A_1233 = arith.constant 0 : index
    %swap3A_1234 = vector.load %arg6[%swap3A_1231, %swap3A_1232, %swap3A_1233] : memref<1x2048x128xf32, #tpu.memory_space<vmem>>, vector<1x1x64xf32>
    %swap3A_1235 = vector.shape_cast %swap3A_1234 : vector<1x1x64xf32> to vector<1x64xf32>
    %swap3A_1236 = vector.shape_cast %slice3A_1226 : vector<1x64xf32> to vector<1x1x64xf32>
    tpu.vector_store %arg6[%swap3A_1231, %swap3A_1232, %swap3A_1233], %swap3A_1236 {strides = array<i32>} : memref<1x2048x128xf32, #tpu.memory_space<vmem>>, vector<1x1x64xf32>,
    %slice3A_1237 = vector.extract_strided_slice %div3A_895 {offsets = [31, 0], sizes = [1, 64], strides = [1, 1]} : vector<64x64xf32> to vector<1x64xf32>
    %get3A_1238 = arith.index_cast %arg0 : i32 to index
    %get3A_1239 = arith.index_cast %add3A_1 : i32 to index
    %get3A_1240 = arith.constant 31 : index
    %get3A_1241 = memref.load %arg2[%get3A_1238, %get3A_1239, %get3A_1240] : memref<2x16x64xi32, #tpu.memory_space<smem>>
    %swap3A_1242 = arith.constant 0 : index
    %swap3A_1243 = arith.index_cast %get3A_1241 : i32 to index
    %swap3A_1244 = arith.constant 0 : index
    %swap3A_1245 = vector.load %arg6[%swap3A_1242, %swap3A_1243, %swap3A_1244] : memref<1x2048x128xf32, #tpu.memory_space<vmem>>, vector<1x1x64xf32>
    %swap3A_1246 = vector.shape_cast %swap3A_1245 : vector<1x1x64xf32> to vector<1x64xf32>
    %swap3A_1247 = vector.shape_cast %slice3A_1237 : vector<1x64xf32> to vector<1x1x64xf32>
    tpu.vector_store %arg6[%swap3A_1242, %swap3A_1243, %swap3A_1244], %swap3A_1247 {strides = array<i32>} : memref<1x2048x128xf32, #tpu.memory_space<vmem>>, vector<1x1x64xf32>,
    %slice3A_1248 = vector.extract_strided_slice %div3A_895 {offsets = [32, 0], sizes = [1, 64], strides = [1, 1]} : vector<64x64xf32> to vector<1x64xf32>
    %get3A_1249 = arith.index_cast %arg0 : i32 to index
    %get3A_1250 = arith.index_cast %add3A_1 : i32 to index
    %get3A_1251 = arith.constant 32 : index
    %get3A_1252 = memref.load %arg2[%get3A_1249, %get3A_1250, %get3A_1251] : memref<2x16x64xi32, #tpu.memory_space<smem>>
    %swap3A_1253 = arith.constant 0 : index
    %swap3A_1254 = arith.index_cast %get3A_1252 : i32 to index
    %swap3A_1255 = arith.constant 0 : index
    %swap3A_1256 = vector.load %arg6[%swap3A_1253, %swap3A_1254, %swap3A_1255] : memref<1x2048x128xf32, #tpu.memory_space<vmem>>, vector<1x1x64xf32>
    %swap3A_1257 = vector.shape_cast %swap3A_1256 : vector<1x1x64xf32> to vector<1x64xf32>
    %swap3A_1258 = vector.shape_cast %slice3A_1248 : vector<1x64xf32> to vector<1x1x64xf32>
    tpu.vector_store %arg6[%swap3A_1253, %swap3A_1254, %swap3A_1255], %swap3A_1258 {strides = array<i32>} : memref<1x2048x128xf32, #tpu.memory_space<vmem>>, vector<1x1x64xf32>,
    %slice3A_1259 = vector.extract_strided_slice %div3A_895 {offsets = [33, 0], sizes = [1, 64], strides = [1, 1]} : vector<64x64xf32> to vector<1x64xf32>
    %get3A_1260 = arith.index_cast %arg0 : i32 to index
    %get3A_1261 = arith.index_cast %add3A_1 : i32 to index
    %get3A_1262 = arith.constant 33 : index
    %get3A_1263 = memref.load %arg2[%get3A_1260, %get3A_1261, %get3A_1262] : memref<2x16x64xi32, #tpu.memory_space<smem>>
    %swap3A_1264 = arith.constant 0 : index
    %swap3A_1265 = arith.index_cast %get3A_1263 : i32 to index
    %swap3A_1266 = arith.constant 0 : index
    %swap3A_1267 = vector.load %arg6[%swap3A_1264, %swap3A_1265, %swap3A_1266] : memref<1x2048x128xf32, #tpu.memory_space<vmem>>, vector<1x1x64xf32>
    %swap3A_1268 = vector.shape_cast %swap3A_1267 : vector<1x1x64xf32> to vector<1x64xf32>
    %swap3A_1269 = vector.shape_cast %slice3A_1259 : vector<1x64xf32> to vector<1x1x64xf32>
    tpu.vector_store %arg6[%swap3A_1264, %swap3A_1265, %swap3A_1266], %swap3A_1269 {strides = array<i32>} : memref<1x2048x128xf32, #tpu.memory_space<vmem>>, vector<1x1x64xf32>,
    %slice3A_1270 = vector.extract_strided_slice %div3A_895 {offsets = [34, 0], sizes = [1, 64], strides = [1, 1]} : vector<64x64xf32> to vector<1x64xf32>
    %get3A_1271 = arith.index_cast %arg0 : i32 to index
    %get3A_1272 = arith.index_cast %add3A_1 : i32 to index
    %get3A_1273 = arith.constant 34 : index
    %get3A_1274 = memref.load %arg2[%get3A_1271, %get3A_1272, %get3A_1273] : memref<2x16x64xi32, #tpu.memory_space<smem>>
    %swap3A_1275 = arith.constant 0 : index
    %swap3A_1276 = arith.index_cast %get3A_1274 : i32 to index
    %swap3A_1277 = arith.constant 0 : index
    %swap3A_1278 = vector.load %arg6[%swap3A_1275, %swap3A_1276, %swap3A_1277] : memref<1x2048x128xf32, #tpu.memory_space<vmem>>, vector<1x1x64xf32>
    %swap3A_1279 = vector.shape_cast %swap3A_1278 : vector<1x1x64xf32> to vector<1x64xf32>
    %swap3A_1280 = vector.shape_cast %slice3A_1270 : vector<1x64xf32> to vector<1x1x64xf32>
    tpu.vector_store %arg6[%swap3A_1275, %swap3A_1276, %swap3A_1277], %swap3A_1280 {strides = array<i32>} : memref<1x2048x128xf32, #tpu.memory_space<vmem>>, vector<1x1x64xf32>,
    %slice3A_1281 = vector.extract_strided_slice %div3A_895 {offsets = [35, 0], sizes = [1, 64], strides = [1, 1]} : vector<64x64xf32> to vector<1x64xf32>
    %get3A_1282 = arith.index_cast %arg0 : i32 to index
    %get3A_1283 = arith.index_cast %add3A_1 : i32 to index
    %get3A_1284 = arith.constant 35 : index
    %get3A_1285 = memref.load %arg2[%get3A_1282, %get3A_1283, %get3A_1284] : memref<2x16x64xi32, #tpu.memory_space<smem>>
    %swap3A_1286 = arith.constant 0 : index
    %swap3A_1287 = arith.index_cast %get3A_1285 : i32 to index
    %swap3A_1288 = arith.constant 0 : index
    %swap3A_1289 = vector.load %arg6[%swap3A_1286, %swap3A_1287, %swap3A_1288] : memref<1x2048x128xf32, #tpu.memory_space<vmem>>, vector<1x1x64xf32>
    %swap3A_1290 = vector.shape_cast %swap3A_1289 : vector<1x1x64xf32> to vector<1x64xf32>
    %swap3A_1291 = vector.shape_cast %slice3A_1281 : vector<1x64xf32> to vector<1x1x64xf32>
    tpu.vector_store %arg6[%swap3A_1286, %swap3A_1287, %swap3A_1288], %swap3A_1291 {strides = array<i32>} : memref<1x2048x128xf32, #tpu.memory_space<vmem>>, vector<1x1x64xf32>,
    %slice3A_1292 = vector.extract_strided_slice %div3A_895 {offsets = [36, 0], sizes = [1, 64], strides = [1, 1]} : vector<64x64xf32> to vector<1x64xf32>
    %get3A_1293 = arith.index_cast %arg0 : i32 to index
    %get3A_1294 = arith.index_cast %add3A_1 : i32 to index
    %get3A_1295 = arith.constant 36 : index
    %get3A_1296 = memref.load %arg2[%get3A_1293, %get3A_1294, %get3A_1295] : memref<2x16x64xi32, #tpu.memory_space<smem>>
    %swap3A_1297 = arith.constant 0 : index
    %swap3A_1298 = arith.index_cast %get3A_1296 : i32 to index
    %swap3A_1299 = arith.constant 0 : index
    %swap3A_1300 = vector.load %arg6[%swap3A_1297, %swap3A_1298, %swap3A_1299] : memref<1x2048x128xf32, #tpu.memory_space<vmem>>, vector<1x1x64xf32>
    %swap3A_1301 = vector.shape_cast %swap3A_1300 : vector<1x1x64xf32> to vector<1x64xf32>
    %swap3A_1302 = vector.shape_cast %slice3A_1292 : vector<1x64xf32> to vector<1x1x64xf32>
    tpu.vector_store %arg6[%swap3A_1297, %swap3A_1298, %swap3A_1299], %swap3A_1302 {strides = array<i32>} : memref<1x2048x128xf32, #tpu.memory_space<vmem>>, vector<1x1x64xf32>,
    %slice3A_1303 = vector.extract_strided_slice %div3A_895 {offsets = [37, 0], sizes = [1, 64], strides = [1, 1]} : vector<64x64xf32> to vector<1x64xf32>
    %get3A_1304 = arith.index_cast %arg0 : i32 to index
    %get3A_1305 = arith.index_cast %add3A_1 : i32 to index
    %get3A_1306 = arith.constant 37 : index
    %get3A_1307 = memref.load %arg2[%get3A_1304, %get3A_1305, %get3A_1306] : memref<2x16x64xi32, #tpu.memory_space<smem>>
    %swap3A_1308 = arith.constant 0 : index
    %swap3A_1309 = arith.index_cast %get3A_1307 : i32 to index
    %swap3A_1310 = arith.constant 0 : index
    %swap3A_1311 = vector.load %arg6[%swap3A_1308, %swap3A_1309, %swap3A_1310] : memref<1x2048x128xf32, #tpu.memory_space<vmem>>, vector<1x1x64xf32>
    %swap3A_1312 = vector.shape_cast %swap3A_1311 : vector<1x1x64xf32> to vector<1x64xf32>
    %swap3A_1313 = vector.shape_cast %slice3A_1303 : vector<1x64xf32> to vector<1x1x64xf32>
    tpu.vector_store %arg6[%swap3A_1308, %swap3A_1309, %swap3A_1310], %swap3A_1313 {strides = array<i32>} : memref<1x2048x128xf32, #tpu.memory_space<vmem>>, vector<1x1x64xf32>,
    %slice3A_1314 = vector.extract_strided_slice %div3A_895 {offsets = [38, 0], sizes = [1, 64], strides = [1, 1]} : vector<64x64xf32> to vector<1x64xf32>
    %get3A_1315 = arith.index_cast %arg0 : i32 to index
    %get3A_1316 = arith.index_cast %add3A_1 : i32 to index
    %get3A_1317 = arith.constant 38 : index
    %get3A_1318 = memref.load %arg2[%get3A_1315, %get3A_1316, %get3A_1317] : memref<2x16x64xi32, #tpu.memory_space<smem>>
    %swap3A_1319 = arith.constant 0 : index
    %swap3A_1320 = arith.index_cast %get3A_1318 : i32 to index
    %swap3A_1321 = arith.constant 0 : index
    %swap3A_1322 = vector.load %arg6[%swap3A_1319, %swap3A_1320, %swap3A_1321] : memref<1x2048x128xf32, #tpu.memory_space<vmem>>, vector<1x1x64xf32>
    %swap3A_1323 = vector.shape_cast %swap3A_1322 : vector<1x1x64xf32> to vector<1x64xf32>
    %swap3A_1324 = vector.shape_cast %slice3A_1314 : vector<1x64xf32> to vector<1x1x64xf32>
    tpu.vector_store %arg6[%swap3A_1319, %swap3A_1320, %swap3A_1321], %swap3A_1324 {strides = array<i32>} : memref<1x2048x128xf32, #tpu.memory_space<vmem>>, vector<1x1x64xf32>,
    %slice3A_1325 = vector.extract_strided_slice %div3A_895 {offsets = [39, 0], sizes = [1, 64], strides = [1, 1]} : vector<64x64xf32> to vector<1x64xf32>
    %get3A_1326 = arith.index_cast %arg0 : i32 to index
    %get3A_1327 = arith.index_cast %add3A_1 : i32 to index
    %get3A_1328 = arith.constant 39 : index
    %get3A_1329 = memref.load %arg2[%get3A_1326, %get3A_1327, %get3A_1328] : memref<2x16x64xi32, #tpu.memory_space<smem>>
    %swap3A_1330 = arith.constant 0 : index
    %swap3A_1331 = arith.index_cast %get3A_1329 : i32 to index
    %swap3A_1332 = arith.constant 0 : index
    %swap3A_1333 = vector.load %arg6[%swap3A_1330, %swap3A_1331, %swap3A_1332] : memref<1x2048x128xf32, #tpu.memory_space<vmem>>, vector<1x1x64xf32>
    %swap3A_1334 = vector.shape_cast %swap3A_1333 : vector<1x1x64xf32> to vector<1x64xf32>
    %swap3A_1335 = vector.shape_cast %slice3A_1325 : vector<1x64xf32> to vector<1x1x64xf32>
    tpu.vector_store %arg6[%swap3A_1330, %swap3A_1331, %swap3A_1332], %swap3A_1335 {strides = array<i32>} : memref<1x2048x128xf32, #tpu.memory_space<vmem>>, vector<1x1x64xf32>,
    %slice3A_1336 = vector.extract_strided_slice %div3A_895 {offsets = [40, 0], sizes = [1, 64], strides = [1, 1]} : vector<64x64xf32> to vector<1x64xf32>
    %get3A_1337 = arith.index_cast %arg0 : i32 to index
    %get3A_1338 = arith.index_cast %add3A_1 : i32 to index
    %get3A_1339 = arith.constant 40 : index
    %get3A_1340 = memref.load %arg2[%get3A_1337, %get3A_1338, %get3A_1339] : memref<2x16x64xi32, #tpu.memory_space<smem>>
    %swap3A_1341 = arith.constant 0 : index
    %swap3A_1342 = arith.index_cast %get3A_1340 : i32 to index
    %swap3A_1343 = arith.constant 0 : index
    %swap3A_1344 = vector.load %arg6[%swap3A_1341, %swap3A_1342, %swap3A_1343] : memref<1x2048x128xf32, #tpu.memory_space<vmem>>, vector<1x1x64xf32>
    %swap3A_1345 = vector.shape_cast %swap3A_1344 : vector<1x1x64xf32> to vector<1x64xf32>
    %swap3A_1346 = vector.shape_cast %slice3A_1336 : vector<1x64xf32> to vector<1x1x64xf32>
    tpu.vector_store %arg6[%swap3A_1341, %swap3A_1342, %swap3A_1343], %swap3A_1346 {strides = array<i32>} : memref<1x2048x128xf32, #tpu.memory_space<vmem>>, vector<1x1x64xf32>,
    %slice3A_1347 = vector.extract_strided_slice %div3A_895 {offsets = [41, 0], sizes = [1, 64], strides = [1, 1]} : vector<64x64xf32> to vector<1x64xf32>
    %get3A_1348 = arith.index_cast %arg0 : i32 to index
    %get3A_1349 = arith.index_cast %add3A_1 : i32 to index
    %get3A_1350 = arith.constant 41 : index
    %get3A_1351 = memref.load %arg2[%get3A_1348, %get3A_1349, %get3A_1350] : memref<2x16x64xi32, #tpu.memory_space<smem>>
    %swap3A_1352 = arith.constant 0 : index
    %swap3A_1353 = arith.index_cast %get3A_1351 : i32 to index
    %swap3A_1354 = arith.constant 0 : index
    %swap3A_1355 = vector.load %arg6[%swap3A_1352, %swap3A_1353, %swap3A_1354] : memref<1x2048x128xf32, #tpu.memory_space<vmem>>, vector<1x1x64xf32>
    %swap3A_1356 = vector.shape_cast %swap3A_1355 : vector<1x1x64xf32> to vector<1x64xf32>
    %swap3A_1357 = vector.shape_cast %slice3A_1347 : vector<1x64xf32> to vector<1x1x64xf32>
    tpu.vector_store %arg6[%swap3A_1352, %swap3A_1353, %swap3A_1354], %swap3A_1357 {strides = array<i32>} : memref<1x2048x128xf32, #tpu.memory_space<vmem>>, vector<1x1x64xf32>,
    %slice3A_1358 = vector.extract_strided_slice %div3A_895 {offsets = [42, 0], sizes = [1, 64], strides = [1, 1]} : vector<64x64xf32> to vector<1x64xf32>
    %get3A_1359 = arith.index_cast %arg0 : i32 to index
    %get3A_1360 = arith.index_cast %add3A_1 : i32 to index
    %get3A_1361 = arith.constant 42 : index
    %get3A_1362 = memref.load %arg2[%get3A_1359, %get3A_1360, %get3A_1361] : memref<2x16x64xi32, #tpu.memory_space<smem>>
    %swap3A_1363 = arith.constant 0 : index
    %swap3A_1364 = arith.index_cast %get3A_1362 : i32 to index
    %swap3A_1365 = arith.constant 0 : index
    %swap3A_1366 = vector.load %arg6[%swap3A_1363, %swap3A_1364, %swap3A_1365] : memref<1x2048x128xf32, #tpu.memory_space<vmem>>, vector<1x1x64xf32>
    %swap3A_1367 = vector.shape_cast %swap3A_1366 : vector<1x1x64xf32> to vector<1x64xf32>
    %swap3A_1368 = vector.shape_cast %slice3A_1358 : vector<1x64xf32> to vector<1x1x64xf32>
    tpu.vector_store %arg6[%swap3A_1363, %swap3A_1364, %swap3A_1365], %swap3A_1368 {strides = array<i32>} : memref<1x2048x128xf32, #tpu.memory_space<vmem>>, vector<1x1x64xf32>,
    %slice3A_1369 = vector.extract_strided_slice %div3A_895 {offsets = [43, 0], sizes = [1, 64], strides = [1, 1]} : vector<64x64xf32> to vector<1x64xf32>
    %get3A_1370 = arith.index_cast %arg0 : i32 to index
    %get3A_1371 = arith.index_cast %add3A_1 : i32 to index
    %get3A_1372 = arith.constant 43 : index
    %get3A_1373 = memref.load %arg2[%get3A_1370, %get3A_1371, %get3A_1372] : memref<2x16x64xi32, #tpu.memory_space<smem>>
    %swap3A_1374 = arith.constant 0 : index
    %swap3A_1375 = arith.index_cast %get3A_1373 : i32 to index
    %swap3A_1376 = arith.constant 0 : index
    %swap3A_1377 = vector.load %arg6[%swap3A_1374, %swap3A_1375, %swap3A_1376] : memref<1x2048x128xf32, #tpu.memory_space<vmem>>, vector<1x1x64xf32>
    %swap3A_1378 = vector.shape_cast %swap3A_1377 : vector<1x1x64xf32> to vector<1x64xf32>
    %swap3A_1379 = vector.shape_cast %slice3A_1369 : vector<1x64xf32> to vector<1x1x64xf32>
    tpu.vector_store %arg6[%swap3A_1374, %swap3A_1375, %swap3A_1376], %swap3A_1379 {strides = array<i32>} : memref<1x2048x128xf32, #tpu.memory_space<vmem>>, vector<1x1x64xf32>,
    %slice3A_1380 = vector.extract_strided_slice %div3A_895 {offsets = [44, 0], sizes = [1, 64], strides = [1, 1]} : vector<64x64xf32> to vector<1x64xf32>
    %get3A_1381 = arith.index_cast %arg0 : i32 to index
    %get3A_1382 = arith.index_cast %add3A_1 : i32 to index
    %get3A_1383 = arith.constant 44 : index
    %get3A_1384 = memref.load %arg2[%get3A_1381, %get3A_1382, %get3A_1383] : memref<2x16x64xi32, #tpu.memory_space<smem>>
    %swap3A_1385 = arith.constant 0 : index
    %swap3A_1386 = arith.index_cast %get3A_1384 : i32 to index
    %swap3A_1387 = arith.constant 0 : index
    %swap3A_1388 = vector.load %arg6[%swap3A_1385, %swap3A_1386, %swap3A_1387] : memref<1x2048x128xf32, #tpu.memory_space<vmem>>, vector<1x1x64xf32>
    %swap3A_1389 = vector.shape_cast %swap3A_1388 : vector<1x1x64xf32> to vector<1x64xf32>
    %swap3A_1390 = vector.shape_cast %slice3A_1380 : vector<1x64xf32> to vector<1x1x64xf32>
    tpu.vector_store %arg6[%swap3A_1385, %swap3A_1386, %swap3A_1387], %swap3A_1390 {strides = array<i32>} : memref<1x2048x128xf32, #tpu.memory_space<vmem>>, vector<1x1x64xf32>,
    %slice3A_1391 = vector.extract_strided_slice %div3A_895 {offsets = [45, 0], sizes = [1, 64], strides = [1, 1]} : vector<64x64xf32> to vector<1x64xf32>
    %get3A_1392 = arith.index_cast %arg0 : i32 to index
    %get3A_1393 = arith.index_cast %add3A_1 : i32 to index
    %get3A_1394 = arith.constant 45 : index
    %get3A_1395 = memref.load %arg2[%get3A_1392, %get3A_1393, %get3A_1394] : memref<2x16x64xi32, #tpu.memory_space<smem>>
    %swap3A_1396 = arith.constant 0 : index
    %swap3A_1397 = arith.index_cast %get3A_1395 : i32 to index
    %swap3A_1398 = arith.constant 0 : index
    %swap3A_1399 = vector.load %arg6[%swap3A_1396, %swap3A_1397, %swap3A_1398] : memref<1x2048x128xf32, #tpu.memory_space<vmem>>, vector<1x1x64xf32>
    %swap3A_1400 = vector.shape_cast %swap3A_1399 : vector<1x1x64xf32> to vector<1x64xf32>
    %swap3A_1401 = vector.shape_cast %slice3A_1391 : vector<1x64xf32> to vector<1x1x64xf32>
    tpu.vector_store %arg6[%swap3A_1396, %swap3A_1397, %swap3A_1398], %swap3A_1401 {strides = array<i32>} : memref<1x2048x128xf32, #tpu.memory_space<vmem>>, vector<1x1x64xf32>,
    %slice3A_1402 = vector.extract_strided_slice %div3A_895 {offsets = [46, 0], sizes = [1, 64], strides = [1, 1]} : vector<64x64xf32> to vector<1x64xf32>
    %get3A_1403 = arith.index_cast %arg0 : i32 to index
    %get3A_1404 = arith.index_cast %add3A_1 : i32 to index
    %get3A_1405 = arith.constant 46 : index
    %get3A_1406 = memref.load %arg2[%get3A_1403, %get3A_1404, %get3A_1405] : memref<2x16x64xi32, #tpu.memory_space<smem>>
    %swap3A_1407 = arith.constant 0 : index
    %swap3A_1408 = arith.index_cast %get3A_1406 : i32 to index
    %swap3A_1409 = arith.constant 0 : index
    %swap3A_1410 = vector.load %arg6[%swap3A_1407, %swap3A_1408, %swap3A_1409] : memref<1x2048x128xf32, #tpu.memory_space<vmem>>, vector<1x1x64xf32>
    %swap3A_1411 = vector.shape_cast %swap3A_1410 : vector<1x1x64xf32> to vector<1x64xf32>
    %swap3A_1412 = vector.shape_cast %slice3A_1402 : vector<1x64xf32> to vector<1x1x64xf32>
    tpu.vector_store %arg6[%swap3A_1407, %swap3A_1408, %swap3A_1409], %swap3A_1412 {strides = array<i32>} : memref<1x2048x128xf32, #tpu.memory_space<vmem>>, vector<1x1x64xf32>,
    %slice3A_1413 = vector.extract_strided_slice %div3A_895 {offsets = [47, 0], sizes = [1, 64], strides = [1, 1]} : vector<64x64xf32> to vector<1x64xf32>
    %get3A_1414 = arith.index_cast %arg0 : i32 to index
    %get3A_1415 = arith.index_cast %add3A_1 : i32 to index
    %get3A_1416 = arith.constant 47 : index
    %get3A_1417 = memref.load %arg2[%get3A_1414, %get3A_1415, %get3A_1416] : memref<2x16x64xi32, #tpu.memory_space<smem>>
    %swap3A_1418 = arith.constant 0 : index
    %swap3A_1419 = arith.index_cast %get3A_1417 : i32 to index
    %swap3A_1420 = arith.constant 0 : index
    %swap3A_1421 = vector.load %arg6[%swap3A_1418, %swap3A_1419, %swap3A_1420] : memref<1x2048x128xf32, #tpu.memory_space<vmem>>, vector<1x1x64xf32>
    %swap3A_1422 = vector.shape_cast %swap3A_1421 : vector<1x1x64xf32> to vector<1x64xf32>
    %swap3A_1423 = vector.shape_cast %slice3A_1413 : vector<1x64xf32> to vector<1x1x64xf32>
    tpu.vector_store %arg6[%swap3A_1418, %swap3A_1419, %swap3A_1420], %swap3A_1423 {strides = array<i32>} : memref<1x2048x128xf32, #tpu.memory_space<vmem>>, vector<1x1x64xf32>,
    %slice3A_1424 = vector.extract_strided_slice %div3A_895 {offsets = [48, 0], sizes = [1, 64], strides = [1, 1]} : vector<64x64xf32> to vector<1x64xf32>
    %get3A_1425 = arith.index_cast %arg0 : i32 to index
    %get3A_1426 = arith.index_cast %add3A_1 : i32 to index
    %get3A_1427 = arith.constant 48 : index
    %get3A_1428 = memref.load %arg2[%get3A_1425, %get3A_1426, %get3A_1427] : memref<2x16x64xi32, #tpu.memory_space<smem>>
    %swap3A_1429 = arith.constant 0 : index
    %swap3A_1430 = arith.index_cast %get3A_1428 : i32 to index
    %swap3A_1431 = arith.constant 0 : index
    %swap3A_1432 = vector.load %arg6[%swap3A_1429, %swap3A_1430, %swap3A_1431] : memref<1x2048x128xf32, #tpu.memory_space<vmem>>, vector<1x1x64xf32>
    %swap3A_1433 = vector.shape_cast %swap3A_1432 : vector<1x1x64xf32> to vector<1x64xf32>
    %swap3A_1434 = vector.shape_cast %slice3A_1424 : vector<1x64xf32> to vector<1x1x64xf32>
    tpu.vector_store %arg6[%swap3A_1429, %swap3A_1430, %swap3A_1431], %swap3A_1434 {strides = array<i32>} : memref<1x2048x128xf32, #tpu.memory_space<vmem>>, vector<1x1x64xf32>,
    %slice3A_1435 = vector.extract_strided_slice %div3A_895 {offsets = [49, 0], sizes = [1, 64], strides = [1, 1]} : vector<64x64xf32> to vector<1x64xf32>
    %get3A_1436 = arith.index_cast %arg0 : i32 to index
    %get3A_1437 = arith.index_cast %add3A_1 : i32 to index
    %get3A_1438 = arith.constant 49 : index
    %get3A_1439 = memref.load %arg2[%get3A_1436, %get3A_1437, %get3A_1438] : memref<2x16x64xi32, #tpu.memory_space<smem>>
    %swap3A_1440 = arith.constant 0 : index
    %swap3A_1441 = arith.index_cast %get3A_1439 : i32 to index
    %swap3A_1442 = arith.constant 0 : index
    %swap3A_1443 = vector.load %arg6[%swap3A_1440, %swap3A_1441, %swap3A_1442] : memref<1x2048x128xf32, #tpu.memory_space<vmem>>, vector<1x1x64xf32>
    %swap3A_1444 = vector.shape_cast %swap3A_1443 : vector<1x1x64xf32> to vector<1x64xf32>
    %swap3A_1445 = vector.shape_cast %slice3A_1435 : vector<1x64xf32> to vector<1x1x64xf32>
    tpu.vector_store %arg6[%swap3A_1440, %swap3A_1441, %swap3A_1442], %swap3A_1445 {strides = array<i32>} : memref<1x2048x128xf32, #tpu.memory_space<vmem>>, vector<1x1x64xf32>,
    %slice3A_1446 = vector.extract_strided_slice %div3A_895 {offsets = [50, 0], sizes = [1, 64], strides = [1, 1]} : vector<64x64xf32> to vector<1x64xf32>
    %get3A_1447 = arith.index_cast %arg0 : i32 to index
    %get3A_1448 = arith.index_cast %add3A_1 : i32 to index
    %get3A_1449 = arith.constant 50 : index
    %get3A_1450 = memref.load %arg2[%get3A_1447, %get3A_1448, %get3A_1449] : memref<2x16x64xi32, #tpu.memory_space<smem>>
    %swap3A_1451 = arith.constant 0 : index
    %swap3A_1452 = arith.index_cast %get3A_1450 : i32 to index
    %swap3A_1453 = arith.constant 0 : index
    %swap3A_1454 = vector.load %arg6[%swap3A_1451, %swap3A_1452, %swap3A_1453] : memref<1x2048x128xf32, #tpu.memory_space<vmem>>, vector<1x1x64xf32>
    %swap3A_1455 = vector.shape_cast %swap3A_1454 : vector<1x1x64xf32> to vector<1x64xf32>
    %swap3A_1456 = vector.shape_cast %slice3A_1446 : vector<1x64xf32> to vector<1x1x64xf32>
    tpu.vector_store %arg6[%swap3A_1451, %swap3A_1452, %swap3A_1453], %swap3A_1456 {strides = array<i32>} : memref<1x2048x128xf32, #tpu.memory_space<vmem>>, vector<1x1x64xf32>,
    %slice3A_1457 = vector.extract_strided_slice %div3A_895 {offsets = [51, 0], sizes = [1, 64], strides = [1, 1]} : vector<64x64xf32> to vector<1x64xf32>
    %get3A_1458 = arith.index_cast %arg0 : i32 to index
    %get3A_1459 = arith.index_cast %add3A_1 : i32 to index
    %get3A_1460 = arith.constant 51 : index
    %get3A_1461 = memref.load %arg2[%get3A_1458, %get3A_1459, %get3A_1460] : memref<2x16x64xi32, #tpu.memory_space<smem>>
    %swap3A_1462 = arith.constant 0 : index
    %swap3A_1463 = arith.index_cast %get3A_1461 : i32 to index
    %swap3A_1464 = arith.constant 0 : index
    %swap3A_1465 = vector.load %arg6[%swap3A_1462, %swap3A_1463, %swap3A_1464] : memref<1x2048x128xf32, #tpu.memory_space<vmem>>, vector<1x1x64xf32>
    %swap3A_1466 = vector.shape_cast %swap3A_1465 : vector<1x1x64xf32> to vector<1x64xf32>
    %swap3A_1467 = vector.shape_cast %slice3A_1457 : vector<1x64xf32> to vector<1x1x64xf32>
    tpu.vector_store %arg6[%swap3A_1462, %swap3A_1463, %swap3A_1464], %swap3A_1467 {strides = array<i32>} : memref<1x2048x128xf32, #tpu.memory_space<vmem>>, vector<1x1x64xf32>,
    %slice3A_1468 = vector.extract_strided_slice %div3A_895 {offsets = [52, 0], sizes = [1, 64], strides = [1, 1]} : vector<64x64xf32> to vector<1x64xf32>
    %get3A_1469 = arith.index_cast %arg0 : i32 to index
    %get3A_1470 = arith.index_cast %add3A_1 : i32 to index
    %get3A_1471 = arith.constant 52 : index
    %get3A_1472 = memref.load %arg2[%get3A_1469, %get3A_1470, %get3A_1471] : memref<2x16x64xi32, #tpu.memory_space<smem>>
    %swap3A_1473 = arith.constant 0 : index
    %swap3A_1474 = arith.index_cast %get3A_1472 : i32 to index
    %swap3A_1475 = arith.constant 0 : index
    %swap3A_1476 = vector.load %arg6[%swap3A_1473, %swap3A_1474, %swap3A_1475] : memref<1x2048x128xf32, #tpu.memory_space<vmem>>, vector<1x1x64xf32>
    %swap3A_1477 = vector.shape_cast %swap3A_1476 : vector<1x1x64xf32> to vector<1x64xf32>
    %swap3A_1478 = vector.shape_cast %slice3A_1468 : vector<1x64xf32> to vector<1x1x64xf32>
    tpu.vector_store %arg6[%swap3A_1473, %swap3A_1474, %swap3A_1475], %swap3A_1478 {strides = array<i32>} : memref<1x2048x128xf32, #tpu.memory_space<vmem>>, vector<1x1x64xf32>,
    %slice3A_1479 = vector.extract_strided_slice %div3A_895 {offsets = [53, 0], sizes = [1, 64], strides = [1, 1]} : vector<64x64xf32> to vector<1x64xf32>
    %get3A_1480 = arith.index_cast %arg0 : i32 to index
    %get3A_1481 = arith.index_cast %add3A_1 : i32 to index
    %get3A_1482 = arith.constant 53 : index
    %get3A_1483 = memref.load %arg2[%get3A_1480, %get3A_1481, %get3A_1482] : memref<2x16x64xi32, #tpu.memory_space<smem>>
    %swap3A_1484 = arith.constant 0 : index
    %swap3A_1485 = arith.index_cast %get3A_1483 : i32 to index
    %swap3A_1486 = arith.constant 0 : index
    %swap3A_1487 = vector.load %arg6[%swap3A_1484, %swap3A_1485, %swap3A_1486] : memref<1x2048x128xf32, #tpu.memory_space<vmem>>, vector<1x1x64xf32>
    %swap3A_1488 = vector.shape_cast %swap3A_1487 : vector<1x1x64xf32> to vector<1x64xf32>
    %swap3A_1489 = vector.shape_cast %slice3A_1479 : vector<1x64xf32> to vector<1x1x64xf32>
    tpu.vector_store %arg6[%swap3A_1484, %swap3A_1485, %swap3A_1486], %swap3A_1489 {strides = array<i32>} : memref<1x2048x128xf32, #tpu.memory_space<vmem>>, vector<1x1x64xf32>,
    %slice3A_1490 = vector.extract_strided_slice %div3A_895 {offsets = [54, 0], sizes = [1, 64], strides = [1, 1]} : vector<64x64xf32> to vector<1x64xf32>
    %get3A_1491 = arith.index_cast %arg0 : i32 to index
    %get3A_1492 = arith.index_cast %add3A_1 : i32 to index
    %get3A_1493 = arith.constant 54 : index
    %get3A_1494 = memref.load %arg2[%get3A_1491, %get3A_1492, %get3A_1493] : memref<2x16x64xi32, #tpu.memory_space<smem>>
    %swap3A_1495 = arith.constant 0 : index
    %swap3A_1496 = arith.index_cast %get3A_1494 : i32 to index
    %swap3A_1497 = arith.constant 0 : index
    %swap3A_1498 = vector.load %arg6[%swap3A_1495, %swap3A_1496, %swap3A_1497] : memref<1x2048x128xf32, #tpu.memory_space<vmem>>, vector<1x1x64xf32>
    %swap3A_1499 = vector.shape_cast %swap3A_1498 : vector<1x1x64xf32> to vector<1x64xf32>
    %swap3A_1500 = vector.shape_cast %slice3A_1490 : vector<1x64xf32> to vector<1x1x64xf32>
    tpu.vector_store %arg6[%swap3A_1495, %swap3A_1496, %swap3A_1497], %swap3A_1500 {strides = array<i32>} : memref<1x2048x128xf32, #tpu.memory_space<vmem>>, vector<1x1x64xf32>,
    %slice3A_1501 = vector.extract_strided_slice %div3A_895 {offsets = [55, 0], sizes = [1, 64], strides = [1, 1]} : vector<64x64xf32> to vector<1x64xf32>
    %get3A_1502 = arith.index_cast %arg0 : i32 to index
    %get3A_1503 = arith.index_cast %add3A_1 : i32 to index
    %get3A_1504 = arith.constant 55 : index
    %get3A_1505 = memref.load %arg2[%get3A_1502, %get3A_1503, %get3A_1504] : memref<2x16x64xi32, #tpu.memory_space<smem>>
    %swap3A_1506 = arith.constant 0 : index
    %swap3A_1507 = arith.index_cast %get3A_1505 : i32 to index
    %swap3A_1508 = arith.constant 0 : index
    %swap3A_1509 = vector.load %arg6[%swap3A_1506, %swap3A_1507, %swap3A_1508] : memref<1x2048x128xf32, #tpu.memory_space<vmem>>, vector<1x1x64xf32>
    %swap3A_1510 = vector.shape_cast %swap3A_1509 : vector<1x1x64xf32> to vector<1x64xf32>
    %swap3A_1511 = vector.shape_cast %slice3A_1501 : vector<1x64xf32> to vector<1x1x64xf32>
    tpu.vector_store %arg6[%swap3A_1506, %swap3A_1507, %swap3A_1508], %swap3A_1511 {strides = array<i32>} : memref<1x2048x128xf32, #tpu.memory_space<vmem>>, vector<1x1x64xf32>,
    %slice3A_1512 = vector.extract_strided_slice %div3A_895 {offsets = [56, 0], sizes = [1, 64], strides = [1, 1]} : vector<64x64xf32> to vector<1x64xf32>
    %get3A_1513 = arith.index_cast %arg0 : i32 to index
    %get3A_1514 = arith.index_cast %add3A_1 : i32 to index
    %get3A_1515 = arith.constant 56 : index
    %get3A_1516 = memref.load %arg2[%get3A_1513, %get3A_1514, %get3A_1515] : memref<2x16x64xi32, #tpu.memory_space<smem>>
    %swap3A_1517 = arith.constant 0 : index
    %swap3A_1518 = arith.index_cast %get3A_1516 : i32 to index
    %swap3A_1519 = arith.constant 0 : index
    %swap3A_1520 = vector.load %arg6[%swap3A_1517, %swap3A_1518, %swap3A_1519] : memref<1x2048x128xf32, #tpu.memory_space<vmem>>, vector<1x1x64xf32>
    %swap3A_1521 = vector.shape_cast %swap3A_1520 : vector<1x1x64xf32> to vector<1x64xf32>
    %swap3A_1522 = vector.shape_cast %slice3A_1512 : vector<1x64xf32> to vector<1x1x64xf32>
    tpu.vector_store %arg6[%swap3A_1517, %swap3A_1518, %swap3A_1519], %swap3A_1522 {strides = array<i32>} : memref<1x2048x128xf32, #tpu.memory_space<vmem>>, vector<1x1x64xf32>,
    %slice3A_1523 = vector.extract_strided_slice %div3A_895 {offsets = [57, 0], sizes = [1, 64], strides = [1, 1]} : vector<64x64xf32> to vector<1x64xf32>
    %get3A_1524 = arith.index_cast %arg0 : i32 to index
    %get3A_1525 = arith.index_cast %add3A_1 : i32 to index
    %get3A_1526 = arith.constant 57 : index
    %get3A_1527 = memref.load %arg2[%get3A_1524, %get3A_1525, %get3A_1526] : memref<2x16x64xi32, #tpu.memory_space<smem>>
    %swap3A_1528 = arith.constant 0 : index
    %swap3A_1529 = arith.index_cast %get3A_1527 : i32 to index
    %swap3A_1530 = arith.constant 0 : index
    %swap3A_1531 = vector.load %arg6[%swap3A_1528, %swap3A_1529, %swap3A_1530] : memref<1x2048x128xf32, #tpu.memory_space<vmem>>, vector<1x1x64xf32>
    %swap3A_1532 = vector.shape_cast %swap3A_1531 : vector<1x1x64xf32> to vector<1x64xf32>
    %swap3A_1533 = vector.shape_cast %slice3A_1523 : vector<1x64xf32> to vector<1x1x64xf32>
    tpu.vector_store %arg6[%swap3A_1528, %swap3A_1529, %swap3A_1530], %swap3A_1533 {strides = array<i32>} : memref<1x2048x128xf32, #tpu.memory_space<vmem>>, vector<1x1x64xf32>,
    %slice3A_1534 = vector.extract_strided_slice %div3A_895 {offsets = [58, 0], sizes = [1, 64], strides = [1, 1]} : vector<64x64xf32> to vector<1x64xf32>
    %get3A_1535 = arith.index_cast %arg0 : i32 to index
    %get3A_1536 = arith.index_cast %add3A_1 : i32 to index
    %get3A_1537 = arith.constant 58 : index
    %get3A_1538 = memref.load %arg2[%get3A_1535, %get3A_1536, %get3A_1537] : memref<2x16x64xi32, #tpu.memory_space<smem>>
    %swap3A_1539 = arith.constant 0 : index
    %swap3A_1540 = arith.index_cast %get3A_1538 : i32 to index
    %swap3A_1541 = arith.constant 0 : index
    %swap3A_1542 = vector.load %arg6[%swap3A_1539, %swap3A_1540, %swap3A_1541] : memref<1x2048x128xf32, #tpu.memory_space<vmem>>, vector<1x1x64xf32>
    %swap3A_1543 = vector.shape_cast %swap3A_1542 : vector<1x1x64xf32> to vector<1x64xf32>
    %swap3A_1544 = vector.shape_cast %slice3A_1534 : vector<1x64xf32> to vector<1x1x64xf32>
    tpu.vector_store %arg6[%swap3A_1539, %swap3A_1540, %swap3A_1541], %swap3A_1544 {strides = array<i32>} : memref<1x2048x128xf32, #tpu.memory_space<vmem>>, vector<1x1x64xf32>,
    %slice3A_1545 = vector.extract_strided_slice %div3A_895 {offsets = [59, 0], sizes = [1, 64], strides = [1, 1]} : vector<64x64xf32> to vector<1x64xf32>
    %get3A_1546 = arith.index_cast %arg0 : i32 to index
    %get3A_1547 = arith.index_cast %add3A_1 : i32 to index
    %get3A_1548 = arith.constant 59 : index
    %get3A_1549 = memref.load %arg2[%get3A_1546, %get3A_1547, %get3A_1548] : memref<2x16x64xi32, #tpu.memory_space<smem>>
    %swap3A_1550 = arith.constant 0 : index
    %swap3A_1551 = arith.index_cast %get3A_1549 : i32 to index
    %swap3A_1552 = arith.constant 0 : index
    %swap3A_1553 = vector.load %arg6[%swap3A_1550, %swap3A_1551, %swap3A_1552] : memref<1x2048x128xf32, #tpu.memory_space<vmem>>, vector<1x1x64xf32>
    %swap3A_1554 = vector.shape_cast %swap3A_1553 : vector<1x1x64xf32> to vector<1x64xf32>
    %swap3A_1555 = vector.shape_cast %slice3A_1545 : vector<1x64xf32> to vector<1x1x64xf32>
    tpu.vector_store %arg6[%swap3A_1550, %swap3A_1551, %swap3A_1552], %swap3A_1555 {strides = array<i32>} : memref<1x2048x128xf32, #tpu.memory_space<vmem>>, vector<1x1x64xf32>,
    %slice3A_1556 = vector.extract_strided_slice %div3A_895 {offsets = [60, 0], sizes = [1, 64], strides = [1, 1]} : vector<64x64xf32> to vector<1x64xf32>
    %get3A_1557 = arith.index_cast %arg0 : i32 to index
    %get3A_1558 = arith.index_cast %add3A_1 : i32 to index
    %get3A_1559 = arith.constant 60 : index
    %get3A_1560 = memref.load %arg2[%get3A_1557, %get3A_1558, %get3A_1559] : memref<2x16x64xi32, #tpu.memory_space<smem>>
    %swap3A_1561 = arith.constant 0 : index
    %swap3A_1562 = arith.index_cast %get3A_1560 : i32 to index
    %swap3A_1563 = arith.constant 0 : index
    %swap3A_1564 = vector.load %arg6[%swap3A_1561, %swap3A_1562, %swap3A_1563] : memref<1x2048x128xf32, #tpu.memory_space<vmem>>, vector<1x1x64xf32>
    %swap3A_1565 = vector.shape_cast %swap3A_1564 : vector<1x1x64xf32> to vector<1x64xf32>
    %swap3A_1566 = vector.shape_cast %slice3A_1556 : vector<1x64xf32> to vector<1x1x64xf32>
    tpu.vector_store %arg6[%swap3A_1561, %swap3A_1562, %swap3A_1563], %swap3A_1566 {strides = array<i32>} : memref<1x2048x128xf32, #tpu.memory_space<vmem>>, vector<1x1x64xf32>,
    %slice3A_1567 = vector.extract_strided_slice %div3A_895 {offsets = [61, 0], sizes = [1, 64], strides = [1, 1]} : vector<64x64xf32> to vector<1x64xf32>
    %get3A_1568 = arith.index_cast %arg0 : i32 to index
    %get3A_1569 = arith.index_cast %add3A_1 : i32 to index
    %get3A_1570 = arith.constant 61 : index
    %get3A_1571 = memref.load %arg2[%get3A_1568, %get3A_1569, %get3A_1570] : memref<2x16x64xi32, #tpu.memory_space<smem>>
    %swap3A_1572 = arith.constant 0 : index
    %swap3A_1573 = arith.index_cast %get3A_1571 : i32 to index
    %swap3A_1574 = arith.constant 0 : index
    %swap3A_1575 = vector.load %arg6[%swap3A_1572, %swap3A_1573, %swap3A_1574] : memref<1x2048x128xf32, #tpu.memory_space<vmem>>, vector<1x1x64xf32>
    %swap3A_1576 = vector.shape_cast %swap3A_1575 : vector<1x1x64xf32> to vector<1x64xf32>
    %swap3A_1577 = vector.shape_cast %slice3A_1567 : vector<1x64xf32> to vector<1x1x64xf32>
    tpu.vector_store %arg6[%swap3A_1572, %swap3A_1573, %swap3A_1574], %swap3A_1577 {strides = array<i32>} : memref<1x2048x128xf32, #tpu.memory_space<vmem>>, vector<1x1x64xf32>,
    %slice3A_1578 = vector.extract_strided_slice %div3A_895 {offsets = [62, 0], sizes = [1, 64], strides = [1, 1]} : vector<64x64xf32> to vector<1x64xf32>
    %get3A_1579 = arith.index_cast %arg0 : i32 to index
    %get3A_1580 = arith.index_cast %add3A_1 : i32 to index
    %get3A_1581 = arith.constant 62 : index
    %get3A_1582 = memref.load %arg2[%get3A_1579, %get3A_1580, %get3A_1581] : memref<2x16x64xi32, #tpu.memory_space<smem>>
    %swap3A_1583 = arith.constant 0 : index
    %swap3A_1584 = arith.index_cast %get3A_1582 : i32 to index
    %swap3A_1585 = arith.constant 0 : index
    %swap3A_1586 = vector.load %arg6[%swap3A_1583, %swap3A_1584, %swap3A_1585] : memref<1x2048x128xf32, #tpu.memory_space<vmem>>, vector<1x1x64xf32>
    %swap3A_1587 = vector.shape_cast %swap3A_1586 : vector<1x1x64xf32> to vector<1x64xf32>
    %swap3A_1588 = vector.shape_cast %slice3A_1578 : vector<1x64xf32> to vector<1x1x64xf32>
    tpu.vector_store %arg6[%swap3A_1583, %swap3A_1584, %swap3A_1585], %swap3A_1588 {strides = array<i32>} : memref<1x2048x128xf32, #tpu.memory_space<vmem>>, vector<1x1x64xf32>,
    %slice3A_1589 = vector.extract_strided_slice %div3A_895 {offsets = [63, 0], sizes = [1, 64], strides = [1, 1]} : vector<64x64xf32> to vector<1x64xf32>
    %get3A_1590 = arith.index_cast %arg0 : i32 to index
    %get3A_1591 = arith.index_cast %add3A_1 : i32 to index
    %get3A_1592 = arith.constant 63 : index
    %get3A_1593 = memref.load %arg2[%get3A_1590, %get3A_1591, %get3A_1592] : memref<2x16x64xi32, #tpu.memory_space<smem>>
    %swap3A_1594 = arith.constant 0 : index
    %swap3A_1595 = arith.index_cast %get3A_1593 : i32 to index
    %swap3A_1596 = arith.constant 0 : index
    %swap3A_1597 = vector.load %arg6[%swap3A_1594, %swap3A_1595, %swap3A_1596] : memref<1x2048x128xf32, #tpu.memory_space<vmem>>, vector<1x1x64xf32>
    %swap3A_1598 = vector.shape_cast %swap3A_1597 : vector<1x1x64xf32> to vector<1x64xf32>
    %swap3A_1599 = vector.shape_cast %slice3A_1589 : vector<1x64xf32> to vector<1x1x64xf32>
    tpu.vector_store %arg6[%swap3A_1594, %swap3A_1595, %swap3A_1596], %swap3A_1599 {strides = array<i32>} : memref<1x2048x128xf32, #tpu.memory_space<vmem>>, vector<1x1x64xf32>,
    %mul3A_1600 = arith.constant 2 : i32
    %mul3A_1601 = arith.muli %arg1, %mul3A_1600 : i32
    %add3A_1602 = arith.constant 1 : i32
    %add3A_1603 = arith.addi %mul3A_1601, %add3A_1602 : i32
    %get3A_1604 = arith.constant 0 : index
    %get3A_1605 = arith.constant 0 : index
    %get3A_1606 = arith.constant 64 : index
    %get3A_1607 = vector.load %arg3[%get3A_1604, %get3A_1605, %get3A_1606] : memref<1x2048x128xf32, #tpu.memory_space<vmem>>, vector<1x2048x64xf32>
    %get3A_1608 = vector.shape_cast %get3A_1607 : vector<1x2048x64xf32> to vector<2048x64xf32>
    %get3A_1609 = arith.constant 0 : index
    %get3A_1610 = arith.constant 0 : index
    %get3A_1611 = arith.constant 64 : index
    %get3A_1612 = vector.load %arg4[%get3A_1609, %get3A_1610, %get3A_1611] : memref<1x2048x128xf32, #tpu.memory_space<vmem>>, vector<1x2048x64xf32>
    %get3A_1613 = vector.shape_cast %get3A_1612 : vector<1x2048x64xf32> to vector<2048x64xf32>
    %get3A_1614 = arith.constant 0 : index
    %get3A_1615 = arith.constant 0 : index
    %get3A_1616 = arith.constant 64 : index
    %get3A_1617 = vector.load %arg5[%get3A_1614, %get3A_1615, %get3A_1616] : memref<1x2048x128xf32, #tpu.memory_space<vmem>>, vector<1x2048x64xf32>
    %get3A_1618 = vector.shape_cast %get3A_1617 : vector<1x2048x64xf32> to vector<2048x64xf32>
    %slice3A_1619 = vector.extract_strided_slice %get3A_1608 {offsets = [0, 0], sizes = [256, 64], strides = [1, 1]} : vector<2048x64xf32> to vector<256x64xf32>
    %slice3A_1620 = vector.extract_strided_slice %get3A_1613 {offsets = [0, 0], sizes = [384, 64], strides = [1, 1]} : vector<2048x64xf32> to vector<384x64xf32>
    %transpose3A_1621 = tpu.transpose %slice3A_1620, [1, 0] : vector<384x64xf32> -> vector<64x384xf32>
    %dot_general3A_1622 = arith.constant dense<0.000000e+00> : vector<256x384xf32>
    %dot_general3A_1623 = tpu.matmul %slice3A_1619, %transpose3A_1621, %dot_general3A_1622 {dimension_numbers = #tpu.dot_dimension_numbers<[1], [0], [0], [1], [0, 0, 1, 1], [], []>, transpose_lhs_hint = false} : vector<256x64xf32>, vector<64x384xf32>, vector<256x384xf32> -> vector<256x384xf32>
    %slice3A_1624 = vector.extract_strided_slice %dot_general3A_1623 {offsets = [0, 0], sizes = [128, 256], strides = [1, 1]} : vector<256x384xf32> to vector<128x256xf32>
    %exp3A_1625 = math.exp %slice3A_1624 : vector<128x256xf32>
    %reduce_sum3A_1626 = arith.constant dense<0.000000e+00> : vector<128xf32>
    %reduce_sum3A_1627 = vector.multi_reduction <add>, %exp3A_1625, %reduce_sum3A_1626 [1] : vector<128x256xf32> to vector<128xf32>
    %broadcast_in_dim3A_1628 = vector.shape_cast %reduce_sum3A_1627 : vector<128xf32> to vector<128x1xf32>
    %slice3A_1629 = vector.extract_strided_slice %get3A_1618 {offsets = [0, 0], sizes = [256, 64], strides = [1, 1]} : vector<2048x64xf32> to vector<256x64xf32>
    %dot_general3A_1630 = arith.constant dense<0.000000e+00> : vector<128x64xf32>
    %dot_general3A_1631 = tpu.matmul %exp3A_1625, %slice3A_1629, %dot_general3A_1630 {dimension_numbers = #tpu.dot_dimension_numbers<[1], [0], [0], [1], [0, 0, 1, 1], [], []>, transpose_lhs_hint = false} : vector<128x256xf32>, vector<256x64xf32>, vector<128x64xf32> -> vector<128x64xf32>
    %div3A_1632 = vector.broadcast %broadcast_in_dim3A_1628 : vector<128x1xf32> to vector<128x64xf32>
    %div3A_1633 = arith.divf %dot_general3A_1631, %div3A_1632 : vector<128x64xf32>
    %swap3A_1634 = arith.constant 0 : index
    %swap3A_1635 = arith.constant 0 : index
    %swap3A_1636 = arith.constant 64 : index
    %swap3A_1637 = vector.load %arg6[%swap3A_1634, %swap3A_1635, %swap3A_1636] : memref<1x2048x128xf32, #tpu.memory_space<vmem>>, vector<1x128x64xf32>
    %swap3A_1638 = vector.shape_cast %swap3A_1637 : vector<1x128x64xf32> to vector<128x64xf32>
    %swap3A_1639 = vector.shape_cast %div3A_1633 : vector<128x64xf32> to vector<1x128x64xf32>
    tpu.vector_store %arg6[%swap3A_1634, %swap3A_1635, %swap3A_1636], %swap3A_1639 {strides = array<i32>} : memref<1x2048x128xf32, #tpu.memory_space<vmem>>, vector<1x128x64xf32>,
    %slice3A_1640 = vector.extract_strided_slice %dot_general3A_1623 {offsets = [128, 0], sizes = [128, 384], strides = [1, 1]} : vector<256x384xf32> to vector<128x384xf32>
    %exp3A_1641 = math.exp %slice3A_1640 : vector<128x384xf32>
    %reduce_sum3A_1642 = arith.constant dense<0.000000e+00> : vector<128xf32>
    %reduce_sum3A_1643 = vector.multi_reduction <add>, %exp3A_1641, %reduce_sum3A_1642 [1] : vector<128x384xf32> to vector<128xf32>
    %broadcast_in_dim3A_1644 = vector.shape_cast %reduce_sum3A_1643 : vector<128xf32> to vector<128x1xf32>
    %slice3A_1645 = vector.extract_strided_slice %get3A_1618 {offsets = [0, 0], sizes = [384, 64], strides = [1, 1]} : vector<2048x64xf32> to vector<384x64xf32>
    %dot_general3A_1646 = arith.constant dense<0.000000e+00> : vector<128x64xf32>
    %dot_general3A_1647 = tpu.matmul %exp3A_1641, %slice3A_1645, %dot_general3A_1646 {dimension_numbers = #tpu.dot_dimension_numbers<[1], [0], [0], [1], [0, 0, 1, 1], [], []>, transpose_lhs_hint = false} : vector<128x384xf32>, vector<384x64xf32>, vector<128x64xf32> -> vector<128x64xf32>
    %div3A_1648 = vector.broadcast %broadcast_in_dim3A_1644 : vector<128x1xf32> to vector<128x64xf32>
    %div3A_1649 = arith.divf %dot_general3A_1647, %div3A_1648 : vector<128x64xf32>
    %swap3A_1650 = arith.constant 0 : index
    %swap3A_1651 = arith.constant 128 : index
    %swap3A_1652 = arith.constant 64 : index
    %swap3A_1653 = vector.load %arg6[%swap3A_1650, %swap3A_1651, %swap3A_1652] : memref<1x2048x128xf32, #tpu.memory_space<vmem>>, vector<1x128x64xf32>
    %swap3A_1654 = vector.shape_cast %swap3A_1653 : vector<1x128x64xf32> to vector<128x64xf32>
    %swap3A_1655 = vector.shape_cast %div3A_1649 : vector<128x64xf32> to vector<1x128x64xf32>
    tpu.vector_store %arg6[%swap3A_1650, %swap3A_1651, %swap3A_1652], %swap3A_1655 {strides = array<i32>} : memref<1x2048x128xf32, #tpu.memory_space<vmem>>, vector<1x128x64xf32>,
    %slice3A_1656 = vector.extract_strided_slice %get3A_1608 {offsets = [256, 0], sizes = [256, 64], strides = [1, 1]} : vector<2048x64xf32> to vector<256x64xf32>
    %slice3A_1657 = vector.extract_strided_slice %get3A_1613 {offsets = [128, 0], sizes = [512, 64], strides = [1, 1]} : vector<2048x64xf32> to vector<512x64xf32>
    %transpose3A_1658 = tpu.transpose %slice3A_1657, [1, 0] : vector<512x64xf32> -> vector<64x512xf32>
    %dot_general3A_1659 = arith.constant dense<0.000000e+00> : vector<256x512xf32>
    %dot_general3A_1660 = tpu.matmul %slice3A_1656, %transpose3A_1658, %dot_general3A_1659 {dimension_numbers = #tpu.dot_dimension_numbers<[1], [0], [0], [1], [0, 0, 1, 1], [], []>, transpose_lhs_hint = false} : vector<256x64xf32>, vector<64x512xf32>, vector<256x512xf32> -> vector<256x512xf32>
    %slice3A_1661 = vector.extract_strided_slice %dot_general3A_1660 {offsets = [0, 0], sizes = [128, 384], strides = [1, 1]} : vector<256x512xf32> to vector<128x384xf32>
    %exp3A_1662 = math.exp %slice3A_1661 : vector<128x384xf32>
    %reduce_sum3A_1663 = arith.constant dense<0.000000e+00> : vector<128xf32>
    %reduce_sum3A_1664 = vector.multi_reduction <add>, %exp3A_1662, %reduce_sum3A_1663 [1] : vector<128x384xf32> to vector<128xf32>
    %broadcast_in_dim3A_1665 = vector.shape_cast %reduce_sum3A_1664 : vector<128xf32> to vector<128x1xf32>
    %slice3A_1666 = vector.extract_strided_slice %get3A_1618 {offsets = [128, 0], sizes = [384, 64], strides = [1, 1]} : vector<2048x64xf32> to vector<384x64xf32>
    %dot_general3A_1667 = arith.constant dense<0.000000e+00> : vector<128x64xf32>
    %dot_general3A_1668 = tpu.matmul %exp3A_1662, %slice3A_1666, %dot_general3A_1667 {dimension_numbers = #tpu.dot_dimension_numbers<[1], [0], [0], [1], [0, 0, 1, 1], [], []>, transpose_lhs_hint = false} : vector<128x384xf32>, vector<384x64xf32>, vector<128x64xf32> -> vector<128x64xf32>
    %div3A_1669 = vector.broadcast %broadcast_in_dim3A_1665 : vector<128x1xf32> to vector<128x64xf32>
    %div3A_1670 = arith.divf %dot_general3A_1668, %div3A_1669 : vector<128x64xf32>
    %swap3A_1671 = arith.constant 0 : index
    %swap3A_1672 = arith.constant 256 : index
    %swap3A_1673 = arith.constant 64 : index
    %swap3A_1674 = vector.load %arg6[%swap3A_1671, %swap3A_1672, %swap3A_1673] : memref<1x2048x128xf32, #tpu.memory_space<vmem>>, vector<1x128x64xf32>
    %swap3A_1675 = vector.shape_cast %swap3A_1674 : vector<1x128x64xf32> to vector<128x64xf32>
    %swap3A_1676 = vector.shape_cast %div3A_1670 : vector<128x64xf32> to vector<1x128x64xf32>
    tpu.vector_store %arg6[%swap3A_1671, %swap3A_1672, %swap3A_1673], %swap3A_1676 {strides = array<i32>} : memref<1x2048x128xf32, #tpu.memory_space<vmem>>, vector<1x128x64xf32>,
    %slice3A_1677 = vector.extract_strided_slice %dot_general3A_1660 {offsets = [128, 128], sizes = [128, 384], strides = [1, 1]} : vector<256x512xf32> to vector<128x384xf32>
    %exp3A_1678 = math.exp %slice3A_1677 : vector<128x384xf32>
    %reduce_sum3A_1679 = arith.constant dense<0.000000e+00> : vector<128xf32>
    %reduce_sum3A_1680 = vector.multi_reduction <add>, %exp3A_1678, %reduce_sum3A_1679 [1] : vector<128x384xf32> to vector<128xf32>
    %broadcast_in_dim3A_1681 = vector.shape_cast %reduce_sum3A_1680 : vector<128xf32> to vector<128x1xf32>
    %slice3A_1682 = vector.extract_strided_slice %get3A_1618 {offsets = [256, 0], sizes = [384, 64], strides = [1, 1]} : vector<2048x64xf32> to vector<384x64xf32>
    %dot_general3A_1683 = arith.constant dense<0.000000e+00> : vector<128x64xf32>
    %dot_general3A_1684 = tpu.matmul %exp3A_1678, %slice3A_1682, %dot_general3A_1683 {dimension_numbers = #tpu.dot_dimension_numbers<[1], [0], [0], [1], [0, 0, 1, 1], [], []>, transpose_lhs_hint = false} : vector<128x384xf32>, vector<384x64xf32>, vector<128x64xf32> -> vector<128x64xf32>
    %div3A_1685 = vector.broadcast %broadcast_in_dim3A_1681 : vector<128x1xf32> to vector<128x64xf32>
    %div3A_1686 = arith.divf %dot_general3A_1684, %div3A_1685 : vector<128x64xf32>
    %swap3A_1687 = arith.constant 0 : index
    %swap3A_1688 = arith.constant 384 : index
    %swap3A_1689 = arith.constant 64 : index
    %swap3A_1690 = vector.load %arg6[%swap3A_1687, %swap3A_1688, %swap3A_1689] : memref<1x2048x128xf32, #tpu.memory_space<vmem>>, vector<1x128x64xf32>
    %swap3A_1691 = vector.shape_cast %swap3A_1690 : vector<1x128x64xf32> to vector<128x64xf32>
    %swap3A_1692 = vector.shape_cast %div3A_1686 : vector<128x64xf32> to vector<1x128x64xf32>
    tpu.vector_store %arg6[%swap3A_1687, %swap3A_1688, %swap3A_1689], %swap3A_1692 {strides = array<i32>} : memref<1x2048x128xf32, #tpu.memory_space<vmem>>, vector<1x128x64xf32>,
    %slice3A_1693 = vector.extract_strided_slice %get3A_1608 {offsets = [512, 0], sizes = [256, 64], strides = [1, 1]} : vector<2048x64xf32> to vector<256x64xf32>
    %slice3A_1694 = vector.extract_strided_slice %get3A_1613 {offsets = [384, 0], sizes = [512, 64], strides = [1, 1]} : vector<2048x64xf32> to vector<512x64xf32>
    %transpose3A_1695 = tpu.transpose %slice3A_1694, [1, 0] : vector<512x64xf32> -> vector<64x512xf32>
    %dot_general3A_1696 = arith.constant dense<0.000000e+00> : vector<256x512xf32>
    %dot_general3A_1697 = tpu.matmul %slice3A_1693, %transpose3A_1695, %dot_general3A_1696 {dimension_numbers = #tpu.dot_dimension_numbers<[1], [0], [0], [1], [0, 0, 1, 1], [], []>, transpose_lhs_hint = false} : vector<256x64xf32>, vector<64x512xf32>, vector<256x512xf32> -> vector<256x512xf32>
    %slice3A_1698 = vector.extract_strided_slice %dot_general3A_1697 {offsets = [0, 0], sizes = [128, 384], strides = [1, 1]} : vector<256x512xf32> to vector<128x384xf32>
    %exp3A_1699 = math.exp %slice3A_1698 : vector<128x384xf32>
    %reduce_sum3A_1700 = arith.constant dense<0.000000e+00> : vector<128xf32>
    %reduce_sum3A_1701 = vector.multi_reduction <add>, %exp3A_1699, %reduce_sum3A_1700 [1] : vector<128x384xf32> to vector<128xf32>
    %broadcast_in_dim3A_1702 = vector.shape_cast %reduce_sum3A_1701 : vector<128xf32> to vector<128x1xf32>
    %slice3A_1703 = vector.extract_strided_slice %get3A_1618 {offsets = [384, 0], sizes = [384, 64], strides = [1, 1]} : vector<2048x64xf32> to vector<384x64xf32>
    %dot_general3A_1704 = arith.constant dense<0.000000e+00> : vector<128x64xf32>
    %dot_general3A_1705 = tpu.matmul %exp3A_1699, %slice3A_1703, %dot_general3A_1704 {dimension_numbers = #tpu.dot_dimension_numbers<[1], [0], [0], [1], [0, 0, 1, 1], [], []>, transpose_lhs_hint = false} : vector<128x384xf32>, vector<384x64xf32>, vector<128x64xf32> -> vector<128x64xf32>
    %div3A_1706 = vector.broadcast %broadcast_in_dim3A_1702 : vector<128x1xf32> to vector<128x64xf32>
    %div3A_1707 = arith.divf %dot_general3A_1705, %div3A_1706 : vector<128x64xf32>
    %swap3A_1708 = arith.constant 0 : index
    %swap3A_1709 = arith.constant 512 : index
    %swap3A_1710 = arith.constant 64 : index
    %swap3A_1711 = vector.load %arg6[%swap3A_1708, %swap3A_1709, %swap3A_1710] : memref<1x2048x128xf32, #tpu.memory_space<vmem>>, vector<1x128x64xf32>
    %swap3A_1712 = vector.shape_cast %swap3A_1711 : vector<1x128x64xf32> to vector<128x64xf32>
    %swap3A_1713 = vector.shape_cast %div3A_1707 : vector<128x64xf32> to vector<1x128x64xf32>
    tpu.vector_store %arg6[%swap3A_1708, %swap3A_1709, %swap3A_1710], %swap3A_1713 {strides = array<i32>} : memref<1x2048x128xf32, #tpu.memory_space<vmem>>, vector<1x128x64xf32>,
    %slice3A_1714 = vector.extract_strided_slice %dot_general3A_1697 {offsets = [128, 128], sizes = [128, 384], strides = [1, 1]} : vector<256x512xf32> to vector<128x384xf32>
    %exp3A_1715 = math.exp %slice3A_1714 : vector<128x384xf32>
    %reduce_sum3A_1716 = arith.constant dense<0.000000e+00> : vector<128xf32>
    %reduce_sum3A_1717 = vector.multi_reduction <add>, %exp3A_1715, %reduce_sum3A_1716 [1] : vector<128x384xf32> to vector<128xf32>
    %broadcast_in_dim3A_1718 = vector.shape_cast %reduce_sum3A_1717 : vector<128xf32> to vector<128x1xf32>
    %slice3A_1719 = vector.extract_strided_slice %get3A_1618 {offsets = [512, 0], sizes = [384, 64], strides = [1, 1]} : vector<2048x64xf32> to vector<384x64xf32>
    %dot_general3A_1720 = arith.constant dense<0.000000e+00> : vector<128x64xf32>
    %dot_general3A_1721 = tpu.matmul %exp3A_1715, %slice3A_1719, %dot_general3A_1720 {dimension_numbers = #tpu.dot_dimension_numbers<[1], [0], [0], [1], [0, 0, 1, 1], [], []>, transpose_lhs_hint = false} : vector<128x384xf32>, vector<384x64xf32>, vector<128x64xf32> -> vector<128x64xf32>
    %div3A_1722 = vector.broadcast %broadcast_in_dim3A_1718 : vector<128x1xf32> to vector<128x64xf32>
    %div3A_1723 = arith.divf %dot_general3A_1721, %div3A_1722 : vector<128x64xf32>
    %swap3A_1724 = arith.constant 0 : index
    %swap3A_1725 = arith.constant 640 : index
    %swap3A_1726 = arith.constant 64 : index
    %swap3A_1727 = vector.load %arg6[%swap3A_1724, %swap3A_1725, %swap3A_1726] : memref<1x2048x128xf32, #tpu.memory_space<vmem>>, vector<1x128x64xf32>
    %swap3A_1728 = vector.shape_cast %swap3A_1727 : vector<1x128x64xf32> to vector<128x64xf32>
    %swap3A_1729 = vector.shape_cast %div3A_1723 : vector<128x64xf32> to vector<1x128x64xf32>
    tpu.vector_store %arg6[%swap3A_1724, %swap3A_1725, %swap3A_1726], %swap3A_1729 {strides = array<i32>} : memref<1x2048x128xf32, #tpu.memory_space<vmem>>, vector<1x128x64xf32>,
    %slice3A_1730 = vector.extract_strided_slice %get3A_1608 {offsets = [768, 0], sizes = [256, 64], strides = [1, 1]} : vector<2048x64xf32> to vector<256x64xf32>
    %slice3A_1731 = vector.extract_strided_slice %get3A_1613 {offsets = [640, 0], sizes = [512, 64], strides = [1, 1]} : vector<2048x64xf32> to vector<512x64xf32>
    %transpose3A_1732 = tpu.transpose %slice3A_1731, [1, 0] : vector<512x64xf32> -> vector<64x512xf32>
    %dot_general3A_1733 = arith.constant dense<0.000000e+00> : vector<256x512xf32>
    %dot_general3A_1734 = tpu.matmul %slice3A_1730, %transpose3A_1732, %dot_general3A_1733 {dimension_numbers = #tpu.dot_dimension_numbers<[1], [0], [0], [1], [0, 0, 1, 1], [], []>, transpose_lhs_hint = false} : vector<256x64xf32>, vector<64x512xf32>, vector<256x512xf32> -> vector<256x512xf32>
    %slice3A_1735 = vector.extract_strided_slice %dot_general3A_1734 {offsets = [0, 0], sizes = [128, 384], strides = [1, 1]} : vector<256x512xf32> to vector<128x384xf32>
    %exp3A_1736 = math.exp %slice3A_1735 : vector<128x384xf32>
    %reduce_sum3A_1737 = arith.constant dense<0.000000e+00> : vector<128xf32>
    %reduce_sum3A_1738 = vector.multi_reduction <add>, %exp3A_1736, %reduce_sum3A_1737 [1] : vector<128x384xf32> to vector<128xf32>
    %broadcast_in_dim3A_1739 = vector.shape_cast %reduce_sum3A_1738 : vector<128xf32> to vector<128x1xf32>
    %slice3A_1740 = vector.extract_strided_slice %get3A_1618 {offsets = [640, 0], sizes = [384, 64], strides = [1, 1]} : vector<2048x64xf32> to vector<384x64xf32>
    %dot_general3A_1741 = arith.constant dense<0.000000e+00> : vector<128x64xf32>
    %dot_general3A_1742 = tpu.matmul %exp3A_1736, %slice3A_1740, %dot_general3A_1741 {dimension_numbers = #tpu.dot_dimension_numbers<[1], [0], [0], [1], [0, 0, 1, 1], [], []>, transpose_lhs_hint = false} : vector<128x384xf32>, vector<384x64xf32>, vector<128x64xf32> -> vector<128x64xf32>
    %div3A_1743 = vector.broadcast %broadcast_in_dim3A_1739 : vector<128x1xf32> to vector<128x64xf32>
    %div3A_1744 = arith.divf %dot_general3A_1742, %div3A_1743 : vector<128x64xf32>
    %swap3A_1745 = arith.constant 0 : index
    %swap3A_1746 = arith.constant 768 : index
    %swap3A_1747 = arith.constant 64 : index
    %swap3A_1748 = vector.load %arg6[%swap3A_1745, %swap3A_1746, %swap3A_1747] : memref<1x2048x128xf32, #tpu.memory_space<vmem>>, vector<1x128x64xf32>
    %swap3A_1749 = vector.shape_cast %swap3A_1748 : vector<1x128x64xf32> to vector<128x64xf32>
    %swap3A_1750 = vector.shape_cast %div3A_1744 : vector<128x64xf32> to vector<1x128x64xf32>
    tpu.vector_store %arg6[%swap3A_1745, %swap3A_1746, %swap3A_1747], %swap3A_1750 {strides = array<i32>} : memref<1x2048x128xf32, #tpu.memory_space<vmem>>, vector<1x128x64xf32>,
    %slice3A_1751 = vector.extract_strided_slice %dot_general3A_1734 {offsets = [128, 128], sizes = [128, 384], strides = [1, 1]} : vector<256x512xf32> to vector<128x384xf32>
    %exp3A_1752 = math.exp %slice3A_1751 : vector<128x384xf32>
    %reduce_sum3A_1753 = arith.constant dense<0.000000e+00> : vector<128xf32>
    %reduce_sum3A_1754 = vector.multi_reduction <add>, %exp3A_1752, %reduce_sum3A_1753 [1] : vector<128x384xf32> to vector<128xf32>
    %broadcast_in_dim3A_1755 = vector.shape_cast %reduce_sum3A_1754 : vector<128xf32> to vector<128x1xf32>
    %slice3A_1756 = vector.extract_strided_slice %get3A_1618 {offsets = [768, 0], sizes = [384, 64], strides = [1, 1]} : vector<2048x64xf32> to vector<384x64xf32>
    %dot_general3A_1757 = arith.constant dense<0.000000e+00> : vector<128x64xf32>
    %dot_general3A_1758 = tpu.matmul %exp3A_1752, %slice3A_1756, %dot_general3A_1757 {dimension_numbers = #tpu.dot_dimension_numbers<[1], [0], [0], [1], [0, 0, 1, 1], [], []>, transpose_lhs_hint = false} : vector<128x384xf32>, vector<384x64xf32>, vector<128x64xf32> -> vector<128x64xf32>
    %div3A_1759 = vector.broadcast %broadcast_in_dim3A_1755 : vector<128x1xf32> to vector<128x64xf32>
    %div3A_1760 = arith.divf %dot_general3A_1758, %div3A_1759 : vector<128x64xf32>
    %swap3A_1761 = arith.constant 0 : index
    %swap3A_1762 = arith.constant 896 : index
    %swap3A_1763 = arith.constant 64 : index
    %swap3A_1764 = vector.load %arg6[%swap3A_1761, %swap3A_1762, %swap3A_1763] : memref<1x2048x128xf32, #tpu.memory_space<vmem>>, vector<1x128x64xf32>
    %swap3A_1765 = vector.shape_cast %swap3A_1764 : vector<1x128x64xf32> to vector<128x64xf32>
    %swap3A_1766 = vector.shape_cast %div3A_1760 : vector<128x64xf32> to vector<1x128x64xf32>
    tpu.vector_store %arg6[%swap3A_1761, %swap3A_1762, %swap3A_1763], %swap3A_1766 {strides = array<i32>} : memref<1x2048x128xf32, #tpu.memory_space<vmem>>, vector<1x128x64xf32>,
    %slice3A_1767 = vector.extract_strided_slice %get3A_1608 {offsets = [1024, 0], sizes = [256, 64], strides = [1, 1]} : vector<2048x64xf32> to vector<256x64xf32>
    %slice3A_1768 = vector.extract_strided_slice %get3A_1613 {offsets = [896, 0], sizes = [512, 64], strides = [1, 1]} : vector<2048x64xf32> to vector<512x64xf32>
    %transpose3A_1769 = tpu.transpose %slice3A_1768, [1, 0] : vector<512x64xf32> -> vector<64x512xf32>
    %dot_general3A_1770 = arith.constant dense<0.000000e+00> : vector<256x512xf32>
    %dot_general3A_1771 = tpu.matmul %slice3A_1767, %transpose3A_1769, %dot_general3A_1770 {dimension_numbers = #tpu.dot_dimension_numbers<[1], [0], [0], [1], [0, 0, 1, 1], [], []>, transpose_lhs_hint = false} : vector<256x64xf32>, vector<64x512xf32>, vector<256x512xf32> -> vector<256x512xf32>
    %slice3A_1772 = vector.extract_strided_slice %dot_general3A_1771 {offsets = [0, 0], sizes = [128, 384], strides = [1, 1]} : vector<256x512xf32> to vector<128x384xf32>
    %exp3A_1773 = math.exp %slice3A_1772 : vector<128x384xf32>
    %reduce_sum3A_1774 = arith.constant dense<0.000000e+00> : vector<128xf32>
    %reduce_sum3A_1775 = vector.multi_reduction <add>, %exp3A_1773, %reduce_sum3A_1774 [1] : vector<128x384xf32> to vector<128xf32>
    %broadcast_in_dim3A_1776 = vector.shape_cast %reduce_sum3A_1775 : vector<128xf32> to vector<128x1xf32>
    %slice3A_1777 = vector.extract_strided_slice %get3A_1618 {offsets = [896, 0], sizes = [384, 64], strides = [1, 1]} : vector<2048x64xf32> to vector<384x64xf32>
    %dot_general3A_1778 = arith.constant dense<0.000000e+00> : vector<128x64xf32>
    %dot_general3A_1779 = tpu.matmul %exp3A_1773, %slice3A_1777, %dot_general3A_1778 {dimension_numbers = #tpu.dot_dimension_numbers<[1], [0], [0], [1], [0, 0, 1, 1], [], []>, transpose_lhs_hint = false} : vector<128x384xf32>, vector<384x64xf32>, vector<128x64xf32> -> vector<128x64xf32>
    %div3A_1780 = vector.broadcast %broadcast_in_dim3A_1776 : vector<128x1xf32> to vector<128x64xf32>
    %div3A_1781 = arith.divf %dot_general3A_1779, %div3A_1780 : vector<128x64xf32>
    %swap3A_1782 = arith.constant 0 : index
    %swap3A_1783 = arith.constant 1024 : index
    %swap3A_1784 = arith.constant 64 : index
    %swap3A_1785 = vector.load %arg6[%swap3A_1782, %swap3A_1783, %swap3A_1784] : memref<1x2048x128xf32, #tpu.memory_space<vmem>>, vector<1x128x64xf32>
    %swap3A_1786 = vector.shape_cast %swap3A_1785 : vector<1x128x64xf32> to vector<128x64xf32>
    %swap3A_1787 = vector.shape_cast %div3A_1781 : vector<128x64xf32> to vector<1x128x64xf32>
    tpu.vector_store %arg6[%swap3A_1782, %swap3A_1783, %swap3A_1784], %swap3A_1787 {strides = array<i32>} : memref<1x2048x128xf32, #tpu.memory_space<vmem>>, vector<1x128x64xf32>,
    %slice3A_1788 = vector.extract_strided_slice %dot_general3A_1771 {offsets = [128, 128], sizes = [128, 384], strides = [1, 1]} : vector<256x512xf32> to vector<128x384xf32>
    %exp3A_1789 = math.exp %slice3A_1788 : vector<128x384xf32>
    %reduce_sum3A_1790 = arith.constant dense<0.000000e+00> : vector<128xf32>
    %reduce_sum3A_1791 = vector.multi_reduction <add>, %exp3A_1789, %reduce_sum3A_1790 [1] : vector<128x384xf32> to vector<128xf32>
    %broadcast_in_dim3A_1792 = vector.shape_cast %reduce_sum3A_1791 : vector<128xf32> to vector<128x1xf32>
    %slice3A_1793 = vector.extract_strided_slice %get3A_1618 {offsets = [1024, 0], sizes = [384, 64], strides = [1, 1]} : vector<2048x64xf32> to vector<384x64xf32>
    %dot_general3A_1794 = arith.constant dense<0.000000e+00> : vector<128x64xf32>
    %dot_general3A_1795 = tpu.matmul %exp3A_1789, %slice3A_1793, %dot_general3A_1794 {dimension_numbers = #tpu.dot_dimension_numbers<[1], [0], [0], [1], [0, 0, 1, 1], [], []>, transpose_lhs_hint = false} : vector<128x384xf32>, vector<384x64xf32>, vector<128x64xf32> -> vector<128x64xf32>
    %div3A_1796 = vector.broadcast %broadcast_in_dim3A_1792 : vector<128x1xf32> to vector<128x64xf32>
    %div3A_1797 = arith.divf %dot_general3A_1795, %div3A_1796 : vector<128x64xf32>
    %swap3A_1798 = arith.constant 0 : index
    %swap3A_1799 = arith.constant 1152 : index
    %swap3A_1800 = arith.constant 64 : index
    %swap3A_1801 = vector.load %arg6[%swap3A_1798, %swap3A_1799, %swap3A_1800] : memref<1x2048x128xf32, #tpu.memory_space<vmem>>, vector<1x128x64xf32>
    %swap3A_1802 = vector.shape_cast %swap3A_1801 : vector<1x128x64xf32> to vector<128x64xf32>
    %swap3A_1803 = vector.shape_cast %div3A_1797 : vector<128x64xf32> to vector<1x128x64xf32>
    tpu.vector_store %arg6[%swap3A_1798, %swap3A_1799, %swap3A_1800], %swap3A_1803 {strides = array<i32>} : memref<1x2048x128xf32, #tpu.memory_space<vmem>>, vector<1x128x64xf32>,
    %slice3A_1804 = vector.extract_strided_slice %get3A_1608 {offsets = [1280, 0], sizes = [256, 64], strides = [1, 1]} : vector<2048x64xf32> to vector<256x64xf32>
    %slice3A_1805 = vector.extract_strided_slice %get3A_1613 {offsets = [1152, 0], sizes = [512, 64], strides = [1, 1]} : vector<2048x64xf32> to vector<512x64xf32>
    %transpose3A_1806 = tpu.transpose %slice3A_1805, [1, 0] : vector<512x64xf32> -> vector<64x512xf32>
    %dot_general3A_1807 = arith.constant dense<0.000000e+00> : vector<256x512xf32>
    %dot_general3A_1808 = tpu.matmul %slice3A_1804, %transpose3A_1806, %dot_general3A_1807 {dimension_numbers = #tpu.dot_dimension_numbers<[1], [0], [0], [1], [0, 0, 1, 1], [], []>, transpose_lhs_hint = false} : vector<256x64xf32>, vector<64x512xf32>, vector<256x512xf32> -> vector<256x512xf32>
    %slice3A_1809 = vector.extract_strided_slice %dot_general3A_1808 {offsets = [0, 0], sizes = [128, 384], strides = [1, 1]} : vector<256x512xf32> to vector<128x384xf32>
    %exp3A_1810 = math.exp %slice3A_1809 : vector<128x384xf32>
    %reduce_sum3A_1811 = arith.constant dense<0.000000e+00> : vector<128xf32>
    %reduce_sum3A_1812 = vector.multi_reduction <add>, %exp3A_1810, %reduce_sum3A_1811 [1] : vector<128x384xf32> to vector<128xf32>
    %broadcast_in_dim3A_1813 = vector.shape_cast %reduce_sum3A_1812 : vector<128xf32> to vector<128x1xf32>
    %slice3A_1814 = vector.extract_strided_slice %get3A_1618 {offsets = [1152, 0], sizes = [384, 64], strides = [1, 1]} : vector<2048x64xf32> to vector<384x64xf32>
    %dot_general3A_1815 = arith.constant dense<0.000000e+00> : vector<128x64xf32>
    %dot_general3A_1816 = tpu.matmul %exp3A_1810, %slice3A_1814, %dot_general3A_1815 {dimension_numbers = #tpu.dot_dimension_numbers<[1], [0], [0], [1], [0, 0, 1, 1], [], []>, transpose_lhs_hint = false} : vector<128x384xf32>, vector<384x64xf32>, vector<128x64xf32> -> vector<128x64xf32>
    %div3A_1817 = vector.broadcast %broadcast_in_dim3A_1813 : vector<128x1xf32> to vector<128x64xf32>
    %div3A_1818 = arith.divf %dot_general3A_1816, %div3A_1817 : vector<128x64xf32>
    %swap3A_1819 = arith.constant 0 : index
    %swap3A_1820 = arith.constant 1280 : index
    %swap3A_1821 = arith.constant 64 : index
    %swap3A_1822 = vector.load %arg6[%swap3A_1819, %swap3A_1820, %swap3A_1821] : memref<1x2048x128xf32, #tpu.memory_space<vmem>>, vector<1x128x64xf32>
    %swap3A_1823 = vector.shape_cast %swap3A_1822 : vector<1x128x64xf32> to vector<128x64xf32>
    %swap3A_1824 = vector.shape_cast %div3A_1818 : vector<128x64xf32> to vector<1x128x64xf32>
    tpu.vector_store %arg6[%swap3A_1819, %swap3A_1820, %swap3A_1821], %swap3A_1824 {strides = array<i32>} : memref<1x2048x128xf32, #tpu.memory_space<vmem>>, vector<1x128x64xf32>,
    %slice3A_1825 = vector.extract_strided_slice %dot_general3A_1808 {offsets = [128, 128], sizes = [128, 384], strides = [1, 1]} : vector<256x512xf32> to vector<128x384xf32>
    %exp3A_1826 = math.exp %slice3A_1825 : vector<128x384xf32>
    %reduce_sum3A_1827 = arith.constant dense<0.000000e+00> : vector<128xf32>
    %reduce_sum3A_1828 = vector.multi_reduction <add>, %exp3A_1826, %reduce_sum3A_1827 [1] : vector<128x384xf32> to vector<128xf32>
    %broadcast_in_dim3A_1829 = vector.shape_cast %reduce_sum3A_1828 : vector<128xf32> to vector<128x1xf32>
    %slice3A_1830 = vector.extract_strided_slice %get3A_1618 {offsets = [1280, 0], sizes = [384, 64], strides = [1, 1]} : vector<2048x64xf32> to vector<384x64xf32>
    %dot_general3A_1831 = arith.constant dense<0.000000e+00> : vector<128x64xf32>
    %dot_general3A_1832 = tpu.matmul %exp3A_1826, %slice3A_1830, %dot_general3A_1831 {dimension_numbers = #tpu.dot_dimension_numbers<[1], [0], [0], [1], [0, 0, 1, 1], [], []>, transpose_lhs_hint = false} : vector<128x384xf32>, vector<384x64xf32>, vector<128x64xf32> -> vector<128x64xf32>
    %div3A_1833 = vector.broadcast %broadcast_in_dim3A_1829 : vector<128x1xf32> to vector<128x64xf32>
    %div3A_1834 = arith.divf %dot_general3A_1832, %div3A_1833 : vector<128x64xf32>
    %swap3A_1835 = arith.constant 0 : index
    %swap3A_1836 = arith.constant 1408 : index
    %swap3A_1837 = arith.constant 64 : index
    %swap3A_1838 = vector.load %arg6[%swap3A_1835, %swap3A_1836, %swap3A_1837] : memref<1x2048x128xf32, #tpu.memory_space<vmem>>, vector<1x128x64xf32>
    %swap3A_1839 = vector.shape_cast %swap3A_1838 : vector<1x128x64xf32> to vector<128x64xf32>
    %swap3A_1840 = vector.shape_cast %div3A_1834 : vector<128x64xf32> to vector<1x128x64xf32>
    tpu.vector_store %arg6[%swap3A_1835, %swap3A_1836, %swap3A_1837], %swap3A_1840 {strides = array<i32>} : memref<1x2048x128xf32, #tpu.memory_space<vmem>>, vector<1x128x64xf32>,
    %slice3A_1841 = vector.extract_strided_slice %get3A_1608 {offsets = [1536, 0], sizes = [256, 64], strides = [1, 1]} : vector<2048x64xf32> to vector<256x64xf32>
    %slice3A_1842 = vector.extract_strided_slice %get3A_1613 {offsets = [1408, 0], sizes = [512, 64], strides = [1, 1]} : vector<2048x64xf32> to vector<512x64xf32>
    %transpose3A_1843 = tpu.transpose %slice3A_1842, [1, 0] : vector<512x64xf32> -> vector<64x512xf32>
    %dot_general3A_1844 = arith.constant dense<0.000000e+00> : vector<256x512xf32>
    %dot_general3A_1845 = tpu.matmul %slice3A_1841, %transpose3A_1843, %dot_general3A_1844 {dimension_numbers = #tpu.dot_dimension_numbers<[1], [0], [0], [1], [0, 0, 1, 1], [], []>, transpose_lhs_hint = false} : vector<256x64xf32>, vector<64x512xf32>, vector<256x512xf32> -> vector<256x512xf32>
    %slice3A_1846 = vector.extract_strided_slice %dot_general3A_1845 {offsets = [0, 0], sizes = [128, 384], strides = [1, 1]} : vector<256x512xf32> to vector<128x384xf32>
    %exp3A_1847 = math.exp %slice3A_1846 : vector<128x384xf32>
    %reduce_sum3A_1848 = arith.constant dense<0.000000e+00> : vector<128xf32>
    %reduce_sum3A_1849 = vector.multi_reduction <add>, %exp3A_1847, %reduce_sum3A_1848 [1] : vector<128x384xf32> to vector<128xf32>
    %broadcast_in_dim3A_1850 = vector.shape_cast %reduce_sum3A_1849 : vector<128xf32> to vector<128x1xf32>
    %slice3A_1851 = vector.extract_strided_slice %get3A_1618 {offsets = [1408, 0], sizes = [384, 64], strides = [1, 1]} : vector<2048x64xf32> to vector<384x64xf32>
    %dot_general3A_1852 = arith.constant dense<0.000000e+00> : vector<128x64xf32>
    %dot_general3A_1853 = tpu.matmul %exp3A_1847, %slice3A_1851, %dot_general3A_1852 {dimension_numbers = #tpu.dot_dimension_numbers<[1], [0], [0], [1], [0, 0, 1, 1], [], []>, transpose_lhs_hint = false} : vector<128x384xf32>, vector<384x64xf32>, vector<128x64xf32> -> vector<128x64xf32>
    %div3A_1854 = vector.broadcast %broadcast_in_dim3A_1850 : vector<128x1xf32> to vector<128x64xf32>
    %div3A_1855 = arith.divf %dot_general3A_1853, %div3A_1854 : vector<128x64xf32>
    %swap3A_1856 = arith.constant 0 : index
    %swap3A_1857 = arith.constant 1536 : index
    %swap3A_1858 = arith.constant 64 : index
    %swap3A_1859 = vector.load %arg6[%swap3A_1856, %swap3A_1857, %swap3A_1858] : memref<1x2048x128xf32, #tpu.memory_space<vmem>>, vector<1x128x64xf32>
    %swap3A_1860 = vector.shape_cast %swap3A_1859 : vector<1x128x64xf32> to vector<128x64xf32>
    %swap3A_1861 = vector.shape_cast %div3A_1855 : vector<128x64xf32> to vector<1x128x64xf32>
    tpu.vector_store %arg6[%swap3A_1856, %swap3A_1857, %swap3A_1858], %swap3A_1861 {strides = array<i32>} : memref<1x2048x128xf32, #tpu.memory_space<vmem>>, vector<1x128x64xf32>,
    %slice3A_1862 = vector.extract_strided_slice %dot_general3A_1845 {offsets = [128, 128], sizes = [128, 384], strides = [1, 1]} : vector<256x512xf32> to vector<128x384xf32>
    %exp3A_1863 = math.exp %slice3A_1862 : vector<128x384xf32>
    %reduce_sum3A_1864 = arith.constant dense<0.000000e+00> : vector<128xf32>
    %reduce_sum3A_1865 = vector.multi_reduction <add>, %exp3A_1863, %reduce_sum3A_1864 [1] : vector<128x384xf32> to vector<128xf32>
    %broadcast_in_dim3A_1866 = vector.shape_cast %reduce_sum3A_1865 : vector<128xf32> to vector<128x1xf32>
    %slice3A_1867 = vector.extract_strided_slice %get3A_1618 {offsets = [1536, 0], sizes = [384, 64], strides = [1, 1]} : vector<2048x64xf32> to vector<384x64xf32>
    %dot_general3A_1868 = arith.constant dense<0.000000e+00> : vector<128x64xf32>
    %dot_general3A_1869 = tpu.matmul %exp3A_1863, %slice3A_1867, %dot_general3A_1868 {dimension_numbers = #tpu.dot_dimension_numbers<[1], [0], [0], [1], [0, 0, 1, 1], [], []>, transpose_lhs_hint = false} : vector<128x384xf32>, vector<384x64xf32>, vector<128x64xf32> -> vector<128x64xf32>
    %div3A_1870 = vector.broadcast %broadcast_in_dim3A_1866 : vector<128x1xf32> to vector<128x64xf32>
    %div3A_1871 = arith.divf %dot_general3A_1869, %div3A_1870 : vector<128x64xf32>
    %swap3A_1872 = arith.constant 0 : index
    %swap3A_1873 = arith.constant 1664 : index
    %swap3A_1874 = arith.constant 64 : index
    %swap3A_1875 = vector.load %arg6[%swap3A_1872, %swap3A_1873, %swap3A_1874] : memref<1x2048x128xf32, #tpu.memory_space<vmem>>, vector<1x128x64xf32>
    %swap3A_1876 = vector.shape_cast %swap3A_1875 : vector<1x128x64xf32> to vector<128x64xf32>
    %swap3A_1877 = vector.shape_cast %div3A_1871 : vector<128x64xf32> to vector<1x128x64xf32>
    tpu.vector_store %arg6[%swap3A_1872, %swap3A_1873, %swap3A_1874], %swap3A_1877 {strides = array<i32>} : memref<1x2048x128xf32, #tpu.memory_space<vmem>>, vector<1x128x64xf32>,
    %slice3A_1878 = vector.extract_strided_slice %get3A_1608 {offsets = [1792, 0], sizes = [256, 64], strides = [1, 1]} : vector<2048x64xf32> to vector<256x64xf32>
    %slice3A_1879 = vector.extract_strided_slice %get3A_1613 {offsets = [1664, 0], sizes = [384, 64], strides = [1, 1]} : vector<2048x64xf32> to vector<384x64xf32>
    %transpose3A_1880 = tpu.transpose %slice3A_1879, [1, 0] : vector<384x64xf32> -> vector<64x384xf32>
    %dot_general3A_1881 = arith.constant dense<0.000000e+00> : vector<256x384xf32>
    %dot_general3A_1882 = tpu.matmul %slice3A_1878, %transpose3A_1880, %dot_general3A_1881 {dimension_numbers = #tpu.dot_dimension_numbers<[1], [0], [0], [1], [0, 0, 1, 1], [], []>, transpose_lhs_hint = false} : vector<256x64xf32>, vector<64x384xf32>, vector<256x384xf32> -> vector<256x384xf32>
    %slice3A_1883 = vector.extract_strided_slice %dot_general3A_1882 {offsets = [0, 0], sizes = [128, 384], strides = [1, 1]} : vector<256x384xf32> to vector<128x384xf32>
    %exp3A_1884 = math.exp %slice3A_1883 : vector<128x384xf32>
    %reduce_sum3A_1885 = arith.constant dense<0.000000e+00> : vector<128xf32>
    %reduce_sum3A_1886 = vector.multi_reduction <add>, %exp3A_1884, %reduce_sum3A_1885 [1] : vector<128x384xf32> to vector<128xf32>
    %broadcast_in_dim3A_1887 = vector.shape_cast %reduce_sum3A_1886 : vector<128xf32> to vector<128x1xf32>
    %slice3A_1888 = vector.extract_strided_slice %get3A_1618 {offsets = [1664, 0], sizes = [384, 64], strides = [1, 1]} : vector<2048x64xf32> to vector<384x64xf32>
    %dot_general3A_1889 = arith.constant dense<0.000000e+00> : vector<128x64xf32>
    %dot_general3A_1890 = tpu.matmul %exp3A_1884, %slice3A_1888, %dot_general3A_1889 {dimension_numbers = #tpu.dot_dimension_numbers<[1], [0], [0], [1], [0, 0, 1, 1], [], []>, transpose_lhs_hint = false} : vector<128x384xf32>, vector<384x64xf32>, vector<128x64xf32> -> vector<128x64xf32>
    %div3A_1891 = vector.broadcast %broadcast_in_dim3A_1887 : vector<128x1xf32> to vector<128x64xf32>
    %div3A_1892 = arith.divf %dot_general3A_1890, %div3A_1891 : vector<128x64xf32>
    %swap3A_1893 = arith.constant 0 : index
    %swap3A_1894 = arith.constant 1792 : index
    %swap3A_1895 = arith.constant 64 : index
    %swap3A_1896 = vector.load %arg6[%swap3A_1893, %swap3A_1894, %swap3A_1895] : memref<1x2048x128xf32, #tpu.memory_space<vmem>>, vector<1x128x64xf32>
    %swap3A_1897 = vector.shape_cast %swap3A_1896 : vector<1x128x64xf32> to vector<128x64xf32>
    %swap3A_1898 = vector.shape_cast %div3A_1892 : vector<128x64xf32> to vector<1x128x64xf32>
    tpu.vector_store %arg6[%swap3A_1893, %swap3A_1894, %swap3A_1895], %swap3A_1898 {strides = array<i32>} : memref<1x2048x128xf32, #tpu.memory_space<vmem>>, vector<1x128x64xf32>,
    %slice3A_1899 = vector.extract_strided_slice %dot_general3A_1882 {offsets = [128, 128], sizes = [128, 256], strides = [1, 1]} : vector<256x384xf32> to vector<128x256xf32>
    %exp3A_1900 = math.exp %slice3A_1899 : vector<128x256xf32>
    %reduce_sum3A_1901 = arith.constant dense<0.000000e+00> : vector<128xf32>
    %reduce_sum3A_1902 = vector.multi_reduction <add>, %exp3A_1900, %reduce_sum3A_1901 [1] : vector<128x256xf32> to vector<128xf32>
    %broadcast_in_dim3A_1903 = vector.shape_cast %reduce_sum3A_1902 : vector<128xf32> to vector<128x1xf32>
    %slice3A_1904 = vector.extract_strided_slice %get3A_1618 {offsets = [1792, 0], sizes = [256, 64], strides = [1, 1]} : vector<2048x64xf32> to vector<256x64xf32>
    %dot_general3A_1905 = arith.constant dense<0.000000e+00> : vector<128x64xf32>
    %dot_general3A_1906 = tpu.matmul %exp3A_1900, %slice3A_1904, %dot_general3A_1905 {dimension_numbers = #tpu.dot_dimension_numbers<[1], [0], [0], [1], [0, 0, 1, 1], [], []>, transpose_lhs_hint = false} : vector<128x256xf32>, vector<256x64xf32>, vector<128x64xf32> -> vector<128x64xf32>
    %div3A_1907 = vector.broadcast %broadcast_in_dim3A_1903 : vector<128x1xf32> to vector<128x64xf32>
    %div3A_1908 = arith.divf %dot_general3A_1906, %div3A_1907 : vector<128x64xf32>
    %swap3A_1909 = arith.constant 0 : index
    %swap3A_1910 = arith.constant 1920 : index
    %swap3A_1911 = arith.constant 64 : index
    %swap3A_1912 = vector.load %arg6[%swap3A_1909, %swap3A_1910, %swap3A_1911] : memref<1x2048x128xf32, #tpu.memory_space<vmem>>, vector<1x128x64xf32>
    %swap3A_1913 = vector.shape_cast %swap3A_1912 : vector<1x128x64xf32> to vector<128x64xf32>
    %swap3A_1914 = vector.shape_cast %div3A_1908 : vector<128x64xf32> to vector<1x128x64xf32>
    tpu.vector_store %arg6[%swap3A_1909, %swap3A_1910, %swap3A_1911], %swap3A_1914 {strides = array<i32>} : memref<1x2048x128xf32, #tpu.memory_space<vmem>>, vector<1x128x64xf32>,
    %iota3A_1915 = tpu.iota {dimensions = array<i32: 0>} : vector<64x1xi32>
    %broadcast_in_dim3A_1916 = arith.constant 0 : i32
    %broadcast_in_dim3A_1917 = vector.broadcast %broadcast_in_dim3A_1916 : i32 to vector<64x1xi32>
    %eq3A_1918 = arith.constant 0 : i32
    %eq3A_1919 = vector.broadcast %eq3A_1918 : i32 to vector<64x1xi32>
    %eq3A_1920 = arith.cmpi eq, %iota3A_1915, %eq3A_1919 : vector<64x1xi32>
    %get3A_1921 = arith.index_cast %arg0 : i32 to index
    %get3A_1922 = arith.index_cast %add3A_1603 : i32 to index
    %get3A_1923 = arith.constant 0 : index
    %get3A_1924 = memref.load %arg2[%get3A_1921, %get3A_1922, %get3A_1923] : memref<2x16x64xi32, #tpu.memory_space<smem>>
    %broadcast_in_dim3A_1925 = vector.broadcast %get3A_1924 : i32 to vector<64x1xi32>
    %select_n3A_1926 = arith.select %eq3A_1920, %broadcast_in_dim3A_1925, %broadcast_in_dim3A_1917 : vector<64x1xi1>, vector<64x1xi32>
    %eq3A_1927 = arith.constant 1 : i32
    %eq3A_1928 = vector.broadcast %eq3A_1927 : i32 to vector<64x1xi32>
    %eq3A_1929 = arith.cmpi eq, %iota3A_1915, %eq3A_1928 : vector<64x1xi32>
    %get3A_1930 = arith.index_cast %arg0 : i32 to index
    %get3A_1931 = arith.index_cast %add3A_1603 : i32 to index
    %get3A_1932 = arith.constant 1 : index
    %get3A_1933 = memref.load %arg2[%get3A_1930, %get3A_1931, %get3A_1932] : memref<2x16x64xi32, #tpu.memory_space<smem>>
    %broadcast_in_dim3A_1934 = vector.broadcast %get3A_1933 : i32 to vector<64x1xi32>
    %select_n3A_1935 = arith.select %eq3A_1929, %broadcast_in_dim3A_1934, %select_n3A_1926 : vector<64x1xi1>, vector<64x1xi32>
    %eq3A_1936 = arith.constant 2 : i32
    %eq3A_1937 = vector.broadcast %eq3A_1936 : i32 to vector<64x1xi32>
    %eq3A_1938 = arith.cmpi eq, %iota3A_1915, %eq3A_1937 : vector<64x1xi32>
    %get3A_1939 = arith.index_cast %arg0 : i32 to index
    %get3A_1940 = arith.index_cast %add3A_1603 : i32 to index
    %get3A_1941 = arith.constant 2 : index
    %get3A_1942 = memref.load %arg2[%get3A_1939, %get3A_1940, %get3A_1941] : memref<2x16x64xi32, #tpu.memory_space<smem>>
    %broadcast_in_dim3A_1943 = vector.broadcast %get3A_1942 : i32 to vector<64x1xi32>
    %select_n3A_1944 = arith.select %eq3A_1938, %broadcast_in_dim3A_1943, %select_n3A_1935 : vector<64x1xi1>, vector<64x1xi32>
    %eq3A_1945 = arith.constant 3 : i32
    %eq3A_1946 = vector.broadcast %eq3A_1945 : i32 to vector<64x1xi32>
    %eq3A_1947 = arith.cmpi eq, %iota3A_1915, %eq3A_1946 : vector<64x1xi32>
    %get3A_1948 = arith.index_cast %arg0 : i32 to index
    %get3A_1949 = arith.index_cast %add3A_1603 : i32 to index
    %get3A_1950 = arith.constant 3 : index
    %get3A_1951 = memref.load %arg2[%get3A_1948, %get3A_1949, %get3A_1950] : memref<2x16x64xi32, #tpu.memory_space<smem>>
    %broadcast_in_dim3A_1952 = vector.broadcast %get3A_1951 : i32 to vector<64x1xi32>
    %select_n3A_1953 = arith.select %eq3A_1947, %broadcast_in_dim3A_1952, %select_n3A_1944 : vector<64x1xi1>, vector<64x1xi32>
    %eq3A_1954 = arith.constant 4 : i32
    %eq3A_1955 = vector.broadcast %eq3A_1954 : i32 to vector<64x1xi32>
    %eq3A_1956 = arith.cmpi eq, %iota3A_1915, %eq3A_1955 : vector<64x1xi32>
    %get3A_1957 = arith.index_cast %arg0 : i32 to index
    %get3A_1958 = arith.index_cast %add3A_1603 : i32 to index
    %get3A_1959 = arith.constant 4 : index
    %get3A_1960 = memref.load %arg2[%get3A_1957, %get3A_1958, %get3A_1959] : memref<2x16x64xi32, #tpu.memory_space<smem>>
    %broadcast_in_dim3A_1961 = vector.broadcast %get3A_1960 : i32 to vector<64x1xi32>
    %select_n3A_1962 = arith.select %eq3A_1956, %broadcast_in_dim3A_1961, %select_n3A_1953 : vector<64x1xi1>, vector<64x1xi32>
    %eq3A_1963 = arith.constant 5 : i32
    %eq3A_1964 = vector.broadcast %eq3A_1963 : i32 to vector<64x1xi32>
    %eq3A_1965 = arith.cmpi eq, %iota3A_1915, %eq3A_1964 : vector<64x1xi32>
    %get3A_1966 = arith.index_cast %arg0 : i32 to index
    %get3A_1967 = arith.index_cast %add3A_1603 : i32 to index
    %get3A_1968 = arith.constant 5 : index
    %get3A_1969 = memref.load %arg2[%get3A_1966, %get3A_1967, %get3A_1968] : memref<2x16x64xi32, #tpu.memory_space<smem>>
    %broadcast_in_dim3A_1970 = vector.broadcast %get3A_1969 : i32 to vector<64x1xi32>
    %select_n3A_1971 = arith.select %eq3A_1965, %broadcast_in_dim3A_1970, %select_n3A_1962 : vector<64x1xi1>, vector<64x1xi32>
    %eq3A_1972 = arith.constant 6 : i32
    %eq3A_1973 = vector.broadcast %eq3A_1972 : i32 to vector<64x1xi32>
    %eq3A_1974 = arith.cmpi eq, %iota3A_1915, %eq3A_1973 : vector<64x1xi32>
    %get3A_1975 = arith.index_cast %arg0 : i32 to index
    %get3A_1976 = arith.index_cast %add3A_1603 : i32 to index
    %get3A_1977 = arith.constant 6 : index
    %get3A_1978 = memref.load %arg2[%get3A_1975, %get3A_1976, %get3A_1977] : memref<2x16x64xi32, #tpu.memory_space<smem>>
    %broadcast_in_dim3A_1979 = vector.broadcast %get3A_1978 : i32 to vector<64x1xi32>
    %select_n3A_1980 = arith.select %eq3A_1974, %broadcast_in_dim3A_1979, %select_n3A_1971 : vector<64x1xi1>, vector<64x1xi32>
    %eq3A_1981 = arith.constant 7 : i32
    %eq3A_1982 = vector.broadcast %eq3A_1981 : i32 to vector<64x1xi32>
    %eq3A_1983 = arith.cmpi eq, %iota3A_1915, %eq3A_1982 : vector<64x1xi32>
    %get3A_1984 = arith.index_cast %arg0 : i32 to index
    %get3A_1985 = arith.index_cast %add3A_1603 : i32 to index
    %get3A_1986 = arith.constant 7 : index
    %get3A_1987 = memref.load %arg2[%get3A_1984, %get3A_1985, %get3A_1986] : memref<2x16x64xi32, #tpu.memory_space<smem>>
    %broadcast_in_dim3A_1988 = vector.broadcast %get3A_1987 : i32 to vector<64x1xi32>
    %select_n3A_1989 = arith.select %eq3A_1983, %broadcast_in_dim3A_1988, %select_n3A_1980 : vector<64x1xi1>, vector<64x1xi32>
    %eq3A_1990 = arith.constant 8 : i32
    %eq3A_1991 = vector.broadcast %eq3A_1990 : i32 to vector<64x1xi32>
    %eq3A_1992 = arith.cmpi eq, %iota3A_1915, %eq3A_1991 : vector<64x1xi32>
    %get3A_1993 = arith.index_cast %arg0 : i32 to index
    %get3A_1994 = arith.index_cast %add3A_1603 : i32 to index
    %get3A_1995 = arith.constant 8 : index
    %get3A_1996 = memref.load %arg2[%get3A_1993, %get3A_1994, %get3A_1995] : memref<2x16x64xi32, #tpu.memory_space<smem>>
    %broadcast_in_dim3A_1997 = vector.broadcast %get3A_1996 : i32 to vector<64x1xi32>
    %select_n3A_1998 = arith.select %eq3A_1992, %broadcast_in_dim3A_1997, %select_n3A_1989 : vector<64x1xi1>, vector<64x1xi32>
    %eq3A_1999 = arith.constant 9 : i32
    %eq3A_2000 = vector.broadcast %eq3A_1999 : i32 to vector<64x1xi32>
    %eq3A_2001 = arith.cmpi eq, %iota3A_1915, %eq3A_2000 : vector<64x1xi32>
    %get3A_2002 = arith.index_cast %arg0 : i32 to index
    %get3A_2003 = arith.index_cast %add3A_1603 : i32 to index
    %get3A_2004 = arith.constant 9 : index
    %get3A_2005 = memref.load %arg2[%get3A_2002, %get3A_2003, %get3A_2004] : memref<2x16x64xi32, #tpu.memory_space<smem>>
    %broadcast_in_dim3A_2006 = vector.broadcast %get3A_2005 : i32 to vector<64x1xi32>
    %select_n3A_2007 = arith.select %eq3A_2001, %broadcast_in_dim3A_2006, %select_n3A_1998 : vector<64x1xi1>, vector<64x1xi32>
    %eq3A_2008 = arith.constant 10 : i32
    %eq3A_2009 = vector.broadcast %eq3A_2008 : i32 to vector<64x1xi32>
    %eq3A_2010 = arith.cmpi eq, %iota3A_1915, %eq3A_2009 : vector<64x1xi32>
    %get3A_2011 = arith.index_cast %arg0 : i32 to index
    %get3A_2012 = arith.index_cast %add3A_1603 : i32 to index
    %get3A_2013 = arith.constant 10 : index
    %get3A_2014 = memref.load %arg2[%get3A_2011, %get3A_2012, %get3A_2013] : memref<2x16x64xi32, #tpu.memory_space<smem>>
    %broadcast_in_dim3A_2015 = vector.broadcast %get3A_2014 : i32 to vector<64x1xi32>
    %select_n3A_2016 = arith.select %eq3A_2010, %broadcast_in_dim3A_2015, %select_n3A_2007 : vector<64x1xi1>, vector<64x1xi32>
    %eq3A_2017 = arith.constant 11 : i32
    %eq3A_2018 = vector.broadcast %eq3A_2017 : i32 to vector<64x1xi32>
    %eq3A_2019 = arith.cmpi eq, %iota3A_1915, %eq3A_2018 : vector<64x1xi32>
    %get3A_2020 = arith.index_cast %arg0 : i32 to index
    %get3A_2021 = arith.index_cast %add3A_1603 : i32 to index
    %get3A_2022 = arith.constant 11 : index
    %get3A_2023 = memref.load %arg2[%get3A_2020, %get3A_2021, %get3A_2022] : memref<2x16x64xi32, #tpu.memory_space<smem>>
    %broadcast_in_dim3A_2024 = vector.broadcast %get3A_2023 : i32 to vector<64x1xi32>
    %select_n3A_2025 = arith.select %eq3A_2019, %broadcast_in_dim3A_2024, %select_n3A_2016 : vector<64x1xi1>, vector<64x1xi32>
    %eq3A_2026 = arith.constant 12 : i32
    %eq3A_2027 = vector.broadcast %eq3A_2026 : i32 to vector<64x1xi32>
    %eq3A_2028 = arith.cmpi eq, %iota3A_1915, %eq3A_2027 : vector<64x1xi32>
    %get3A_2029 = arith.index_cast %arg0 : i32 to index
    %get3A_2030 = arith.index_cast %add3A_1603 : i32 to index
    %get3A_2031 = arith.constant 12 : index
    %get3A_2032 = memref.load %arg2[%get3A_2029, %get3A_2030, %get3A_2031] : memref<2x16x64xi32, #tpu.memory_space<smem>>
    %broadcast_in_dim3A_2033 = vector.broadcast %get3A_2032 : i32 to vector<64x1xi32>
    %select_n3A_2034 = arith.select %eq3A_2028, %broadcast_in_dim3A_2033, %select_n3A_2025 : vector<64x1xi1>, vector<64x1xi32>
    %eq3A_2035 = arith.constant 13 : i32
    %eq3A_2036 = vector.broadcast %eq3A_2035 : i32 to vector<64x1xi32>
    %eq3A_2037 = arith.cmpi eq, %iota3A_1915, %eq3A_2036 : vector<64x1xi32>
    %get3A_2038 = arith.index_cast %arg0 : i32 to index
    %get3A_2039 = arith.index_cast %add3A_1603 : i32 to index
    %get3A_2040 = arith.constant 13 : index
    %get3A_2041 = memref.load %arg2[%get3A_2038, %get3A_2039, %get3A_2040] : memref<2x16x64xi32, #tpu.memory_space<smem>>
    %broadcast_in_dim3A_2042 = vector.broadcast %get3A_2041 : i32 to vector<64x1xi32>
    %select_n3A_2043 = arith.select %eq3A_2037, %broadcast_in_dim3A_2042, %select_n3A_2034 : vector<64x1xi1>, vector<64x1xi32>
    %eq3A_2044 = arith.constant 14 : i32
    %eq3A_2045 = vector.broadcast %eq3A_2044 : i32 to vector<64x1xi32>
    %eq3A_2046 = arith.cmpi eq, %iota3A_1915, %eq3A_2045 : vector<64x1xi32>
    %get3A_2047 = arith.index_cast %arg0 : i32 to index
    %get3A_2048 = arith.index_cast %add3A_1603 : i32 to index
    %get3A_2049 = arith.constant 14 : index
    %get3A_2050 = memref.load %arg2[%get3A_2047, %get3A_2048, %get3A_2049] : memref<2x16x64xi32, #tpu.memory_space<smem>>
    %broadcast_in_dim3A_2051 = vector.broadcast %get3A_2050 : i32 to vector<64x1xi32>
    %select_n3A_2052 = arith.select %eq3A_2046, %broadcast_in_dim3A_2051, %select_n3A_2043 : vector<64x1xi1>, vector<64x1xi32>
    %eq3A_2053 = arith.constant 15 : i32
    %eq3A_2054 = vector.broadcast %eq3A_2053 : i32 to vector<64x1xi32>
    %eq3A_2055 = arith.cmpi eq, %iota3A_1915, %eq3A_2054 : vector<64x1xi32>
    %get3A_2056 = arith.index_cast %arg0 : i32 to index
    %get3A_2057 = arith.index_cast %add3A_1603 : i32 to index
    %get3A_2058 = arith.constant 15 : index
    %get3A_2059 = memref.load %arg2[%get3A_2056, %get3A_2057, %get3A_2058] : memref<2x16x64xi32, #tpu.memory_space<smem>>
    %broadcast_in_dim3A_2060 = vector.broadcast %get3A_2059 : i32 to vector<64x1xi32>
    %select_n3A_2061 = arith.select %eq3A_2055, %broadcast_in_dim3A_2060, %select_n3A_2052 : vector<64x1xi1>, vector<64x1xi32>
    %eq3A_2062 = arith.constant 16 : i32
    %eq3A_2063 = vector.broadcast %eq3A_2062 : i32 to vector<64x1xi32>
    %eq3A_2064 = arith.cmpi eq, %iota3A_1915, %eq3A_2063 : vector<64x1xi32>
    %get3A_2065 = arith.index_cast %arg0 : i32 to index
    %get3A_2066 = arith.index_cast %add3A_1603 : i32 to index
    %get3A_2067 = arith.constant 16 : index
    %get3A_2068 = memref.load %arg2[%get3A_2065, %get3A_2066, %get3A_2067] : memref<2x16x64xi32, #tpu.memory_space<smem>>
    %broadcast_in_dim3A_2069 = vector.broadcast %get3A_2068 : i32 to vector<64x1xi32>
    %select_n3A_2070 = arith.select %eq3A_2064, %broadcast_in_dim3A_2069, %select_n3A_2061 : vector<64x1xi1>, vector<64x1xi32>
    %eq3A_2071 = arith.constant 17 : i32
    %eq3A_2072 = vector.broadcast %eq3A_2071 : i32 to vector<64x1xi32>
    %eq3A_2073 = arith.cmpi eq, %iota3A_1915, %eq3A_2072 : vector<64x1xi32>
    %get3A_2074 = arith.index_cast %arg0 : i32 to index
    %get3A_2075 = arith.index_cast %add3A_1603 : i32 to index
    %get3A_2076 = arith.constant 17 : index
    %get3A_2077 = memref.load %arg2[%get3A_2074, %get3A_2075, %get3A_2076] : memref<2x16x64xi32, #tpu.memory_space<smem>>
    %broadcast_in_dim3A_2078 = vector.broadcast %get3A_2077 : i32 to vector<64x1xi32>
    %select_n3A_2079 = arith.select %eq3A_2073, %broadcast_in_dim3A_2078, %select_n3A_2070 : vector<64x1xi1>, vector<64x1xi32>
    %eq3A_2080 = arith.constant 18 : i32
    %eq3A_2081 = vector.broadcast %eq3A_2080 : i32 to vector<64x1xi32>
    %eq3A_2082 = arith.cmpi eq, %iota3A_1915, %eq3A_2081 : vector<64x1xi32>
    %get3A_2083 = arith.index_cast %arg0 : i32 to index
    %get3A_2084 = arith.index_cast %add3A_1603 : i32 to index
    %get3A_2085 = arith.constant 18 : index
    %get3A_2086 = memref.load %arg2[%get3A_2083, %get3A_2084, %get3A_2085] : memref<2x16x64xi32, #tpu.memory_space<smem>>
    %broadcast_in_dim3A_2087 = vector.broadcast %get3A_2086 : i32 to vector<64x1xi32>
    %select_n3A_2088 = arith.select %eq3A_2082, %broadcast_in_dim3A_2087, %select_n3A_2079 : vector<64x1xi1>, vector<64x1xi32>
    %eq3A_2089 = arith.constant 19 : i32
    %eq3A_2090 = vector.broadcast %eq3A_2089 : i32 to vector<64x1xi32>
    %eq3A_2091 = arith.cmpi eq, %iota3A_1915, %eq3A_2090 : vector<64x1xi32>
    %get3A_2092 = arith.index_cast %arg0 : i32 to index
    %get3A_2093 = arith.index_cast %add3A_1603 : i32 to index
    %get3A_2094 = arith.constant 19 : index
    %get3A_2095 = memref.load %arg2[%get3A_2092, %get3A_2093, %get3A_2094] : memref<2x16x64xi32, #tpu.memory_space<smem>>
    %broadcast_in_dim3A_2096 = vector.broadcast %get3A_2095 : i32 to vector<64x1xi32>
    %select_n3A_2097 = arith.select %eq3A_2091, %broadcast_in_dim3A_2096, %select_n3A_2088 : vector<64x1xi1>, vector<64x1xi32>
    %eq3A_2098 = arith.constant 20 : i32
    %eq3A_2099 = vector.broadcast %eq3A_2098 : i32 to vector<64x1xi32>
    %eq3A_2100 = arith.cmpi eq, %iota3A_1915, %eq3A_2099 : vector<64x1xi32>
    %get3A_2101 = arith.index_cast %arg0 : i32 to index
    %get3A_2102 = arith.index_cast %add3A_1603 : i32 to index
    %get3A_2103 = arith.constant 20 : index
    %get3A_2104 = memref.load %arg2[%get3A_2101, %get3A_2102, %get3A_2103] : memref<2x16x64xi32, #tpu.memory_space<smem>>
    %broadcast_in_dim3A_2105 = vector.broadcast %get3A_2104 : i32 to vector<64x1xi32>
    %select_n3A_2106 = arith.select %eq3A_2100, %broadcast_in_dim3A_2105, %select_n3A_2097 : vector<64x1xi1>, vector<64x1xi32>
    %eq3A_2107 = arith.constant 21 : i32
    %eq3A_2108 = vector.broadcast %eq3A_2107 : i32 to vector<64x1xi32>
    %eq3A_2109 = arith.cmpi eq, %iota3A_1915, %eq3A_2108 : vector<64x1xi32>
    %get3A_2110 = arith.index_cast %arg0 : i32 to index
    %get3A_2111 = arith.index_cast %add3A_1603 : i32 to index
    %get3A_2112 = arith.constant 21 : index
    %get3A_2113 = memref.load %arg2[%get3A_2110, %get3A_2111, %get3A_2112] : memref<2x16x64xi32, #tpu.memory_space<smem>>
    %broadcast_in_dim3A_2114 = vector.broadcast %get3A_2113 : i32 to vector<64x1xi32>
    %select_n3A_2115 = arith.select %eq3A_2109, %broadcast_in_dim3A_2114, %select_n3A_2106 : vector<64x1xi1>, vector<64x1xi32>
    %eq3A_2116 = arith.constant 22 : i32
    %eq3A_2117 = vector.broadcast %eq3A_2116 : i32 to vector<64x1xi32>
    %eq3A_2118 = arith.cmpi eq, %iota3A_1915, %eq3A_2117 : vector<64x1xi32>
    %get3A_2119 = arith.index_cast %arg0 : i32 to index
    %get3A_2120 = arith.index_cast %add3A_1603 : i32 to index
    %get3A_2121 = arith.constant 22 : index
    %get3A_2122 = memref.load %arg2[%get3A_2119, %get3A_2120, %get3A_2121] : memref<2x16x64xi32, #tpu.memory_space<smem>>
    %broadcast_in_dim3A_2123 = vector.broadcast %get3A_2122 : i32 to vector<64x1xi32>
    %select_n3A_2124 = arith.select %eq3A_2118, %broadcast_in_dim3A_2123, %select_n3A_2115 : vector<64x1xi1>, vector<64x1xi32>
    %eq3A_2125 = arith.constant 23 : i32
    %eq3A_2126 = vector.broadcast %eq3A_2125 : i32 to vector<64x1xi32>
    %eq3A_2127 = arith.cmpi eq, %iota3A_1915, %eq3A_2126 : vector<64x1xi32>
    %get3A_2128 = arith.index_cast %arg0 : i32 to index
    %get3A_2129 = arith.index_cast %add3A_1603 : i32 to index
    %get3A_2130 = arith.constant 23 : index
    %get3A_2131 = memref.load %arg2[%get3A_2128, %get3A_2129, %get3A_2130] : memref<2x16x64xi32, #tpu.memory_space<smem>>
    %broadcast_in_dim3A_2132 = vector.broadcast %get3A_2131 : i32 to vector<64x1xi32>
    %select_n3A_2133 = arith.select %eq3A_2127, %broadcast_in_dim3A_2132, %select_n3A_2124 : vector<64x1xi1>, vector<64x1xi32>
    %eq3A_2134 = arith.constant 24 : i32
    %eq3A_2135 = vector.broadcast %eq3A_2134 : i32 to vector<64x1xi32>
    %eq3A_2136 = arith.cmpi eq, %iota3A_1915, %eq3A_2135 : vector<64x1xi32>
    %get3A_2137 = arith.index_cast %arg0 : i32 to index
    %get3A_2138 = arith.index_cast %add3A_1603 : i32 to index
    %get3A_2139 = arith.constant 24 : index
    %get3A_2140 = memref.load %arg2[%get3A_2137, %get3A_2138, %get3A_2139] : memref<2x16x64xi32, #tpu.memory_space<smem>>
    %broadcast_in_dim3A_2141 = vector.broadcast %get3A_2140 : i32 to vector<64x1xi32>
    %select_n3A_2142 = arith.select %eq3A_2136, %broadcast_in_dim3A_2141, %select_n3A_2133 : vector<64x1xi1>, vector<64x1xi32>
    %eq3A_2143 = arith.constant 25 : i32
    %eq3A_2144 = vector.broadcast %eq3A_2143 : i32 to vector<64x1xi32>
    %eq3A_2145 = arith.cmpi eq, %iota3A_1915, %eq3A_2144 : vector<64x1xi32>
    %get3A_2146 = arith.index_cast %arg0 : i32 to index
    %get3A_2147 = arith.index_cast %add3A_1603 : i32 to index
    %get3A_2148 = arith.constant 25 : index
    %get3A_2149 = memref.load %arg2[%get3A_2146, %get3A_2147, %get3A_2148] : memref<2x16x64xi32, #tpu.memory_space<smem>>
    %broadcast_in_dim3A_2150 = vector.broadcast %get3A_2149 : i32 to vector<64x1xi32>
    %select_n3A_2151 = arith.select %eq3A_2145, %broadcast_in_dim3A_2150, %select_n3A_2142 : vector<64x1xi1>, vector<64x1xi32>
    %eq3A_2152 = arith.constant 26 : i32
    %eq3A_2153 = vector.broadcast %eq3A_2152 : i32 to vector<64x1xi32>
    %eq3A_2154 = arith.cmpi eq, %iota3A_1915, %eq3A_2153 : vector<64x1xi32>
    %get3A_2155 = arith.index_cast %arg0 : i32 to index
    %get3A_2156 = arith.index_cast %add3A_1603 : i32 to index
    %get3A_2157 = arith.constant 26 : index
    %get3A_2158 = memref.load %arg2[%get3A_2155, %get3A_2156, %get3A_2157] : memref<2x16x64xi32, #tpu.memory_space<smem>>
    %broadcast_in_dim3A_2159 = vector.broadcast %get3A_2158 : i32 to vector<64x1xi32>
    %select_n3A_2160 = arith.select %eq3A_2154, %broadcast_in_dim3A_2159, %select_n3A_2151 : vector<64x1xi1>, vector<64x1xi32>
    %eq3A_2161 = arith.constant 27 : i32
    %eq3A_2162 = vector.broadcast %eq3A_2161 : i32 to vector<64x1xi32>
    %eq3A_2163 = arith.cmpi eq, %iota3A_1915, %eq3A_2162 : vector<64x1xi32>
    %get3A_2164 = arith.index_cast %arg0 : i32 to index
    %get3A_2165 = arith.index_cast %add3A_1603 : i32 to index
    %get3A_2166 = arith.constant 27 : index
    %get3A_2167 = memref.load %arg2[%get3A_2164, %get3A_2165, %get3A_2166] : memref<2x16x64xi32, #tpu.memory_space<smem>>
    %broadcast_in_dim3A_2168 = vector.broadcast %get3A_2167 : i32 to vector<64x1xi32>
    %select_n3A_2169 = arith.select %eq3A_2163, %broadcast_in_dim3A_2168, %select_n3A_2160 : vector<64x1xi1>, vector<64x1xi32>
    %eq3A_2170 = arith.constant 28 : i32
    %eq3A_2171 = vector.broadcast %eq3A_2170 : i32 to vector<64x1xi32>
    %eq3A_2172 = arith.cmpi eq, %iota3A_1915, %eq3A_2171 : vector<64x1xi32>
    %get3A_2173 = arith.index_cast %arg0 : i32 to index
    %get3A_2174 = arith.index_cast %add3A_1603 : i32 to index
    %get3A_2175 = arith.constant 28 : index
    %get3A_2176 = memref.load %arg2[%get3A_2173, %get3A_2174, %get3A_2175] : memref<2x16x64xi32, #tpu.memory_space<smem>>
    %broadcast_in_dim3A_2177 = vector.broadcast %get3A_2176 : i32 to vector<64x1xi32>
    %select_n3A_2178 = arith.select %eq3A_2172, %broadcast_in_dim3A_2177, %select_n3A_2169 : vector<64x1xi1>, vector<64x1xi32>
    %eq3A_2179 = arith.constant 29 : i32
    %eq3A_2180 = vector.broadcast %eq3A_2179 : i32 to vector<64x1xi32>
    %eq3A_2181 = arith.cmpi eq, %iota3A_1915, %eq3A_2180 : vector<64x1xi32>
    %get3A_2182 = arith.index_cast %arg0 : i32 to index
    %get3A_2183 = arith.index_cast %add3A_1603 : i32 to index
    %get3A_2184 = arith.constant 29 : index
    %get3A_2185 = memref.load %arg2[%get3A_2182, %get3A_2183, %get3A_2184] : memref<2x16x64xi32, #tpu.memory_space<smem>>
    %broadcast_in_dim3A_2186 = vector.broadcast %get3A_2185 : i32 to vector<64x1xi32>
    %select_n3A_2187 = arith.select %eq3A_2181, %broadcast_in_dim3A_2186, %select_n3A_2178 : vector<64x1xi1>, vector<64x1xi32>
    %eq3A_2188 = arith.constant 30 : i32
    %eq3A_2189 = vector.broadcast %eq3A_2188 : i32 to vector<64x1xi32>
    %eq3A_2190 = arith.cmpi eq, %iota3A_1915, %eq3A_2189 : vector<64x1xi32>
    %get3A_2191 = arith.index_cast %arg0 : i32 to index
    %get3A_2192 = arith.index_cast %add3A_1603 : i32 to index
    %get3A_2193 = arith.constant 30 : index
    %get3A_2194 = memref.load %arg2[%get3A_2191, %get3A_2192, %get3A_2193] : memref<2x16x64xi32, #tpu.memory_space<smem>>
    %broadcast_in_dim3A_2195 = vector.broadcast %get3A_2194 : i32 to vector<64x1xi32>
    %select_n3A_2196 = arith.select %eq3A_2190, %broadcast_in_dim3A_2195, %select_n3A_2187 : vector<64x1xi1>, vector<64x1xi32>
    %eq3A_2197 = arith.constant 31 : i32
    %eq3A_2198 = vector.broadcast %eq3A_2197 : i32 to vector<64x1xi32>
    %eq3A_2199 = arith.cmpi eq, %iota3A_1915, %eq3A_2198 : vector<64x1xi32>
    %get3A_2200 = arith.index_cast %arg0 : i32 to index
    %get3A_2201 = arith.index_cast %add3A_1603 : i32 to index
    %get3A_2202 = arith.constant 31 : index
    %get3A_2203 = memref.load %arg2[%get3A_2200, %get3A_2201, %get3A_2202] : memref<2x16x64xi32, #tpu.memory_space<smem>>
    %broadcast_in_dim3A_2204 = vector.broadcast %get3A_2203 : i32 to vector<64x1xi32>
    %select_n3A_2205 = arith.select %eq3A_2199, %broadcast_in_dim3A_2204, %select_n3A_2196 : vector<64x1xi1>, vector<64x1xi32>
    %eq3A_2206 = arith.constant 32 : i32
    %eq3A_2207 = vector.broadcast %eq3A_2206 : i32 to vector<64x1xi32>
    %eq3A_2208 = arith.cmpi eq, %iota3A_1915, %eq3A_2207 : vector<64x1xi32>
    %get3A_2209 = arith.index_cast %arg0 : i32 to index
    %get3A_2210 = arith.index_cast %add3A_1603 : i32 to index
    %get3A_2211 = arith.constant 32 : index
    %get3A_2212 = memref.load %arg2[%get3A_2209, %get3A_2210, %get3A_2211] : memref<2x16x64xi32, #tpu.memory_space<smem>>
    %broadcast_in_dim3A_2213 = vector.broadcast %get3A_2212 : i32 to vector<64x1xi32>
    %select_n3A_2214 = arith.select %eq3A_2208, %broadcast_in_dim3A_2213, %select_n3A_2205 : vector<64x1xi1>, vector<64x1xi32>
    %eq3A_2215 = arith.constant 33 : i32
    %eq3A_2216 = vector.broadcast %eq3A_2215 : i32 to vector<64x1xi32>
    %eq3A_2217 = arith.cmpi eq, %iota3A_1915, %eq3A_2216 : vector<64x1xi32>
    %get3A_2218 = arith.index_cast %arg0 : i32 to index
    %get3A_2219 = arith.index_cast %add3A_1603 : i32 to index
    %get3A_2220 = arith.constant 33 : index
    %get3A_2221 = memref.load %arg2[%get3A_2218, %get3A_2219, %get3A_2220] : memref<2x16x64xi32, #tpu.memory_space<smem>>
    %broadcast_in_dim3A_2222 = vector.broadcast %get3A_2221 : i32 to vector<64x1xi32>
    %select_n3A_2223 = arith.select %eq3A_2217, %broadcast_in_dim3A_2222, %select_n3A_2214 : vector<64x1xi1>, vector<64x1xi32>
    %eq3A_2224 = arith.constant 34 : i32
    %eq3A_2225 = vector.broadcast %eq3A_2224 : i32 to vector<64x1xi32>
    %eq3A_2226 = arith.cmpi eq, %iota3A_1915, %eq3A_2225 : vector<64x1xi32>
    %get3A_2227 = arith.index_cast %arg0 : i32 to index
    %get3A_2228 = arith.index_cast %add3A_1603 : i32 to index
    %get3A_2229 = arith.constant 34 : index
    %get3A_2230 = memref.load %arg2[%get3A_2227, %get3A_2228, %get3A_2229] : memref<2x16x64xi32, #tpu.memory_space<smem>>
    %broadcast_in_dim3A_2231 = vector.broadcast %get3A_2230 : i32 to vector<64x1xi32>
    %select_n3A_2232 = arith.select %eq3A_2226, %broadcast_in_dim3A_2231, %select_n3A_2223 : vector<64x1xi1>, vector<64x1xi32>
    %eq3A_2233 = arith.constant 35 : i32
    %eq3A_2234 = vector.broadcast %eq3A_2233 : i32 to vector<64x1xi32>
    %eq3A_2235 = arith.cmpi eq, %iota3A_1915, %eq3A_2234 : vector<64x1xi32>
    %get3A_2236 = arith.index_cast %arg0 : i32 to index
    %get3A_2237 = arith.index_cast %add3A_1603 : i32 to index
    %get3A_2238 = arith.constant 35 : index
    %get3A_2239 = memref.load %arg2[%get3A_2236, %get3A_2237, %get3A_2238] : memref<2x16x64xi32, #tpu.memory_space<smem>>
    %broadcast_in_dim3A_2240 = vector.broadcast %get3A_2239 : i32 to vector<64x1xi32>
    %select_n3A_2241 = arith.select %eq3A_2235, %broadcast_in_dim3A_2240, %select_n3A_2232 : vector<64x1xi1>, vector<64x1xi32>
    %eq3A_2242 = arith.constant 36 : i32
    %eq3A_2243 = vector.broadcast %eq3A_2242 : i32 to vector<64x1xi32>
    %eq3A_2244 = arith.cmpi eq, %iota3A_1915, %eq3A_2243 : vector<64x1xi32>
    %get3A_2245 = arith.index_cast %arg0 : i32 to index
    %get3A_2246 = arith.index_cast %add3A_1603 : i32 to index
    %get3A_2247 = arith.constant 36 : index
    %get3A_2248 = memref.load %arg2[%get3A_2245, %get3A_2246, %get3A_2247] : memref<2x16x64xi32, #tpu.memory_space<smem>>
    %broadcast_in_dim3A_2249 = vector.broadcast %get3A_2248 : i32 to vector<64x1xi32>
    %select_n3A_2250 = arith.select %eq3A_2244, %broadcast_in_dim3A_2249, %select_n3A_2241 : vector<64x1xi1>, vector<64x1xi32>
    %eq3A_2251 = arith.constant 37 : i32
    %eq3A_2252 = vector.broadcast %eq3A_2251 : i32 to vector<64x1xi32>
    %eq3A_2253 = arith.cmpi eq, %iota3A_1915, %eq3A_2252 : vector<64x1xi32>
    %get3A_2254 = arith.index_cast %arg0 : i32 to index
    %get3A_2255 = arith.index_cast %add3A_1603 : i32 to index
    %get3A_2256 = arith.constant 37 : index
    %get3A_2257 = memref.load %arg2[%get3A_2254, %get3A_2255, %get3A_2256] : memref<2x16x64xi32, #tpu.memory_space<smem>>
    %broadcast_in_dim3A_2258 = vector.broadcast %get3A_2257 : i32 to vector<64x1xi32>
    %select_n3A_2259 = arith.select %eq3A_2253, %broadcast_in_dim3A_2258, %select_n3A_2250 : vector<64x1xi1>, vector<64x1xi32>
    %eq3A_2260 = arith.constant 38 : i32
    %eq3A_2261 = vector.broadcast %eq3A_2260 : i32 to vector<64x1xi32>
    %eq3A_2262 = arith.cmpi eq, %iota3A_1915, %eq3A_2261 : vector<64x1xi32>
    %get3A_2263 = arith.index_cast %arg0 : i32 to index
    %get3A_2264 = arith.index_cast %add3A_1603 : i32 to index
    %get3A_2265 = arith.constant 38 : index
    %get3A_2266 = memref.load %arg2[%get3A_2263, %get3A_2264, %get3A_2265] : memref<2x16x64xi32, #tpu.memory_space<smem>>
    %broadcast_in_dim3A_2267 = vector.broadcast %get3A_2266 : i32 to vector<64x1xi32>
    %select_n3A_2268 = arith.select %eq3A_2262, %broadcast_in_dim3A_2267, %select_n3A_2259 : vector<64x1xi1>, vector<64x1xi32>
    %eq3A_2269 = arith.constant 39 : i32
    %eq3A_2270 = vector.broadcast %eq3A_2269 : i32 to vector<64x1xi32>
    %eq3A_2271 = arith.cmpi eq, %iota3A_1915, %eq3A_2270 : vector<64x1xi32>
    %get3A_2272 = arith.index_cast %arg0 : i32 to index
    %get3A_2273 = arith.index_cast %add3A_1603 : i32 to index
    %get3A_2274 = arith.constant 39 : index
    %get3A_2275 = memref.load %arg2[%get3A_2272, %get3A_2273, %get3A_2274] : memref<2x16x64xi32, #tpu.memory_space<smem>>
    %broadcast_in_dim3A_2276 = vector.broadcast %get3A_2275 : i32 to vector<64x1xi32>
    %select_n3A_2277 = arith.select %eq3A_2271, %broadcast_in_dim3A_2276, %select_n3A_2268 : vector<64x1xi1>, vector<64x1xi32>
    %eq3A_2278 = arith.constant 40 : i32
    %eq3A_2279 = vector.broadcast %eq3A_2278 : i32 to vector<64x1xi32>
    %eq3A_2280 = arith.cmpi eq, %iota3A_1915, %eq3A_2279 : vector<64x1xi32>
    %get3A_2281 = arith.index_cast %arg0 : i32 to index
    %get3A_2282 = arith.index_cast %add3A_1603 : i32 to index
    %get3A_2283 = arith.constant 40 : index
    %get3A_2284 = memref.load %arg2[%get3A_2281, %get3A_2282, %get3A_2283] : memref<2x16x64xi32, #tpu.memory_space<smem>>
    %broadcast_in_dim3A_2285 = vector.broadcast %get3A_2284 : i32 to vector<64x1xi32>
    %select_n3A_2286 = arith.select %eq3A_2280, %broadcast_in_dim3A_2285, %select_n3A_2277 : vector<64x1xi1>, vector<64x1xi32>
    %eq3A_2287 = arith.constant 41 : i32
    %eq3A_2288 = vector.broadcast %eq3A_2287 : i32 to vector<64x1xi32>
    %eq3A_2289 = arith.cmpi eq, %iota3A_1915, %eq3A_2288 : vector<64x1xi32>
    %get3A_2290 = arith.index_cast %arg0 : i32 to index
    %get3A_2291 = arith.index_cast %add3A_1603 : i32 to index
    %get3A_2292 = arith.constant 41 : index
    %get3A_2293 = memref.load %arg2[%get3A_2290, %get3A_2291, %get3A_2292] : memref<2x16x64xi32, #tpu.memory_space<smem>>
    %broadcast_in_dim3A_2294 = vector.broadcast %get3A_2293 : i32 to vector<64x1xi32>
    %select_n3A_2295 = arith.select %eq3A_2289, %broadcast_in_dim3A_2294, %select_n3A_2286 : vector<64x1xi1>, vector<64x1xi32>
    %eq3A_2296 = arith.constant 42 : i32
    %eq3A_2297 = vector.broadcast %eq3A_2296 : i32 to vector<64x1xi32>
    %eq3A_2298 = arith.cmpi eq, %iota3A_1915, %eq3A_2297 : vector<64x1xi32>
    %get3A_2299 = arith.index_cast %arg0 : i32 to index
    %get3A_2300 = arith.index_cast %add3A_1603 : i32 to index
    %get3A_2301 = arith.constant 42 : index
    %get3A_2302 = memref.load %arg2[%get3A_2299, %get3A_2300, %get3A_2301] : memref<2x16x64xi32, #tpu.memory_space<smem>>
    %broadcast_in_dim3A_2303 = vector.broadcast %get3A_2302 : i32 to vector<64x1xi32>
    %select_n3A_2304 = arith.select %eq3A_2298, %broadcast_in_dim3A_2303, %select_n3A_2295 : vector<64x1xi1>, vector<64x1xi32>
    %eq3A_2305 = arith.constant 43 : i32
    %eq3A_2306 = vector.broadcast %eq3A_2305 : i32 to vector<64x1xi32>
    %eq3A_2307 = arith.cmpi eq, %iota3A_1915, %eq3A_2306 : vector<64x1xi32>
    %get3A_2308 = arith.index_cast %arg0 : i32 to index
    %get3A_2309 = arith.index_cast %add3A_1603 : i32 to index
    %get3A_2310 = arith.constant 43 : index
    %get3A_2311 = memref.load %arg2[%get3A_2308, %get3A_2309, %get3A_2310] : memref<2x16x64xi32, #tpu.memory_space<smem>>
    %broadcast_in_dim3A_2312 = vector.broadcast %get3A_2311 : i32 to vector<64x1xi32>
    %select_n3A_2313 = arith.select %eq3A_2307, %broadcast_in_dim3A_2312, %select_n3A_2304 : vector<64x1xi1>, vector<64x1xi32>
    %eq3A_2314 = arith.constant 44 : i32
    %eq3A_2315 = vector.broadcast %eq3A_2314 : i32 to vector<64x1xi32>
    %eq3A_2316 = arith.cmpi eq, %iota3A_1915, %eq3A_2315 : vector<64x1xi32>
    %get3A_2317 = arith.index_cast %arg0 : i32 to index
    %get3A_2318 = arith.index_cast %add3A_1603 : i32 to index
    %get3A_2319 = arith.constant 44 : index
    %get3A_2320 = memref.load %arg2[%get3A_2317, %get3A_2318, %get3A_2319] : memref<2x16x64xi32, #tpu.memory_space<smem>>
    %broadcast_in_dim3A_2321 = vector.broadcast %get3A_2320 : i32 to vector<64x1xi32>
    %select_n3A_2322 = arith.select %eq3A_2316, %broadcast_in_dim3A_2321, %select_n3A_2313 : vector<64x1xi1>, vector<64x1xi32>
    %eq3A_2323 = arith.constant 45 : i32
    %eq3A_2324 = vector.broadcast %eq3A_2323 : i32 to vector<64x1xi32>
    %eq3A_2325 = arith.cmpi eq, %iota3A_1915, %eq3A_2324 : vector<64x1xi32>
    %get3A_2326 = arith.index_cast %arg0 : i32 to index
    %get3A_2327 = arith.index_cast %add3A_1603 : i32 to index
    %get3A_2328 = arith.constant 45 : index
    %get3A_2329 = memref.load %arg2[%get3A_2326, %get3A_2327, %get3A_2328] : memref<2x16x64xi32, #tpu.memory_space<smem>>
    %broadcast_in_dim3A_2330 = vector.broadcast %get3A_2329 : i32 to vector<64x1xi32>
    %select_n3A_2331 = arith.select %eq3A_2325, %broadcast_in_dim3A_2330, %select_n3A_2322 : vector<64x1xi1>, vector<64x1xi32>
    %eq3A_2332 = arith.constant 46 : i32
    %eq3A_2333 = vector.broadcast %eq3A_2332 : i32 to vector<64x1xi32>
    %eq3A_2334 = arith.cmpi eq, %iota3A_1915, %eq3A_2333 : vector<64x1xi32>
    %get3A_2335 = arith.index_cast %arg0 : i32 to index
    %get3A_2336 = arith.index_cast %add3A_1603 : i32 to index
    %get3A_2337 = arith.constant 46 : index
    %get3A_2338 = memref.load %arg2[%get3A_2335, %get3A_2336, %get3A_2337] : memref<2x16x64xi32, #tpu.memory_space<smem>>
    %broadcast_in_dim3A_2339 = vector.broadcast %get3A_2338 : i32 to vector<64x1xi32>
    %select_n3A_2340 = arith.select %eq3A_2334, %broadcast_in_dim3A_2339, %select_n3A_2331 : vector<64x1xi1>, vector<64x1xi32>
    %eq3A_2341 = arith.constant 47 : i32
    %eq3A_2342 = vector.broadcast %eq3A_2341 : i32 to vector<64x1xi32>
    %eq3A_2343 = arith.cmpi eq, %iota3A_1915, %eq3A_2342 : vector<64x1xi32>
    %get3A_2344 = arith.index_cast %arg0 : i32 to index
    %get3A_2345 = arith.index_cast %add3A_1603 : i32 to index
    %get3A_2346 = arith.constant 47 : index
    %get3A_2347 = memref.load %arg2[%get3A_2344, %get3A_2345, %get3A_2346] : memref<2x16x64xi32, #tpu.memory_space<smem>>
    %broadcast_in_dim3A_2348 = vector.broadcast %get3A_2347 : i32 to vector<64x1xi32>
    %select_n3A_2349 = arith.select %eq3A_2343, %broadcast_in_dim3A_2348, %select_n3A_2340 : vector<64x1xi1>, vector<64x1xi32>
    %eq3A_2350 = arith.constant 48 : i32
    %eq3A_2351 = vector.broadcast %eq3A_2350 : i32 to vector<64x1xi32>
    %eq3A_2352 = arith.cmpi eq, %iota3A_1915, %eq3A_2351 : vector<64x1xi32>
    %get3A_2353 = arith.index_cast %arg0 : i32 to index
    %get3A_2354 = arith.index_cast %add3A_1603 : i32 to index
    %get3A_2355 = arith.constant 48 : index
    %get3A_2356 = memref.load %arg2[%get3A_2353, %get3A_2354, %get3A_2355] : memref<2x16x64xi32, #tpu.memory_space<smem>>
    %broadcast_in_dim3A_2357 = vector.broadcast %get3A_2356 : i32 to vector<64x1xi32>
    %select_n3A_2358 = arith.select %eq3A_2352, %broadcast_in_dim3A_2357, %select_n3A_2349 : vector<64x1xi1>, vector<64x1xi32>
    %eq3A_2359 = arith.constant 49 : i32
    %eq3A_2360 = vector.broadcast %eq3A_2359 : i32 to vector<64x1xi32>
    %eq3A_2361 = arith.cmpi eq, %iota3A_1915, %eq3A_2360 : vector<64x1xi32>
    %get3A_2362 = arith.index_cast %arg0 : i32 to index
    %get3A_2363 = arith.index_cast %add3A_1603 : i32 to index
    %get3A_2364 = arith.constant 49 : index
    %get3A_2365 = memref.load %arg2[%get3A_2362, %get3A_2363, %get3A_2364] : memref<2x16x64xi32, #tpu.memory_space<smem>>
    %broadcast_in_dim3A_2366 = vector.broadcast %get3A_2365 : i32 to vector<64x1xi32>
    %select_n3A_2367 = arith.select %eq3A_2361, %broadcast_in_dim3A_2366, %select_n3A_2358 : vector<64x1xi1>, vector<64x1xi32>
    %eq3A_2368 = arith.constant 50 : i32
    %eq3A_2369 = vector.broadcast %eq3A_2368 : i32 to vector<64x1xi32>
    %eq3A_2370 = arith.cmpi eq, %iota3A_1915, %eq3A_2369 : vector<64x1xi32>
    %get3A_2371 = arith.index_cast %arg0 : i32 to index
    %get3A_2372 = arith.index_cast %add3A_1603 : i32 to index
    %get3A_2373 = arith.constant 50 : index
    %get3A_2374 = memref.load %arg2[%get3A_2371, %get3A_2372, %get3A_2373] : memref<2x16x64xi32, #tpu.memory_space<smem>>
    %broadcast_in_dim3A_2375 = vector.broadcast %get3A_2374 : i32 to vector<64x1xi32>
    %select_n3A_2376 = arith.select %eq3A_2370, %broadcast_in_dim3A_2375, %select_n3A_2367 : vector<64x1xi1>, vector<64x1xi32>
    %eq3A_2377 = arith.constant 51 : i32
    %eq3A_2378 = vector.broadcast %eq3A_2377 : i32 to vector<64x1xi32>
    %eq3A_2379 = arith.cmpi eq, %iota3A_1915, %eq3A_2378 : vector<64x1xi32>
    %get3A_2380 = arith.index_cast %arg0 : i32 to index
    %get3A_2381 = arith.index_cast %add3A_1603 : i32 to index
    %get3A_2382 = arith.constant 51 : index
    %get3A_2383 = memref.load %arg2[%get3A_2380, %get3A_2381, %get3A_2382] : memref<2x16x64xi32, #tpu.memory_space<smem>>
    %broadcast_in_dim3A_2384 = vector.broadcast %get3A_2383 : i32 to vector<64x1xi32>
    %select_n3A_2385 = arith.select %eq3A_2379, %broadcast_in_dim3A_2384, %select_n3A_2376 : vector<64x1xi1>, vector<64x1xi32>
    %eq3A_2386 = arith.constant 52 : i32
    %eq3A_2387 = vector.broadcast %eq3A_2386 : i32 to vector<64x1xi32>
    %eq3A_2388 = arith.cmpi eq, %iota3A_1915, %eq3A_2387 : vector<64x1xi32>
    %get3A_2389 = arith.index_cast %arg0 : i32 to index
    %get3A_2390 = arith.index_cast %add3A_1603 : i32 to index
    %get3A_2391 = arith.constant 52 : index
    %get3A_2392 = memref.load %arg2[%get3A_2389, %get3A_2390, %get3A_2391] : memref<2x16x64xi32, #tpu.memory_space<smem>>
    %broadcast_in_dim3A_2393 = vector.broadcast %get3A_2392 : i32 to vector<64x1xi32>
    %select_n3A_2394 = arith.select %eq3A_2388, %broadcast_in_dim3A_2393, %select_n3A_2385 : vector<64x1xi1>, vector<64x1xi32>
    %eq3A_2395 = arith.constant 53 : i32
    %eq3A_2396 = vector.broadcast %eq3A_2395 : i32 to vector<64x1xi32>
    %eq3A_2397 = arith.cmpi eq, %iota3A_1915, %eq3A_2396 : vector<64x1xi32>
    %get3A_2398 = arith.index_cast %arg0 : i32 to index
    %get3A_2399 = arith.index_cast %add3A_1603 : i32 to index
    %get3A_2400 = arith.constant 53 : index
    %get3A_2401 = memref.load %arg2[%get3A_2398, %get3A_2399, %get3A_2400] : memref<2x16x64xi32, #tpu.memory_space<smem>>
    %broadcast_in_dim3A_2402 = vector.broadcast %get3A_2401 : i32 to vector<64x1xi32>
    %select_n3A_2403 = arith.select %eq3A_2397, %broadcast_in_dim3A_2402, %select_n3A_2394 : vector<64x1xi1>, vector<64x1xi32>
    %eq3A_2404 = arith.constant 54 : i32
    %eq3A_2405 = vector.broadcast %eq3A_2404 : i32 to vector<64x1xi32>
    %eq3A_2406 = arith.cmpi eq, %iota3A_1915, %eq3A_2405 : vector<64x1xi32>
    %get3A_2407 = arith.index_cast %arg0 : i32 to index
    %get3A_2408 = arith.index_cast %add3A_1603 : i32 to index
    %get3A_2409 = arith.constant 54 : index
    %get3A_2410 = memref.load %arg2[%get3A_2407, %get3A_2408, %get3A_2409] : memref<2x16x64xi32, #tpu.memory_space<smem>>
    %broadcast_in_dim3A_2411 = vector.broadcast %get3A_2410 : i32 to vector<64x1xi32>
    %select_n3A_2412 = arith.select %eq3A_2406, %broadcast_in_dim3A_2411, %select_n3A_2403 : vector<64x1xi1>, vector<64x1xi32>
    %eq3A_2413 = arith.constant 55 : i32
    %eq3A_2414 = vector.broadcast %eq3A_2413 : i32 to vector<64x1xi32>
    %eq3A_2415 = arith.cmpi eq, %iota3A_1915, %eq3A_2414 : vector<64x1xi32>
    %get3A_2416 = arith.index_cast %arg0 : i32 to index
    %get3A_2417 = arith.index_cast %add3A_1603 : i32 to index
    %get3A_2418 = arith.constant 55 : index
    %get3A_2419 = memref.load %arg2[%get3A_2416, %get3A_2417, %get3A_2418] : memref<2x16x64xi32, #tpu.memory_space<smem>>
    %broadcast_in_dim3A_2420 = vector.broadcast %get3A_2419 : i32 to vector<64x1xi32>
    %select_n3A_2421 = arith.select %eq3A_2415, %broadcast_in_dim3A_2420, %select_n3A_2412 : vector<64x1xi1>, vector<64x1xi32>
    %eq3A_2422 = arith.constant 56 : i32
    %eq3A_2423 = vector.broadcast %eq3A_2422 : i32 to vector<64x1xi32>
    %eq3A_2424 = arith.cmpi eq, %iota3A_1915, %eq3A_2423 : vector<64x1xi32>
    %get3A_2425 = arith.index_cast %arg0 : i32 to index
    %get3A_2426 = arith.index_cast %add3A_1603 : i32 to index
    %get3A_2427 = arith.constant 56 : index
    %get3A_2428 = memref.load %arg2[%get3A_2425, %get3A_2426, %get3A_2427] : memref<2x16x64xi32, #tpu.memory_space<smem>>
    %broadcast_in_dim3A_2429 = vector.broadcast %get3A_2428 : i32 to vector<64x1xi32>
    %select_n3A_2430 = arith.select %eq3A_2424, %broadcast_in_dim3A_2429, %select_n3A_2421 : vector<64x1xi1>, vector<64x1xi32>
    %eq3A_2431 = arith.constant 57 : i32
    %eq3A_2432 = vector.broadcast %eq3A_2431 : i32 to vector<64x1xi32>
    %eq3A_2433 = arith.cmpi eq, %iota3A_1915, %eq3A_2432 : vector<64x1xi32>
    %get3A_2434 = arith.index_cast %arg0 : i32 to index
    %get3A_2435 = arith.index_cast %add3A_1603 : i32 to index
    %get3A_2436 = arith.constant 57 : index
    %get3A_2437 = memref.load %arg2[%get3A_2434, %get3A_2435, %get3A_2436] : memref<2x16x64xi32, #tpu.memory_space<smem>>
    %broadcast_in_dim3A_2438 = vector.broadcast %get3A_2437 : i32 to vector<64x1xi32>
    %select_n3A_2439 = arith.select %eq3A_2433, %broadcast_in_dim3A_2438, %select_n3A_2430 : vector<64x1xi1>, vector<64x1xi32>
    %eq3A_2440 = arith.constant 58 : i32
    %eq3A_2441 = vector.broadcast %eq3A_2440 : i32 to vector<64x1xi32>
    %eq3A_2442 = arith.cmpi eq, %iota3A_1915, %eq3A_2441 : vector<64x1xi32>
    %get3A_2443 = arith.index_cast %arg0 : i32 to index
    %get3A_2444 = arith.index_cast %add3A_1603 : i32 to index
    %get3A_2445 = arith.constant 58 : index
    %get3A_2446 = memref.load %arg2[%get3A_2443, %get3A_2444, %get3A_2445] : memref<2x16x64xi32, #tpu.memory_space<smem>>
    %broadcast_in_dim3A_2447 = vector.broadcast %get3A_2446 : i32 to vector<64x1xi32>
    %select_n3A_2448 = arith.select %eq3A_2442, %broadcast_in_dim3A_2447, %select_n3A_2439 : vector<64x1xi1>, vector<64x1xi32>
    %eq3A_2449 = arith.constant 59 : i32
    %eq3A_2450 = vector.broadcast %eq3A_2449 : i32 to vector<64x1xi32>
    %eq3A_2451 = arith.cmpi eq, %iota3A_1915, %eq3A_2450 : vector<64x1xi32>
    %get3A_2452 = arith.index_cast %arg0 : i32 to index
    %get3A_2453 = arith.index_cast %add3A_1603 : i32 to index
    %get3A_2454 = arith.constant 59 : index
    %get3A_2455 = memref.load %arg2[%get3A_2452, %get3A_2453, %get3A_2454] : memref<2x16x64xi32, #tpu.memory_space<smem>>
    %broadcast_in_dim3A_2456 = vector.broadcast %get3A_2455 : i32 to vector<64x1xi32>
    %select_n3A_2457 = arith.select %eq3A_2451, %broadcast_in_dim3A_2456, %select_n3A_2448 : vector<64x1xi1>, vector<64x1xi32>
    %eq3A_2458 = arith.constant 60 : i32
    %eq3A_2459 = vector.broadcast %eq3A_2458 : i32 to vector<64x1xi32>
    %eq3A_2460 = arith.cmpi eq, %iota3A_1915, %eq3A_2459 : vector<64x1xi32>
    %get3A_2461 = arith.index_cast %arg0 : i32 to index
    %get3A_2462 = arith.index_cast %add3A_1603 : i32 to index
    %get3A_2463 = arith.constant 60 : index
    %get3A_2464 = memref.load %arg2[%get3A_2461, %get3A_2462, %get3A_2463] : memref<2x16x64xi32, #tpu.memory_space<smem>>
    %broadcast_in_dim3A_2465 = vector.broadcast %get3A_2464 : i32 to vector<64x1xi32>
    %select_n3A_2466 = arith.select %eq3A_2460, %broadcast_in_dim3A_2465, %select_n3A_2457 : vector<64x1xi1>, vector<64x1xi32>
    %eq3A_2467 = arith.constant 61 : i32
    %eq3A_2468 = vector.broadcast %eq3A_2467 : i32 to vector<64x1xi32>
    %eq3A_2469 = arith.cmpi eq, %iota3A_1915, %eq3A_2468 : vector<64x1xi32>
    %get3A_2470 = arith.index_cast %arg0 : i32 to index
    %get3A_2471 = arith.index_cast %add3A_1603 : i32 to index
    %get3A_2472 = arith.constant 61 : index
    %get3A_2473 = memref.load %arg2[%get3A_2470, %get3A_2471, %get3A_2472] : memref<2x16x64xi32, #tpu.memory_space<smem>>
    %broadcast_in_dim3A_2474 = vector.broadcast %get3A_2473 : i32 to vector<64x1xi32>
    %select_n3A_2475 = arith.select %eq3A_2469, %broadcast_in_dim3A_2474, %select_n3A_2466 : vector<64x1xi1>, vector<64x1xi32>
    %eq3A_2476 = arith.constant 62 : i32
    %eq3A_2477 = vector.broadcast %eq3A_2476 : i32 to vector<64x1xi32>
    %eq3A_2478 = arith.cmpi eq, %iota3A_1915, %eq3A_2477 : vector<64x1xi32>
    %get3A_2479 = arith.index_cast %arg0 : i32 to index
    %get3A_2480 = arith.index_cast %add3A_1603 : i32 to index
    %get3A_2481 = arith.constant 62 : index
    %get3A_2482 = memref.load %arg2[%get3A_2479, %get3A_2480, %get3A_2481] : memref<2x16x64xi32, #tpu.memory_space<smem>>
    %broadcast_in_dim3A_2483 = vector.broadcast %get3A_2482 : i32 to vector<64x1xi32>
    %select_n3A_2484 = arith.select %eq3A_2478, %broadcast_in_dim3A_2483, %select_n3A_2475 : vector<64x1xi1>, vector<64x1xi32>
    %eq3A_2485 = arith.constant 63 : i32
    %eq3A_2486 = vector.broadcast %eq3A_2485 : i32 to vector<64x1xi32>
    %eq3A_2487 = arith.cmpi eq, %iota3A_1915, %eq3A_2486 : vector<64x1xi32>
    %get3A_2488 = arith.index_cast %arg0 : i32 to index
    %get3A_2489 = arith.index_cast %add3A_1603 : i32 to index
    %get3A_2490 = arith.constant 63 : index
    %get3A_2491 = memref.load %arg2[%get3A_2488, %get3A_2489, %get3A_2490] : memref<2x16x64xi32, #tpu.memory_space<smem>>
    %broadcast_in_dim3A_2492 = vector.broadcast %get3A_2491 : i32 to vector<64x1xi32>
    %select_n3A_2493 = arith.select %eq3A_2487, %broadcast_in_dim3A_2492, %select_n3A_2484 : vector<64x1xi1>, vector<64x1xi32>
    %iota3A_2494 = tpu.iota {dimensions = array<i32: 1>} : vector<64x2048xi32>
    %eq3A_2495 = vector.broadcast %select_n3A_2493 : vector<64x1xi32> to vector<64x2048xi32>
    %eq3A_2496 = arith.cmpi eq, %iota3A_2494, %eq3A_2495 : vector<64x2048xi32>
    %convert_element_type3A_2497 = arith.extui %eq3A_2496 : vector<64x2048xi1> to vector<64x2048xi32>
    %convert_element_type3A_2498 = arith.sitofp %convert_element_type3A_2497 : vector<64x2048xi32> to vector<64x2048xf32>
    %dot_general3A_2499 = arith.constant dense<0.000000e+00> : vector<64x64xf32>
    %dot_general3A_2500 = tpu.matmul %convert_element_type3A_2498, %get3A_1608, %dot_general3A_2499 {dimension_numbers = #tpu.dot_dimension_numbers<[1], [0], [0], [1], [0, 0, 1, 1], [], []>, transpose_lhs_hint = false} : vector<64x2048xf32>, vector<2048x64xf32>, vector<64x64xf32> -> vector<64x64xf32>
    %dot_general3A_2501 = arith.constant dense<0.000000e+00> : vector<64x2048xf32>
    %dot_general3A_2502 = tpu.matmul %dot_general3A_2500, %get3A_1613, %dot_general3A_2501 {dimension_numbers = #tpu.dot_dimension_numbers<[1], [1], [0], [0], [0, 0, 1, 0], [], []>, transpose_lhs_hint = false} : vector<64x64xf32>, vector<2048x64xf32>, vector<64x2048xf32> -> vector<64x2048xf32>
    %exp3A_2503 = math.exp %dot_general3A_2502 : vector<64x2048xf32>
    %reduce_sum3A_2504 = arith.constant dense<0.000000e+00> : vector<64xf32>
    %reduce_sum3A_2505 = vector.multi_reduction <add>, %exp3A_2503, %reduce_sum3A_2504 [1] : vector<64x2048xf32> to vector<64xf32>
    %broadcast_in_dim3A_2506 = vector.shape_cast %reduce_sum3A_2505 : vector<64xf32> to vector<64x1xf32>
    %dot_general3A_2507 = arith.constant dense<0.000000e+00> : vector<64x64xf32>
    %dot_general3A_2508 = tpu.matmul %exp3A_2503, %get3A_1618, %dot_general3A_2507 {dimension_numbers = #tpu.dot_dimension_numbers<[1], [0], [0], [1], [0, 0, 1, 1], [], []>, transpose_lhs_hint = false} : vector<64x2048xf32>, vector<2048x64xf32>, vector<64x64xf32> -> vector<64x64xf32>
    %div3A_2509 = vector.broadcast %broadcast_in_dim3A_2506 : vector<64x1xf32> to vector<64x64xf32>
    %div3A_2510 = arith.divf %dot_general3A_2508, %div3A_2509 : vector<64x64xf32>
    %slice3A_2511 = vector.extract_strided_slice %div3A_2510 {offsets = [0, 0], sizes = [1, 64], strides = [1, 1]} : vector<64x64xf32> to vector<1x64xf32>
    %get3A_2512 = arith.index_cast %arg0 : i32 to index
    %get3A_2513 = arith.index_cast %add3A_1603 : i32 to index
    %get3A_2514 = arith.constant 0 : index
    %get3A_2515 = memref.load %arg2[%get3A_2512, %get3A_2513, %get3A_2514] : memref<2x16x64xi32, #tpu.memory_space<smem>>
    %swap3A_2516 = arith.constant 0 : index
    %swap3A_2517 = arith.index_cast %get3A_2515 : i32 to index
    %swap3A_2518 = arith.constant 64 : index
    %swap3A_2519 = vector.load %arg6[%swap3A_2516, %swap3A_2517, %swap3A_2518] : memref<1x2048x128xf32, #tpu.memory_space<vmem>>, vector<1x1x64xf32>
    %swap3A_2520 = vector.shape_cast %swap3A_2519 : vector<1x1x64xf32> to vector<1x64xf32>
    %swap3A_2521 = vector.shape_cast %slice3A_2511 : vector<1x64xf32> to vector<1x1x64xf32>
    tpu.vector_store %arg6[%swap3A_2516, %swap3A_2517, %swap3A_2518], %swap3A_2521 {strides = array<i32>} : memref<1x2048x128xf32, #tpu.memory_space<vmem>>, vector<1x1x64xf32>,
    %slice3A_2522 = vector.extract_strided_slice %div3A_2510 {offsets = [1, 0], sizes = [1, 64], strides = [1, 1]} : vector<64x64xf32> to vector<1x64xf32>
    %get3A_2523 = arith.index_cast %arg0 : i32 to index
    %get3A_2524 = arith.index_cast %add3A_1603 : i32 to index
    %get3A_2525 = arith.constant 1 : index
    %get3A_2526 = memref.load %arg2[%get3A_2523, %get3A_2524, %get3A_2525] : memref<2x16x64xi32, #tpu.memory_space<smem>>
    %swap3A_2527 = arith.constant 0 : index
    %swap3A_2528 = arith.index_cast %get3A_2526 : i32 to index
    %swap3A_2529 = arith.constant 64 : index
    %swap3A_2530 = vector.load %arg6[%swap3A_2527, %swap3A_2528, %swap3A_2529] : memref<1x2048x128xf32, #tpu.memory_space<vmem>>, vector<1x1x64xf32>
    %swap3A_2531 = vector.shape_cast %swap3A_2530 : vector<1x1x64xf32> to vector<1x64xf32>
    %swap3A_2532 = vector.shape_cast %slice3A_2522 : vector<1x64xf32> to vector<1x1x64xf32>
    tpu.vector_store %arg6[%swap3A_2527, %swap3A_2528, %swap3A_2529], %swap3A_2532 {strides = array<i32>} : memref<1x2048x128xf32, #tpu.memory_space<vmem>>, vector<1x1x64xf32>,
    %slice3A_2533 = vector.extract_strided_slice %div3A_2510 {offsets = [2, 0], sizes = [1, 64], strides = [1, 1]} : vector<64x64xf32> to vector<1x64xf32>
    %get3A_2534 = arith.index_cast %arg0 : i32 to index
    %get3A_2535 = arith.index_cast %add3A_1603 : i32 to index
    %get3A_2536 = arith.constant 2 : index
    %get3A_2537 = memref.load %arg2[%get3A_2534, %get3A_2535, %get3A_2536] : memref<2x16x64xi32, #tpu.memory_space<smem>>
    %swap3A_2538 = arith.constant 0 : index
    %swap3A_2539 = arith.index_cast %get3A_2537 : i32 to index
    %swap3A_2540 = arith.constant 64 : index
    %swap3A_2541 = vector.load %arg6[%swap3A_2538, %swap3A_2539, %swap3A_2540] : memref<1x2048x128xf32, #tpu.memory_space<vmem>>, vector<1x1x64xf32>
    %swap3A_2542 = vector.shape_cast %swap3A_2541 : vector<1x1x64xf32> to vector<1x64xf32>
    %swap3A_2543 = vector.shape_cast %slice3A_2533 : vector<1x64xf32> to vector<1x1x64xf32>
    tpu.vector_store %arg6[%swap3A_2538, %swap3A_2539, %swap3A_2540], %swap3A_2543 {strides = array<i32>} : memref<1x2048x128xf32, #tpu.memory_space<vmem>>, vector<1x1x64xf32>,
    %slice3A_2544 = vector.extract_strided_slice %div3A_2510 {offsets = [3, 0], sizes = [1, 64], strides = [1, 1]} : vector<64x64xf32> to vector<1x64xf32>
    %get3A_2545 = arith.index_cast %arg0 : i32 to index
    %get3A_2546 = arith.index_cast %add3A_1603 : i32 to index
    %get3A_2547 = arith.constant 3 : index
    %get3A_2548 = memref.load %arg2[%get3A_2545, %get3A_2546, %get3A_2547] : memref<2x16x64xi32, #tpu.memory_space<smem>>
    %swap3A_2549 = arith.constant 0 : index
    %swap3A_2550 = arith.index_cast %get3A_2548 : i32 to index
    %swap3A_2551 = arith.constant 64 : index
    %swap3A_2552 = vector.load %arg6[%swap3A_2549, %swap3A_2550, %swap3A_2551] : memref<1x2048x128xf32, #tpu.memory_space<vmem>>, vector<1x1x64xf32>
    %swap3A_2553 = vector.shape_cast %swap3A_2552 : vector<1x1x64xf32> to vector<1x64xf32>
    %swap3A_2554 = vector.shape_cast %slice3A_2544 : vector<1x64xf32> to vector<1x1x64xf32>
    tpu.vector_store %arg6[%swap3A_2549, %swap3A_2550, %swap3A_2551], %swap3A_2554 {strides = array<i32>} : memref<1x2048x128xf32, #tpu.memory_space<vmem>>, vector<1x1x64xf32>,
    %slice3A_2555 = vector.extract_strided_slice %div3A_2510 {offsets = [4, 0], sizes = [1, 64], strides = [1, 1]} : vector<64x64xf32> to vector<1x64xf32>
    %get3A_2556 = arith.index_cast %arg0 : i32 to index
    %get3A_2557 = arith.index_cast %add3A_1603 : i32 to index
    %get3A_2558 = arith.constant 4 : index
    %get3A_2559 = memref.load %arg2[%get3A_2556, %get3A_2557, %get3A_2558] : memref<2x16x64xi32, #tpu.memory_space<smem>>
    %swap3A_2560 = arith.constant 0 : index
    %swap3A_2561 = arith.index_cast %get3A_2559 : i32 to index
    %swap3A_2562 = arith.constant 64 : index
    %swap3A_2563 = vector.load %arg6[%swap3A_2560, %swap3A_2561, %swap3A_2562] : memref<1x2048x128xf32, #tpu.memory_space<vmem>>, vector<1x1x64xf32>
    %swap3A_2564 = vector.shape_cast %swap3A_2563 : vector<1x1x64xf32> to vector<1x64xf32>
    %swap3A_2565 = vector.shape_cast %slice3A_2555 : vector<1x64xf32> to vector<1x1x64xf32>
    tpu.vector_store %arg6[%swap3A_2560, %swap3A_2561, %swap3A_2562], %swap3A_2565 {strides = array<i32>} : memref<1x2048x128xf32, #tpu.memory_space<vmem>>, vector<1x1x64xf32>,
    %slice3A_2566 = vector.extract_strided_slice %div3A_2510 {offsets = [5, 0], sizes = [1, 64], strides = [1, 1]} : vector<64x64xf32> to vector<1x64xf32>
    %get3A_2567 = arith.index_cast %arg0 : i32 to index
    %get3A_2568 = arith.index_cast %add3A_1603 : i32 to index
    %get3A_2569 = arith.constant 5 : index
    %get3A_2570 = memref.load %arg2[%get3A_2567, %get3A_2568, %get3A_2569] : memref<2x16x64xi32, #tpu.memory_space<smem>>
    %swap3A_2571 = arith.constant 0 : index
    %swap3A_2572 = arith.index_cast %get3A_2570 : i32 to index
    %swap3A_2573 = arith.constant 64 : index
    %swap3A_2574 = vector.load %arg6[%swap3A_2571, %swap3A_2572, %swap3A_2573] : memref<1x2048x128xf32, #tpu.memory_space<vmem>>, vector<1x1x64xf32>
    %swap3A_2575 = vector.shape_cast %swap3A_2574 : vector<1x1x64xf32> to vector<1x64xf32>
    %swap3A_2576 = vector.shape_cast %slice3A_2566 : vector<1x64xf32> to vector<1x1x64xf32>
    tpu.vector_store %arg6[%swap3A_2571, %swap3A_2572, %swap3A_2573], %swap3A_2576 {strides = array<i32>} : memref<1x2048x128xf32, #tpu.memory_space<vmem>>, vector<1x1x64xf32>,
    %slice3A_2577 = vector.extract_strided_slice %div3A_2510 {offsets = [6, 0], sizes = [1, 64], strides = [1, 1]} : vector<64x64xf32> to vector<1x64xf32>
    %get3A_2578 = arith.index_cast %arg0 : i32 to index
    %get3A_2579 = arith.index_cast %add3A_1603 : i32 to index
    %get3A_2580 = arith.constant 6 : index
    %get3A_2581 = memref.load %arg2[%get3A_2578, %get3A_2579, %get3A_2580] : memref<2x16x64xi32, #tpu.memory_space<smem>>
    %swap3A_2582 = arith.constant 0 : index
    %swap3A_2583 = arith.index_cast %get3A_2581 : i32 to index
    %swap3A_2584 = arith.constant 64 : index
    %swap3A_2585 = vector.load %arg6[%swap3A_2582, %swap3A_2583, %swap3A_2584] : memref<1x2048x128xf32, #tpu.memory_space<vmem>>, vector<1x1x64xf32>
    %swap3A_2586 = vector.shape_cast %swap3A_2585 : vector<1x1x64xf32> to vector<1x64xf32>
    %swap3A_2587 = vector.shape_cast %slice3A_2577 : vector<1x64xf32> to vector<1x1x64xf32>
    tpu.vector_store %arg6[%swap3A_2582, %swap3A_2583, %swap3A_2584], %swap3A_2587 {strides = array<i32>} : memref<1x2048x128xf32, #tpu.memory_space<vmem>>, vector<1x1x64xf32>,
    %slice3A_2588 = vector.extract_strided_slice %div3A_2510 {offsets = [7, 0], sizes = [1, 64], strides = [1, 1]} : vector<64x64xf32> to vector<1x64xf32>
    %get3A_2589 = arith.index_cast %arg0 : i32 to index
    %get3A_2590 = arith.index_cast %add3A_1603 : i32 to index
    %get3A_2591 = arith.constant 7 : index
    %get3A_2592 = memref.load %arg2[%get3A_2589, %get3A_2590, %get3A_2591] : memref<2x16x64xi32, #tpu.memory_space<smem>>
    %swap3A_2593 = arith.constant 0 : index
    %swap3A_2594 = arith.index_cast %get3A_2592 : i32 to index
    %swap3A_2595 = arith.constant 64 : index
    %swap3A_2596 = vector.load %arg6[%swap3A_2593, %swap3A_2594, %swap3A_2595] : memref<1x2048x128xf32, #tpu.memory_space<vmem>>, vector<1x1x64xf32>
    %swap3A_2597 = vector.shape_cast %swap3A_2596 : vector<1x1x64xf32> to vector<1x64xf32>
    %swap3A_2598 = vector.shape_cast %slice3A_2588 : vector<1x64xf32> to vector<1x1x64xf32>
    tpu.vector_store %arg6[%swap3A_2593, %swap3A_2594, %swap3A_2595], %swap3A_2598 {strides = array<i32>} : memref<1x2048x128xf32, #tpu.memory_space<vmem>>, vector<1x1x64xf32>,
    %slice3A_2599 = vector.extract_strided_slice %div3A_2510 {offsets = [8, 0], sizes = [1, 64], strides = [1, 1]} : vector<64x64xf32> to vector<1x64xf32>
    %get3A_2600 = arith.index_cast %arg0 : i32 to index
    %get3A_2601 = arith.index_cast %add3A_1603 : i32 to index
    %get3A_2602 = arith.constant 8 : index
    %get3A_2603 = memref.load %arg2[%get3A_2600, %get3A_2601, %get3A_2602] : memref<2x16x64xi32, #tpu.memory_space<smem>>
    %swap3A_2604 = arith.constant 0 : index
    %swap3A_2605 = arith.index_cast %get3A_2603 : i32 to index
    %swap3A_2606 = arith.constant 64 : index
    %swap3A_2607 = vector.load %arg6[%swap3A_2604, %swap3A_2605, %swap3A_2606] : memref<1x2048x128xf32, #tpu.memory_space<vmem>>, vector<1x1x64xf32>
    %swap3A_2608 = vector.shape_cast %swap3A_2607 : vector<1x1x64xf32> to vector<1x64xf32>
    %swap3A_2609 = vector.shape_cast %slice3A_2599 : vector<1x64xf32> to vector<1x1x64xf32>
    tpu.vector_store %arg6[%swap3A_2604, %swap3A_2605, %swap3A_2606], %swap3A_2609 {strides = array<i32>} : memref<1x2048x128xf32, #tpu.memory_space<vmem>>, vector<1x1x64xf32>,
    %slice3A_2610 = vector.extract_strided_slice %div3A_2510 {offsets = [9, 0], sizes = [1, 64], strides = [1, 1]} : vector<64x64xf32> to vector<1x64xf32>
    %get3A_2611 = arith.index_cast %arg0 : i32 to index
    %get3A_2612 = arith.index_cast %add3A_1603 : i32 to index
    %get3A_2613 = arith.constant 9 : index
    %get3A_2614 = memref.load %arg2[%get3A_2611, %get3A_2612, %get3A_2613] : memref<2x16x64xi32, #tpu.memory_space<smem>>
    %swap3A_2615 = arith.constant 0 : index
    %swap3A_2616 = arith.index_cast %get3A_2614 : i32 to index
    %swap3A_2617 = arith.constant 64 : index
    %swap3A_2618 = vector.load %arg6[%swap3A_2615, %swap3A_2616, %swap3A_2617] : memref<1x2048x128xf32, #tpu.memory_space<vmem>>, vector<1x1x64xf32>
    %swap3A_2619 = vector.shape_cast %swap3A_2618 : vector<1x1x64xf32> to vector<1x64xf32>
    %swap3A_2620 = vector.shape_cast %slice3A_2610 : vector<1x64xf32> to vector<1x1x64xf32>
    tpu.vector_store %arg6[%swap3A_2615, %swap3A_2616, %swap3A_2617], %swap3A_2620 {strides = array<i32>} : memref<1x2048x128xf32, #tpu.memory_space<vmem>>, vector<1x1x64xf32>,
    %slice3A_2621 = vector.extract_strided_slice %div3A_2510 {offsets = [10, 0], sizes = [1, 64], strides = [1, 1]} : vector<64x64xf32> to vector<1x64xf32>
    %get3A_2622 = arith.index_cast %arg0 : i32 to index
    %get3A_2623 = arith.index_cast %add3A_1603 : i32 to index
    %get3A_2624 = arith.constant 10 : index
    %get3A_2625 = memref.load %arg2[%get3A_2622, %get3A_2623, %get3A_2624] : memref<2x16x64xi32, #tpu.memory_space<smem>>
    %swap3A_2626 = arith.constant 0 : index
    %swap3A_2627 = arith.index_cast %get3A_2625 : i32 to index
    %swap3A_2628 = arith.constant 64 : index
    %swap3A_2629 = vector.load %arg6[%swap3A_2626, %swap3A_2627, %swap3A_2628] : memref<1x2048x128xf32, #tpu.memory_space<vmem>>, vector<1x1x64xf32>
    %swap3A_2630 = vector.shape_cast %swap3A_2629 : vector<1x1x64xf32> to vector<1x64xf32>
    %swap3A_2631 = vector.shape_cast %slice3A_2621 : vector<1x64xf32> to vector<1x1x64xf32>
    tpu.vector_store %arg6[%swap3A_2626, %swap3A_2627, %swap3A_2628], %swap3A_2631 {strides = array<i32>} : memref<1x2048x128xf32, #tpu.memory_space<vmem>>, vector<1x1x64xf32>,
    %slice3A_2632 = vector.extract_strided_slice %div3A_2510 {offsets = [11, 0], sizes = [1, 64], strides = [1, 1]} : vector<64x64xf32> to vector<1x64xf32>
    %get3A_2633 = arith.index_cast %arg0 : i32 to index
    %get3A_2634 = arith.index_cast %add3A_1603 : i32 to index
    %get3A_2635 = arith.constant 11 : index
    %get3A_2636 = memref.load %arg2[%get3A_2633, %get3A_2634, %get3A_2635] : memref<2x16x64xi32, #tpu.memory_space<smem>>
    %swap3A_2637 = arith.constant 0 : index
    %swap3A_2638 = arith.index_cast %get3A_2636 : i32 to index
    %swap3A_2639 = arith.constant 64 : index
    %swap3A_2640 = vector.load %arg6[%swap3A_2637, %swap3A_2638, %swap3A_2639] : memref<1x2048x128xf32, #tpu.memory_space<vmem>>, vector<1x1x64xf32>
    %swap3A_2641 = vector.shape_cast %swap3A_2640 : vector<1x1x64xf32> to vector<1x64xf32>
    %swap3A_2642 = vector.shape_cast %slice3A_2632 : vector<1x64xf32> to vector<1x1x64xf32>
    tpu.vector_store %arg6[%swap3A_2637, %swap3A_2638, %swap3A_2639], %swap3A_2642 {strides = array<i32>} : memref<1x2048x128xf32, #tpu.memory_space<vmem>>, vector<1x1x64xf32>,
    %slice3A_2643 = vector.extract_strided_slice %div3A_2510 {offsets = [12, 0], sizes = [1, 64], strides = [1, 1]} : vector<64x64xf32> to vector<1x64xf32>
    %get3A_2644 = arith.index_cast %arg0 : i32 to index
    %get3A_2645 = arith.index_cast %add3A_1603 : i32 to index
    %get3A_2646 = arith.constant 12 : index
    %get3A_2647 = memref.load %arg2[%get3A_2644, %get3A_2645, %get3A_2646] : memref<2x16x64xi32, #tpu.memory_space<smem>>
    %swap3A_2648 = arith.constant 0 : index
    %swap3A_2649 = arith.index_cast %get3A_2647 : i32 to index
    %swap3A_2650 = arith.constant 64 : index
    %swap3A_2651 = vector.load %arg6[%swap3A_2648, %swap3A_2649, %swap3A_2650] : memref<1x2048x128xf32, #tpu.memory_space<vmem>>, vector<1x1x64xf32>
    %swap3A_2652 = vector.shape_cast %swap3A_2651 : vector<1x1x64xf32> to vector<1x64xf32>
    %swap3A_2653 = vector.shape_cast %slice3A_2643 : vector<1x64xf32> to vector<1x1x64xf32>
    tpu.vector_store %arg6[%swap3A_2648, %swap3A_2649, %swap3A_2650], %swap3A_2653 {strides = array<i32>} : memref<1x2048x128xf32, #tpu.memory_space<vmem>>, vector<1x1x64xf32>,
    %slice3A_2654 = vector.extract_strided_slice %div3A_2510 {offsets = [13, 0], sizes = [1, 64], strides = [1, 1]} : vector<64x64xf32> to vector<1x64xf32>
    %get3A_2655 = arith.index_cast %arg0 : i32 to index
    %get3A_2656 = arith.index_cast %add3A_1603 : i32 to index
    %get3A_2657 = arith.constant 13 : index
    %get3A_2658 = memref.load %arg2[%get3A_2655, %get3A_2656, %get3A_2657] : memref<2x16x64xi32, #tpu.memory_space<smem>>
    %swap3A_2659 = arith.constant 0 : index
    %swap3A_2660 = arith.index_cast %get3A_2658 : i32 to index
    %swap3A_2661 = arith.constant 64 : index
    %swap3A_2662 = vector.load %arg6[%swap3A_2659, %swap3A_2660, %swap3A_2661] : memref<1x2048x128xf32, #tpu.memory_space<vmem>>, vector<1x1x64xf32>
    %swap3A_2663 = vector.shape_cast %swap3A_2662 : vector<1x1x64xf32> to vector<1x64xf32>
    %swap3A_2664 = vector.shape_cast %slice3A_2654 : vector<1x64xf32> to vector<1x1x64xf32>
    tpu.vector_store %arg6[%swap3A_2659, %swap3A_2660, %swap3A_2661], %swap3A_2664 {strides = array<i32>} : memref<1x2048x128xf32, #tpu.memory_space<vmem>>, vector<1x1x64xf32>,
    %slice3A_2665 = vector.extract_strided_slice %div3A_2510 {offsets = [14, 0], sizes = [1, 64], strides = [1, 1]} : vector<64x64xf32> to vector<1x64xf32>
    %get3A_2666 = arith.index_cast %arg0 : i32 to index
    %get3A_2667 = arith.index_cast %add3A_1603 : i32 to index
    %get3A_2668 = arith.constant 14 : index
    %get3A_2669 = memref.load %arg2[%get3A_2666, %get3A_2667, %get3A_2668] : memref<2x16x64xi32, #tpu.memory_space<smem>>
    %swap3A_2670 = arith.constant 0 : index
    %swap3A_2671 = arith.index_cast %get3A_2669 : i32 to index
    %swap3A_2672 = arith.constant 64 : index
    %swap3A_2673 = vector.load %arg6[%swap3A_2670, %swap3A_2671, %swap3A_2672] : memref<1x2048x128xf32, #tpu.memory_space<vmem>>, vector<1x1x64xf32>
    %swap3A_2674 = vector.shape_cast %swap3A_2673 : vector<1x1x64xf32> to vector<1x64xf32>
    %swap3A_2675 = vector.shape_cast %slice3A_2665 : vector<1x64xf32> to vector<1x1x64xf32>
    tpu.vector_store %arg6[%swap3A_2670, %swap3A_2671, %swap3A_2672], %swap3A_2675 {strides = array<i32>} : memref<1x2048x128xf32, #tpu.memory_space<vmem>>, vector<1x1x64xf32>,
    %slice3A_2676 = vector.extract_strided_slice %div3A_2510 {offsets = [15, 0], sizes = [1, 64], strides = [1, 1]} : vector<64x64xf32> to vector<1x64xf32>
    %get3A_2677 = arith.index_cast %arg0 : i32 to index
    %get3A_2678 = arith.index_cast %add3A_1603 : i32 to index
    %get3A_2679 = arith.constant 15 : index
    %get3A_2680 = memref.load %arg2[%get3A_2677, %get3A_2678, %get3A_2679] : memref<2x16x64xi32, #tpu.memory_space<smem>>
    %swap3A_2681 = arith.constant 0 : index
    %swap3A_2682 = arith.index_cast %get3A_2680 : i32 to index
    %swap3A_2683 = arith.constant 64 : index
    %swap3A_2684 = vector.load %arg6[%swap3A_2681, %swap3A_2682, %swap3A_2683] : memref<1x2048x128xf32, #tpu.memory_space<vmem>>, vector<1x1x64xf32>
    %swap3A_2685 = vector.shape_cast %swap3A_2684 : vector<1x1x64xf32> to vector<1x64xf32>
    %swap3A_2686 = vector.shape_cast %slice3A_2676 : vector<1x64xf32> to vector<1x1x64xf32>
    tpu.vector_store %arg6[%swap3A_2681, %swap3A_2682, %swap3A_2683], %swap3A_2686 {strides = array<i32>} : memref<1x2048x128xf32, #tpu.memory_space<vmem>>, vector<1x1x64xf32>,
    %slice3A_2687 = vector.extract_strided_slice %div3A_2510 {offsets = [16, 0], sizes = [1, 64], strides = [1, 1]} : vector<64x64xf32> to vector<1x64xf32>
    %get3A_2688 = arith.index_cast %arg0 : i32 to index
    %get3A_2689 = arith.index_cast %add3A_1603 : i32 to index
    %get3A_2690 = arith.constant 16 : index
    %get3A_2691 = memref.load %arg2[%get3A_2688, %get3A_2689, %get3A_2690] : memref<2x16x64xi32, #tpu.memory_space<smem>>
    %swap3A_2692 = arith.constant 0 : index
    %swap3A_2693 = arith.index_cast %get3A_2691 : i32 to index
    %swap3A_2694 = arith.constant 64 : index
    %swap3A_2695 = vector.load %arg6[%swap3A_2692, %swap3A_2693, %swap3A_2694] : memref<1x2048x128xf32, #tpu.memory_space<vmem>>, vector<1x1x64xf32>
    %swap3A_2696 = vector.shape_cast %swap3A_2695 : vector<1x1x64xf32> to vector<1x64xf32>
    %swap3A_2697 = vector.shape_cast %slice3A_2687 : vector<1x64xf32> to vector<1x1x64xf32>
    tpu.vector_store %arg6[%swap3A_2692, %swap3A_2693, %swap3A_2694], %swap3A_2697 {strides = array<i32>} : memref<1x2048x128xf32, #tpu.memory_space<vmem>>, vector<1x1x64xf32>,
    %slice3A_2698 = vector.extract_strided_slice %div3A_2510 {offsets = [17, 0], sizes = [1, 64], strides = [1, 1]} : vector<64x64xf32> to vector<1x64xf32>
    %get3A_2699 = arith.index_cast %arg0 : i32 to index
    %get3A_2700 = arith.index_cast %add3A_1603 : i32 to index
    %get3A_2701 = arith.constant 17 : index
    %get3A_2702 = memref.load %arg2[%get3A_2699, %get3A_2700, %get3A_2701] : memref<2x16x64xi32, #tpu.memory_space<smem>>
    %swap3A_2703 = arith.constant 0 : index
    %swap3A_2704 = arith.index_cast %get3A_2702 : i32 to index
    %swap3A_2705 = arith.constant 64 : index
    %swap3A_2706 = vector.load %arg6[%swap3A_2703, %swap3A_2704, %swap3A_2705] : memref<1x2048x128xf32, #tpu.memory_space<vmem>>, vector<1x1x64xf32>
    %swap3A_2707 = vector.shape_cast %swap3A_2706 : vector<1x1x64xf32> to vector<1x64xf32>
    %swap3A_2708 = vector.shape_cast %slice3A_2698 : vector<1x64xf32> to vector<1x1x64xf32>
    tpu.vector_store %arg6[%swap3A_2703, %swap3A_2704, %swap3A_2705], %swap3A_2708 {strides = array<i32>} : memref<1x2048x128xf32, #tpu.memory_space<vmem>>, vector<1x1x64xf32>,
    %slice3A_2709 = vector.extract_strided_slice %div3A_2510 {offsets = [18, 0], sizes = [1, 64], strides = [1, 1]} : vector<64x64xf32> to vector<1x64xf32>
    %get3A_2710 = arith.index_cast %arg0 : i32 to index
    %get3A_2711 = arith.index_cast %add3A_1603 : i32 to index
    %get3A_2712 = arith.constant 18 : index
    %get3A_2713 = memref.load %arg2[%get3A_2710, %get3A_2711, %get3A_2712] : memref<2x16x64xi32, #tpu.memory_space<smem>>
    %swap3A_2714 = arith.constant 0 : index
    %swap3A_2715 = arith.index_cast %get3A_2713 : i32 to index
    %swap3A_2716 = arith.constant 64 : index
    %swap3A_2717 = vector.load %arg6[%swap3A_2714, %swap3A_2715, %swap3A_2716] : memref<1x2048x128xf32, #tpu.memory_space<vmem>>, vector<1x1x64xf32>
    %swap3A_2718 = vector.shape_cast %swap3A_2717 : vector<1x1x64xf32> to vector<1x64xf32>
    %swap3A_2719 = vector.shape_cast %slice3A_2709 : vector<1x64xf32> to vector<1x1x64xf32>
    tpu.vector_store %arg6[%swap3A_2714, %swap3A_2715, %swap3A_2716], %swap3A_2719 {strides = array<i32>} : memref<1x2048x128xf32, #tpu.memory_space<vmem>>, vector<1x1x64xf32>,
    %slice3A_2720 = vector.extract_strided_slice %div3A_2510 {offsets = [19, 0], sizes = [1, 64], strides = [1, 1]} : vector<64x64xf32> to vector<1x64xf32>
    %get3A_2721 = arith.index_cast %arg0 : i32 to index
    %get3A_2722 = arith.index_cast %add3A_1603 : i32 to index
    %get3A_2723 = arith.constant 19 : index
    %get3A_2724 = memref.load %arg2[%get3A_2721, %get3A_2722, %get3A_2723] : memref<2x16x64xi32, #tpu.memory_space<smem>>
    %swap3A_2725 = arith.constant 0 : index
    %swap3A_2726 = arith.index_cast %get3A_2724 : i32 to index
    %swap3A_2727 = arith.constant 64 : index
    %swap3A_2728 = vector.load %arg6[%swap3A_2725, %swap3A_2726, %swap3A_2727] : memref<1x2048x128xf32, #tpu.memory_space<vmem>>, vector<1x1x64xf32>
    %swap3A_2729 = vector.shape_cast %swap3A_2728 : vector<1x1x64xf32> to vector<1x64xf32>
    %swap3A_2730 = vector.shape_cast %slice3A_2720 : vector<1x64xf32> to vector<1x1x64xf32>
    tpu.vector_store %arg6[%swap3A_2725, %swap3A_2726, %swap3A_2727], %swap3A_2730 {strides = array<i32>} : memref<1x2048x128xf32, #tpu.memory_space<vmem>>, vector<1x1x64xf32>,
    %slice3A_2731 = vector.extract_strided_slice %div3A_2510 {offsets = [20, 0], sizes = [1, 64], strides = [1, 1]} : vector<64x64xf32> to vector<1x64xf32>
    %get3A_2732 = arith.index_cast %arg0 : i32 to index
    %get3A_2733 = arith.index_cast %add3A_1603 : i32 to index
    %get3A_2734 = arith.constant 20 : index
    %get3A_2735 = memref.load %arg2[%get3A_2732, %get3A_2733, %get3A_2734] : memref<2x16x64xi32, #tpu.memory_space<smem>>
    %swap3A_2736 = arith.constant 0 : index
    %swap3A_2737 = arith.index_cast %get3A_2735 : i32 to index
    %swap3A_2738 = arith.constant 64 : index
    %swap3A_2739 = vector.load %arg6[%swap3A_2736, %swap3A_2737, %swap3A_2738] : memref<1x2048x128xf32, #tpu.memory_space<vmem>>, vector<1x1x64xf32>
    %swap3A_2740 = vector.shape_cast %swap3A_2739 : vector<1x1x64xf32> to vector<1x64xf32>
    %swap3A_2741 = vector.shape_cast %slice3A_2731 : vector<1x64xf32> to vector<1x1x64xf32>
    tpu.vector_store %arg6[%swap3A_2736, %swap3A_2737, %swap3A_2738], %swap3A_2741 {strides = array<i32>} : memref<1x2048x128xf32, #tpu.memory_space<vmem>>, vector<1x1x64xf32>,
    %slice3A_2742 = vector.extract_strided_slice %div3A_2510 {offsets = [21, 0], sizes = [1, 64], strides = [1, 1]} : vector<64x64xf32> to vector<1x64xf32>
    %get3A_2743 = arith.index_cast %arg0 : i32 to index
    %get3A_2744 = arith.index_cast %add3A_1603 : i32 to index
    %get3A_2745 = arith.constant 21 : index
    %get3A_2746 = memref.load %arg2[%get3A_2743, %get3A_2744, %get3A_2745] : memref<2x16x64xi32, #tpu.memory_space<smem>>
    %swap3A_2747 = arith.constant 0 : index
    %swap3A_2748 = arith.index_cast %get3A_2746 : i32 to index
    %swap3A_2749 = arith.constant 64 : index
    %swap3A_2750 = vector.load %arg6[%swap3A_2747, %swap3A_2748, %swap3A_2749] : memref<1x2048x128xf32, #tpu.memory_space<vmem>>, vector<1x1x64xf32>
    %swap3A_2751 = vector.shape_cast %swap3A_2750 : vector<1x1x64xf32> to vector<1x64xf32>
    %swap3A_2752 = vector.shape_cast %slice3A_2742 : vector<1x64xf32> to vector<1x1x64xf32>
    tpu.vector_store %arg6[%swap3A_2747, %swap3A_2748, %swap3A_2749], %swap3A_2752 {strides = array<i32>} : memref<1x2048x128xf32, #tpu.memory_space<vmem>>, vector<1x1x64xf32>,
    %slice3A_2753 = vector.extract_strided_slice %div3A_2510 {offsets = [22, 0], sizes = [1, 64], strides = [1, 1]} : vector<64x64xf32> to vector<1x64xf32>
    %get3A_2754 = arith.index_cast %arg0 : i32 to index
    %get3A_2755 = arith.index_cast %add3A_1603 : i32 to index
    %get3A_2756 = arith.constant 22 : index
    %get3A_2757 = memref.load %arg2[%get3A_2754, %get3A_2755, %get3A_2756] : memref<2x16x64xi32, #tpu.memory_space<smem>>
    %swap3A_2758 = arith.constant 0 : index
    %swap3A_2759 = arith.index_cast %get3A_2757 : i32 to index
    %swap3A_2760 = arith.constant 64 : index
    %swap3A_2761 = vector.load %arg6[%swap3A_2758, %swap3A_2759, %swap3A_2760] : memref<1x2048x128xf32, #tpu.memory_space<vmem>>, vector<1x1x64xf32>
    %swap3A_2762 = vector.shape_cast %swap3A_2761 : vector<1x1x64xf32> to vector<1x64xf32>
    %swap3A_2763 = vector.shape_cast %slice3A_2753 : vector<1x64xf32> to vector<1x1x64xf32>
    tpu.vector_store %arg6[%swap3A_2758, %swap3A_2759, %swap3A_2760], %swap3A_2763 {strides = array<i32>} : memref<1x2048x128xf32, #tpu.memory_space<vmem>>, vector<1x1x64xf32>,
    %slice3A_2764 = vector.extract_strided_slice %div3A_2510 {offsets = [23, 0], sizes = [1, 64], strides = [1, 1]} : vector<64x64xf32> to vector<1x64xf32>
    %get3A_2765 = arith.index_cast %arg0 : i32 to index
    %get3A_2766 = arith.index_cast %add3A_1603 : i32 to index
    %get3A_2767 = arith.constant 23 : index
    %get3A_2768 = memref.load %arg2[%get3A_2765, %get3A_2766, %get3A_2767] : memref<2x16x64xi32, #tpu.memory_space<smem>>
    %swap3A_2769 = arith.constant 0 : index
    %swap3A_2770 = arith.index_cast %get3A_2768 : i32 to index
    %swap3A_2771 = arith.constant 64 : index
    %swap3A_2772 = vector.load %arg6[%swap3A_2769, %swap3A_2770, %swap3A_2771] : memref<1x2048x128xf32, #tpu.memory_space<vmem>>, vector<1x1x64xf32>
    %swap3A_2773 = vector.shape_cast %swap3A_2772 : vector<1x1x64xf32> to vector<1x64xf32>
    %swap3A_2774 = vector.shape_cast %slice3A_2764 : vector<1x64xf32> to vector<1x1x64xf32>
    tpu.vector_store %arg6[%swap3A_2769, %swap3A_2770, %swap3A_2771], %swap3A_2774 {strides = array<i32>} : memref<1x2048x128xf32, #tpu.memory_space<vmem>>, vector<1x1x64xf32>,
    %slice3A_2775 = vector.extract_strided_slice %div3A_2510 {offsets = [24, 0], sizes = [1, 64], strides = [1, 1]} : vector<64x64xf32> to vector<1x64xf32>
    %get3A_2776 = arith.index_cast %arg0 : i32 to index
    %get3A_2777 = arith.index_cast %add3A_1603 : i32 to index
    %get3A_2778 = arith.constant 24 : index
    %get3A_2779 = memref.load %arg2[%get3A_2776, %get3A_2777, %get3A_2778] : memref<2x16x64xi32, #tpu.memory_space<smem>>
    %swap3A_2780 = arith.constant 0 : index
    %swap3A_2781 = arith.index_cast %get3A_2779 : i32 to index
    %swap3A_2782 = arith.constant 64 : index
    %swap3A_2783 = vector.load %arg6[%swap3A_2780, %swap3A_2781, %swap3A_2782] : memref<1x2048x128xf32, #tpu.memory_space<vmem>>, vector<1x1x64xf32>
    %swap3A_2784 = vector.shape_cast %swap3A_2783 : vector<1x1x64xf32> to vector<1x64xf32>
    %swap3A_2785 = vector.shape_cast %slice3A_2775 : vector<1x64xf32> to vector<1x1x64xf32>
    tpu.vector_store %arg6[%swap3A_2780, %swap3A_2781, %swap3A_2782], %swap3A_2785 {strides = array<i32>} : memref<1x2048x128xf32, #tpu.memory_space<vmem>>, vector<1x1x64xf32>,
    %slice3A_2786 = vector.extract_strided_slice %div3A_2510 {offsets = [25, 0], sizes = [1, 64], strides = [1, 1]} : vector<64x64xf32> to vector<1x64xf32>
    %get3A_2787 = arith.index_cast %arg0 : i32 to index
    %get3A_2788 = arith.index_cast %add3A_1603 : i32 to index
    %get3A_2789 = arith.constant 25 : index
    %get3A_2790 = memref.load %arg2[%get3A_2787, %get3A_2788, %get3A_2789] : memref<2x16x64xi32, #tpu.memory_space<smem>>
    %swap3A_2791 = arith.constant 0 : index
    %swap3A_2792 = arith.index_cast %get3A_2790 : i32 to index
    %swap3A_2793 = arith.constant 64 : index
    %swap3A_2794 = vector.load %arg6[%swap3A_2791, %swap3A_2792, %swap3A_2793] : memref<1x2048x128xf32, #tpu.memory_space<vmem>>, vector<1x1x64xf32>
    %swap3A_2795 = vector.shape_cast %swap3A_2794 : vector<1x1x64xf32> to vector<1x64xf32>
    %swap3A_2796 = vector.shape_cast %slice3A_2786 : vector<1x64xf32> to vector<1x1x64xf32>
    tpu.vector_store %arg6[%swap3A_2791, %swap3A_2792, %swap3A_2793], %swap3A_2796 {strides = array<i32>} : memref<1x2048x128xf32, #tpu.memory_space<vmem>>, vector<1x1x64xf32>,
    %slice3A_2797 = vector.extract_strided_slice %div3A_2510 {offsets = [26, 0], sizes = [1, 64], strides = [1, 1]} : vector<64x64xf32> to vector<1x64xf32>
    %get3A_2798 = arith.index_cast %arg0 : i32 to index
    %get3A_2799 = arith.index_cast %add3A_1603 : i32 to index
    %get3A_2800 = arith.constant 26 : index
    %get3A_2801 = memref.load %arg2[%get3A_2798, %get3A_2799, %get3A_2800] : memref<2x16x64xi32, #tpu.memory_space<smem>>
    %swap3A_2802 = arith.constant 0 : index
    %swap3A_2803 = arith.index_cast %get3A_2801 : i32 to index
    %swap3A_2804 = arith.constant 64 : index
    %swap3A_2805 = vector.load %arg6[%swap3A_2802, %swap3A_2803, %swap3A_2804] : memref<1x2048x128xf32, #tpu.memory_space<vmem>>, vector<1x1x64xf32>
    %swap3A_2806 = vector.shape_cast %swap3A_2805 : vector<1x1x64xf32> to vector<1x64xf32>
    %swap3A_2807 = vector.shape_cast %slice3A_2797 : vector<1x64xf32> to vector<1x1x64xf32>
    tpu.vector_store %arg6[%swap3A_2802, %swap3A_2803, %swap3A_2804], %swap3A_2807 {strides = array<i32>} : memref<1x2048x128xf32, #tpu.memory_space<vmem>>, vector<1x1x64xf32>,
    %slice3A_2808 = vector.extract_strided_slice %div3A_2510 {offsets = [27, 0], sizes = [1, 64], strides = [1, 1]} : vector<64x64xf32> to vector<1x64xf32>
    %get3A_2809 = arith.index_cast %arg0 : i32 to index
    %get3A_2810 = arith.index_cast %add3A_1603 : i32 to index
    %get3A_2811 = arith.constant 27 : index
    %get3A_2812 = memref.load %arg2[%get3A_2809, %get3A_2810, %get3A_2811] : memref<2x16x64xi32, #tpu.memory_space<smem>>
    %swap3A_2813 = arith.constant 0 : index
    %swap3A_2814 = arith.index_cast %get3A_2812 : i32 to index
    %swap3A_2815 = arith.constant 64 : index
    %swap3A_2816 = vector.load %arg6[%swap3A_2813, %swap3A_2814, %swap3A_2815] : memref<1x2048x128xf32, #tpu.memory_space<vmem>>, vector<1x1x64xf32>
    %swap3A_2817 = vector.shape_cast %swap3A_2816 : vector<1x1x64xf32> to vector<1x64xf32>
    %swap3A_2818 = vector.shape_cast %slice3A_2808 : vector<1x64xf32> to vector<1x1x64xf32>
    tpu.vector_store %arg6[%swap3A_2813, %swap3A_2814, %swap3A_2815], %swap3A_2818 {strides = array<i32>} : memref<1x2048x128xf32, #tpu.memory_space<vmem>>, vector<1x1x64xf32>,
    %slice3A_2819 = vector.extract_strided_slice %div3A_2510 {offsets = [28, 0], sizes = [1, 64], strides = [1, 1]} : vector<64x64xf32> to vector<1x64xf32>
    %get3A_2820 = arith.index_cast %arg0 : i32 to index
    %get3A_2821 = arith.index_cast %add3A_1603 : i32 to index
    %get3A_2822 = arith.constant 28 : index
    %get3A_2823 = memref.load %arg2[%get3A_2820, %get3A_2821, %get3A_2822] : memref<2x16x64xi32, #tpu.memory_space<smem>>
    %swap3A_2824 = arith.constant 0 : index
    %swap3A_2825 = arith.index_cast %get3A_2823 : i32 to index
    %swap3A_2826 = arith.constant 64 : index
    %swap3A_2827 = vector.load %arg6[%swap3A_2824, %swap3A_2825, %swap3A_2826] : memref<1x2048x128xf32, #tpu.memory_space<vmem>>, vector<1x1x64xf32>
    %swap3A_2828 = vector.shape_cast %swap3A_2827 : vector<1x1x64xf32> to vector<1x64xf32>
    %swap3A_2829 = vector.shape_cast %slice3A_2819 : vector<1x64xf32> to vector<1x1x64xf32>
    tpu.vector_store %arg6[%swap3A_2824, %swap3A_2825, %swap3A_2826], %swap3A_2829 {strides = array<i32>} : memref<1x2048x128xf32, #tpu.memory_space<vmem>>, vector<1x1x64xf32>,
    %slice3A_2830 = vector.extract_strided_slice %div3A_2510 {offsets = [29, 0], sizes = [1, 64], strides = [1, 1]} : vector<64x64xf32> to vector<1x64xf32>
    %get3A_2831 = arith.index_cast %arg0 : i32 to index
    %get3A_2832 = arith.index_cast %add3A_1603 : i32 to index
    %get3A_2833 = arith.constant 29 : index
    %get3A_2834 = memref.load %arg2[%get3A_2831, %get3A_2832, %get3A_2833] : memref<2x16x64xi32, #tpu.memory_space<smem>>
    %swap3A_2835 = arith.constant 0 : index
    %swap3A_2836 = arith.index_cast %get3A_2834 : i32 to index
    %swap3A_2837 = arith.constant 64 : index
    %swap3A_2838 = vector.load %arg6[%swap3A_2835, %swap3A_2836, %swap3A_2837] : memref<1x2048x128xf32, #tpu.memory_space<vmem>>, vector<1x1x64xf32>
    %swap3A_2839 = vector.shape_cast %swap3A_2838 : vector<1x1x64xf32> to vector<1x64xf32>
    %swap3A_2840 = vector.shape_cast %slice3A_2830 : vector<1x64xf32> to vector<1x1x64xf32>
    tpu.vector_store %arg6[%swap3A_2835, %swap3A_2836, %swap3A_2837], %swap3A_2840 {strides = array<i32>} : memref<1x2048x128xf32, #tpu.memory_space<vmem>>, vector<1x1x64xf32>,
    %slice3A_2841 = vector.extract_strided_slice %div3A_2510 {offsets = [30, 0], sizes = [1, 64], strides = [1, 1]} : vector<64x64xf32> to vector<1x64xf32>
    %get3A_2842 = arith.index_cast %arg0 : i32 to index
    %get3A_2843 = arith.index_cast %add3A_1603 : i32 to index
    %get3A_2844 = arith.constant 30 : index
    %get3A_2845 = memref.load %arg2[%get3A_2842, %get3A_2843, %get3A_2844] : memref<2x16x64xi32, #tpu.memory_space<smem>>
    %swap3A_2846 = arith.constant 0 : index
    %swap3A_2847 = arith.index_cast %get3A_2845 : i32 to index
    %swap3A_2848 = arith.constant 64 : index
    %swap3A_2849 = vector.load %arg6[%swap3A_2846, %swap3A_2847, %swap3A_2848] : memref<1x2048x128xf32, #tpu.memory_space<vmem>>, vector<1x1x64xf32>
    %swap3A_2850 = vector.shape_cast %swap3A_2849 : vector<1x1x64xf32> to vector<1x64xf32>
    %swap3A_2851 = vector.shape_cast %slice3A_2841 : vector<1x64xf32> to vector<1x1x64xf32>
    tpu.vector_store %arg6[%swap3A_2846, %swap3A_2847, %swap3A_2848], %swap3A_2851 {strides = array<i32>} : memref<1x2048x128xf32, #tpu.memory_space<vmem>>, vector<1x1x64xf32>,
    %slice3A_2852 = vector.extract_strided_slice %div3A_2510 {offsets = [31, 0], sizes = [1, 64], strides = [1, 1]} : vector<64x64xf32> to vector<1x64xf32>
    %get3A_2853 = arith.index_cast %arg0 : i32 to index
    %get3A_2854 = arith.index_cast %add3A_1603 : i32 to index
    %get3A_2855 = arith.constant 31 : index
    %get3A_2856 = memref.load %arg2[%get3A_2853, %get3A_2854, %get3A_2855] : memref<2x16x64xi32, #tpu.memory_space<smem>>
    %swap3A_2857 = arith.constant 0 : index
    %swap3A_2858 = arith.index_cast %get3A_2856 : i32 to index
    %swap3A_2859 = arith.constant 64 : index
    %swap3A_2860 = vector.load %arg6[%swap3A_2857, %swap3A_2858, %swap3A_2859] : memref<1x2048x128xf32, #tpu.memory_space<vmem>>, vector<1x1x64xf32>
    %swap3A_2861 = vector.shape_cast %swap3A_2860 : vector<1x1x64xf32> to vector<1x64xf32>
    %swap3A_2862 = vector.shape_cast %slice3A_2852 : vector<1x64xf32> to vector<1x1x64xf32>
    tpu.vector_store %arg6[%swap3A_2857, %swap3A_2858, %swap3A_2859], %swap3A_2862 {strides = array<i32>} : memref<1x2048x128xf32, #tpu.memory_space<vmem>>, vector<1x1x64xf32>,
    %slice3A_2863 = vector.extract_strided_slice %div3A_2510 {offsets = [32, 0], sizes = [1, 64], strides = [1, 1]} : vector<64x64xf32> to vector<1x64xf32>
    %get3A_2864 = arith.index_cast %arg0 : i32 to index
    %get3A_2865 = arith.index_cast %add3A_1603 : i32 to index
    %get3A_2866 = arith.constant 32 : index
    %get3A_2867 = memref.load %arg2[%get3A_2864, %get3A_2865, %get3A_2866] : memref<2x16x64xi32, #tpu.memory_space<smem>>
    %swap3A_2868 = arith.constant 0 : index
    %swap3A_2869 = arith.index_cast %get3A_2867 : i32 to index
    %swap3A_2870 = arith.constant 64 : index
    %swap3A_2871 = vector.load %arg6[%swap3A_2868, %swap3A_2869, %swap3A_2870] : memref<1x2048x128xf32, #tpu.memory_space<vmem>>, vector<1x1x64xf32>
    %swap3A_2872 = vector.shape_cast %swap3A_2871 : vector<1x1x64xf32> to vector<1x64xf32>
    %swap3A_2873 = vector.shape_cast %slice3A_2863 : vector<1x64xf32> to vector<1x1x64xf32>
    tpu.vector_store %arg6[%swap3A_2868, %swap3A_2869, %swap3A_2870], %swap3A_2873 {strides = array<i32>} : memref<1x2048x128xf32, #tpu.memory_space<vmem>>, vector<1x1x64xf32>,
    %slice3A_2874 = vector.extract_strided_slice %div3A_2510 {offsets = [33, 0], sizes = [1, 64], strides = [1, 1]} : vector<64x64xf32> to vector<1x64xf32>
    %get3A_2875 = arith.index_cast %arg0 : i32 to index
    %get3A_2876 = arith.index_cast %add3A_1603 : i32 to index
    %get3A_2877 = arith.constant 33 : index
    %get3A_2878 = memref.load %arg2[%get3A_2875, %get3A_2876, %get3A_2877] : memref<2x16x64xi32, #tpu.memory_space<smem>>
    %swap3A_2879 = arith.constant 0 : index
    %swap3A_2880 = arith.index_cast %get3A_2878 : i32 to index
    %swap3A_2881 = arith.constant 64 : index
    %swap3A_2882 = vector.load %arg6[%swap3A_2879, %swap3A_2880, %swap3A_2881] : memref<1x2048x128xf32, #tpu.memory_space<vmem>>, vector<1x1x64xf32>
    %swap3A_2883 = vector.shape_cast %swap3A_2882 : vector<1x1x64xf32> to vector<1x64xf32>
    %swap3A_2884 = vector.shape_cast %slice3A_2874 : vector<1x64xf32> to vector<1x1x64xf32>
    tpu.vector_store %arg6[%swap3A_2879, %swap3A_2880, %swap3A_2881], %swap3A_2884 {strides = array<i32>} : memref<1x2048x128xf32, #tpu.memory_space<vmem>>, vector<1x1x64xf32>,
    %slice3A_2885 = vector.extract_strided_slice %div3A_2510 {offsets = [34, 0], sizes = [1, 64], strides = [1, 1]} : vector<64x64xf32> to vector<1x64xf32>
    %get3A_2886 = arith.index_cast %arg0 : i32 to index
    %get3A_2887 = arith.index_cast %add3A_1603 : i32 to index
    %get3A_2888 = arith.constant 34 : index
    %get3A_2889 = memref.load %arg2[%get3A_2886, %get3A_2887, %get3A_2888] : memref<2x16x64xi32, #tpu.memory_space<smem>>
    %swap3A_2890 = arith.constant 0 : index
    %swap3A_2891 = arith.index_cast %get3A_2889 : i32 to index
    %swap3A_2892 = arith.constant 64 : index
    %swap3A_2893 = vector.load %arg6[%swap3A_2890, %swap3A_2891, %swap3A_2892] : memref<1x2048x128xf32, #tpu.memory_space<vmem>>, vector<1x1x64xf32>
    %swap3A_2894 = vector.shape_cast %swap3A_2893 : vector<1x1x64xf32> to vector<1x64xf32>
    %swap3A_2895 = vector.shape_cast %slice3A_2885 : vector<1x64xf32> to vector<1x1x64xf32>
    tpu.vector_store %arg6[%swap3A_2890, %swap3A_2891, %swap3A_2892], %swap3A_2895 {strides = array<i32>} : memref<1x2048x128xf32, #tpu.memory_space<vmem>>, vector<1x1x64xf32>,
    %slice3A_2896 = vector.extract_strided_slice %div3A_2510 {offsets = [35, 0], sizes = [1, 64], strides = [1, 1]} : vector<64x64xf32> to vector<1x64xf32>
    %get3A_2897 = arith.index_cast %arg0 : i32 to index
    %get3A_2898 = arith.index_cast %add3A_1603 : i32 to index
    %get3A_2899 = arith.constant 35 : index
    %get3A_2900 = memref.load %arg2[%get3A_2897, %get3A_2898, %get3A_2899] : memref<2x16x64xi32, #tpu.memory_space<smem>>
    %swap3A_2901 = arith.constant 0 : index
    %swap3A_2902 = arith.index_cast %get3A_2900 : i32 to index
    %swap3A_2903 = arith.constant 64 : index
    %swap3A_2904 = vector.load %arg6[%swap3A_2901, %swap3A_2902, %swap3A_2903] : memref<1x2048x128xf32, #tpu.memory_space<vmem>>, vector<1x1x64xf32>
    %swap3A_2905 = vector.shape_cast %swap3A_2904 : vector<1x1x64xf32> to vector<1x64xf32>
    %swap3A_2906 = vector.shape_cast %slice3A_2896 : vector<1x64xf32> to vector<1x1x64xf32>
    tpu.vector_store %arg6[%swap3A_2901, %swap3A_2902, %swap3A_2903], %swap3A_2906 {strides = array<i32>} : memref<1x2048x128xf32, #tpu.memory_space<vmem>>, vector<1x1x64xf32>,
    %slice3A_2907 = vector.extract_strided_slice %div3A_2510 {offsets = [36, 0], sizes = [1, 64], strides = [1, 1]} : vector<64x64xf32> to vector<1x64xf32>
    %get3A_2908 = arith.index_cast %arg0 : i32 to index
    %get3A_2909 = arith.index_cast %add3A_1603 : i32 to index
    %get3A_2910 = arith.constant 36 : index
    %get3A_2911 = memref.load %arg2[%get3A_2908, %get3A_2909, %get3A_2910] : memref<2x16x64xi32, #tpu.memory_space<smem>>
    %swap3A_2912 = arith.constant 0 : index
    %swap3A_2913 = arith.index_cast %get3A_2911 : i32 to index
    %swap3A_2914 = arith.constant 64 : index
    %swap3A_2915 = vector.load %arg6[%swap3A_2912, %swap3A_2913, %swap3A_2914] : memref<1x2048x128xf32, #tpu.memory_space<vmem>>, vector<1x1x64xf32>
    %swap3A_2916 = vector.shape_cast %swap3A_2915 : vector<1x1x64xf32> to vector<1x64xf32>
    %swap3A_2917 = vector.shape_cast %slice3A_2907 : vector<1x64xf32> to vector<1x1x64xf32>
    tpu.vector_store %arg6[%swap3A_2912, %swap3A_2913, %swap3A_2914], %swap3A_2917 {strides = array<i32>} : memref<1x2048x128xf32, #tpu.memory_space<vmem>>, vector<1x1x64xf32>,
    %slice3A_2918 = vector.extract_strided_slice %div3A_2510 {offsets = [37, 0], sizes = [1, 64], strides = [1, 1]} : vector<64x64xf32> to vector<1x64xf32>
    %get3A_2919 = arith.index_cast %arg0 : i32 to index
    %get3A_2920 = arith.index_cast %add3A_1603 : i32 to index
    %get3A_2921 = arith.constant 37 : index
    %get3A_2922 = memref.load %arg2[%get3A_2919, %get3A_2920, %get3A_2921] : memref<2x16x64xi32, #tpu.memory_space<smem>>
    %swap3A_2923 = arith.constant 0 : index
    %swap3A_2924 = arith.index_cast %get3A_2922 : i32 to index
    %swap3A_2925 = arith.constant 64 : index
    %swap3A_2926 = vector.load %arg6[%swap3A_2923, %swap3A_2924, %swap3A_2925] : memref<1x2048x128xf32, #tpu.memory_space<vmem>>, vector<1x1x64xf32>
    %swap3A_2927 = vector.shape_cast %swap3A_2926 : vector<1x1x64xf32> to vector<1x64xf32>
    %swap3A_2928 = vector.shape_cast %slice3A_2918 : vector<1x64xf32> to vector<1x1x64xf32>
    tpu.vector_store %arg6[%swap3A_2923, %swap3A_2924, %swap3A_2925], %swap3A_2928 {strides = array<i32>} : memref<1x2048x128xf32, #tpu.memory_space<vmem>>, vector<1x1x64xf32>,
    %slice3A_2929 = vector.extract_strided_slice %div3A_2510 {offsets = [38, 0], sizes = [1, 64], strides = [1, 1]} : vector<64x64xf32> to vector<1x64xf32>
    %get3A_2930 = arith.index_cast %arg0 : i32 to index
    %get3A_2931 = arith.index_cast %add3A_1603 : i32 to index
    %get3A_2932 = arith.constant 38 : index
    %get3A_2933 = memref.load %arg2[%get3A_2930, %get3A_2931, %get3A_2932] : memref<2x16x64xi32, #tpu.memory_space<smem>>
    %swap3A_2934 = arith.constant 0 : index
    %swap3A_2935 = arith.index_cast %get3A_2933 : i32 to index
    %swap3A_2936 = arith.constant 64 : index
    %swap3A_2937 = vector.load %arg6[%swap3A_2934, %swap3A_2935, %swap3A_2936] : memref<1x2048x128xf32, #tpu.memory_space<vmem>>, vector<1x1x64xf32>
    %swap3A_2938 = vector.shape_cast %swap3A_2937 : vector<1x1x64xf32> to vector<1x64xf32>
    %swap3A_2939 = vector.shape_cast %slice3A_2929 : vector<1x64xf32> to vector<1x1x64xf32>
    tpu.vector_store %arg6[%swap3A_2934, %swap3A_2935, %swap3A_2936], %swap3A_2939 {strides = array<i32>} : memref<1x2048x128xf32, #tpu.memory_space<vmem>>, vector<1x1x64xf32>,
    %slice3A_2940 = vector.extract_strided_slice %div3A_2510 {offsets = [39, 0], sizes = [1, 64], strides = [1, 1]} : vector<64x64xf32> to vector<1x64xf32>
    %get3A_2941 = arith.index_cast %arg0 : i32 to index
    %get3A_2942 = arith.index_cast %add3A_1603 : i32 to index
    %get3A_2943 = arith.constant 39 : index
    %get3A_2944 = memref.load %arg2[%get3A_2941, %get3A_2942, %get3A_2943] : memref<2x16x64xi32, #tpu.memory_space<smem>>
    %swap3A_2945 = arith.constant 0 : index
    %swap3A_2946 = arith.index_cast %get3A_2944 : i32 to index
    %swap3A_2947 = arith.constant 64 : index
    %swap3A_2948 = vector.load %arg6[%swap3A_2945, %swap3A_2946, %swap3A_2947] : memref<1x2048x128xf32, #tpu.memory_space<vmem>>, vector<1x1x64xf32>
    %swap3A_2949 = vector.shape_cast %swap3A_2948 : vector<1x1x64xf32> to vector<1x64xf32>
    %swap3A_2950 = vector.shape_cast %slice3A_2940 : vector<1x64xf32> to vector<1x1x64xf32>
    tpu.vector_store %arg6[%swap3A_2945, %swap3A_2946, %swap3A_2947], %swap3A_2950 {strides = array<i32>} : memref<1x2048x128xf32, #tpu.memory_space<vmem>>, vector<1x1x64xf32>,
    %slice3A_2951 = vector.extract_strided_slice %div3A_2510 {offsets = [40, 0], sizes = [1, 64], strides = [1, 1]} : vector<64x64xf32> to vector<1x64xf32>
    %get3A_2952 = arith.index_cast %arg0 : i32 to index
    %get3A_2953 = arith.index_cast %add3A_1603 : i32 to index
    %get3A_2954 = arith.constant 40 : index
    %get3A_2955 = memref.load %arg2[%get3A_2952, %get3A_2953, %get3A_2954] : memref<2x16x64xi32, #tpu.memory_space<smem>>
    %swap3A_2956 = arith.constant 0 : index
    %swap3A_2957 = arith.index_cast %get3A_2955 : i32 to index
    %swap3A_2958 = arith.constant 64 : index
    %swap3A_2959 = vector.load %arg6[%swap3A_2956, %swap3A_2957, %swap3A_2958] : memref<1x2048x128xf32, #tpu.memory_space<vmem>>, vector<1x1x64xf32>
    %swap3A_2960 = vector.shape_cast %swap3A_2959 : vector<1x1x64xf32> to vector<1x64xf32>
    %swap3A_2961 = vector.shape_cast %slice3A_2951 : vector<1x64xf32> to vector<1x1x64xf32>
    tpu.vector_store %arg6[%swap3A_2956, %swap3A_2957, %swap3A_2958], %swap3A_2961 {strides = array<i32>} : memref<1x2048x128xf32, #tpu.memory_space<vmem>>, vector<1x1x64xf32>,
    %slice3A_2962 = vector.extract_strided_slice %div3A_2510 {offsets = [41, 0], sizes = [1, 64], strides = [1, 1]} : vector<64x64xf32> to vector<1x64xf32>
    %get3A_2963 = arith.index_cast %arg0 : i32 to index
    %get3A_2964 = arith.index_cast %add3A_1603 : i32 to index
    %get3A_2965 = arith.constant 41 : index
    %get3A_2966 = memref.load %arg2[%get3A_2963, %get3A_2964, %get3A_2965] : memref<2x16x64xi32, #tpu.memory_space<smem>>
    %swap3A_2967 = arith.constant 0 : index
    %swap3A_2968 = arith.index_cast %get3A_2966 : i32 to index
    %swap3A_2969 = arith.constant 64 : index
    %swap3A_2970 = vector.load %arg6[%swap3A_2967, %swap3A_2968, %swap3A_2969] : memref<1x2048x128xf32, #tpu.memory_space<vmem>>, vector<1x1x64xf32>
    %swap3A_2971 = vector.shape_cast %swap3A_2970 : vector<1x1x64xf32> to vector<1x64xf32>
    %swap3A_2972 = vector.shape_cast %slice3A_2962 : vector<1x64xf32> to vector<1x1x64xf32>
    tpu.vector_store %arg6[%swap3A_2967, %swap3A_2968, %swap3A_2969], %swap3A_2972 {strides = array<i32>} : memref<1x2048x128xf32, #tpu.memory_space<vmem>>, vector<1x1x64xf32>,
    %slice3A_2973 = vector.extract_strided_slice %div3A_2510 {offsets = [42, 0], sizes = [1, 64], strides = [1, 1]} : vector<64x64xf32> to vector<1x64xf32>
    %get3A_2974 = arith.index_cast %arg0 : i32 to index
    %get3A_2975 = arith.index_cast %add3A_1603 : i32 to index
    %get3A_2976 = arith.constant 42 : index
    %get3A_2977 = memref.load %arg2[%get3A_2974, %get3A_2975, %get3A_2976] : memref<2x16x64xi32, #tpu.memory_space<smem>>
    %swap3A_2978 = arith.constant 0 : index
    %swap3A_2979 = arith.index_cast %get3A_2977 : i32 to index
    %swap3A_2980 = arith.constant 64 : index
    %swap3A_2981 = vector.load %arg6[%swap3A_2978, %swap3A_2979, %swap3A_2980] : memref<1x2048x128xf32, #tpu.memory_space<vmem>>, vector<1x1x64xf32>
    %swap3A_2982 = vector.shape_cast %swap3A_2981 : vector<1x1x64xf32> to vector<1x64xf32>
    %swap3A_2983 = vector.shape_cast %slice3A_2973 : vector<1x64xf32> to vector<1x1x64xf32>
    tpu.vector_store %arg6[%swap3A_2978, %swap3A_2979, %swap3A_2980], %swap3A_2983 {strides = array<i32>} : memref<1x2048x128xf32, #tpu.memory_space<vmem>>, vector<1x1x64xf32>,
    %slice3A_2984 = vector.extract_strided_slice %div3A_2510 {offsets = [43, 0], sizes = [1, 64], strides = [1, 1]} : vector<64x64xf32> to vector<1x64xf32>
    %get3A_2985 = arith.index_cast %arg0 : i32 to index
    %get3A_2986 = arith.index_cast %add3A_1603 : i32 to index
    %get3A_2987 = arith.constant 43 : index
    %get3A_2988 = memref.load %arg2[%get3A_2985, %get3A_2986, %get3A_2987] : memref<2x16x64xi32, #tpu.memory_space<smem>>
    %swap3A_2989 = arith.constant 0 : index
    %swap3A_2990 = arith.index_cast %get3A_2988 : i32 to index
    %swap3A_2991 = arith.constant 64 : index
    %swap3A_2992 = vector.load %arg6[%swap3A_2989, %swap3A_2990, %swap3A_2991] : memref<1x2048x128xf32, #tpu.memory_space<vmem>>, vector<1x1x64xf32>
    %swap3A_2993 = vector.shape_cast %swap3A_2992 : vector<1x1x64xf32> to vector<1x64xf32>
    %swap3A_2994 = vector.shape_cast %slice3A_2984 : vector<1x64xf32> to vector<1x1x64xf32>
    tpu.vector_store %arg6[%swap3A_2989, %swap3A_2990, %swap3A_2991], %swap3A_2994 {strides = array<i32>} : memref<1x2048x128xf32, #tpu.memory_space<vmem>>, vector<1x1x64xf32>,
    %slice3A_2995 = vector.extract_strided_slice %div3A_2510 {offsets = [44, 0], sizes = [1, 64], strides = [1, 1]} : vector<64x64xf32> to vector<1x64xf32>
    %get3A_2996 = arith.index_cast %arg0 : i32 to index
    %get3A_2997 = arith.index_cast %add3A_1603 : i32 to index
    %get3A_2998 = arith.constant 44 : index
    %get3A_2999 = memref.load %arg2[%get3A_2996, %get3A_2997, %get3A_2998] : memref<2x16x64xi32, #tpu.memory_space<smem>>
    %swap3A_3000 = arith.constant 0 : index
    %swap3A_3001 = arith.index_cast %get3A_2999 : i32 to index
    %swap3A_3002 = arith.constant 64 : index
    %swap3A_3003 = vector.load %arg6[%swap3A_3000, %swap3A_3001, %swap3A_3002] : memref<1x2048x128xf32, #tpu.memory_space<vmem>>, vector<1x1x64xf32>
    %swap3A_3004 = vector.shape_cast %swap3A_3003 : vector<1x1x64xf32> to vector<1x64xf32>
    %swap3A_3005 = vector.shape_cast %slice3A_2995 : vector<1x64xf32> to vector<1x1x64xf32>
    tpu.vector_store %arg6[%swap3A_3000, %swap3A_3001, %swap3A_3002], %swap3A_3005 {strides = array<i32>} : memref<1x2048x128xf32, #tpu.memory_space<vmem>>, vector<1x1x64xf32>,
    %slice3A_3006 = vector.extract_strided_slice %div3A_2510 {offsets = [45, 0], sizes = [1, 64], strides = [1, 1]} : vector<64x64xf32> to vector<1x64xf32>
    %get3A_3007 = arith.index_cast %arg0 : i32 to index
    %get3A_3008 = arith.index_cast %add3A_1603 : i32 to index
    %get3A_3009 = arith.constant 45 : index
    %get3A_3010 = memref.load %arg2[%get3A_3007, %get3A_3008, %get3A_3009] : memref<2x16x64xi32, #tpu.memory_space<smem>>
    %swap3A_3011 = arith.constant 0 : index
    %swap3A_3012 = arith.index_cast %get3A_3010 : i32 to index
    %swap3A_3013 = arith.constant 64 : index
    %swap3A_3014 = vector.load %arg6[%swap3A_3011, %swap3A_3012, %swap3A_3013] : memref<1x2048x128xf32, #tpu.memory_space<vmem>>, vector<1x1x64xf32>
    %swap3A_3015 = vector.shape_cast %swap3A_3014 : vector<1x1x64xf32> to vector<1x64xf32>
    %swap3A_3016 = vector.shape_cast %slice3A_3006 : vector<1x64xf32> to vector<1x1x64xf32>
    tpu.vector_store %arg6[%swap3A_3011, %swap3A_3012, %swap3A_3013], %swap3A_3016 {strides = array<i32>} : memref<1x2048x128xf32, #tpu.memory_space<vmem>>, vector<1x1x64xf32>,
    %slice3A_3017 = vector.extract_strided_slice %div3A_2510 {offsets = [46, 0], sizes = [1, 64], strides = [1, 1]} : vector<64x64xf32> to vector<1x64xf32>
    %get3A_3018 = arith.index_cast %arg0 : i32 to index
    %get3A_3019 = arith.index_cast %add3A_1603 : i32 to index
    %get3A_3020 = arith.constant 46 : index
    %get3A_3021 = memref.load %arg2[%get3A_3018, %get3A_3019, %get3A_3020] : memref<2x16x64xi32, #tpu.memory_space<smem>>
    %swap3A_3022 = arith.constant 0 : index
    %swap3A_3023 = arith.index_cast %get3A_3021 : i32 to index
    %swap3A_3024 = arith.constant 64 : index
    %swap3A_3025 = vector.load %arg6[%swap3A_3022, %swap3A_3023, %swap3A_3024] : memref<1x2048x128xf32, #tpu.memory_space<vmem>>, vector<1x1x64xf32>
    %swap3A_3026 = vector.shape_cast %swap3A_3025 : vector<1x1x64xf32> to vector<1x64xf32>
    %swap3A_3027 = vector.shape_cast %slice3A_3017 : vector<1x64xf32> to vector<1x1x64xf32>
    tpu.vector_store %arg6[%swap3A_3022, %swap3A_3023, %swap3A_3024], %swap3A_3027 {strides = array<i32>} : memref<1x2048x128xf32, #tpu.memory_space<vmem>>, vector<1x1x64xf32>,
    %slice3A_3028 = vector.extract_strided_slice %div3A_2510 {offsets = [47, 0], sizes = [1, 64], strides = [1, 1]} : vector<64x64xf32> to vector<1x64xf32>
    %get3A_3029 = arith.index_cast %arg0 : i32 to index
    %get3A_3030 = arith.index_cast %add3A_1603 : i32 to index
    %get3A_3031 = arith.constant 47 : index
    %get3A_3032 = memref.load %arg2[%get3A_3029, %get3A_3030, %get3A_3031] : memref<2x16x64xi32, #tpu.memory_space<smem>>
    %swap3A_3033 = arith.constant 0 : index
    %swap3A_3034 = arith.index_cast %get3A_3032 : i32 to index
    %swap3A_3035 = arith.constant 64 : index
    %swap3A_3036 = vector.load %arg6[%swap3A_3033, %swap3A_3034, %swap3A_3035] : memref<1x2048x128xf32, #tpu.memory_space<vmem>>, vector<1x1x64xf32>
    %swap3A_3037 = vector.shape_cast %swap3A_3036 : vector<1x1x64xf32> to vector<1x64xf32>
    %swap3A_3038 = vector.shape_cast %slice3A_3028 : vector<1x64xf32> to vector<1x1x64xf32>
    tpu.vector_store %arg6[%swap3A_3033, %swap3A_3034, %swap3A_3035], %swap3A_3038 {strides = array<i32>} : memref<1x2048x128xf32, #tpu.memory_space<vmem>>, vector<1x1x64xf32>,
    %slice3A_3039 = vector.extract_strided_slice %div3A_2510 {offsets = [48, 0], sizes = [1, 64], strides = [1, 1]} : vector<64x64xf32> to vector<1x64xf32>
    %get3A_3040 = arith.index_cast %arg0 : i32 to index
    %get3A_3041 = arith.index_cast %add3A_1603 : i32 to index
    %get3A_3042 = arith.constant 48 : index
    %get3A_3043 = memref.load %arg2[%get3A_3040, %get3A_3041, %get3A_3042] : memref<2x16x64xi32, #tpu.memory_space<smem>>
    %swap3A_3044 = arith.constant 0 : index
    %swap3A_3045 = arith.index_cast %get3A_3043 : i32 to index
    %swap3A_3046 = arith.constant 64 : index
    %swap3A_3047 = vector.load %arg6[%swap3A_3044, %swap3A_3045, %swap3A_3046] : memref<1x2048x128xf32, #tpu.memory_space<vmem>>, vector<1x1x64xf32>
    %swap3A_3048 = vector.shape_cast %swap3A_3047 : vector<1x1x64xf32> to vector<1x64xf32>
    %swap3A_3049 = vector.shape_cast %slice3A_3039 : vector<1x64xf32> to vector<1x1x64xf32>
    tpu.vector_store %arg6[%swap3A_3044, %swap3A_3045, %swap3A_3046], %swap3A_3049 {strides = array<i32>} : memref<1x2048x128xf32, #tpu.memory_space<vmem>>, vector<1x1x64xf32>,
    %slice3A_3050 = vector.extract_strided_slice %div3A_2510 {offsets = [49, 0], sizes = [1, 64], strides = [1, 1]} : vector<64x64xf32> to vector<1x64xf32>
    %get3A_3051 = arith.index_cast %arg0 : i32 to index
    %get3A_3052 = arith.index_cast %add3A_1603 : i32 to index
    %get3A_3053 = arith.constant 49 : index
    %get3A_3054 = memref.load %arg2[%get3A_3051, %get3A_3052, %get3A_3053] : memref<2x16x64xi32, #tpu.memory_space<smem>>
    %swap3A_3055 = arith.constant 0 : index
    %swap3A_3056 = arith.index_cast %get3A_3054 : i32 to index
    %swap3A_3057 = arith.constant 64 : index
    %swap3A_3058 = vector.load %arg6[%swap3A_3055, %swap3A_3056, %swap3A_3057] : memref<1x2048x128xf32, #tpu.memory_space<vmem>>, vector<1x1x64xf32>
    %swap3A_3059 = vector.shape_cast %swap3A_3058 : vector<1x1x64xf32> to vector<1x64xf32>
    %swap3A_3060 = vector.shape_cast %slice3A_3050 : vector<1x64xf32> to vector<1x1x64xf32>
    tpu.vector_store %arg6[%swap3A_3055, %swap3A_3056, %swap3A_3057], %swap3A_3060 {strides = array<i32>} : memref<1x2048x128xf32, #tpu.memory_space<vmem>>, vector<1x1x64xf32>,
    %slice3A_3061 = vector.extract_strided_slice %div3A_2510 {offsets = [50, 0], sizes = [1, 64], strides = [1, 1]} : vector<64x64xf32> to vector<1x64xf32>
    %get3A_3062 = arith.index_cast %arg0 : i32 to index
    %get3A_3063 = arith.index_cast %add3A_1603 : i32 to index
    %get3A_3064 = arith.constant 50 : index
    %get3A_3065 = memref.load %arg2[%get3A_3062, %get3A_3063, %get3A_3064] : memref<2x16x64xi32, #tpu.memory_space<smem>>
    %swap3A_3066 = arith.constant 0 : index
    %swap3A_3067 = arith.index_cast %get3A_3065 : i32 to index
    %swap3A_3068 = arith.constant 64 : index
    %swap3A_3069 = vector.load %arg6[%swap3A_3066, %swap3A_3067, %swap3A_3068] : memref<1x2048x128xf32, #tpu.memory_space<vmem>>, vector<1x1x64xf32>
    %swap3A_3070 = vector.shape_cast %swap3A_3069 : vector<1x1x64xf32> to vector<1x64xf32>
    %swap3A_3071 = vector.shape_cast %slice3A_3061 : vector<1x64xf32> to vector<1x1x64xf32>
    tpu.vector_store %arg6[%swap3A_3066, %swap3A_3067, %swap3A_3068], %swap3A_3071 {strides = array<i32>} : memref<1x2048x128xf32, #tpu.memory_space<vmem>>, vector<1x1x64xf32>,
    %slice3A_3072 = vector.extract_strided_slice %div3A_2510 {offsets = [51, 0], sizes = [1, 64], strides = [1, 1]} : vector<64x64xf32> to vector<1x64xf32>
    %get3A_3073 = arith.index_cast %arg0 : i32 to index
    %get3A_3074 = arith.index_cast %add3A_1603 : i32 to index
    %get3A_3075 = arith.constant 51 : index
    %get3A_3076 = memref.load %arg2[%get3A_3073, %get3A_3074, %get3A_3075] : memref<2x16x64xi32, #tpu.memory_space<smem>>
    %swap3A_3077 = arith.constant 0 : index
    %swap3A_3078 = arith.index_cast %get3A_3076 : i32 to index
    %swap3A_3079 = arith.constant 64 : index
    %swap3A_3080 = vector.load %arg6[%swap3A_3077, %swap3A_3078, %swap3A_3079] : memref<1x2048x128xf32, #tpu.memory_space<vmem>>, vector<1x1x64xf32>
    %swap3A_3081 = vector.shape_cast %swap3A_3080 : vector<1x1x64xf32> to vector<1x64xf32>
    %swap3A_3082 = vector.shape_cast %slice3A_3072 : vector<1x64xf32> to vector<1x1x64xf32>
    tpu.vector_store %arg6[%swap3A_3077, %swap3A_3078, %swap3A_3079], %swap3A_3082 {strides = array<i32>} : memref<1x2048x128xf32, #tpu.memory_space<vmem>>, vector<1x1x64xf32>,
    %slice3A_3083 = vector.extract_strided_slice %div3A_2510 {offsets = [52, 0], sizes = [1, 64], strides = [1, 1]} : vector<64x64xf32> to vector<1x64xf32>
    %get3A_3084 = arith.index_cast %arg0 : i32 to index
    %get3A_3085 = arith.index_cast %add3A_1603 : i32 to index
    %get3A_3086 = arith.constant 52 : index
    %get3A_3087 = memref.load %arg2[%get3A_3084, %get3A_3085, %get3A_3086] : memref<2x16x64xi32, #tpu.memory_space<smem>>
    %swap3A_3088 = arith.constant 0 : index
    %swap3A_3089 = arith.index_cast %get3A_3087 : i32 to index
    %swap3A_3090 = arith.constant 64 : index
    %swap3A_3091 = vector.load %arg6[%swap3A_3088, %swap3A_3089, %swap3A_3090] : memref<1x2048x128xf32, #tpu.memory_space<vmem>>, vector<1x1x64xf32>
    %swap3A_3092 = vector.shape_cast %swap3A_3091 : vector<1x1x64xf32> to vector<1x64xf32>
    %swap3A_3093 = vector.shape_cast %slice3A_3083 : vector<1x64xf32> to vector<1x1x64xf32>
    tpu.vector_store %arg6[%swap3A_3088, %swap3A_3089, %swap3A_3090], %swap3A_3093 {strides = array<i32>} : memref<1x2048x128xf32, #tpu.memory_space<vmem>>, vector<1x1x64xf32>,
    %slice3A_3094 = vector.extract_strided_slice %div3A_2510 {offsets = [53, 0], sizes = [1, 64], strides = [1, 1]} : vector<64x64xf32> to vector<1x64xf32>
    %get3A_3095 = arith.index_cast %arg0 : i32 to index
    %get3A_3096 = arith.index_cast %add3A_1603 : i32 to index
    %get3A_3097 = arith.constant 53 : index
    %get3A_3098 = memref.load %arg2[%get3A_3095, %get3A_3096, %get3A_3097] : memref<2x16x64xi32, #tpu.memory_space<smem>>
    %swap3A_3099 = arith.constant 0 : index
    %swap3A_3100 = arith.index_cast %get3A_3098 : i32 to index
    %swap3A_3101 = arith.constant 64 : index
    %swap3A_3102 = vector.load %arg6[%swap3A_3099, %swap3A_3100, %swap3A_3101] : memref<1x2048x128xf32, #tpu.memory_space<vmem>>, vector<1x1x64xf32>
    %swap3A_3103 = vector.shape_cast %swap3A_3102 : vector<1x1x64xf32> to vector<1x64xf32>
    %swap3A_3104 = vector.shape_cast %slice3A_3094 : vector<1x64xf32> to vector<1x1x64xf32>
    tpu.vector_store %arg6[%swap3A_3099, %swap3A_3100, %swap3A_3101], %swap3A_3104 {strides = array<i32>} : memref<1x2048x128xf32, #tpu.memory_space<vmem>>, vector<1x1x64xf32>,
    %slice3A_3105 = vector.extract_strided_slice %div3A_2510 {offsets = [54, 0], sizes = [1, 64], strides = [1, 1]} : vector<64x64xf32> to vector<1x64xf32>
    %get3A_3106 = arith.index_cast %arg0 : i32 to index
    %get3A_3107 = arith.index_cast %add3A_1603 : i32 to index
    %get3A_3108 = arith.constant 54 : index
    %get3A_3109 = memref.load %arg2[%get3A_3106, %get3A_3107, %get3A_3108] : memref<2x16x64xi32, #tpu.memory_space<smem>>
    %swap3A_3110 = arith.constant 0 : index
    %swap3A_3111 = arith.index_cast %get3A_3109 : i32 to index
    %swap3A_3112 = arith.constant 64 : index
    %swap3A_3113 = vector.load %arg6[%swap3A_3110, %swap3A_3111, %swap3A_3112] : memref<1x2048x128xf32, #tpu.memory_space<vmem>>, vector<1x1x64xf32>
    %swap3A_3114 = vector.shape_cast %swap3A_3113 : vector<1x1x64xf32> to vector<1x64xf32>
    %swap3A_3115 = vector.shape_cast %slice3A_3105 : vector<1x64xf32> to vector<1x1x64xf32>
    tpu.vector_store %arg6[%swap3A_3110, %swap3A_3111, %swap3A_3112], %swap3A_3115 {strides = array<i32>} : memref<1x2048x128xf32, #tpu.memory_space<vmem>>, vector<1x1x64xf32>,
    %slice3A_3116 = vector.extract_strided_slice %div3A_2510 {offsets = [55, 0], sizes = [1, 64], strides = [1, 1]} : vector<64x64xf32> to vector<1x64xf32>
    %get3A_3117 = arith.index_cast %arg0 : i32 to index
    %get3A_3118 = arith.index_cast %add3A_1603 : i32 to index
    %get3A_3119 = arith.constant 55 : index
    %get3A_3120 = memref.load %arg2[%get3A_3117, %get3A_3118, %get3A_3119] : memref<2x16x64xi32, #tpu.memory_space<smem>>
    %swap3A_3121 = arith.constant 0 : index
    %swap3A_3122 = arith.index_cast %get3A_3120 : i32 to index
    %swap3A_3123 = arith.constant 64 : index
    %swap3A_3124 = vector.load %arg6[%swap3A_3121, %swap3A_3122, %swap3A_3123] : memref<1x2048x128xf32, #tpu.memory_space<vmem>>, vector<1x1x64xf32>
    %swap3A_3125 = vector.shape_cast %swap3A_3124 : vector<1x1x64xf32> to vector<1x64xf32>
    %swap3A_3126 = vector.shape_cast %slice3A_3116 : vector<1x64xf32> to vector<1x1x64xf32>
    tpu.vector_store %arg6[%swap3A_3121, %swap3A_3122, %swap3A_3123], %swap3A_3126 {strides = array<i32>} : memref<1x2048x128xf32, #tpu.memory_space<vmem>>, vector<1x1x64xf32>,
    %slice3A_3127 = vector.extract_strided_slice %div3A_2510 {offsets = [56, 0], sizes = [1, 64], strides = [1, 1]} : vector<64x64xf32> to vector<1x64xf32>
    %get3A_3128 = arith.index_cast %arg0 : i32 to index
    %get3A_3129 = arith.index_cast %add3A_1603 : i32 to index
    %get3A_3130 = arith.constant 56 : index
    %get3A_3131 = memref.load %arg2[%get3A_3128, %get3A_3129, %get3A_3130] : memref<2x16x64xi32, #tpu.memory_space<smem>>
    %swap3A_3132 = arith.constant 0 : index
    %swap3A_3133 = arith.index_cast %get3A_3131 : i32 to index
    %swap3A_3134 = arith.constant 64 : index
    %swap3A_3135 = vector.load %arg6[%swap3A_3132, %swap3A_3133, %swap3A_3134] : memref<1x2048x128xf32, #tpu.memory_space<vmem>>, vector<1x1x64xf32>
    %swap3A_3136 = vector.shape_cast %swap3A_3135 : vector<1x1x64xf32> to vector<1x64xf32>
    %swap3A_3137 = vector.shape_cast %slice3A_3127 : vector<1x64xf32> to vector<1x1x64xf32>
    tpu.vector_store %arg6[%swap3A_3132, %swap3A_3133, %swap3A_3134], %swap3A_3137 {strides = array<i32>} : memref<1x2048x128xf32, #tpu.memory_space<vmem>>, vector<1x1x64xf32>,
    %slice3A_3138 = vector.extract_strided_slice %div3A_2510 {offsets = [57, 0], sizes = [1, 64], strides = [1, 1]} : vector<64x64xf32> to vector<1x64xf32>
    %get3A_3139 = arith.index_cast %arg0 : i32 to index
    %get3A_3140 = arith.index_cast %add3A_1603 : i32 to index
    %get3A_3141 = arith.constant 57 : index
    %get3A_3142 = memref.load %arg2[%get3A_3139, %get3A_3140, %get3A_3141] : memref<2x16x64xi32, #tpu.memory_space<smem>>
    %swap3A_3143 = arith.constant 0 : index
    %swap3A_3144 = arith.index_cast %get3A_3142 : i32 to index
    %swap3A_3145 = arith.constant 64 : index
    %swap3A_3146 = vector.load %arg6[%swap3A_3143, %swap3A_3144, %swap3A_3145] : memref<1x2048x128xf32, #tpu.memory_space<vmem>>, vector<1x1x64xf32>
    %swap3A_3147 = vector.shape_cast %swap3A_3146 : vector<1x1x64xf32> to vector<1x64xf32>
    %swap3A_3148 = vector.shape_cast %slice3A_3138 : vector<1x64xf32> to vector<1x1x64xf32>
    tpu.vector_store %arg6[%swap3A_3143, %swap3A_3144, %swap3A_3145], %swap3A_3148 {strides = array<i32>} : memref<1x2048x128xf32, #tpu.memory_space<vmem>>, vector<1x1x64xf32>,
    %slice3A_3149 = vector.extract_strided_slice %div3A_2510 {offsets = [58, 0], sizes = [1, 64], strides = [1, 1]} : vector<64x64xf32> to vector<1x64xf32>
    %get3A_3150 = arith.index_cast %arg0 : i32 to index
    %get3A_3151 = arith.index_cast %add3A_1603 : i32 to index
    %get3A_3152 = arith.constant 58 : index
    %get3A_3153 = memref.load %arg2[%get3A_3150, %get3A_3151, %get3A_3152] : memref<2x16x64xi32, #tpu.memory_space<smem>>
    %swap3A_3154 = arith.constant 0 : index
    %swap3A_3155 = arith.index_cast %get3A_3153 : i32 to index
    %swap3A_3156 = arith.constant 64 : index
    %swap3A_3157 = vector.load %arg6[%swap3A_3154, %swap3A_3155, %swap3A_3156] : memref<1x2048x128xf32, #tpu.memory_space<vmem>>, vector<1x1x64xf32>
    %swap3A_3158 = vector.shape_cast %swap3A_3157 : vector<1x1x64xf32> to vector<1x64xf32>
    %swap3A_3159 = vector.shape_cast %slice3A_3149 : vector<1x64xf32> to vector<1x1x64xf32>
    tpu.vector_store %arg6[%swap3A_3154, %swap3A_3155, %swap3A_3156], %swap3A_3159 {strides = array<i32>} : memref<1x2048x128xf32, #tpu.memory_space<vmem>>, vector<1x1x64xf32>,
    %slice3A_3160 = vector.extract_strided_slice %div3A_2510 {offsets = [59, 0], sizes = [1, 64], strides = [1, 1]} : vector<64x64xf32> to vector<1x64xf32>
    %get3A_3161 = arith.index_cast %arg0 : i32 to index
    %get3A_3162 = arith.index_cast %add3A_1603 : i32 to index
    %get3A_3163 = arith.constant 59 : index
    %get3A_3164 = memref.load %arg2[%get3A_3161, %get3A_3162, %get3A_3163] : memref<2x16x64xi32, #tpu.memory_space<smem>>
    %swap3A_3165 = arith.constant 0 : index
    %swap3A_3166 = arith.index_cast %get3A_3164 : i32 to index
    %swap3A_3167 = arith.constant 64 : index
    %swap3A_3168 = vector.load %arg6[%swap3A_3165, %swap3A_3166, %swap3A_3167] : memref<1x2048x128xf32, #tpu.memory_space<vmem>>, vector<1x1x64xf32>
    %swap3A_3169 = vector.shape_cast %swap3A_3168 : vector<1x1x64xf32> to vector<1x64xf32>
    %swap3A_3170 = vector.shape_cast %slice3A_3160 : vector<1x64xf32> to vector<1x1x64xf32>
    tpu.vector_store %arg6[%swap3A_3165, %swap3A_3166, %swap3A_3167], %swap3A_3170 {strides = array<i32>} : memref<1x2048x128xf32, #tpu.memory_space<vmem>>, vector<1x1x64xf32>,
    %slice3A_3171 = vector.extract_strided_slice %div3A_2510 {offsets = [60, 0], sizes = [1, 64], strides = [1, 1]} : vector<64x64xf32> to vector<1x64xf32>
    %get3A_3172 = arith.index_cast %arg0 : i32 to index
    %get3A_3173 = arith.index_cast %add3A_1603 : i32 to index
    %get3A_3174 = arith.constant 60 : index
    %get3A_3175 = memref.load %arg2[%get3A_3172, %get3A_3173, %get3A_3174] : memref<2x16x64xi32, #tpu.memory_space<smem>>
    %swap3A_3176 = arith.constant 0 : index
    %swap3A_3177 = arith.index_cast %get3A_3175 : i32 to index
    %swap3A_3178 = arith.constant 64 : index
    %swap3A_3179 = vector.load %arg6[%swap3A_3176, %swap3A_3177, %swap3A_3178] : memref<1x2048x128xf32, #tpu.memory_space<vmem>>, vector<1x1x64xf32>
    %swap3A_3180 = vector.shape_cast %swap3A_3179 : vector<1x1x64xf32> to vector<1x64xf32>
    %swap3A_3181 = vector.shape_cast %slice3A_3171 : vector<1x64xf32> to vector<1x1x64xf32>
    tpu.vector_store %arg6[%swap3A_3176, %swap3A_3177, %swap3A_3178], %swap3A_3181 {strides = array<i32>} : memref<1x2048x128xf32, #tpu.memory_space<vmem>>, vector<1x1x64xf32>,
    %slice3A_3182 = vector.extract_strided_slice %div3A_2510 {offsets = [61, 0], sizes = [1, 64], strides = [1, 1]} : vector<64x64xf32> to vector<1x64xf32>
    %get3A_3183 = arith.index_cast %arg0 : i32 to index
    %get3A_3184 = arith.index_cast %add3A_1603 : i32 to index
    %get3A_3185 = arith.constant 61 : index
    %get3A_3186 = memref.load %arg2[%get3A_3183, %get3A_3184, %get3A_3185] : memref<2x16x64xi32, #tpu.memory_space<smem>>
    %swap3A_3187 = arith.constant 0 : index
    %swap3A_3188 = arith.index_cast %get3A_3186 : i32 to index
    %swap3A_3189 = arith.constant 64 : index
    %swap3A_3190 = vector.load %arg6[%swap3A_3187, %swap3A_3188, %swap3A_3189] : memref<1x2048x128xf32, #tpu.memory_space<vmem>>, vector<1x1x64xf32>
    %swap3A_3191 = vector.shape_cast %swap3A_3190 : vector<1x1x64xf32> to vector<1x64xf32>
    %swap3A_3192 = vector.shape_cast %slice3A_3182 : vector<1x64xf32> to vector<1x1x64xf32>
    tpu.vector_store %arg6[%swap3A_3187, %swap3A_3188, %swap3A_3189], %swap3A_3192 {strides = array<i32>} : memref<1x2048x128xf32, #tpu.memory_space<vmem>>, vector<1x1x64xf32>,
    %slice3A_3193 = vector.extract_strided_slice %div3A_2510 {offsets = [62, 0], sizes = [1, 64], strides = [1, 1]} : vector<64x64xf32> to vector<1x64xf32>
    %get3A_3194 = arith.index_cast %arg0 : i32 to index
    %get3A_3195 = arith.index_cast %add3A_1603 : i32 to index
    %get3A_3196 = arith.constant 62 : index
    %get3A_3197 = memref.load %arg2[%get3A_3194, %get3A_3195, %get3A_3196] : memref<2x16x64xi32, #tpu.memory_space<smem>>
    %swap3A_3198 = arith.constant 0 : index
    %swap3A_3199 = arith.index_cast %get3A_3197 : i32 to index
    %swap3A_3200 = arith.constant 64 : index
    %swap3A_3201 = vector.load %arg6[%swap3A_3198, %swap3A_3199, %swap3A_3200] : memref<1x2048x128xf32, #tpu.memory_space<vmem>>, vector<1x1x64xf32>
    %swap3A_3202 = vector.shape_cast %swap3A_3201 : vector<1x1x64xf32> to vector<1x64xf32>
    %swap3A_3203 = vector.shape_cast %slice3A_3193 : vector<1x64xf32> to vector<1x1x64xf32>
    tpu.vector_store %arg6[%swap3A_3198, %swap3A_3199, %swap3A_3200], %swap3A_3203 {strides = array<i32>} : memref<1x2048x128xf32, #tpu.memory_space<vmem>>, vector<1x1x64xf32>,
    %slice3A_3204 = vector.extract_strided_slice %div3A_2510 {offsets = [63, 0], sizes = [1, 64], strides = [1, 1]} : vector<64x64xf32> to vector<1x64xf32>
    %get3A_3205 = arith.index_cast %arg0 : i32 to index
    %get3A_3206 = arith.index_cast %add3A_1603 : i32 to index
    %get3A_3207 = arith.constant 63 : index
    %get3A_3208 = memref.load %arg2[%get3A_3205, %get3A_3206, %get3A_3207] : memref<2x16x64xi32, #tpu.memory_space<smem>>
    %swap3A_3209 = arith.constant 0 : index
    %swap3A_3210 = arith.index_cast %get3A_3208 : i32 to index
    %swap3A_3211 = arith.constant 64 : index
    %swap3A_3212 = vector.load %arg6[%swap3A_3209, %swap3A_3210, %swap3A_3211] : memref<1x2048x128xf32, #tpu.memory_space<vmem>>, vector<1x1x64xf32>
    %swap3A_3213 = vector.shape_cast %swap3A_3212 : vector<1x1x64xf32> to vector<1x64xf32>
    %swap3A_3214 = vector.shape_cast %slice3A_3204 : vector<1x64xf32> to vector<1x1x64xf32>
    tpu.vector_store %arg6[%swap3A_3209, %swap3A_3210, %swap3A_3211], %swap3A_3214 {strides = array<i32>} : memref<1x2048x128xf32, #tpu.memory_space<vmem>>, vector<1x1x64xf32>,
    return
  }
  func.func @transform_0(%arg0: i32, %arg1: i32, %arg2: memref<2x16x64xi32, #tpu.memory_space<smem>>) -> (i32, i32, i32) {
    %c0_i32 = arith.constant 0 : i32
    %c0_i32_0 = arith.constant 0 : i32
    return %arg0, %c0_i32, %arg1 : i32, i32, i32
  }
  func.func @transform_1(%arg0: i32, %arg1: i32, %arg2: memref<2x16x64xi32, #tpu.memory_space<smem>>) -> (i32, i32, i32) {
    %c0_i32 = arith.constant 0 : i32
    %c0_i32_0 = arith.constant 0 : i32
    return %arg0, %c0_i32, %arg1 : i32, i32, i32
  }
  func.func @transform_2(%arg0: i32, %arg1: i32, %arg2: memref<2x16x64xi32, #tpu.memory_space<smem>>) -> (i32, i32, i32) {
    %c0_i32 = arith.constant 0 : i32
    %c0_i32_0 = arith.constant 0 : i32
    return %arg0, %c0_i32, %arg1 : i32, i32, i32
  }
  func.func @transform_3(%arg0: i32, %arg1: i32, %arg2: memref<2x16x64xi32, #tpu.memory_space<smem>>) -> (i32, i32, i32) {
    %c0_i32 = arith.constant 0 : i32
    %c0_i32_0 = arith.constant 0 : i32
    return %arg0, %c0_i32, %arg1 : i32, i32, i32
  }
}

</mosaic_0001>

<sc_bundles>
// kernel: kernel.5.cloned.1.call-start
scs
__scs_entry_jumppad:
0x0: {  	(pc) =	sbr.rel $0x88, $3  }
0x1: {  	(tag) =	ssettag $0x0;
	lr =	simm.s32 $0x1  }
0x2: {  	[smem:$0x3F9A] =	sst lr;
	_ =	strace $0xD0000000  }
0x3: {  	_ = 	snop  }
0x4: {  	_ = 	snop  }
0x5: {  	_ = 	snop  }
0x6: {  	_ = 	snop  }
0x7: {  	_ = 	snop  }
__scs_overlays_trampoline_lowered:
0x8: {  	[smem:$0x3FA9] =	sst s0  }
0x9: {  	[smem:$0x3FAA] =	sst s1  }
0xa: {  	[smem:$0x3FAB] =	sst s2  }
0xb: {  	[smem:$0x3FAC] =	sst s3  }
0xc: {  	[smem:$0x3FAD] =	sst s4  }
0xd: {  	[smem:$0x3FAE] =	sst s5  }
0xe: {  	[smem:$0x3FAF] =	sst s6  }
0xf: {  	[smem:$0x3FB0] =	sst s7  }
0x10: {  	[smem:$0x3FB1] =	sst s8  }
0x11: {  	[smem:$0x3FB2] =	sst s9;
	s0 =	simm.s32 @!p0 $0x0  }
0x12: {  	s1 =	sld [smem:$0x3F98];
	s0 =	simm.s32 @p0 $0x1  }
0x13: {  	[smem:$0x3FB3] =	sst s0;
	s0 =	simm.s32 @!p1 $0x0  }
0x14: {  	s2 =	sld [smem:$0x3F97];
	s0 =	simm.s32 @p1 $0x1  }
0x15: {  	[smem:$0x3FB4] =	sst s0;
	s0 =	simm.s32 @!p2 $0x0  }
0x16: {  	s3 =	sld [smem:$0x3FDB];
	s0 =	simm.s32 @p2 $0x1  }
0x17: {  	s4 =	simm.s32 $0x1BF5;
	[smem:$0x3FB6] =	sst s0  }
0x18: {  	s0 =	sld [smem:$0x3F99];
	_ =	swait.ge [sflag:s4], $0x0  }
0x19: {  	s7 =	sld [smem:$0x3F9A]  }
0x1a: {  	s8 =	sadd.s32 $0xFFFFE003, lr  }
0x1b: {  	s9 =	sadd.s32 $0xFFFFFEF7, lr;
	s5 =	simm.s32 $0xFFFFFFFF;
	p2 =	slt.u32 s8, $0xFFFFF086  }
0x1c: {  	p1 =	slt.u32 s9, $0xF7A;
	s5 =	simm.s32 @!p2 $0x0  }
0x1d: {  	s5 =	simm.s32 @p1 $0x1;
	p0 =	seq.s32 s7, s2  }
0x1e: {  	s7 =	smul.u32 @!p0 $0xF7A, s2;
	p2 =	seq.s32 @!p0 s5, $0x0  }
0x1f: {  	s9 =	smul.u32 $0xF7A, s1;
	s8 =	simm.s32 @!p0 $0x1BF5;
	p2 =	por !p2, p0  }
0x20: {  	[sflag:s8] =	ssyncset.s32 @!p0 $0xFFFFF086;
	s6 =	sadd.s32 @!p0 s3, s7;
	s7 =	simm.s32 @!p0 $0x108  }
0x21: {  	s3 =	sadd.s32 s3, s9;
	s6 =	sadd.s32 @!p0 $0x88, s6;
	s7 =	simm.s32 @p2 $0x1082  }
0x22: {  	[simem:s7], [sflag:s8] =	dma.local @!p0 [hbm:s6], $0xF7A  }
0x23: {  	s9 =	sor.u32 $0xD0000000, s2;
	s6 =	simm.s32 $0x108;
	_ =	swait.ge @!p0 [sflag:s8], $0x0  }
0x24: {  	s3 =	sadd.s32 $0x88, s3;
	s6 =	simm.s32 @!p1 $0x1082;
	[sflag:s4] =	ssyncset.s32 $0xFFFFF086  }
0x25: {  	[simem:s6], [sflag:s4] =	dma.local [hbm:s3], $0xF7A  }
0x26: {  	[smem:$0x3F9A] =	sst s1;
	(tag) =	ssettag s2;
	_ =	strace s9  }
0x27: {  	s1 =	sld [smem:$0x3FAA]  }
0x28: {  	s2 =	sld [smem:$0x3FAB]  }
0x29: {  	s4 =	sld [smem:$0x3FAD]  }
0x2a: {  	p0 =	seq.s32 s5, $0x0;
	s5 =	sld [smem:$0x3FAE]  }
0x2b: {  	s6 =	sld [smem:$0x3FAF]  }
0x2c: {  	s7 =	sld [smem:$0x3FB0]  }
0x2d: {  	s3 =	simm.s32 $0x108;
	s8 =	sld [smem:$0x3FB1]  }
0x2e: {  	s3 =	simm.s32 @!p0 $0x1082;
	s9 =	sld [smem:$0x3FB2]  }
0x2f: {  	lr =	sadd.s32 s0, s3;
	s0 =	sld [smem:$0x3FA9]  }
0x30: {  	s3 =	sld [smem:$0x3FAC]  }
0x31: {  	[smem:$0x3FB5] =	sst s10  }
0x32: {  	s10 =	sld [smem:$0x3FB3];
	_ =	sdelay $0x3  }
0x33: {  	p0 =	seq.s32 s10, $0x1;
	s10 =	sld [smem:$0x3FB5];
	_ =	sdelay $0x3  }
0x34: {  	[smem:$0x3FB5] =	sst s10  }
0x35: {  	s10 =	sld [smem:$0x3FB4];
	_ =	sdelay $0x3  }
0x36: {  	p1 =	seq.s32 s10, $0x1;
	s10 =	sld [smem:$0x3FB5];
	_ =	sdelay $0x3  }
0x37: {  	[smem:$0x3FB5] =	sst s10  }
0x38: {  	s10 =	sld [smem:$0x3FB6]  }
0x39: {  	_ = 	snop;
	(pc) =	sbr.ind lr, $3  }
0x3a: {  	_ = 	snop  }
0x3b: {  	_ = 	snop  }
0x3c: {  	p2 =	seq.s32 s10, $0x1;
	s10 =	sld [smem:$0x3FB5]  }
0x3d: {  	_ =	shalt  }
0x3e: {  	_ =	shalt  }
0x3f: {  	_ =	shalt  }
0x40: {  	_ =	shalt  }
0x41: {  	_ =	shalt  }
0x42: {  	_ =	shalt  }
0x43: {  	_ =	shalt  }
0x44: {  	_ =	shalt  }
0x45: {  	_ =	shalt  }
0x46: {  	_ =	shalt  }
0x47: {  	_ =	shalt  }
0x48: {  	_ =	shalt  }
0x49: {  	_ =	shalt  }
0x4a: {  	_ =	shalt  }
0x4b: {  	_ =	shalt  }
0x4c: {  	_ =	shalt  }
0x4d: {  	_ =	shalt  }
0x4e: {  	_ =	shalt  }
0x4f: {  	_ =	shalt  }
0x50: {  	_ =	shalt  }
0x51: {  	_ =	shalt  }
0x52: {  	_ =	shalt  }
0x53: {  	_ =	shalt  }
0x54: {  	_ =	shalt  }
0x55: {  	_ =	shalt  }
0x56: {  	_ =	shalt  }
0x57: {  	_ =	shalt  }
0x58: {  	_ =	shalt  }
0x59: {  	_ =	shalt  }
0x5a: {  	_ =	shalt  }
0x5b: {  	_ =	shalt  }
0x5c: {  	_ =	shalt  }
0x5d: {  	_ =	shalt  }
0x5e: {  	_ =	shalt  }
0x5f: {  	_ =	shalt  }
0x60: {  	_ =	shalt  }
0x61: {  	_ =	shalt  }
0x62: {  	_ =	shalt  }
0x63: {  	_ =	shalt  }
0x64: {  	_ =	shalt  }
0x65: {  	_ =	shalt  }
0x66: {  	_ =	shalt  }
0x67: {  	_ =	shalt  }
0x68: {  	_ =	shalt  }
0x69: {  	_ =	shalt  }
0x6a: {  	_ =	shalt  }
0x6b: {  	_ =	shalt  }
0x6c: {  	_ =	shalt  }
0x6d: {  	_ =	shalt  }
0x6e: {  	_ =	shalt  }
0x6f: {  	_ =	shalt  }
0x70: {  	_ =	shalt  }
0x71: {  	_ =	shalt  }
0x72: {  	_ =	shalt  }
0x73: {  	_ =	shalt  }
0x74: {  	_ =	shalt  }
0x75: {  	_ =	shalt  }
0x76: {  	_ =	shalt  }
0x77: {  	_ =	shalt  }
0x78: {  	_ =	shalt  }
0x79: {  	_ =	shalt  }
0x7a: {  	_ =	shalt  }
0x7b: {  	_ =	shalt  }
0x7c: {  	_ =	shalt  }
0x7d: {  	_ =	shalt  }
0x7e: {  	_ =	shalt  }
0x7f: {  	_ =	shalt  }
0x80: {  	_ =	shalt  }
0x81: {  	_ =	shalt  }
0x82: {  	_ =	shalt  }
0x83: {  	_ =	shalt  }
0x84: {  	_ =	shalt  }
0x85: {  	_ =	shalt  }
0x86: {  	_ =	shalt  }
0x87: {  	_ =	shalt  }
.Lfunc_end0:
.L_simem_size_0:
called_computation_lowered:
.L_overlay_start_0:
0x88: {  	s2 =	sld [smem:$0x3FD9]  }
0x89: {  	s3 =	sld [smem:$0x3FFE];
	_ =	sdelay $0x1  }
0x8a: {  	s1 =	srdreg.scid  }
0x8b: {  	s0 =	sand.u32 $0x1, s1  }
0x8c: {  	s16 =	sshll.u32 s0, $0xA;
	s2 =	sadd.s32 s3, s2  }
0x8d: {  	s2 =	sadd.s32 s2, s16  }
0x8e: {  	[smem:$0x3FC1] =	sst s2  }
0x8f: {  	_ = 	snop  }
0x90: {  	(tm) =	ssettm $0x1  }
0x91: {  	s17 =	sld [smem:$0x3FFB];
	_ =	sdelay $0x3  }
0x92: {  	_ =	strace s17  }
0x93: {  	s2 =	sld [smem:$0x3FFC];
	_ =	sdelay $0x3  }
0x94: {  	_ =	strace s2  }
0x95: {  	s2 =	sld [smem:$0x3FFD];
	_ =	sdelay $0x3  }
0x96: {  	_ =	strace s2  }
0x97: {  	_ =	strace $0x8FFFFFFF  }
0x98: {  	s18 =	sld [smem:$0x3FDB];
	_ =	sdelay $0x1  }
0x99: {  	s19 =	simm.s32 $_scs_section_size  }
0x9a: {  	s4 =	simm.s32 $_size__tile_overlayer_lowered;
	s5 =	simm.s32 $_tile_overlayer_lowered  }
0x9b: {  	s22 =	simm.s32 $0x1BFF;
	s21 =	sshll.u32 s5, $0x1;
	s2 =	sadd.s32 s19, s18  }
0x9c: {  	s6 =	simm.s32 $0x0;
	s20 =	sshll.u32 s4, $0x1;
	s4 =	sadd.s32 s21, s2  }
0x9d: {  	[timem:s6], [sflag:s22] =	dma.local [hbm:s4], s20  }
0x9e: {  	_ =	swait.ge [sflag:s22], s20  }
0x9f: {  	s3 =	ssub.s32 $0x0, s20;
	[sflag:s22] =	ssyncset.done $0x0  }
0xa0: {  	[sflag:s22] =	ssyncadd.s32 s3;
	_ =	sdelay $0x1  }
0xa1: {  	s23 =	simm.s32 $0x1B8B  }
0xa2: {  	_ =	swait.ge [sflag:s23], $0x1  }
0xa3: {  	[sflag:s23] =	ssyncset.done $0x0  }
0xa4: {  	s25 =	simm.s32 $0x1B8E;
	s24 =	sld [smem:$0x3FFE];
	[sflag:s23] =	ssyncadd.s32 $0xFFFFFFFF  }
0xa5: {  	s26 =	simm.s32 $execute0_lowered;
	[smem:$0x3FD2] =	sst s25  }
0xa6: {  	s4 =	sshll.u32 s26, $0x1;
	_ =	strace $0x80000046;
	[dreg:$0x1] =	wrdreg $0xFFFFFFFF  }
0xa7: {  	s28 =	simm.s32 $_size_execute0_lowered;
	s2 =	sadd.s32 s2, s4;
	[dreg:$0x0] =	wrdreg $0x0  }
0xa8: {  	s4 =	sshll.u32 s28, $0x1;
	[dreg:$0x2] =	wrdreg s2  }
0xa9: {  	[dreg:$0x3] =	wrdreg s4  }
0xaa: {  	[dreg:$0x4] =	wrdreg $0xC0  }
0xab: {  	_ =	task [dreg:s6], $0x5FFFF  }
0xac: {  	[dreg:$0x1] =	wrdreg $0xFFFFFFFF  }
0xad: {  	[dreg:$0x0] =	wrdreg $0x60  }
0xae: {  	[dreg:$0x2] =	wrdreg s24  }
0xaf: {  	[dreg:$0x3] =	wrdreg $0x9  }
0xb0: {  	_ =	task.clear_ibuf [dreg:s6], $0x4FFFF;
	_ =	strace $0x90000046  }
0xb1: {  	s29 =	simm.s32 $0x9;
	_ =	strace $0x80000048  }
0xb2: {  	_ =	swait.ge [sflag:s29], $0x1  }
0xb3: {  	[sflag:s29] =	ssyncadd.s32 $0xFFFFFFFF  }
0xb4: {  	_ =	strace $0x90000048  }
0xb5: {  	_ =	sfence  }
0xb6: {  	s30 =	sld [smem:$0x0];
	_ =	sdelay $0x2  }
0xb7: {  	s31 =	sshll.u32 s1, $0xD;
	s1 =	sshrl.u32 s1, $0x2  }
0xb8: {  	s3 =	sand.u32 $0x4000, s31;
	s1 =	sadd.s32 s1, s30  }
0xb9: {  	s0 =	sor.u32 s3, s0;
	s1 =	sshll.u32 s1, $0x11  }
0xba: {  	s0 =	sor.u32 s1, s0  }
0xbb: {  	s0 =	sadd.s32 $0x8F2B, s0  }
0xbc: {  	[sflag:s0] =	ssyncadd.remote.s32 $0x1  }
0xbd: {  	_ =	sfence.sel $0xFFFF  }
0xbe: {  	[dreg:$0x0] =	wrdreg $0xFFFFFFFF;
	(pc) =	sbr.abs _section_cstart, $3  }
0xbf: {  	[dreg:$0x1] =	wrdreg $0xFFFFFFFF  }
0xc0: {  	_ =	task.clear_ibuf [dreg:s6], $0x2FFFF;
	_ =	strace $0x9FFFFFFF  }
0xc1: {  	(tm) =	ssettm $0x7FFFFFFF  }
tec
execute0_lowered:
.L_overlay_start_1:
0x0: {  	(tag) =	ssettag $0x1  }
0x1: {  	s3 =	rddreg [dreg:$0x0]  }
0x2: {  	s0 =	rddreg [dreg:$0x1]  }
0x3: {  	s2 =	simm.s32 $0x0;
	s4 =	srdreg.scid;
	s1 =	stileid.u32  }
0x4: {  	[smem:$0x7FF] =	sst s2;
	s4 =	sand.u32 $0x1, s4;
	s5 =	sshrl.u32 s1, $0x2  }
0x5: {  	s6 =	sshrl.u32 s1, $0x3;
	s7 =	sshll.u32 s1, $0x8;
	s5 =	sand.u32 $0x1, s5  }
0x6: {  	s8 =	sshll.u32 s4, $0x7;
	s7 =	sand.u32 $0x300, s7;
	s9 =	sshll.u32 s6, $0xF  }
0x7: {  	s6 =	sshll.u32 s6, $0xB;
	_ =	strace $0x80000047;
	s4 =	ssub.s32 $0x2, s4  }
0x8: {  	s10 =	sshll.u32 s5, $0xE;
	s5 =	sshll.u32 s5, $0xA;
	s7 =	sor.u32 s8, s7  }
0x9: {  	s30 =	sshrl.u32 s4, $0x1;
	s8 =	simm.s32 $0x1;
	s28 =	sor.u32 s9, s10  }
0xa: {  	s5 =	sor.u32 s6, s5;
	s31 =	ssub.s32 s4, s30;
	s29 =	sor.u32 s7, s28  }
0xb: {  	s9 =	simm.s32 $0x800;
	s5 =	sor.u32 s7, s5;
	s6 =	sshrl.u32 s29, $0x3  }
0xc: {  	s10 =	simm.s32 $0x0;
	s5 =	sshrl.u32 s5, $0x3;
	s6 =	sadd.s32 s6, s3  }
0xd: {  	s7 =	simm.s32 $0x400;
	s5 =	sadd.s32 s5, s3;
	s3 =	sadd.s32 $0x101800, s6  }
0xe: {  	v0 =	vimm.s32 $0x0;
	v1 =	vlaneseq.u32;
	s4 =	sadd.s32 $0x103800, s5;
	s5 =	smax.u32 s31, $0x1;
	s6 =	simm.s32 $0x80  }
.LBB2_1:
0xf: {  	[tilespmem:s2], [sflag:$0x1] =	stream.strided.gather [hbm4b:s3+s6], $0x800, s7, s6, $0x38;
	[tilespmem:$0x880] =	vst v63  }
0x10: {  	_ =	swait.ge [sflag:s8], $0x800  }
0x11: {  	s13 =	simm.s32 $0x7F7FFFFF;
	[sflag:s8] =	ssyncset.done $0x0  }
0x12: {  	s11 =	simm.s32 $0x0;
	s12 =	simm.s32 $0x0;
	[sflag:s8] =	ssyncadd.s32 $0xFFFFF800  }
.LBB2_2:
0x13: {  	s14 =	ssub.s32 s13, s11  }
0x14: {  	s15 =	sadd.s32 $0x1, s14;
	p0 =	slt.u32 s14, $0x7FFFFFFF;
	s14 =	simm.s32 $0x1  }
0x15: {  	s14 =	simm.s32 @!p0 $0x0;
	s16 =	sshra.s32 s15, $0x1F  }
0x16: {  	s29 =	sand.u32 $0x1, s15;
	s14 =	sadd.s32 s14, s16  }
0x17: {  	s17 =	sshrl.u32 s15, $0x1F;
	p1 =	seq.s32 s29, $0x1;
	p6 =	sne.s32 s14, $0x1  }
0x18: {  	s31 =	simm.s32 $0x0;
	s15 =	sadd.s32 s17, s15;
	p0 =	por !p6, !p1  }
0x19: {  	s30 =	sshra.s32 s15, $0x1;
	s15 =	simm.s32 $0x1;
	p0 =	por !p0, !p0  }
0x1a: {  	v3 =	vld [tilespmem:s31+$0x0];
	s14 =	sadd.s32 s11, s30;
	s15 =	simm.s32 @!p0 $0x0  }
0x1b: {  	v4 =	vld [tilespmem:s31+$0x10];
	s14 =	ssub.s32 s14, s15  }
0x1c: {  	v5 =	vld [tilespmem:s31+$0x20];
	v2 =	vmov s14  }
0x1d: {  	v6 =	vld [tilespmem:s31+$0x30];
	v2 =	vbroadcast v2, $0x0  }
0x1e: {  	v7 =	vld [tilespmem:s31+$0x40]  }
0x1f: {  	vm0 =	vge.f32 v3, v2;
	v3 =	vld [tilespmem:s31+$0x50]  }
0x20: {  	v8 =	vimm.s32 $0x0;
	v9 =	vsel vm0, $0x1, v0;
	vm0 =	vge.f32 v4, v2;
	v4 =	vld [tilespmem:s31+$0x60]  }
0x21: {  	v8 =	vadd.s32 v9, v8;
	v9 =	vsel vm0, $0x1, v0;
	vm0 =	vge.f32 v5, v2;
	v5 =	vld [tilespmem:s31+$0x70]  }
0x22: {  	v8 =	vadd.s32 v9, v8;
	v9 =	vsel vm0, $0x1, v0;
	vm0 =	vge.f32 v6, v2;
	v6 =	vld [tilespmem:s31+$0x80]  }
0x23: {  	v8 =	vadd.s32 v9, v8;
	v9 =	vsel vm0, $0x1, v0;
	vm0 =	vge.f32 v7, v2;
	v7 =	vld [tilespmem:s31+$0x90]  }
0x24: {  	v10 =	vld [tilespmem:s31+$0xA0];
	v8 =	vadd.s32 v9, v8;
	v9 =	vsel vm0, $0x1, v0;
	vm0 =	vge.f32 v3, v2  }
0x25: {  	v3 =	vld [tilespmem:s31+$0xB0];
	v8 =	vadd.s32 v9, v8;
	v9 =	vsel vm0, $0x1, v0;
	vm0 =	vge.f32 v4, v2  }
0x26: {  	v4 =	vld [tilespmem:s31+$0xC0];
	v8 =	vadd.s32 v9, v8;
	v9 =	vsel vm0, $0x1, v0;
	vm0 =	vge.f32 v5, v2  }
0x27: {  	v5 =	vld [tilespmem:s31+$0xD0];
	v8 =	vadd.s32 v9, v8;
	v9 =	vsel vm0, $0x1, v0;
	vm0 =	vge.f32 v6, v2  }
0x28: {  	v6 =	vld [tilespmem:s31+$0xE0];
	v8 =	vadd.s32 v9, v8;
	v9 =	vsel vm0, $0x1, v0;
	vm0 =	vge.f32 v7, v2  }
0x29: {  	s16 =	simm.s32 $0x800;
	s15 =	simm.s32 $0x100;
	v7 =	vld [tilespmem:s31+$0xF0];
	v8 =	vadd.s32 v9, v8;
	v9 =	vsel vm0, $0x1, v0;
	vm0 =	vge.f32 v10, v2  }
.LBB2_3:
0x2a: {  	p0 =	sne.s32 s16, $0x1C00;
	v10 =	vld [tilespmem:s15+$0x0];
	v8 =	vadd.s32 v9, v8;
	v9 =	vsel vm0, $0x1, v0;
	vm0 =	vge.f32 v3, v2  }
0x2b: {  	v3 =	vld [tilespmem:s15+$0x10];
	v8 =	vadd.s32 v9, v8;
	v9 =	vsel vm0, $0x1, v0;
	vm0 =	vge.f32 v4, v2  }
0x2c: {  	v4 =	vld [tilespmem:s15+$0x20];
	v8 =	vadd.s32 v9, v8;
	v9 =	vsel vm0, $0x1, v0;
	vm0 =	vge.f32 v5, v2  }
0x2d: {  	v5 =	vld [tilespmem:s15+$0x30];
	v8 =	vadd.s32 v9, v8;
	v9 =	vsel vm0, $0x1, v0;
	vm0 =	vge.f32 v6, v2  }
0x2e: {  	v6 =	vld [tilespmem:s15+$0x40];
	v8 =	vadd.s32 v9, v8;
	v9 =	vsel vm0, $0x1, v0;
	vm0 =	vge.f32 v7, v2  }
0x2f: {  	vm1 =	vge.f32 v10, v2;
	v7 =	vld [tilespmem:s15+$0x50];
	v8 =	vadd.s32 v9, v8;
	v9 =	vsel vm0, $0x1, v0  }
0x30: {  	v10 =	vsel vm1, $0x1, v0;
	vm0 =	vge.f32 v3, v2;
	v3 =	vld [tilespmem:s15+$0x60];
	v8 =	vadd.s32 v9, v8  }
0x31: {  	v8 =	vadd.s32 v10, v8;
	v9 =	vsel vm0, $0x1, v0;
	vm0 =	vge.f32 v4, v2;
	v4 =	vld [tilespmem:s15+$0x70]  }
0x32: {  	v8 =	vadd.s32 v9, v8;
	v9 =	vsel vm0, $0x1, v0;
	vm0 =	vge.f32 v5, v2;
	v5 =	vld [tilespmem:s15+$0x80]  }
0x33: {  	v8 =	vadd.s32 v9, v8;
	v9 =	vsel vm0, $0x1, v0;
	vm0 =	vge.f32 v6, v2;
	v6 =	vld [tilespmem:s15+$0x90]  }
0x34: {  	v8 =	vadd.s32 v9, v8;
	v9 =	vsel vm0, $0x1, v0;
	vm0 =	vge.f32 v7, v2;
	v7 =	vld [tilespmem:s15+$0xA0]  }
.Ltmp0:
0x35: {  	v8 =	vadd.s32 v9, v8;
	v9 =	vsel vm0, $0x1, v0;
	vm0 =	vge.f32 v3, v2;
	v3 =	vld [tilespmem:s15+$0xB0];
	(pc) =	sbr.rel @p0 .LBB2_3-.Ltmp0, $4  }
0x36: {  	v8 =	vadd.s32 v9, v8;
	v9 =	vsel vm0, $0x1, v0;
	vm0 =	vge.f32 v4, v2;
	v4 =	vld [tilespmem:s15+$0xC0]  }
0x37: {  	v8 =	vadd.s32 v9, v8;
	v9 =	vsel vm0, $0x1, v0;
	vm0 =	vge.f32 v5, v2;
	v5 =	vld [tilespmem:s15+$0xD0]  }
0x38: {  	v8 =	vadd.s32 v9, v8;
	v9 =	vsel vm0, $0x1, v0;
	vm0 =	vge.f32 v6, v2;
	v6 =	vld [tilespmem:s15+$0xE0]  }
0x39: {  	v8 =	vadd.s32 v9, v8;
	v9 =	vsel vm0, $0x1, v0;
	vm0 =	vge.f32 v7, v2;
	v7 =	vld [tilespmem:s15+$0xF0];
	s15 =	sshra.s32 s16, $0x2;
	s16 =	sadd.s32 $0x400, s16  }
0x3a: {  	v10 =	vld [tilespmem:s15+$0x0];
	v8 =	vadd.s32 v9, v8;
	v33 =	vsel vm0, $0x1, v0;
	vm8 =	vge.f32 v3, v2  }
0x3b: {  	v3 =	vld [tilespmem:s15+$0x10];
	v8 =	vadd.s32 v33, v8;
	v34 =	vsel vm8, $0x1, v0;
	vm9 =	vge.f32 v4, v2  }
0x3c: {  	v35 =	vld [tilespmem:s15+$0x20];
	v8 =	vadd.s32 v34, v8;
	v36 =	vsel vm9, $0x1, v0;
	vm10 =	vge.f32 v5, v2  }
0x3d: {  	v37 =	vld [tilespmem:s15+$0x30];
	v8 =	vadd.s32 v36, v8;
	v38 =	vsel vm10, $0x1, v0;
	vm11 =	vge.f32 v6, v2  }
0x3e: {  	v39 =	vld [tilespmem:s15+$0x40];
	v8 =	vadd.s32 v38, v8;
	v40 =	vsel vm11, $0x1, v0;
	vm12 =	vge.f32 v7, v2  }
0x3f: {  	v41 =	vld [tilespmem:s15+$0x50];
	vm1 =	vge.f32 v10, v2;
	v8 =	vadd.s32 v40, v8;
	v42 =	vsel vm12, $0x1, v0  }
0x40: {  	vm13 =	vge.f32 v3, v2;
	v3 =	vld [tilespmem:s15+$0x60];
	v10 =	vsel vm1, $0x1, v0;
	v8 =	vadd.s32 v42, v8  }
0x41: {  	v44 =	vld [tilespmem:s15+$0x70];
	vm14 =	vge.f32 v35, v2;
	v43 =	vsel vm13, $0x1, v0;
	v8 =	vadd.s32 v10, v8  }
0x42: {  	v46 =	vld [tilespmem:s15+$0x80];
	vm15 =	vge.f32 v37, v2;
	v45 =	vsel vm14, $0x1, v0;
	v8 =	vadd.s32 v43, v8  }
0x43: {  	v48 =	vld [tilespmem:s15+$0x90];
	vm4 =	vge.f32 v39, v2;
	v47 =	vsel vm15, $0x1, v0;
	v8 =	vadd.s32 v45, v8  }
0x44: {  	v50 =	vld [tilespmem:s15+$0xA0];
	vm5 =	vge.f32 v41, v2;
	v49 =	vsel vm4, $0x1, v0;
	v8 =	vadd.s32 v47, v8  }
0x45: {  	v51 =	vsel vm5, $0x1, v0;
	vm6 =	vge.f32 v3, v2;
	v3 =	vld [tilespmem:s15+$0xB0];
	v8 =	vadd.s32 v49, v8  }
0x46: {  	v53 =	vld [tilespmem:s15+$0xC0];
	vm7 =	vge.f32 v44, v2;
	v52 =	vsel vm6, $0x1, v0;
	v8 =	vadd.s32 v51, v8  }
0x47: {  	v55 =	vld [tilespmem:s15+$0xD0];
	vm8 =	vge.f32 v46, v2;
	v54 =	vsel vm7, $0x1, v0;
	v8 =	vadd.s32 v52, v8  }
0x48: {  	v57 =	vld [tilespmem:s15+$0xE0];
	vm9 =	vge.f32 v48, v2;
	v56 =	vsel vm8, $0x1, v0;
	v8 =	vadd.s32 v54, v8  }
0x49: {  	v59 =	vld [tilespmem:s15+$0xF0];
	vm10 =	vge.f32 v50, v2;
	v58 =	vsel vm9, $0x1, v0;
	v8 =	vadd.s32 v56, v8  }
0x4a: {  	v60 =	vsel vm10, $0x1, v0;
	vm11 =	vge.f32 v3, v2;
	v8 =	vadd.s32 v58, v8  }
0x4b: {  	vm12 =	vge.f32 v53, v2;
	v61 =	vsel vm11, $0x1, v0;
	v3 =	vadd.s32 v60, v8  }
0x4c: {  	v4 =	vsel vm12, $0x1, v0;
	vm13 =	vge.f32 v55, v2;
	v3 =	vadd.s32 v61, v3  }
0x4d: {  	vm14 =	vge.f32 v57, v2;
	v62 =	vsel vm13, $0x1, v0;
	v3 =	vadd.s32 v4, v3  }
0x4e: {  	vm15 =	vge.f32 v59, v2;
	v63 =	vsel vm14, $0x1, v0;
	v3 =	vadd.s32 v62, v3  }
0x4f: {  	v2 =	vadd.s32 v63, v3;
	v3 =	vsel vm15, $0x1, v0  }
0x50: {  	v2 =	vadd.s32 v3, v2  }
0x51: {  	(xrf0) =	vadd.scan.msk.s32 $0xffff, v2;
	_ =	sdelay $0x5  }
0x52: {  	v2, _, _ =	vpop (xrf0)  }
0x53: {  	(v2sf) =	vpush v2, $0xF;
	_ =	sdelay $0xb  }
0x54: {  	s12 =	sadd.s32 $0x1, s12  }
0x55: {  	p1 =	sne.s32 s12, $0x1F  }
.Ltmp1:
0x56: {  	_ = 	snop;
	(pc) =	sbr.rel @p1 .LBB2_2-.Ltmp1, $4  }
0x57: {  	s31 =	spop (v2sf)  }
0x58: {  	s15 =	sadd.s32 $0xFFFFFFFF, s14;
	p0 =	sgt.s32 s31, $0x3D  }
0x59: {  	s15 =	smov.u32 @p0 s13  }
0x5a: {  	s11 =	smov.u32 @p0 s14;
	s13 =	smov.u32 s15  }
0x5b: {  	s13 =	simm.s32 $0x0  }
0x5c: {  	v3 =	vld [tilespmem:s13+$0x0]  }
0x5d: {  	v4 =	vld [tilespmem:s13+$0x10]  }
0x5e: {  	v2 =	vmov s11;
	v5 =	vld [tilespmem:s13+$0x20]  }
0x5f: {  	v2 =	vbroadcast v2, $0x0;
	v6 =	vld [tilespmem:s13+$0x30]  }
0x60: {  	v7 =	vld [tilespmem:s13+$0x40]  }
0x61: {  	vm0 =	vgt.f32 v3, v2;
	v3 =	vld [tilespmem:s13+$0x50]  }
0x62: {  	v8 =	vimm.s32 $0x0;
	v9 =	vsel vm0, $0x1, v0;
	vm0 =	vgt.f32 v4, v2;
	v4 =	vld [tilespmem:s13+$0x60]  }
0x63: {  	v8 =	vadd.s32 v9, v8;
	v9 =	vsel vm0, $0x1, v0;
	vm0 =	vgt.f32 v5, v2;
	v5 =	vld [tilespmem:s13+$0x70]  }
0x64: {  	v8 =	vadd.s32 v9, v8;
	v9 =	vsel vm0, $0x1, v0;
	vm0 =	vgt.f32 v6, v2;
	v6 =	vld [tilespmem:s13+$0x80]  }
0x65: {  	v8 =	vadd.s32 v9, v8;
	v9 =	vsel vm0, $0x1, v0;
	vm0 =	vgt.f32 v7, v2;
	v7 =	vld [tilespmem:s13+$0x90]  }
0x66: {  	v10 =	vld [tilespmem:s13+$0xA0];
	v8 =	vadd.s32 v9, v8;
	v9 =	vsel vm0, $0x1, v0;
	vm0 =	vgt.f32 v3, v2  }
0x67: {  	v3 =	vld [tilespmem:s13+$0xB0];
	v8 =	vadd.s32 v9, v8;
	v9 =	vsel vm0, $0x1, v0;
	vm0 =	vgt.f32 v4, v2  }
0x68: {  	v4 =	vld [tilespmem:s13+$0xC0];
	v8 =	vadd.s32 v9, v8;
	v9 =	vsel vm0, $0x1, v0;
	vm0 =	vgt.f32 v5, v2  }
0x69: {  	v5 =	vld [tilespmem:s13+$0xD0];
	v8 =	vadd.s32 v9, v8;
	v9 =	vsel vm0, $0x1, v0;
	vm0 =	vgt.f32 v6, v2  }
0x6a: {  	v6 =	vld [tilespmem:s13+$0xE0];
	v8 =	vadd.s32 v9, v8;
	v9 =	vsel vm0, $0x1, v0;
	vm0 =	vgt.f32 v7, v2  }
0x6b: {  	s11 =	simm.s32 $0x100;
	s12 =	simm.s32 $0x800;
	v7 =	vld [tilespmem:s13+$0xF0];
	v8 =	vadd.s32 v9, v8;
	v9 =	vsel vm0, $0x1, v0;
	vm0 =	vgt.f32 v10, v2  }
.LBB2_6:
0x6c: {  	p0 =	sne.s32 s12, $0x1C00;
	v10 =	vld [tilespmem:s11+$0x0];
	v8 =	vadd.s32 v9, v8;
	v9 =	vsel vm0, $0x1, v0;
	vm0 =	vgt.f32 v3, v2  }
0x6d: {  	v3 =	vld [tilespmem:s11+$0x10];
	v8 =	vadd.s32 v9, v8;
	v9 =	vsel vm0, $0x1, v0;
	vm0 =	vgt.f32 v4, v2  }
0x6e: {  	v4 =	vld [tilespmem:s11+$0x20];
	v8 =	vadd.s32 v9, v8;
	v9 =	vsel vm0, $0x1, v0;
	vm0 =	vgt.f32 v5, v2  }
0x6f: {  	v5 =	vld [tilespmem:s11+$0x30];
	v8 =	vadd.s32 v9, v8;
	v9 =	vsel vm0, $0x1, v0;
	vm0 =	vgt.f32 v6, v2  }
0x70: {  	v6 =	vld [tilespmem:s11+$0x40];
	v8 =	vadd.s32 v9, v8;
	v9 =	vsel vm0, $0x1, v0;
	vm0 =	vgt.f32 v7, v2  }
0x71: {  	vm1 =	vgt.f32 v10, v2;
	v7 =	vld [tilespmem:s11+$0x50];
	v8 =	vadd.s32 v9, v8;
	v9 =	vsel vm0, $0x1, v0  }
0x72: {  	v10 =	vsel vm1, $0x1, v0;
	vm0 =	vgt.f32 v3, v2;
	v3 =	vld [tilespmem:s11+$0x60];
	v8 =	vadd.s32 v9, v8  }
0x73: {  	v8 =	vadd.s32 v10, v8;
	v9 =	vsel vm0, $0x1, v0;
	vm0 =	vgt.f32 v4, v2;
	v4 =	vld [tilespmem:s11+$0x70]  }
0x74: {  	v8 =	vadd.s32 v9, v8;
	v9 =	vsel vm0, $0x1, v0;
	vm0 =	vgt.f32 v5, v2;
	v5 =	vld [tilespmem:s11+$0x80]  }
0x75: {  	v8 =	vadd.s32 v9, v8;
	v9 =	vsel vm0, $0x1, v0;
	vm0 =	vgt.f32 v6, v2;
	v6 =	vld [tilespmem:s11+$0x90]  }
0x76: {  	v8 =	vadd.s32 v9, v8;
	v9 =	vsel vm0, $0x1, v0;
	vm0 =	vgt.f32 v7, v2;
	v7 =	vld [tilespmem:s11+$0xA0]  }
.Ltmp2:
0x77: {  	v8 =	vadd.s32 v9, v8;
	v9 =	vsel vm0, $0x1, v0;
	vm0 =	vgt.f32 v3, v2;
	v3 =	vld [tilespmem:s11+$0xB0];
	(pc) =	sbr.rel @p0 .LBB2_6-.Ltmp2, $4  }
0x78: {  	v8 =	vadd.s32 v9, v8;
	v9 =	vsel vm0, $0x1, v0;
	vm0 =	vgt.f32 v4, v2;
	v4 =	vld [tilespmem:s11+$0xC0]  }
0x79: {  	v8 =	vadd.s32 v9, v8;
	v9 =	vsel vm0, $0x1, v0;
	vm0 =	vgt.f32 v5, v2;
	v5 =	vld [tilespmem:s11+$0xD0]  }
0x7a: {  	v8 =	vadd.s32 v9, v8;
	v9 =	vsel vm0, $0x1, v0;
	vm0 =	vgt.f32 v6, v2;
	v6 =	vld [tilespmem:s11+$0xE0]  }
0x7b: {  	v8 =	vadd.s32 v9, v8;
	v9 =	vsel vm0, $0x1, v0;
	vm0 =	vgt.f32 v7, v2;
	v7 =	vld [tilespmem:s11+$0xF0];
	s11 =	sshra.s32 s12, $0x2;
	s12 =	sadd.s32 $0x400, s12  }
0x7c: {  	v10 =	vld [tilespmem:s11+$0x0];
	v8 =	vadd.s32 v9, v8;
	v9 =	vsel vm0, $0x1, v0;
	vm8 =	vgt.f32 v3, v2  }
0x7d: {  	v3 =	vld [tilespmem:s11+$0x10];
	v8 =	vadd.s32 v9, v8;
	v9 =	vsel vm8, $0x1, v0;
	vm9 =	vgt.f32 v4, v2  }
0x7e: {  	v4 =	vld [tilespmem:s11+$0x20];
	v8 =	vadd.s32 v9, v8;
	v9 =	vsel vm9, $0x1, v0;
	vm10 =	vgt.f32 v5, v2  }
0x7f: {  	v5 =	vld [tilespmem:s11+$0x30];
	v8 =	vadd.s32 v9, v8;
	v9 =	vsel vm10, $0x1, v0;
	vm11 =	vgt.f32 v6, v2  }
0x80: {  	v6 =	vld [tilespmem:s11+$0x40];
	v8 =	vadd.s32 v9, v8;
	v9 =	vsel vm11, $0x1, v0;
	vm12 =	vgt.f32 v7, v2  }
0x81: {  	v7 =	vld [tilespmem:s11+$0x50];
	vm1 =	vgt.f32 v10, v2;
	v8 =	vadd.s32 v9, v8;
	v9 =	vsel vm12, $0x1, v0  }
0x82: {  	vm13 =	vgt.f32 v3, v2;
	v3 =	vld [tilespmem:s11+$0x60];
	v10 =	vsel vm1, $0x1, v0;
	v8 =	vadd.s32 v9, v8  }
0x83: {  	v9 =	vsel vm13, $0x1, v0;
	vm14 =	vgt.f32 v4, v2;
	v4 =	vld [tilespmem:s11+$0x70];
	v8 =	vadd.s32 v10, v8  }
0x84: {  	vm15 =	vgt.f32 v5, v2;
	v5 =	vld [tilespmem:s11+$0x80];
	v8 =	vadd.s32 v9, v8;
	v9 =	vsel vm14, $0x1, v0  }
0x85: {  	vm4 =	vgt.f32 v6, v2;
	v6 =	vld [tilespmem:s11+$0x90];
	v8 =	vadd.s32 v9, v8;
	v9 =	vsel vm15, $0x1, v0  }
0x86: {  	vm5 =	vgt.f32 v7, v2;
	v7 =	vld [tilespmem:s11+$0xA0];
	v8 =	vadd.s32 v9, v8;
	v9 =	vsel vm4, $0x1, v0  }
0x87: {  	vm6 =	vgt.f32 v3, v2;
	v3 =	vld [tilespmem:s11+$0xB0];
	v8 =	vadd.s32 v9, v8;
	v9 =	vsel vm5, $0x1, v0  }
0x88: {  	vm7 =	vgt.f32 v4, v2;
	v4 =	vld [tilespmem:s11+$0xC0];
	v8 =	vadd.s32 v9, v8;
	v9 =	vsel vm6, $0x1, v0  }
0x89: {  	vm8 =	vgt.f32 v5, v2;
	v5 =	vld [tilespmem:s11+$0xD0];
	v8 =	vadd.s32 v9, v8;
	v9 =	vsel vm7, $0x1, v0  }
0x8a: {  	vm9 =	vgt.f32 v6, v2;
	v6 =	vld [tilespmem:s11+$0xE0];
	v8 =	vadd.s32 v9, v8;
	v9 =	vsel vm8, $0x1, v0  }
0x8b: {  	vm10 =	vgt.f32 v7, v2;
	v7 =	vld [tilespmem:s11+$0xF0];
	v8 =	vadd.s32 v9, v8;
	v9 =	vsel vm9, $0x1, v0  }
0x8c: {  	vm11 =	vgt.f32 v3, v2;
	v8 =	vadd.s32 v9, v8;
	v9 =	vsel vm10, $0x1, v0  }
0x8d: {  	vm12 =	vgt.f32 v4, v2;
	v3 =	vadd.s32 v9, v8;
	v8 =	vsel vm11, $0x1, v0  }
0x8e: {  	v4 =	vsel vm12, $0x1, v0;
	vm13 =	vgt.f32 v5, v2;
	v3 =	vadd.s32 v8, v3  }
0x8f: {  	vm14 =	vgt.f32 v6, v2;
	v3 =	vadd.s32 v4, v3;
	v4 =	vsel vm13, $0x1, v0  }
0x90: {  	vm15 =	vgt.f32 v7, v2;
	v3 =	vadd.s32 v4, v3;
	v4 =	vsel vm14, $0x1, v0  }
0x91: {  	v3 =	vadd.s32 v4, v3;
	v4 =	vsel vm15, $0x1, v0  }
0x92: {  	v3 =	vadd.s32 v4, v3  }
0x93: {  	(xrf0) =	vadd.scan.msk.s32 $0xffff, v3;
	_ =	sdelay $0x5  }
0x94: {  	s11 =	simm.s32 $0x0;
	v5 =	vimm.s32 $0x0;
	v6 =	vimm.s32 $0x0;
	v3, _, _ =	vpop (xrf0)  }
0x95: {  	s12 =	simm.s32 $0x10;
	s13 =	simm.s32 $0x0;
	v8 =	vld [tilespmem:s11+$0x0];
	v7 =	vimm.s32 $0x0;
	v4 =	vimm.s32 $0x0;
	v3 =	vbroadcast v3, $0xF  }
.LBB2_8:
0x96: {  	p0 =	sne.s32 s12, $0x7F0;
	_ =	sdelay $0x3  }
0x97: {  	vm1 =	veq.f32 v8, v2  }
0x98: {  	vm0 =	vgt.f32 v8, v2;
	v8 =	vsel vm1, $0x1, v0;
	v9 =	vmpcnt.ones.xlane vm1  }
0x99: {  	v10 =	vsel vm0, $0x1, v0;
	v11 =	vmpcnt.ones.xlane vm0;
	(xrf0) =	vadd.scan.msk.s32 $0xffff, v8  }
0x9a: {  	v6 =	vadd.s32 v6, v9;
	(xrf0) =	vadd.scan.msk.s32 $0xffff, v10  }
0x9b: {  	v7 =	vadd.s32 v7, v11;
	_ =	sdelay $0x2  }
0x9c: {  	v8 =	vsel vm1, $0xFFFFFFFF, v0;
	v11 =	vadd.s32 v3, v5;
	v5 =	vmov v6  }
0x9d: {  	v12 =	vsel vm0, $0xFFFFFFFF, v0;
	v8 =	vadd.s32 v8, v11;
	v9, _, _ =	vpop (xrf0)  }
0x9e: {  	v8 =	vadd.s32 v9, v8;
	v9 =	vadd.s32 v12, v4;
	v10, _, _ =	vpop (xrf0);
	v4 =	vmov v7  }
0x9f: {  	v9 =	vadd.s32 v10, v9;
	vm2 =	vlt.s32 v8, $0x3E  }
0xa0: {  	v9 =	vadd.s32 $0x1, v9;
	vm1 =	vmand vm1, vm2  }
0xa1: {  	v8 =	vadd.s32 $0x1, v8;
	_ =	sdelay $0x1  }
.Ltmp3:
0xa2: {  	(pc) =	sbr.rel @p0 .LBB2_8-.Ltmp3, $4  }
0xa3: {  	v10 =	vor.u32 s11, v1;
	s11 =	smov.u32 s12  }
0xa4: {  	[tilespmem:v9+s9+$0x0] =	vst.idx.msk vm0, v10  }
0xa5: {  	s13 =	sadd.s32 $0x10, s13;
	[tilespmem:v8+s9+$0x0] =	vst.idx.msk vm1, v10  }
0xa6: {  	s12 =	sadd.s32 $0x10, s12;
	v8 =	vld [tilespmem:s13+$0x0]  }
0xa7: {  	_ =	sdelay $0x3  }
0xa8: {  	vm0 =	veq.f32 v8, v2  }
0xa9: {  	vm1 =	vgt.f32 v8, v2;
	v2 =	vsel vm0, $0x1, v0  }
0xaa: {  	v6 =	vsel vm1, $0x1, v0;
	(xrf0) =	vadd.scan.msk.s32 $0xffff, v2  }
0xab: {  	(xrf0) =	vadd.scan.msk.s32 $0xffff, v6;
	_ =	sdelay $0x1  }
0xac: {  	v3 =	vadd.s32 v3, v5;
	_ =	sdelay $0x1  }
0xad: {  	v2 =	vsel vm0, $0xFFFFFFFF, v0  }
0xae: {  	v61 =	vsel vm1, $0xFFFFFFFF, v0;
	v2 =	vadd.s32 v2, v3;
	v3, _, _ =	vpop (xrf0)  }
0xaf: {  	v2 =	vadd.s32 v3, v2;
	v3 =	vadd.s32 v61, v4;
	v62, _, _ =	vpop (xrf0)  }
0xb0: {  	v3 =	vadd.s32 v62, v3;
	vm2 =	vlt.s32 v2, $0x3E  }
0xb1: {  	v3 =	vadd.s32 $0x1, v3;
	vm0 =	vmand vm0, vm2  }
0xb2: {  	v2 =	vadd.s32 $0x1, v2;
	_ =	sdelay $0x2  }
0xb3: {  	v63 =	vor.u32 s11, v1  }
0xb4: {  	[tilespmem:v3+s9+$0x0] =	vst.idx.msk vm1, v63  }
0xb5: {  	[tilespmem:v2+s9+$0x0] =	vst.idx.msk vm0, v63  }
0xb6: {  	v2 =	vld [tilespmem:$0x800]  }
0xb7: {  	v3 =	vld [tilespmem:$0x830];
	_ =	sdelay $0x2  }
0xb8: {  	vm14 =	veq.s32 v1, $0x0  }
0xb9: {  	vm15 =	veq.s32 v1, $0xF;
	s10 =	sadd.s32 $0x1, s10;
	v2 =	vsel vm14, $0x0, v2  }
0xba: {  	p0 =	sne.s32 s10, s5;
	[tilespmem:$0x800] =	vst v2;
	v2 =	vsel vm15, $0x7FF, v3  }
.Ltmp4:
0xbb: {  	[tilespmem:$0x830] =	vst v2;
	(pc) =	sbr.rel @p0 .LBB2_1-.Ltmp4, $4  }
0xbc: {  	[hbm4b:s4+s2] =	stream.linear.scatter [tilespmem:s9], [sflag:$0x1], $0x80, $0x38;
	[tilespmem:$0x880] =	vst v63  }
0xbd: {  	_ =	swait.ge [sflag:s8], $0x80  }
0xbe: {  	[sflag:s8] =	ssyncset.done $0x0  }
0xbf: {  	[sflag:s8] =	ssyncadd.s32 $0xFFFFFF80  }
0xc0: {  	_ =	sfence.sel $0x180000  }
0xc1: {  	[bflag:$0x0] =	sbarrier.arrive $0xFFFF  }
0xc2: {  	p0 =	sne.s32 s1, $0x0;
	_ =	strace $0x90000047  }
0xc3: {  	s0 =	sadd.s32 @!p0 $0x100000, s0;
	[bflag:$0x2] =	sbarrier.arrive $0xFFFF  }
0xc4: {  	[sflag:s0] =	ssyncadd.tile.s32 @!p0 $0x1;
	_ =	shalt  }
.Lfunc_end2:
_tile_overlayer_lowered:
.L_overlay_start_2:
0xc5: {  	(tag) =	ssettag $0x2  }
0xc6: {  	s0 =	rddreg [dreg:$0x0];
	s2 =	stileid.u32  }
0xc7: {  	s1 =	rddreg [dreg:$0x1];
	p0 =	sne.s32 s2, $0x0  }
0xc8: {  	s3 =	rddreg [dreg:$0x2];
	[bflag:$0x3] =	sbarrier.arrive $0xFFFF;
	s2 =	simm.s32 @!p0 $0x1C01  }
0xc9: {  	[timem:s3], [sflag:s2] =	dma.local @!p0 [hbm:s0], s1  }
0xca: {  	s0 =	simm.s32 @!p0 $0x1  }
0xcb: {  	_ =	swait.ge @!p0 [sflag:s0], s1  }
0xcc: {  	s1 =	ssub.s32 @!p0 $0x0, s1;
	[sflag:s0] =	ssyncset.done @!p0 $0x0  }
0xcd: {  	[sflag:s0] =	ssyncadd.s32 @!p0 s1  }
0xce: {  	[bflag:$0x3] =	sbarrier.arrive $0xFFFF  }
0xcf: {  	_ =	shalt  }

</sc_bundles>
